<compile_context>
chip_gen: v7x
topology: tpu7x:2x2x1
jax: 0.10.2.dev20260603
libtpu: 0.0.44.dev20260713+nightly
codegen_flags: <defaults>
</compile_context>

<pallas_src>
import functools

import jax
import jax.numpy as jnp
from jax import lax
from jax.experimental import pallas as pl
from jax.experimental.pallas import tpu as pltpu
from jax.experimental.pallas import tpu_sc as plsc

_N = 10000
_D = 128
_E = 320000

_NC = 2
_NS = 16
_NW = _NC * _NS

_CH = 128
_GRP = 8
_NG = 10
_KCH = _GRP * _NG
_EPW = _KCH * _CH
_EPAD = _NW * _EPW
_NPAD = 10112
_RT = _NPAD // _NS

_f32 = jnp.float32


def _sc_mesh():
    return plsc.VectorSubcoreMesh(core_axis_name="c", subcore_axis_name="s",
                                  num_cores=_NC, num_subcores=_NS)


def _rt_chunks():
    out = []
    j = 0
    left = _RT
    while left > 0:
        h = _CH if left >= _CH else left
        out.append((j, h))
        left -= h
        j += 1
    return out


def _build_s0(interpret=False):
    @functools.partial(
        pl.kernel,
        out_type=[
            jax.ShapeDtypeStruct((_NW, _NPAD), _f32),
            jax.ShapeDtypeStruct((_NW, _NPAD), _f32),
        ],
        mesh=_sc_mesh(),
        scratch_types=[
            pltpu.VMEM((_EPW,), jnp.int32),
            pltpu.VMEM((_EPW,), jnp.int32),
            pltpu.VMEM((_NPAD,), _f32),
            pltpu.VMEM((_NPAD,), _f32),
        ],
        compiler_params=pltpu.CompilerParams(needs_layout_passes=False),
        interpret=interpret,
    )
    def s0(nidx_hbm, eidx_hbm, z1_hbm, dgn_out, dge_out,
           nidx_v, eidx_v, degn_v, dege_v):
        c = lax.axis_index("c")
        s = lax.axis_index("s")
        wid = c * _NS + s
        pltpu.sync_copy(nidx_hbm.at[wid], nidx_v)
        pltpu.sync_copy(eidx_hbm.at[wid], eidx_v)
        pltpu.sync_copy(z1_hbm, degn_v)
        pltpu.sync_copy(z1_hbm, dege_v)
        ones16 = jnp.ones((16,), _f32)

        def step(g, carry):
            plsc.addupdate_scatter(degn_v, [nidx_v[pl.ds(g * 16, 16)]], ones16)
            plsc.addupdate_scatter(dege_v, [eidx_v[pl.ds(g * 16, 16)]], ones16)
            return carry

        lax.fori_loop(0, _EPW // 16, step, 0)
        pltpu.sync_copy(degn_v, dgn_out.at[wid])
        pltpu.sync_copy(dege_v, dge_out.at[wid])

    return s0


def _build_scatter(interpret=False):
    @functools.partial(
        pl.kernel,
        out_type=[jax.ShapeDtypeStruct((_NC, _NPAD, _D), _f32)],
        mesh=_sc_mesh(),
        scratch_types=[
            pltpu.VMEM((_KCH // 2, _CH), jnp.int32),
            pltpu.VMEM((_KCH // 2, _CH), jnp.int32),
            pltpu.VMEM((_CH, _D), _f32),
            pltpu.VMEM((_CH, _D), _f32),
            pltpu.VMEM_SHARED((_NPAD, _D), _f32),
            pltpu.SemaphoreType.DMA,
            pltpu.SemaphoreType.DMA,
            pltpu.SemaphoreType.DMA,
            pltpu.SemaphoreType.DMA,
        ],
        interpret=interpret,
    )
    def s2(table_hbm, gidx_hbm, sidx_hbm, z128_hbm, acc_out,
           gidx_v, sidx_v, rows0_v, rows1_v,
           acc_sh, semg0, semg1, sems0, sems1):
        c = lax.axis_index("c")
        s = lax.axis_index("s")
        wid = c * _NS + s
        r0 = s * _RT
        for j, h in _rt_chunks():
            pltpu.sync_copy(z128_hbm.at[pl.ds(r0 + j * _CH, h), :], rows0_v.at[pl.ds(0, h), :])
            pltpu.sync_copy(rows0_v.at[pl.ds(0, h), :], acc_sh.at[pl.ds(r0 + j * _CH, h), :])
        plsc.subcore_barrier()

        ph = _KCH // 2
        for p in range(2):
            pltpu.sync_copy(gidx_hbm.at[wid, pl.ds(p * ph, ph)], gidx_v)
            pltpu.sync_copy(sidx_hbm.at[wid, pl.ds(p * ph, ph)], sidx_v)
            pltpu.async_copy(table_hbm.at[gidx_v.at[0]], rows0_v, semg0)

            def step(i, carry):
                k1 = 2 * i + 1
                k2 = 2 * i + 2
                pltpu.async_copy(table_hbm.at[gidx_v.at[k1]], rows1_v, semg1)
                pltpu.make_async_copy(table_hbm.at[gidx_v.at[2 * i]], rows0_v, semg0).wait()
                pltpu.async_copy(rows0_v, acc_sh.at[sidx_v.at[2 * i]], sems0, add=True)
                pltpu.make_async_copy(table_hbm.at[gidx_v.at[k1]], rows1_v, semg1).wait()
                pltpu.async_copy(rows1_v, acc_sh.at[sidx_v.at[k1]], sems1, add=True)
                pltpu.make_async_copy(rows0_v, acc_sh.at[sidx_v.at[2 * i]], sems0).wait()

                @pl.when(k2 < ph)
                def _():
                    pltpu.async_copy(table_hbm.at[gidx_v.at[k2]], rows0_v, semg0)

                pltpu.make_async_copy(rows1_v, acc_sh.at[sidx_v.at[k1]], sems1).wait()
                return carry

            lax.fori_loop(0, ph // 2, step, 0)
        plsc.subcore_barrier()
        for j, h in _rt_chunks():
            pltpu.sync_copy(acc_sh.at[pl.ds(r0 + j * _CH, h), :], rows0_v.at[pl.ds(0, h), :])
            pltpu.sync_copy(rows0_v.at[pl.ds(0, h), :], acc_out.at[c, pl.ds(r0 + j * _CH, h), :])

    return s2


def _k2_body(p0, p1, dg, o_ref):
    dbs = jnp.sum(dg[...], axis=1)[:, None]
    binv = jnp.where(dbs > 0, 1.0 / dbs, 0.0)
    o_ref[...] = (p0[...] + p1[...]) * binv


def _build_k2(interpret=False):
    rb = _NPAD // 4
    return pl.pallas_call(
        _k2_body,
        grid=(4,),
        in_specs=[
            pl.BlockSpec((rb, _D), lambda i: (i, 0)),
            pl.BlockSpec((rb, _D), lambda i: (i, 0)),
            pl.BlockSpec((rb, _NW), lambda i: (i, 0)),
        ],
        out_specs=pl.BlockSpec((rb, _D), lambda i: (i, 0)),
        out_shape=jax.ShapeDtypeStruct((_NPAD, _D), _f32),
        interpret=interpret,
    )


def _k3_body(q0, q1, dd, x, W1, b1, aa, Pw1, Pb1, Pw2, Pb2,
             hpos_ref, hp_ref, gn_ref, hpb_ref, gnb_ref):
    hi = jax.lax.Precision.HIGHEST
    qs = q0[...] + q1[...]
    dds = jnp.sum(dd[...], axis=1)[:, None]
    dinv = jnp.where(dds > 0, 1.0 / dds, 0.0)
    pre = jnp.dot(qs, W1[...], precision=hi) * dinv + b1[...]
    av = aa[...]
    h1 = jnp.where(pre >= 0, pre, av * pre)
    u = h1 + x[...]
    t1 = jnp.maximum(jnp.dot(u, Pw1[...], precision=hi) + Pb1[...], 0.0)
    hpos = jnp.dot(t1, Pw2[...], precision=hi) + Pb2[...]
    t2 = jnp.maximum(jnp.dot(hpos, Pw1[...], precision=hi) + Pb1[...], 0.0)
    g = jnp.dot(t2, Pw2[...], precision=hi) + Pb2[...]
    hpn = jnp.maximum(jnp.sqrt(jnp.sum(hpos * hpos, axis=1, keepdims=True)), 1e-12)
    gnn = jnp.maximum(jnp.sqrt(jnp.sum(g * g, axis=1, keepdims=True)), 1e-12)
    hp = hpos / hpn
    gn = g / gnn
    hpos_ref[...] = hpos
    hp_ref[...] = hp
    gn_ref[...] = gn
    hpb_ref[...] = hp.astype(jnp.bfloat16)
    gnb_ref[...] = gn.astype(jnp.bfloat16)


def _build_k3(interpret=False):
    rb = 1000
    grid = (_N // rb,)
    row = lambda i: (i, 0)
    full = lambda i: (0, 0)
    return pl.pallas_call(
        _k3_body,
        grid=grid,
        in_specs=[
            pl.BlockSpec((rb, _D), row),
            pl.BlockSpec((rb, _D), row),
            pl.BlockSpec((rb, _NW), row),
            pl.BlockSpec((rb, _D), row),
            pl.BlockSpec((_D, _D), full),
            pl.BlockSpec((1, _D), full),
            pl.BlockSpec((1, 1), full),
            pl.BlockSpec((_D, _D), full),
            pl.BlockSpec((1, _D), full),
            pl.BlockSpec((_D, _D), full),
            pl.BlockSpec((1, _D), full),
        ],
        out_specs=[
            pl.BlockSpec((rb, _D), row),
            pl.BlockSpec((rb, _D), row),
            pl.BlockSpec((rb, _D), row),
            pl.BlockSpec((rb, _D), row),
            pl.BlockSpec((rb, _D), row),
        ],
        out_shape=[
            jax.ShapeDtypeStruct((_N, _D), _f32),
            jax.ShapeDtypeStruct((_N, _D), _f32),
            jax.ShapeDtypeStruct((_N, _D), _f32),
            jax.ShapeDtypeStruct((_N, _D), jnp.bfloat16),
            jax.ShapeDtypeStruct((_N, _D), jnp.bfloat16),
        ],
        interpret=interpret,
    )


_K4_RB = 1000
_K4_CB = 1000
_K4_NJ = _N // _K4_CB


def _k4_body(hp, gnb, hpb_b, hn, L_ref, acc):
    j = pl.program_id(1)
    hpb = hp[...]
    d = jax.lax.dot_general(
        hpb_b[...], gnb[...],
        dimension_numbers=(((1,), (1,)), ((), ())),
        preferred_element_type=_f32,
    ) * 10.0
    e = jnp.sum(jnp.exp(d), axis=1, keepdims=True)

    @pl.when(j == 0)
    def _():
        acc[...] = e

    @pl.when(j > 0)
    def _():
        acc[...] = acc[...] + e

    @pl.when(j == _K4_NJ - 1)
    def _():
        pos = jnp.sum(hpb * hn[...], axis=1, keepdims=True) * 10.0
        L_ref[...] = jnp.log(jnp.exp(pos) + acc[...]) - pos


def _build_k4(interpret=False):
    return pl.pallas_call(
        _k4_body,
        grid=(_N // _K4_RB, _K4_NJ),
        in_specs=[
            pl.BlockSpec((_K4_RB, _D), lambda i, j: (i, 0)),
            pl.BlockSpec((_K4_CB, _D), lambda i, j: (j, 0)),
            pl.BlockSpec((_K4_RB, _D), lambda i, j: (i, 0)),
            pl.BlockSpec((_K4_RB, _D), lambda i, j: (i, 0)),
        ],
        out_specs=pl.BlockSpec((_K4_RB, 1), lambda i, j: (i, 0)),
        out_shape=jax.ShapeDtypeStruct((_N, 1), _f32),
        scratch_shapes=[pltpu.VMEM((_K4_RB, 1), _f32)],
        interpret=interpret,
    )


_k2 = _build_k2()
_k3 = _build_k3()
_k4 = _build_k4()


def kernel(x, edge_index, W1, b1, W2, b2, a, Pw1, Pb1, Pw2, Pb2, cw):
    node = edge_index[0]
    edge = edge_index[1]
    pad = _EPAD - _E
    dummy = _N + (jnp.arange(pad, dtype=jnp.int32) % (_NPAD - _N))
    nodep = jnp.concatenate([node, dummy]).reshape(_NW, _KCH, _CH)
    edgep = jnp.concatenate([edge, dummy]).reshape(_NW, _KCH, _CH)
    x_aug = jnp.zeros((_NPAD, _D), _f32).at[:_N].set(x)
    z128 = jnp.zeros((_NPAD, _D), _f32)
    z1 = jnp.zeros((_NPAD,), _f32)

    dgn, dge = _build_s0()(nodep.reshape(_NW, _EPW), edgep.reshape(_NW, _EPW), z1)
    dgnT = dgn.T
    dgeT = dge.T
    scat = _build_scatter()
    p, = scat(x_aug, nodep, edgep, z128)
    t = _k2(p[0], p[1], dgeT)
    q, = scat(t, edgep, nodep, z128)

    hpos, hp, gn, hpb, gnb = _k3(
        q[0, :_N], q[1, :_N], dgnT[:_N], x,
        W1, b1.reshape(1, _D), a.reshape(1, 1),
        Pw1, Pb1.reshape(1, _D), Pw2, Pb2.reshape(1, _D),
    )

    perm = jax.random.permutation(jax.random.key(42), _N)
    hn = jnp.take(gn, perm, axis=0)
    L = _k4(hp, gnb, hpb, hn)
    wl = jnp.mean(L) * jax.nn.softplus(cw)
    return (hpos, wl)

# --- scband reference (transcript-rebuilt; emitter-appended) ---
"""Pipeline reference for scband-hyper-gcl-louvain-p-79370995630450 (READ-ONLY COPY).

The authoritative reference and input builder live on the scoring server;
editing this copy changes nothing except your own understanding.
"""

import jax, jax.numpy as jnp
import numpy as np

N = 10000
E = 320000
D = 128

def _hypergraph_conv(x, hei, W, b):
    node = hei[0]
    edge = hei[1]
    xl = x @ W
    ones = jnp.ones(node.shape[0], dtype=x.dtype)
    Ddeg = jax.ops.segment_sum(ones, node, num_segments=N)
    Dinv = jnp.where(Ddeg > 0, 1.0 / Ddeg, 0.0)
    Bdeg = jax.ops.segment_sum(ones, edge, num_segments=N)
    Binv = jnp.where(Bdeg > 0, 1.0 / Bdeg, 0.0)
    efeat = jax.ops.segment_sum(jnp.take(xl, node, axis=0), edge, num_segments=N) * Binv[:, None]
    out = jax.ops.segment_sum(jnp.take(efeat, edge, axis=0), node, num_segments=N) * Dinv[:, None]
    return out + b

def _prelu(x, a):
    return jnp.where(x >= 0, x, a * x)

def setup_inputs(seed: int = 0):
    key = jax.random.key(seed)
    ks = jax.random.split(key, 8)
    s = (2.0 / D) ** 0.5
    inp = {}
    inp['x'] = jax.random.normal(ks[0], (N, D), dtype=jnp.float32)
    inp['edge_index'] = jax.random.randint(ks[1], (2, E), 0, N, dtype=jnp.int32)
    inp['W1'] = jax.random.normal(ks[2], (D, D), dtype=jnp.float32) * s
    inp['b1'] = jnp.zeros((D,), dtype=jnp.float32)
    inp['W2'] = jax.random.normal(ks[3], (D, D), dtype=jnp.float32) * s
    inp['b2'] = jnp.zeros((D,), dtype=jnp.float32)
    inp['a'] = jnp.asarray(0.25, dtype=jnp.float32)
    inp['Pw1'] = jax.random.normal(ks[4], (D, D), dtype=jnp.float32) * s
    inp['Pb1'] = jnp.zeros((D,), dtype=jnp.float32)
    inp['Pw2'] = jax.random.normal(ks[5], (D, D), dtype=jnp.float32) * s
    inp['Pb2'] = jnp.zeros((D,), dtype=jnp.float32)
    inp['cw'] = jnp.asarray(1.0, dtype=jnp.float32)
    return inp

def reference(x, edge_index, W1, b1, W2, b2, a, Pw1, Pb1, Pw2, Pb2, cw):
    hei = edge_index
    h1 = _prelu(_hypergraph_conv(x, hei, W1, b1), a)
    h2 = _prelu(_hypergraph_conv(h1, hei, W2, b2), a)

    def proj(h):
        return jnp.maximum(h @ Pw1 + Pb1, 0.0) @ Pw2 + Pb2

    h_pos = proj(h1 + x)
    perm = jax.random.permutation(jax.random.key(42), N)
    h_neg = proj(jnp.take(h_pos, perm, axis=0))

    hp = h_pos / jnp.maximum(jnp.linalg.norm(h_pos, axis=-1, keepdims=True), 1e-12)
    hn = h_neg / jnp.maximum(jnp.linalg.norm(h_neg, axis=-1, keepdims=True), 1e-12)
    pos = jnp.sum(hp * hn, axis=-1) / 0.1
    neg = (hp @ hn.T) / 0.1
    loss = -jnp.log(jnp.exp(pos) / (jnp.exp(pos) + jnp.exp(neg).sum(axis=-1)))
    loss = jnp.mean(loss)
    wl = loss * jax.nn.softplus(cw)
    _ = h2  # computed in the original forward but not part of the outputs
    return (h_pos, wl)

if __name__ == "__main__":
    import jax
    _d = setup_inputs()
    print(jax.jit(kernel)(*tuple(_d.values())))

</pallas_src>

<mosaic_0001>
#map = affine_map<(d0, d1) -> (0, 0)>
#map1 = affine_map<(d0, d1) -> (0)>
module attributes {stable_mosaic.version = 14 : i64} {
  func.func @s0(%arg0: i32, %arg1: i32, %arg2: memref<32x10240xi32, #tpu.memory_space<hbm>>, %arg3: memref<32x10240xi32, #tpu.memory_space<hbm>>, %arg4: memref<10112xf32, #tpu.memory_space<hbm>>, %arg5: memref<32x10112xf32, #tpu.memory_space<hbm>>, %arg6: memref<32x10112xf32, #tpu.memory_space<hbm>>, %arg7: memref<10240xi32, #tpu.memory_space<vmem>>, %arg8: memref<10240xi32, #tpu.memory_space<vmem>>, %arg9: memref<10112xf32, #tpu.memory_space<vmem>>, %arg10: memref<10112xf32, #tpu.memory_space<vmem>>) attributes {dimension_semantics = [#tpu.dimension_semantics<core_parallel>, #tpu.dimension_semantics<subcore_parallel>], iteration_bounds = array<i64: 2, 16>, scalar_prefetch = 0 : i64, scratch_operands = 4 : i64, tpu.core_type = #tpu.core_type<sc_vector_subcore>, window_params = [{transform_indices = #map}, {transform_indices = #map}, {transform_indices = #map1}, {transform_indices = #map}, {transform_indices = #map}]} {
    %mul3A = arith.constant 16 : i32
    %mul3A_0 = arith.muli %arg0, %mul3A : i32
    %add3A = arith.addi %mul3A_0, %arg1 : i32
    "tpu.region"() ({
      %run_scoped3A = tpu.sem_alloc : memref<!tpu.dma_semaphore, #tpu.memory_space<semaphore_mem>>
      %dma_start3A = arith.constant 0 : i32
      %dma_start3A_7 = tpu.memref_slice %arg2[%add3A, %dma_start3A] : memref<32x10240xi32, #tpu.memory_space<hbm>> -> memref<1x10240xi32, #tpu.memory_space<hbm>>
      %dma_start3A_8 = tpu.memref_squeeze %dma_start3A_7 : memref<1x10240xi32, #tpu.memory_space<hbm>> -> memref<10240xi32, #tpu.memory_space<hbm>>
      %dma_start3A_9 = arith.constant 0 : i32
      %dma_start3A_10 = tpu.memref_slice %arg2[%add3A, %dma_start3A_9] : memref<32x10240xi32, #tpu.memory_space<hbm>> -> memref<1x10240xi32, #tpu.memory_space<hbm>>
      %dma_start3A_11 = tpu.memref_squeeze %dma_start3A_10 : memref<1x10240xi32, #tpu.memory_space<hbm>> -> memref<10240xi32, #tpu.memory_space<hbm>>
      tpu.enqueue_dma source(%dma_start3A_11 : memref<10240xi32, #tpu.memory_space<hbm>>) target(%arg7 : memref<10240xi32, #tpu.memory_space<vmem>>) target_semaphore(%run_scoped3A : memref<!tpu.dma_semaphore, #tpu.memory_space<semaphore_mem>>)
      %dma_wait3A = arith.constant 0 : i32
      %dma_wait3A_12 = tpu.memref_slice %arg2[%add3A, %dma_wait3A] : memref<32x10240xi32, #tpu.memory_space<hbm>> -> memref<1x10240xi32, #tpu.memory_space<hbm>>
      %dma_wait3A_13 = tpu.memref_squeeze %dma_wait3A_12 : memref<1x10240xi32, #tpu.memory_space<hbm>> -> memref<10240xi32, #tpu.memory_space<hbm>>
      %dma_wait3A_14 = arith.constant 0 : i32
      %dma_wait3A_15 = tpu.memref_slice %arg2[%add3A, %dma_wait3A_14] : memref<32x10240xi32, #tpu.memory_space<hbm>> -> memref<1x10240xi32, #tpu.memory_space<hbm>>
      %dma_wait3A_16 = tpu.memref_squeeze %dma_wait3A_15 : memref<1x10240xi32, #tpu.memory_space<hbm>> -> memref<10240xi32, #tpu.memory_space<hbm>>
      tpu.wait_dma2 semaphore(%run_scoped3A : memref<!tpu.dma_semaphore, #tpu.memory_space<semaphore_mem>>) src(%dma_wait3A_16 : memref<10240xi32, #tpu.memory_space<hbm>>) dst(%arg7 : memref<10240xi32, #tpu.memory_space<vmem>>)
      tpu.yield
    }) : () -> ()
    "tpu.region"() ({
      %run_scoped3A = tpu.sem_alloc : memref<!tpu.dma_semaphore, #tpu.memory_space<semaphore_mem>>
      %dma_start3A = arith.constant 0 : i32
      %dma_start3A_7 = tpu.memref_slice %arg3[%add3A, %dma_start3A] : memref<32x10240xi32, #tpu.memory_space<hbm>> -> memref<1x10240xi32, #tpu.memory_space<hbm>>
      %dma_start3A_8 = tpu.memref_squeeze %dma_start3A_7 : memref<1x10240xi32, #tpu.memory_space<hbm>> -> memref<10240xi32, #tpu.memory_space<hbm>>
      %dma_start3A_9 = arith.constant 0 : i32
      %dma_start3A_10 = tpu.memref_slice %arg3[%add3A, %dma_start3A_9] : memref<32x10240xi32, #tpu.memory_space<hbm>> -> memref<1x10240xi32, #tpu.memory_space<hbm>>
      %dma_start3A_11 = tpu.memref_squeeze %dma_start3A_10 : memref<1x10240xi32, #tpu.memory_space<hbm>> -> memref<10240xi32, #tpu.memory_space<hbm>>
      tpu.enqueue_dma source(%dma_start3A_11 : memref<10240xi32, #tpu.memory_space<hbm>>) target(%arg8 : memref<10240xi32, #tpu.memory_space<vmem>>) target_semaphore(%run_scoped3A : memref<!tpu.dma_semaphore, #tpu.memory_space<semaphore_mem>>)
      %dma_wait3A = arith.constant 0 : i32
      %dma_wait3A_12 = tpu.memref_slice %arg3[%add3A, %dma_wait3A] : memref<32x10240xi32, #tpu.memory_space<hbm>> -> memref<1x10240xi32, #tpu.memory_space<hbm>>
      %dma_wait3A_13 = tpu.memref_squeeze %dma_wait3A_12 : memref<1x10240xi32, #tpu.memory_space<hbm>> -> memref<10240xi32, #tpu.memory_space<hbm>>
      %dma_wait3A_14 = arith.constant 0 : i32
      %dma_wait3A_15 = tpu.memref_slice %arg3[%add3A, %dma_wait3A_14] : memref<32x10240xi32, #tpu.memory_space<hbm>> -> memref<1x10240xi32, #tpu.memory_space<hbm>>
      %dma_wait3A_16 = tpu.memref_squeeze %dma_wait3A_15 : memref<1x10240xi32, #tpu.memory_space<hbm>> -> memref<10240xi32, #tpu.memory_space<hbm>>
      tpu.wait_dma2 semaphore(%run_scoped3A : memref<!tpu.dma_semaphore, #tpu.memory_space<semaphore_mem>>) src(%dma_wait3A_16 : memref<10240xi32, #tpu.memory_space<hbm>>) dst(%arg8 : memref<10240xi32, #tpu.memory_space<vmem>>)
      tpu.yield
    }) : () -> ()
    "tpu.region"() ({
      %run_scoped3A = tpu.sem_alloc : memref<!tpu.dma_semaphore, #tpu.memory_space<semaphore_mem>>
      tpu.enqueue_dma source(%arg4 : memref<10112xf32, #tpu.memory_space<hbm>>) target(%arg9 : memref<10112xf32, #tpu.memory_space<vmem>>) target_semaphore(%run_scoped3A : memref<!tpu.dma_semaphore, #tpu.memory_space<semaphore_mem>>)
      tpu.wait_dma2 semaphore(%run_scoped3A : memref<!tpu.dma_semaphore, #tpu.memory_space<semaphore_mem>>) src(%arg4 : memref<10112xf32, #tpu.memory_space<hbm>>) dst(%arg9 : memref<10112xf32, #tpu.memory_space<vmem>>)
      tpu.yield
    }) : () -> ()
    "tpu.region"() ({
      %run_scoped3A = tpu.sem_alloc : memref<!tpu.dma_semaphore, #tpu.memory_space<semaphore_mem>>
      tpu.enqueue_dma source(%arg4 : memref<10112xf32, #tpu.memory_space<hbm>>) target(%arg10 : memref<10112xf32, #tpu.memory_space<vmem>>) target_semaphore(%run_scoped3A : memref<!tpu.dma_semaphore, #tpu.memory_space<semaphore_mem>>)
      tpu.wait_dma2 semaphore(%run_scoped3A : memref<!tpu.dma_semaphore, #tpu.memory_space<semaphore_mem>>) src(%arg4 : memref<10112xf32, #tpu.memory_space<hbm>>) dst(%arg10 : memref<10112xf32, #tpu.memory_space<vmem>>)
      tpu.yield
    }) : () -> ()
    %broadcast_in_dim3A = arith.constant 1.000000e+00 : f32
    %broadcast_in_dim3A_1 = vector.broadcast %broadcast_in_dim3A : f32 to vector<16xf32>
    %scan3A = arith.constant 0 : i32
    %scan3A_2 = arith.constant 0 : i32
    %scan3A_3 = arith.constant 640 : i32
    %scan3A_4 = arith.addi %scan3A_2, %scan3A_3 : i32
    %scan3A_5 = arith.constant 1 : i32
    scf.for %scan3A_7 = %scan3A_2 to %scan3A_4 step %scan3A_5  : i32 {
      %mul3A_8 = arith.constant 16 : i32
      %mul3A_9 = arith.muli %scan3A_7, %mul3A_8 : i32
      %get3A = arith.index_cast %mul3A_9 : i32 to index
      %get3A_10 = tpu.vector_load %arg7[%get3A] {strides = array<i32>} : memref<10240xi32, #tpu.memory_space<vmem>>, vector<16xi32>,
      tpu.vector_store_idx %arg9[%get3A_10], %broadcast_in_dim3A_1 {add = true} : memref<10112xf32, #tpu.memory_space<vmem>>[vector<16xi32>], vector<16xf32>,
      %mul3A_11 = arith.constant 16 : i32
      %mul3A_12 = arith.muli %scan3A_7, %mul3A_11 : i32
      %get3A_13 = arith.index_cast %mul3A_12 : i32 to index
      %get3A_14 = tpu.vector_load %arg8[%get3A_13] {strides = array<i32>} : memref<10240xi32, #tpu.memory_space<vmem>>, vector<16xi32>,
      tpu.vector_store_idx %arg10[%get3A_14], %broadcast_in_dim3A_1 {add = true} : memref<10112xf32, #tpu.memory_space<vmem>>[vector<16xi32>], vector<16xf32>,
    }
    %scan3A_6 = arith.constant 640 : i32
    "tpu.region"() ({
      %run_scoped3A = tpu.sem_alloc : memref<!tpu.dma_semaphore, #tpu.memory_space<semaphore_mem>>
      %dma_start3A = arith.constant 0 : i32
      %dma_start3A_7 = tpu.memref_slice %arg5[%add3A, %dma_start3A] : memref<32x10112xf32, #tpu.memory_space<hbm>> -> memref<1x10112xf32, #tpu.memory_space<hbm>>
      %dma_start3A_8 = tpu.memref_squeeze %dma_start3A_7 : memref<1x10112xf32, #tpu.memory_space<hbm>> -> memref<10112xf32, #tpu.memory_space<hbm>>
      %dma_start3A_9 = arith.constant 0 : i32
      %dma_start3A_10 = tpu.memref_slice %arg5[%add3A, %dma_start3A_9] : memref<32x10112xf32, #tpu.memory_space<hbm>> -> memref<1x10112xf32, #tpu.memory_space<hbm>>
      %dma_start3A_11 = tpu.memref_squeeze %dma_start3A_10 : memref<1x10112xf32, #tpu.memory_space<hbm>> -> memref<10112xf32, #tpu.memory_space<hbm>>
      tpu.enqueue_dma source(%arg9 : memref<10112xf32, #tpu.memory_space<vmem>>) target(%dma_start3A_11 : memref<10112xf32, #tpu.memory_space<hbm>>) target_semaphore(%run_scoped3A : memref<!tpu.dma_semaphore, #tpu.memory_space<semaphore_mem>>)
      %dma_wait3A = arith.constant 0 : i32
      %dma_wait3A_12 = tpu.memref_slice %arg5[%add3A, %dma_wait3A] : memref<32x10112xf32, #tpu.memory_space<hbm>> -> memref<1x10112xf32, #tpu.memory_space<hbm>>
      %dma_wait3A_13 = tpu.memref_squeeze %dma_wait3A_12 : memref<1x10112xf32, #tpu.memory_space<hbm>> -> memref<10112xf32, #tpu.memory_space<hbm>>
      %dma_wait3A_14 = arith.constant 0 : i32
      %dma_wait3A_15 = tpu.memref_slice %arg5[%add3A, %dma_wait3A_14] : memref<32x10112xf32, #tpu.memory_space<hbm>> -> memref<1x10112xf32, #tpu.memory_space<hbm>>
      %dma_wait3A_16 = tpu.memref_squeeze %dma_wait3A_15 : memref<1x10112xf32, #tpu.memory_space<hbm>> -> memref<10112xf32, #tpu.memory_space<hbm>>
      tpu.wait_dma2 semaphore(%run_scoped3A : memref<!tpu.dma_semaphore, #tpu.memory_space<semaphore_mem>>) src(%arg9 : memref<10112xf32, #tpu.memory_space<vmem>>) dst(%dma_wait3A_16 : memref<10112xf32, #tpu.memory_space<hbm>>)
      tpu.yield
    }) : () -> ()
    "tpu.region"() ({
      %run_scoped3A = tpu.sem_alloc : memref<!tpu.dma_semaphore, #tpu.memory_space<semaphore_mem>>
      %dma_start3A = arith.constant 0 : i32
      %dma_start3A_7 = tpu.memref_slice %arg6[%add3A, %dma_start3A] : memref<32x10112xf32, #tpu.memory_space<hbm>> -> memref<1x10112xf32, #tpu.memory_space<hbm>>
      %dma_start3A_8 = tpu.memref_squeeze %dma_start3A_7 : memref<1x10112xf32, #tpu.memory_space<hbm>> -> memref<10112xf32, #tpu.memory_space<hbm>>
      %dma_start3A_9 = arith.constant 0 : i32
      %dma_start3A_10 = tpu.memref_slice %arg6[%add3A, %dma_start3A_9] : memref<32x10112xf32, #tpu.memory_space<hbm>> -> memref<1x10112xf32, #tpu.memory_space<hbm>>
      %dma_start3A_11 = tpu.memref_squeeze %dma_start3A_10 : memref<1x10112xf32, #tpu.memory_space<hbm>> -> memref<10112xf32, #tpu.memory_space<hbm>>
      tpu.enqueue_dma source(%arg10 : memref<10112xf32, #tpu.memory_space<vmem>>) target(%dma_start3A_11 : memref<10112xf32, #tpu.memory_space<hbm>>) target_semaphore(%run_scoped3A : memref<!tpu.dma_semaphore, #tpu.memory_space<semaphore_mem>>)
      %dma_wait3A = arith.constant 0 : i32
      %dma_wait3A_12 = tpu.memref_slice %arg6[%add3A, %dma_wait3A] : memref<32x10112xf32, #tpu.memory_space<hbm>> -> memref<1x10112xf32, #tpu.memory_space<hbm>>
      %dma_wait3A_13 = tpu.memref_squeeze %dma_wait3A_12 : memref<1x10112xf32, #tpu.memory_space<hbm>> -> memref<10112xf32, #tpu.memory_space<hbm>>
      %dma_wait3A_14 = arith.constant 0 : i32
      %dma_wait3A_15 = tpu.memref_slice %arg6[%add3A, %dma_wait3A_14] : memref<32x10112xf32, #tpu.memory_space<hbm>> -> memref<1x10112xf32, #tpu.memory_space<hbm>>
      %dma_wait3A_16 = tpu.memref_squeeze %dma_wait3A_15 : memref<1x10112xf32, #tpu.memory_space<hbm>> -> memref<10112xf32, #tpu.memory_space<hbm>>
      tpu.wait_dma2 semaphore(%run_scoped3A : memref<!tpu.dma_semaphore, #tpu.memory_space<semaphore_mem>>) src(%arg10 : memref<10112xf32, #tpu.memory_space<vmem>>) dst(%dma_wait3A_16 : memref<10112xf32, #tpu.memory_space<hbm>>)
      tpu.yield
    }) : () -> ()
    return
  }
}

#map = affine_map<(d0, d1) -> (0, 0)>
#map1 = affine_map<(d0, d1) -> (0, 0, 0)>
module attributes {stable_mosaic.version = 14 : i64} {
  func.func @s2(%arg0: i32, %arg1: i32, %arg2: memref<10112x128xf32, #tpu.memory_space<hbm>>, %arg3: memref<32x80x128xi32, #tpu.memory_space<hbm>>, %arg4: memref<32x80x128xi32, #tpu.memory_space<hbm>>, %arg5: memref<10112x128xf32, #tpu.memory_space<hbm>>, %arg6: memref<2x10112x128xf32, #tpu.memory_space<hbm>>, %arg7: memref<40x128xi32, #tpu.memory_space<vmem>>, %arg8: memref<40x128xi32, #tpu.memory_space<vmem>>, %arg9: memref<128x128xf32, #tpu.memory_space<vmem>>, %arg10: memref<128x128xf32, #tpu.memory_space<vmem>>, %arg11: memref<10112x128xf32, #tpu.memory_space<vmem_shared>>, %arg12: memref<!tpu.dma_semaphore, #tpu.memory_space<semaphore_mem>>, %arg13: memref<!tpu.dma_semaphore, #tpu.memory_space<semaphore_mem>>, %arg14: memref<!tpu.dma_semaphore, #tpu.memory_space<semaphore_mem>>, %arg15: memref<!tpu.dma_semaphore, #tpu.memory_space<semaphore_mem>>) attributes {dimension_semantics = [#tpu.dimension_semantics<core_parallel>, #tpu.dimension_semantics<subcore_parallel>], iteration_bounds = array<i64: 2, 16>, scalar_prefetch = 0 : i64, scratch_operands = 9 : i64, tpu.core_type = #tpu.core_type<sc_vector_subcore>, window_params = [{transform_indices = #map}, {transform_indices = #map1}, {transform_indices = #map1}, {transform_indices = #map}, {transform_indices = #map1}]} {
    %mul3A = arith.constant 16 : i32
    %mul3A_0 = arith.muli %arg0, %mul3A : i32
    %add3A = arith.addi %mul3A_0, %arg1 : i32
    %mul3A_1 = arith.constant 632 : i32
    %mul3A_2 = arith.muli %arg1, %mul3A_1 : i32
    %add3A_3 = arith.constant 0 : i32
    %add3A_4 = arith.addi %mul3A_2, %add3A_3 : i32
    "tpu.region"() ({
      %run_scoped3A = tpu.sem_alloc : memref<!tpu.dma_semaphore, #tpu.memory_space<semaphore_mem>>
      %dma_start3A_68 = arith.constant 0 : i32
      %dma_start3A_69 = arith.constant 0 : i32
      %dma_start3A_70 = tpu.memref_slice %arg9[%dma_start3A_68, %dma_start3A_69] : memref<128x128xf32, #tpu.memory_space<vmem>> -> memref<128x128xf32, #tpu.memory_space<vmem>>
      %dma_start3A_71 = arith.constant 0 : i32
      %dma_start3A_72 = tpu.memref_slice %arg5[%add3A_4, %dma_start3A_71] : memref<10112x128xf32, #tpu.memory_space<hbm>> -> memref<128x128xf32, #tpu.memory_space<hbm>>
      %dma_start3A_73 = arith.constant 0 : i32
      %dma_start3A_74 = arith.constant 0 : i32
      %dma_start3A_75 = tpu.memref_slice %arg9[%dma_start3A_73, %dma_start3A_74] : memref<128x128xf32, #tpu.memory_space<vmem>> -> memref<128x128xf32, #tpu.memory_space<vmem>>
      %dma_start3A_76 = arith.constant 0 : i32
      %dma_start3A_77 = tpu.memref_slice %arg5[%add3A_4, %dma_start3A_76] : memref<10112x128xf32, #tpu.memory_space<hbm>> -> memref<128x128xf32, #tpu.memory_space<hbm>>
      tpu.enqueue_dma source(%dma_start3A_77 : memref<128x128xf32, #tpu.memory_space<hbm>>) target(%dma_start3A_75 : memref<128x128xf32, #tpu.memory_space<vmem>>) target_semaphore(%run_scoped3A : memref<!tpu.dma_semaphore, #tpu.memory_space<semaphore_mem>>)
      %dma_wait3A = arith.constant 0 : i32
      %dma_wait3A_78 = arith.constant 0 : i32
      %dma_wait3A_79 = tpu.memref_slice %arg9[%dma_wait3A, %dma_wait3A_78] : memref<128x128xf32, #tpu.memory_space<vmem>> -> memref<128x128xf32, #tpu.memory_space<vmem>>
      %dma_wait3A_80 = arith.constant 0 : i32
      %dma_wait3A_81 = tpu.memref_slice %arg5[%add3A_4, %dma_wait3A_80] : memref<10112x128xf32, #tpu.memory_space<hbm>> -> memref<128x128xf32, #tpu.memory_space<hbm>>
      %dma_wait3A_82 = arith.constant 0 : i32
      %dma_wait3A_83 = arith.constant 0 : i32
      %dma_wait3A_84 = tpu.memref_slice %arg9[%dma_wait3A_82, %dma_wait3A_83] : memref<128x128xf32, #tpu.memory_space<vmem>> -> memref<128x128xf32, #tpu.memory_space<vmem>>
      %dma_wait3A_85 = arith.constant 0 : i32
      %dma_wait3A_86 = tpu.memref_slice %arg5[%add3A_4, %dma_wait3A_85] : memref<10112x128xf32, #tpu.memory_space<hbm>> -> memref<128x128xf32, #tpu.memory_space<hbm>>
      tpu.wait_dma2 semaphore(%run_scoped3A : memref<!tpu.dma_semaphore, #tpu.memory_space<semaphore_mem>>) src(%dma_wait3A_86 : memref<128x128xf32, #tpu.memory_space<hbm>>) dst(%dma_wait3A_84 : memref<128x128xf32, #tpu.memory_space<vmem>>)
      tpu.yield
    }) : () -> ()
    %add3A_5 = arith.constant 0 : i32
    %add3A_6 = arith.addi %mul3A_2, %add3A_5 : i32
    "tpu.region"() ({
      %run_scoped3A = tpu.sem_alloc : memref<!tpu.dma_semaphore, #tpu.memory_space<semaphore_mem>>
      %dma_start3A_68 = arith.constant 0 : i32
      %dma_start3A_69 = arith.constant 0 : i32
      %dma_start3A_70 = tpu.memref_slice %arg9[%dma_start3A_68, %dma_start3A_69] : memref<128x128xf32, #tpu.memory_space<vmem>> -> memref<128x128xf32, #tpu.memory_space<vmem>>
      %dma_start3A_71 = arith.constant 0 : i32
      %dma_start3A_72 = tpu.memref_slice %arg11[%add3A_6, %dma_start3A_71] : memref<10112x128xf32, #tpu.memory_space<vmem_shared>> -> memref<128x128xf32, #tpu.memory_space<vmem_shared>>
      %dma_start3A_73 = arith.constant 0 : i32
      %dma_start3A_74 = tpu.memref_slice %arg11[%add3A_6, %dma_start3A_73] : memref<10112x128xf32, #tpu.memory_space<vmem_shared>> -> memref<128x128xf32, #tpu.memory_space<vmem_shared>>
      %dma_start3A_75 = arith.constant 0 : i32
      %dma_start3A_76 = arith.constant 0 : i32
      %dma_start3A_77 = tpu.memref_slice %arg9[%dma_start3A_75, %dma_start3A_76] : memref<128x128xf32, #tpu.memory_space<vmem>> -> memref<128x128xf32, #tpu.memory_space<vmem>>
      tpu.enqueue_dma source(%dma_start3A_77 : memref<128x128xf32, #tpu.memory_space<vmem>>) target(%dma_start3A_74 : memref<128x128xf32, #tpu.memory_space<vmem_shared>>) target_semaphore(%run_scoped3A : memref<!tpu.dma_semaphore, #tpu.memory_space<semaphore_mem>>)
      %dma_wait3A = arith.constant 0 : i32
      %dma_wait3A_78 = arith.constant 0 : i32
      %dma_wait3A_79 = tpu.memref_slice %arg9[%dma_wait3A, %dma_wait3A_78] : memref<128x128xf32, #tpu.memory_space<vmem>> -> memref<128x128xf32, #tpu.memory_space<vmem>>
      %dma_wait3A_80 = arith.constant 0 : i32
      %dma_wait3A_81 = tpu.memref_slice %arg11[%add3A_6, %dma_wait3A_80] : memref<10112x128xf32, #tpu.memory_space<vmem_shared>> -> memref<128x128xf32, #tpu.memory_space<vmem_shared>>
      %dma_wait3A_82 = arith.constant 0 : i32
      %dma_wait3A_83 = tpu.memref_slice %arg11[%add3A_6, %dma_wait3A_82] : memref<10112x128xf32, #tpu.memory_space<vmem_shared>> -> memref<128x128xf32, #tpu.memory_space<vmem_shared>>
      %dma_wait3A_84 = arith.constant 0 : i32
      %dma_wait3A_85 = arith.constant 0 : i32
      %dma_wait3A_86 = tpu.memref_slice %arg9[%dma_wait3A_84, %dma_wait3A_85] : memref<128x128xf32, #tpu.memory_space<vmem>> -> memref<128x128xf32, #tpu.memory_space<vmem>>
      tpu.wait_dma2 semaphore(%run_scoped3A : memref<!tpu.dma_semaphore, #tpu.memory_space<semaphore_mem>>) src(%dma_wait3A_86 : memref<128x128xf32, #tpu.memory_space<vmem>>) dst(%dma_wait3A_83 : memref<128x128xf32, #tpu.memory_space<vmem_shared>>)
      tpu.yield
    }) : () -> ()
    %add3A_7 = arith.constant 128 : i32
    %add3A_8 = arith.addi %mul3A_2, %add3A_7 : i32
    "tpu.region"() ({
      %run_scoped3A = tpu.sem_alloc : memref<!tpu.dma_semaphore, #tpu.memory_space<semaphore_mem>>
      %dma_start3A_68 = arith.constant 0 : i32
      %dma_start3A_69 = arith.constant 0 : i32
      %dma_start3A_70 = tpu.memref_slice %arg9[%dma_start3A_68, %dma_start3A_69] : memref<128x128xf32, #tpu.memory_space<vmem>> -> memref<128x128xf32, #tpu.memory_space<vmem>>
      %dma_start3A_71 = arith.constant 0 : i32
      %dma_start3A_72 = tpu.memref_slice %arg5[%add3A_8, %dma_start3A_71] : memref<10112x128xf32, #tpu.memory_space<hbm>> -> memref<128x128xf32, #tpu.memory_space<hbm>>
      %dma_start3A_73 = arith.constant 0 : i32
      %dma_start3A_74 = arith.constant 0 : i32
      %dma_start3A_75 = tpu.memref_slice %arg9[%dma_start3A_73, %dma_start3A_74] : memref<128x128xf32, #tpu.memory_space<vmem>> -> memref<128x128xf32, #tpu.memory_space<vmem>>
      %dma_start3A_76 = arith.constant 0 : i32
      %dma_start3A_77 = tpu.memref_slice %arg5[%add3A_8, %dma_start3A_76] : memref<10112x128xf32, #tpu.memory_space<hbm>> -> memref<128x128xf32, #tpu.memory_space<hbm>>
      tpu.enqueue_dma source(%dma_start3A_77 : memref<128x128xf32, #tpu.memory_space<hbm>>) target(%dma_start3A_75 : memref<128x128xf32, #tpu.memory_space<vmem>>) target_semaphore(%run_scoped3A : memref<!tpu.dma_semaphore, #tpu.memory_space<semaphore_mem>>)
      %dma_wait3A = arith.constant 0 : i32
      %dma_wait3A_78 = arith.constant 0 : i32
      %dma_wait3A_79 = tpu.memref_slice %arg9[%dma_wait3A, %dma_wait3A_78] : memref<128x128xf32, #tpu.memory_space<vmem>> -> memref<128x128xf32, #tpu.memory_space<vmem>>
      %dma_wait3A_80 = arith.constant 0 : i32
      %dma_wait3A_81 = tpu.memref_slice %arg5[%add3A_8, %dma_wait3A_80] : memref<10112x128xf32, #tpu.memory_space<hbm>> -> memref<128x128xf32, #tpu.memory_space<hbm>>
      %dma_wait3A_82 = arith.constant 0 : i32
      %dma_wait3A_83 = arith.constant 0 : i32
      %dma_wait3A_84 = tpu.memref_slice %arg9[%dma_wait3A_82, %dma_wait3A_83] : memref<128x128xf32, #tpu.memory_space<vmem>> -> memref<128x128xf32, #tpu.memory_space<vmem>>
      %dma_wait3A_85 = arith.constant 0 : i32
      %dma_wait3A_86 = tpu.memref_slice %arg5[%add3A_8, %dma_wait3A_85] : memref<10112x128xf32, #tpu.memory_space<hbm>> -> memref<128x128xf32, #tpu.memory_space<hbm>>
      tpu.wait_dma2 semaphore(%run_scoped3A : memref<!tpu.dma_semaphore, #tpu.memory_space<semaphore_mem>>) src(%dma_wait3A_86 : memref<128x128xf32, #tpu.memory_space<hbm>>) dst(%dma_wait3A_84 : memref<128x128xf32, #tpu.memory_space<vmem>>)
      tpu.yield
    }) : () -> ()
    %add3A_9 = arith.constant 128 : i32
    %add3A_10 = arith.addi %mul3A_2, %add3A_9 : i32
    "tpu.region"() ({
      %run_scoped3A = tpu.sem_alloc : memref<!tpu.dma_semaphore, #tpu.memory_space<semaphore_mem>>
      %dma_start3A_68 = arith.constant 0 : i32
      %dma_start3A_69 = arith.constant 0 : i32
      %dma_start3A_70 = tpu.memref_slice %arg9[%dma_start3A_68, %dma_start3A_69] : memref<128x128xf32, #tpu.memory_space<vmem>> -> memref<128x128xf32, #tpu.memory_space<vmem>>
      %dma_start3A_71 = arith.constant 0 : i32
      %dma_start3A_72 = tpu.memref_slice %arg11[%add3A_10, %dma_start3A_71] : memref<10112x128xf32, #tpu.memory_space<vmem_shared>> -> memref<128x128xf32, #tpu.memory_space<vmem_shared>>
      %dma_start3A_73 = arith.constant 0 : i32
      %dma_start3A_74 = tpu.memref_slice %arg11[%add3A_10, %dma_start3A_73] : memref<10112x128xf32, #tpu.memory_space<vmem_shared>> -> memref<128x128xf32, #tpu.memory_space<vmem_shared>>
      %dma_start3A_75 = arith.constant 0 : i32
      %dma_start3A_76 = arith.constant 0 : i32
      %dma_start3A_77 = tpu.memref_slice %arg9[%dma_start3A_75, %dma_start3A_76] : memref<128x128xf32, #tpu.memory_space<vmem>> -> memref<128x128xf32, #tpu.memory_space<vmem>>
      tpu.enqueue_dma source(%dma_start3A_77 : memref<128x128xf32, #tpu.memory_space<vmem>>) target(%dma_start3A_74 : memref<128x128xf32, #tpu.memory_space<vmem_shared>>) target_semaphore(%run_scoped3A : memref<!tpu.dma_semaphore, #tpu.memory_space<semaphore_mem>>)
      %dma_wait3A = arith.constant 0 : i32
      %dma_wait3A_78 = arith.constant 0 : i32
      %dma_wait3A_79 = tpu.memref_slice %arg9[%dma_wait3A, %dma_wait3A_78] : memref<128x128xf32, #tpu.memory_space<vmem>> -> memref<128x128xf32, #tpu.memory_space<vmem>>
      %dma_wait3A_80 = arith.constant 0 : i32
      %dma_wait3A_81 = tpu.memref_slice %arg11[%add3A_10, %dma_wait3A_80] : memref<10112x128xf32, #tpu.memory_space<vmem_shared>> -> memref<128x128xf32, #tpu.memory_space<vmem_shared>>
      %dma_wait3A_82 = arith.constant 0 : i32
      %dma_wait3A_83 = tpu.memref_slice %arg11[%add3A_10, %dma_wait3A_82] : memref<10112x128xf32, #tpu.memory_space<vmem_shared>> -> memref<128x128xf32, #tpu.memory_space<vmem_shared>>
      %dma_wait3A_84 = arith.constant 0 : i32
      %dma_wait3A_85 = arith.constant 0 : i32
      %dma_wait3A_86 = tpu.memref_slice %arg9[%dma_wait3A_84, %dma_wait3A_85] : memref<128x128xf32, #tpu.memory_space<vmem>> -> memref<128x128xf32, #tpu.memory_space<vmem>>
      tpu.wait_dma2 semaphore(%run_scoped3A : memref<!tpu.dma_semaphore, #tpu.memory_space<semaphore_mem>>) src(%dma_wait3A_86 : memref<128x128xf32, #tpu.memory_space<vmem>>) dst(%dma_wait3A_83 : memref<128x128xf32, #tpu.memory_space<vmem_shared>>)
      tpu.yield
    }) : () -> ()
    %add3A_11 = arith.constant 256 : i32
    %add3A_12 = arith.addi %mul3A_2, %add3A_11 : i32
    "tpu.region"() ({
      %run_scoped3A = tpu.sem_alloc : memref<!tpu.dma_semaphore, #tpu.memory_space<semaphore_mem>>
      %dma_start3A_68 = arith.constant 0 : i32
      %dma_start3A_69 = arith.constant 0 : i32
      %dma_start3A_70 = tpu.memref_slice %arg9[%dma_start3A_68, %dma_start3A_69] : memref<128x128xf32, #tpu.memory_space<vmem>> -> memref<128x128xf32, #tpu.memory_space<vmem>>
      %dma_start3A_71 = arith.constant 0 : i32
      %dma_start3A_72 = tpu.memref_slice %arg5[%add3A_12, %dma_start3A_71] : memref<10112x128xf32, #tpu.memory_space<hbm>> -> memref<128x128xf32, #tpu.memory_space<hbm>>
      %dma_start3A_73 = arith.constant 0 : i32
      %dma_start3A_74 = arith.constant 0 : i32
      %dma_start3A_75 = tpu.memref_slice %arg9[%dma_start3A_73, %dma_start3A_74] : memref<128x128xf32, #tpu.memory_space<vmem>> -> memref<128x128xf32, #tpu.memory_space<vmem>>
      %dma_start3A_76 = arith.constant 0 : i32
      %dma_start3A_77 = tpu.memref_slice %arg5[%add3A_12, %dma_start3A_76] : memref<10112x128xf32, #tpu.memory_space<hbm>> -> memref<128x128xf32, #tpu.memory_space<hbm>>
      tpu.enqueue_dma source(%dma_start3A_77 : memref<128x128xf32, #tpu.memory_space<hbm>>) target(%dma_start3A_75 : memref<128x128xf32, #tpu.memory_space<vmem>>) target_semaphore(%run_scoped3A : memref<!tpu.dma_semaphore, #tpu.memory_space<semaphore_mem>>)
      %dma_wait3A = arith.constant 0 : i32
      %dma_wait3A_78 = arith.constant 0 : i32
      %dma_wait3A_79 = tpu.memref_slice %arg9[%dma_wait3A, %dma_wait3A_78] : memref<128x128xf32, #tpu.memory_space<vmem>> -> memref<128x128xf32, #tpu.memory_space<vmem>>
      %dma_wait3A_80 = arith.constant 0 : i32
      %dma_wait3A_81 = tpu.memref_slice %arg5[%add3A_12, %dma_wait3A_80] : memref<10112x128xf32, #tpu.memory_space<hbm>> -> memref<128x128xf32, #tpu.memory_space<hbm>>
      %dma_wait3A_82 = arith.constant 0 : i32
      %dma_wait3A_83 = arith.constant 0 : i32
      %dma_wait3A_84 = tpu.memref_slice %arg9[%dma_wait3A_82, %dma_wait3A_83] : memref<128x128xf32, #tpu.memory_space<vmem>> -> memref<128x128xf32, #tpu.memory_space<vmem>>
      %dma_wait3A_85 = arith.constant 0 : i32
      %dma_wait3A_86 = tpu.memref_slice %arg5[%add3A_12, %dma_wait3A_85] : memref<10112x128xf32, #tpu.memory_space<hbm>> -> memref<128x128xf32, #tpu.memory_space<hbm>>
      tpu.wait_dma2 semaphore(%run_scoped3A : memref<!tpu.dma_semaphore, #tpu.memory_space<semaphore_mem>>) src(%dma_wait3A_86 : memref<128x128xf32, #tpu.memory_space<hbm>>) dst(%dma_wait3A_84 : memref<128x128xf32, #tpu.memory_space<vmem>>)
      tpu.yield
    }) : () -> ()
    %add3A_13 = arith.constant 256 : i32
    %add3A_14 = arith.addi %mul3A_2, %add3A_13 : i32
    "tpu.region"() ({
      %run_scoped3A = tpu.sem_alloc : memref<!tpu.dma_semaphore, #tpu.memory_space<semaphore_mem>>
      %dma_start3A_68 = arith.constant 0 : i32
      %dma_start3A_69 = arith.constant 0 : i32
      %dma_start3A_70 = tpu.memref_slice %arg9[%dma_start3A_68, %dma_start3A_69] : memref<128x128xf32, #tpu.memory_space<vmem>> -> memref<128x128xf32, #tpu.memory_space<vmem>>
      %dma_start3A_71 = arith.constant 0 : i32
      %dma_start3A_72 = tpu.memref_slice %arg11[%add3A_14, %dma_start3A_71] : memref<10112x128xf32, #tpu.memory_space<vmem_shared>> -> memref<128x128xf32, #tpu.memory_space<vmem_shared>>
      %dma_start3A_73 = arith.constant 0 : i32
      %dma_start3A_74 = tpu.memref_slice %arg11[%add3A_14, %dma_start3A_73] : memref<10112x128xf32, #tpu.memory_space<vmem_shared>> -> memref<128x128xf32, #tpu.memory_space<vmem_shared>>
      %dma_start3A_75 = arith.constant 0 : i32
      %dma_start3A_76 = arith.constant 0 : i32
      %dma_start3A_77 = tpu.memref_slice %arg9[%dma_start3A_75, %dma_start3A_76] : memref<128x128xf32, #tpu.memory_space<vmem>> -> memref<128x128xf32, #tpu.memory_space<vmem>>
      tpu.enqueue_dma source(%dma_start3A_77 : memref<128x128xf32, #tpu.memory_space<vmem>>) target(%dma_start3A_74 : memref<128x128xf32, #tpu.memory_space<vmem_shared>>) target_semaphore(%run_scoped3A : memref<!tpu.dma_semaphore, #tpu.memory_space<semaphore_mem>>)
      %dma_wait3A = arith.constant 0 : i32
      %dma_wait3A_78 = arith.constant 0 : i32
      %dma_wait3A_79 = tpu.memref_slice %arg9[%dma_wait3A, %dma_wait3A_78] : memref<128x128xf32, #tpu.memory_space<vmem>> -> memref<128x128xf32, #tpu.memory_space<vmem>>
      %dma_wait3A_80 = arith.constant 0 : i32
      %dma_wait3A_81 = tpu.memref_slice %arg11[%add3A_14, %dma_wait3A_80] : memref<10112x128xf32, #tpu.memory_space<vmem_shared>> -> memref<128x128xf32, #tpu.memory_space<vmem_shared>>
      %dma_wait3A_82 = arith.constant 0 : i32
      %dma_wait3A_83 = tpu.memref_slice %arg11[%add3A_14, %dma_wait3A_82] : memref<10112x128xf32, #tpu.memory_space<vmem_shared>> -> memref<128x128xf32, #tpu.memory_space<vmem_shared>>
      %dma_wait3A_84 = arith.constant 0 : i32
      %dma_wait3A_85 = arith.constant 0 : i32
      %dma_wait3A_86 = tpu.memref_slice %arg9[%dma_wait3A_84, %dma_wait3A_85] : memref<128x128xf32, #tpu.memory_space<vmem>> -> memref<128x128xf32, #tpu.memory_space<vmem>>
      tpu.wait_dma2 semaphore(%run_scoped3A : memref<!tpu.dma_semaphore, #tpu.memory_space<semaphore_mem>>) src(%dma_wait3A_86 : memref<128x128xf32, #tpu.memory_space<vmem>>) dst(%dma_wait3A_83 : memref<128x128xf32, #tpu.memory_space<vmem_shared>>)
      tpu.yield
    }) : () -> ()
    %add3A_15 = arith.constant 384 : i32
    %add3A_16 = arith.addi %mul3A_2, %add3A_15 : i32
    "tpu.region"() ({
      %run_scoped3A = tpu.sem_alloc : memref<!tpu.dma_semaphore, #tpu.memory_space<semaphore_mem>>
      %dma_start3A_68 = arith.constant 0 : i32
      %dma_start3A_69 = arith.constant 0 : i32
      %dma_start3A_70 = tpu.memref_slice %arg9[%dma_start3A_68, %dma_start3A_69] : memref<128x128xf32, #tpu.memory_space<vmem>> -> memref<128x128xf32, #tpu.memory_space<vmem>>
      %dma_start3A_71 = arith.constant 0 : i32
      %dma_start3A_72 = tpu.memref_slice %arg5[%add3A_16, %dma_start3A_71] : memref<10112x128xf32, #tpu.memory_space<hbm>> -> memref<128x128xf32, #tpu.memory_space<hbm>>
      %dma_start3A_73 = arith.constant 0 : i32
      %dma_start3A_74 = arith.constant 0 : i32
      %dma_start3A_75 = tpu.memref_slice %arg9[%dma_start3A_73, %dma_start3A_74] : memref<128x128xf32, #tpu.memory_space<vmem>> -> memref<128x128xf32, #tpu.memory_space<vmem>>
      %dma_start3A_76 = arith.constant 0 : i32
      %dma_start3A_77 = tpu.memref_slice %arg5[%add3A_16, %dma_start3A_76] : memref<10112x128xf32, #tpu.memory_space<hbm>> -> memref<128x128xf32, #tpu.memory_space<hbm>>
      tpu.enqueue_dma source(%dma_start3A_77 : memref<128x128xf32, #tpu.memory_space<hbm>>) target(%dma_start3A_75 : memref<128x128xf32, #tpu.memory_space<vmem>>) target_semaphore(%run_scoped3A : memref<!tpu.dma_semaphore, #tpu.memory_space<semaphore_mem>>)
      %dma_wait3A = arith.constant 0 : i32
      %dma_wait3A_78 = arith.constant 0 : i32
      %dma_wait3A_79 = tpu.memref_slice %arg9[%dma_wait3A, %dma_wait3A_78] : memref<128x128xf32, #tpu.memory_space<vmem>> -> memref<128x128xf32, #tpu.memory_space<vmem>>
      %dma_wait3A_80 = arith.constant 0 : i32
      %dma_wait3A_81 = tpu.memref_slice %arg5[%add3A_16, %dma_wait3A_80] : memref<10112x128xf32, #tpu.memory_space<hbm>> -> memref<128x128xf32, #tpu.memory_space<hbm>>
      %dma_wait3A_82 = arith.constant 0 : i32
      %dma_wait3A_83 = arith.constant 0 : i32
      %dma_wait3A_84 = tpu.memref_slice %arg9[%dma_wait3A_82, %dma_wait3A_83] : memref<128x128xf32, #tpu.memory_space<vmem>> -> memref<128x128xf32, #tpu.memory_space<vmem>>
      %dma_wait3A_85 = arith.constant 0 : i32
      %dma_wait3A_86 = tpu.memref_slice %arg5[%add3A_16, %dma_wait3A_85] : memref<10112x128xf32, #tpu.memory_space<hbm>> -> memref<128x128xf32, #tpu.memory_space<hbm>>
      tpu.wait_dma2 semaphore(%run_scoped3A : memref<!tpu.dma_semaphore, #tpu.memory_space<semaphore_mem>>) src(%dma_wait3A_86 : memref<128x128xf32, #tpu.memory_space<hbm>>) dst(%dma_wait3A_84 : memref<128x128xf32, #tpu.memory_space<vmem>>)
      tpu.yield
    }) : () -> ()
    %add3A_17 = arith.constant 384 : i32
    %add3A_18 = arith.addi %mul3A_2, %add3A_17 : i32
    "tpu.region"() ({
      %run_scoped3A = tpu.sem_alloc : memref<!tpu.dma_semaphore, #tpu.memory_space<semaphore_mem>>
      %dma_start3A_68 = arith.constant 0 : i32
      %dma_start3A_69 = arith.constant 0 : i32
      %dma_start3A_70 = tpu.memref_slice %arg9[%dma_start3A_68, %dma_start3A_69] : memref<128x128xf32, #tpu.memory_space<vmem>> -> memref<128x128xf32, #tpu.memory_space<vmem>>
      %dma_start3A_71 = arith.constant 0 : i32
      %dma_start3A_72 = tpu.memref_slice %arg11[%add3A_18, %dma_start3A_71] : memref<10112x128xf32, #tpu.memory_space<vmem_shared>> -> memref<128x128xf32, #tpu.memory_space<vmem_shared>>
      %dma_start3A_73 = arith.constant 0 : i32
      %dma_start3A_74 = tpu.memref_slice %arg11[%add3A_18, %dma_start3A_73] : memref<10112x128xf32, #tpu.memory_space<vmem_shared>> -> memref<128x128xf32, #tpu.memory_space<vmem_shared>>
      %dma_start3A_75 = arith.constant 0 : i32
      %dma_start3A_76 = arith.constant 0 : i32
      %dma_start3A_77 = tpu.memref_slice %arg9[%dma_start3A_75, %dma_start3A_76] : memref<128x128xf32, #tpu.memory_space<vmem>> -> memref<128x128xf32, #tpu.memory_space<vmem>>
      tpu.enqueue_dma source(%dma_start3A_77 : memref<128x128xf32, #tpu.memory_space<vmem>>) target(%dma_start3A_74 : memref<128x128xf32, #tpu.memory_space<vmem_shared>>) target_semaphore(%run_scoped3A : memref<!tpu.dma_semaphore, #tpu.memory_space<semaphore_mem>>)
      %dma_wait3A = arith.constant 0 : i32
      %dma_wait3A_78 = arith.constant 0 : i32
      %dma_wait3A_79 = tpu.memref_slice %arg9[%dma_wait3A, %dma_wait3A_78] : memref<128x128xf32, #tpu.memory_space<vmem>> -> memref<128x128xf32, #tpu.memory_space<vmem>>
      %dma_wait3A_80 = arith.constant 0 : i32
      %dma_wait3A_81 = tpu.memref_slice %arg11[%add3A_18, %dma_wait3A_80] : memref<10112x128xf32, #tpu.memory_space<vmem_shared>> -> memref<128x128xf32, #tpu.memory_space<vmem_shared>>
      %dma_wait3A_82 = arith.constant 0 : i32
      %dma_wait3A_83 = tpu.memref_slice %arg11[%add3A_18, %dma_wait3A_82] : memref<10112x128xf32, #tpu.memory_space<vmem_shared>> -> memref<128x128xf32, #tpu.memory_space<vmem_shared>>
      %dma_wait3A_84 = arith.constant 0 : i32
      %dma_wait3A_85 = arith.constant 0 : i32
      %dma_wait3A_86 = tpu.memref_slice %arg9[%dma_wait3A_84, %dma_wait3A_85] : memref<128x128xf32, #tpu.memory_space<vmem>> -> memref<128x128xf32, #tpu.memory_space<vmem>>
      tpu.wait_dma2 semaphore(%run_scoped3A : memref<!tpu.dma_semaphore, #tpu.memory_space<semaphore_mem>>) src(%dma_wait3A_86 : memref<128x128xf32, #tpu.memory_space<vmem>>) dst(%dma_wait3A_83 : memref<128x128xf32, #tpu.memory_space<vmem_shared>>)
      tpu.yield
    }) : () -> ()
    %add3A_19 = arith.constant 512 : i32
    %add3A_20 = arith.addi %mul3A_2, %add3A_19 : i32
    "tpu.region"() ({
      %run_scoped3A = tpu.sem_alloc : memref<!tpu.dma_semaphore, #tpu.memory_space<semaphore_mem>>
      %dma_start3A_68 = arith.constant 0 : i32
      %dma_start3A_69 = arith.constant 0 : i32
      %dma_start3A_70 = tpu.memref_slice %arg9[%dma_start3A_68, %dma_start3A_69] : memref<128x128xf32, #tpu.memory_space<vmem>> -> memref<120x128xf32, #tpu.memory_space<vmem>>
      %dma_start3A_71 = arith.constant 0 : i32
      %dma_start3A_72 = tpu.memref_slice %arg5[%add3A_20, %dma_start3A_71] : memref<10112x128xf32, #tpu.memory_space<hbm>> -> memref<120x128xf32, #tpu.memory_space<hbm>>
      %dma_start3A_73 = arith.constant 0 : i32
      %dma_start3A_74 = arith.constant 0 : i32
      %dma_start3A_75 = tpu.memref_slice %arg9[%dma_start3A_73, %dma_start3A_74] : memref<128x128xf32, #tpu.memory_space<vmem>> -> memref<120x128xf32, #tpu.memory_space<vmem>>
      %dma_start3A_76 = arith.constant 0 : i32
      %dma_start3A_77 = tpu.memref_slice %arg5[%add3A_20, %dma_start3A_76] : memref<10112x128xf32, #tpu.memory_space<hbm>> -> memref<120x128xf32, #tpu.memory_space<hbm>>
      tpu.enqueue_dma source(%dma_start3A_77 : memref<120x128xf32, #tpu.memory_space<hbm>>) target(%dma_start3A_75 : memref<120x128xf32, #tpu.memory_space<vmem>>) target_semaphore(%run_scoped3A : memref<!tpu.dma_semaphore, #tpu.memory_space<semaphore_mem>>)
      %dma_wait3A = arith.constant 0 : i32
      %dma_wait3A_78 = arith.constant 0 : i32
      %dma_wait3A_79 = tpu.memref_slice %arg9[%dma_wait3A, %dma_wait3A_78] : memref<128x128xf32, #tpu.memory_space<vmem>> -> memref<120x128xf32, #tpu.memory_space<vmem>>
      %dma_wait3A_80 = arith.constant 0 : i32
      %dma_wait3A_81 = tpu.memref_slice %arg5[%add3A_20, %dma_wait3A_80] : memref<10112x128xf32, #tpu.memory_space<hbm>> -> memref<120x128xf32, #tpu.memory_space<hbm>>
      %dma_wait3A_82 = arith.constant 0 : i32
      %dma_wait3A_83 = arith.constant 0 : i32
      %dma_wait3A_84 = tpu.memref_slice %arg9[%dma_wait3A_82, %dma_wait3A_83] : memref<128x128xf32, #tpu.memory_space<vmem>> -> memref<120x128xf32, #tpu.memory_space<vmem>>
      %dma_wait3A_85 = arith.constant 0 : i32
      %dma_wait3A_86 = tpu.memref_slice %arg5[%add3A_20, %dma_wait3A_85] : memref<10112x128xf32, #tpu.memory_space<hbm>> -> memref<120x128xf32, #tpu.memory_space<hbm>>
      tpu.wait_dma2 semaphore(%run_scoped3A : memref<!tpu.dma_semaphore, #tpu.memory_space<semaphore_mem>>) src(%dma_wait3A_86 : memref<120x128xf32, #tpu.memory_space<hbm>>) dst(%dma_wait3A_84 : memref<120x128xf32, #tpu.memory_space<vmem>>)
      tpu.yield
    }) : () -> ()
    %add3A_21 = arith.constant 512 : i32
    %add3A_22 = arith.addi %mul3A_2, %add3A_21 : i32
    "tpu.region"() ({
      %run_scoped3A = tpu.sem_alloc : memref<!tpu.dma_semaphore, #tpu.memory_space<semaphore_mem>>
      %dma_start3A_68 = arith.constant 0 : i32
      %dma_start3A_69 = arith.constant 0 : i32
      %dma_start3A_70 = tpu.memref_slice %arg9[%dma_start3A_68, %dma_start3A_69] : memref<128x128xf32, #tpu.memory_space<vmem>> -> memref<120x128xf32, #tpu.memory_space<vmem>>
      %dma_start3A_71 = arith.constant 0 : i32
      %dma_start3A_72 = tpu.memref_slice %arg11[%add3A_22, %dma_start3A_71] : memref<10112x128xf32, #tpu.memory_space<vmem_shared>> -> memref<120x128xf32, #tpu.memory_space<vmem_shared>>
      %dma_start3A_73 = arith.constant 0 : i32
      %dma_start3A_74 = tpu.memref_slice %arg11[%add3A_22, %dma_start3A_73] : memref<10112x128xf32, #tpu.memory_space<vmem_shared>> -> memref<120x128xf32, #tpu.memory_space<vmem_shared>>
      %dma_start3A_75 = arith.constant 0 : i32
      %dma_start3A_76 = arith.constant 0 : i32
      %dma_start3A_77 = tpu.memref_slice %arg9[%dma_start3A_75, %dma_start3A_76] : memref<128x128xf32, #tpu.memory_space<vmem>> -> memref<120x128xf32, #tpu.memory_space<vmem>>
      tpu.enqueue_dma source(%dma_start3A_77 : memref<120x128xf32, #tpu.memory_space<vmem>>) target(%dma_start3A_74 : memref<120x128xf32, #tpu.memory_space<vmem_shared>>) target_semaphore(%run_scoped3A : memref<!tpu.dma_semaphore, #tpu.memory_space<semaphore_mem>>)
      %dma_wait3A = arith.constant 0 : i32
      %dma_wait3A_78 = arith.constant 0 : i32
      %dma_wait3A_79 = tpu.memref_slice %arg9[%dma_wait3A, %dma_wait3A_78] : memref<128x128xf32, #tpu.memory_space<vmem>> -> memref<120x128xf32, #tpu.memory_space<vmem>>
      %dma_wait3A_80 = arith.constant 0 : i32
      %dma_wait3A_81 = tpu.memref_slice %arg11[%add3A_22, %dma_wait3A_80] : memref<10112x128xf32, #tpu.memory_space<vmem_shared>> -> memref<120x128xf32, #tpu.memory_space<vmem_shared>>
      %dma_wait3A_82 = arith.constant 0 : i32
      %dma_wait3A_83 = tpu.memref_slice %arg11[%add3A_22, %dma_wait3A_82] : memref<10112x128xf32, #tpu.memory_space<vmem_shared>> -> memref<120x128xf32, #tpu.memory_space<vmem_shared>>
      %dma_wait3A_84 = arith.constant 0 : i32
      %dma_wait3A_85 = arith.constant 0 : i32
      %dma_wait3A_86 = tpu.memref_slice %arg9[%dma_wait3A_84, %dma_wait3A_85] : memref<128x128xf32, #tpu.memory_space<vmem>> -> memref<120x128xf32, #tpu.memory_space<vmem>>
      tpu.wait_dma2 semaphore(%run_scoped3A : memref<!tpu.dma_semaphore, #tpu.memory_space<semaphore_mem>>) src(%dma_wait3A_86 : memref<120x128xf32, #tpu.memory_space<vmem>>) dst(%dma_wait3A_83 : memref<120x128xf32, #tpu.memory_space<vmem_shared>>)
      tpu.yield
    }) : () -> ()
    %barrier3A = arith.constant 0 : index
    tpu.barrier barrier_id(%barrier3A)
    "tpu.region"() ({
      %run_scoped3A = tpu.sem_alloc : memref<!tpu.dma_semaphore, #tpu.memory_space<semaphore_mem>>
      %dma_start3A_68 = arith.constant 0 : i32
      %dma_start3A_69 = arith.constant 0 : i32
      %dma_start3A_70 = tpu.memref_slice %arg3[%add3A, %dma_start3A_68, %dma_start3A_69] : memref<32x80x128xi32, #tpu.memory_space<hbm>> -> memref<1x40x128xi32, #tpu.memory_space<hbm>>
      %dma_start3A_71 = tpu.memref_squeeze %dma_start3A_70 : memref<1x40x128xi32, #tpu.memory_space<hbm>> -> memref<40x128xi32, #tpu.memory_space<hbm>>
      %dma_start3A_72 = arith.constant 0 : i32
      %dma_start3A_73 = arith.constant 0 : i32
      %dma_start3A_74 = tpu.memref_slice %arg3[%add3A, %dma_start3A_72, %dma_start3A_73] : memref<32x80x128xi32, #tpu.memory_space<hbm>> -> memref<1x40x128xi32, #tpu.memory_space<hbm>>
      %dma_start3A_75 = tpu.memref_squeeze %dma_start3A_74 : memref<1x40x128xi32, #tpu.memory_space<hbm>> -> memref<40x128xi32, #tpu.memory_space<hbm>>
      tpu.enqueue_dma source(%dma_start3A_75 : memref<40x128xi32, #tpu.memory_space<hbm>>) target(%arg7 : memref<40x128xi32, #tpu.memory_space<vmem>>) target_semaphore(%run_scoped3A : memref<!tpu.dma_semaphore, #tpu.memory_space<semaphore_mem>>)
      %dma_wait3A = arith.constant 0 : i32
      %dma_wait3A_76 = arith.constant 0 : i32
      %dma_wait3A_77 = tpu.memref_slice %arg3[%add3A, %dma_wait3A, %dma_wait3A_76] : memref<32x80x128xi32, #tpu.memory_space<hbm>> -> memref<1x40x128xi32, #tpu.memory_space<hbm>>
      %dma_wait3A_78 = tpu.memref_squeeze %dma_wait3A_77 : memref<1x40x128xi32, #tpu.memory_space<hbm>> -> memref<40x128xi32, #tpu.memory_space<hbm>>
      %dma_wait3A_79 = arith.constant 0 : i32
      %dma_wait3A_80 = arith.constant 0 : i32
      %dma_wait3A_81 = tpu.memref_slice %arg3[%add3A, %dma_wait3A_79, %dma_wait3A_80] : memref<32x80x128xi32, #tpu.memory_space<hbm>> -> memref<1x40x128xi32, #tpu.memory_space<hbm>>
      %dma_wait3A_82 = tpu.memref_squeeze %dma_wait3A_81 : memref<1x40x128xi32, #tpu.memory_space<hbm>> -> memref<40x128xi32, #tpu.memory_space<hbm>>
      tpu.wait_dma2 semaphore(%run_scoped3A : memref<!tpu.dma_semaphore, #tpu.memory_space<semaphore_mem>>) src(%dma_wait3A_82 : memref<40x128xi32, #tpu.memory_space<hbm>>) dst(%arg7 : memref<40x128xi32, #tpu.memory_space<vmem>>)
      tpu.yield
    }) : () -> ()
    "tpu.region"() ({
      %run_scoped3A = tpu.sem_alloc : memref<!tpu.dma_semaphore, #tpu.memory_space<semaphore_mem>>
      %dma_start3A_68 = arith.constant 0 : i32
      %dma_start3A_69 = arith.constant 0 : i32
      %dma_start3A_70 = tpu.memref_slice %arg4[%add3A, %dma_start3A_68, %dma_start3A_69] : memref<32x80x128xi32, #tpu.memory_space<hbm>> -> memref<1x40x128xi32, #tpu.memory_space<hbm>>
      %dma_start3A_71 = tpu.memref_squeeze %dma_start3A_70 : memref<1x40x128xi32, #tpu.memory_space<hbm>> -> memref<40x128xi32, #tpu.memory_space<hbm>>
      %dma_start3A_72 = arith.constant 0 : i32
      %dma_start3A_73 = arith.constant 0 : i32
      %dma_start3A_74 = tpu.memref_slice %arg4[%add3A, %dma_start3A_72, %dma_start3A_73] : memref<32x80x128xi32, #tpu.memory_space<hbm>> -> memref<1x40x128xi32, #tpu.memory_space<hbm>>
      %dma_start3A_75 = tpu.memref_squeeze %dma_start3A_74 : memref<1x40x128xi32, #tpu.memory_space<hbm>> -> memref<40x128xi32, #tpu.memory_space<hbm>>
      tpu.enqueue_dma source(%dma_start3A_75 : memref<40x128xi32, #tpu.memory_space<hbm>>) target(%arg8 : memref<40x128xi32, #tpu.memory_space<vmem>>) target_semaphore(%run_scoped3A : memref<!tpu.dma_semaphore, #tpu.memory_space<semaphore_mem>>)
      %dma_wait3A = arith.constant 0 : i32
      %dma_wait3A_76 = arith.constant 0 : i32
      %dma_wait3A_77 = tpu.memref_slice %arg4[%add3A, %dma_wait3A, %dma_wait3A_76] : memref<32x80x128xi32, #tpu.memory_space<hbm>> -> memref<1x40x128xi32, #tpu.memory_space<hbm>>
      %dma_wait3A_78 = tpu.memref_squeeze %dma_wait3A_77 : memref<1x40x128xi32, #tpu.memory_space<hbm>> -> memref<40x128xi32, #tpu.memory_space<hbm>>
      %dma_wait3A_79 = arith.constant 0 : i32
      %dma_wait3A_80 = arith.constant 0 : i32
      %dma_wait3A_81 = tpu.memref_slice %arg4[%add3A, %dma_wait3A_79, %dma_wait3A_80] : memref<32x80x128xi32, #tpu.memory_space<hbm>> -> memref<1x40x128xi32, #tpu.memory_space<hbm>>
      %dma_wait3A_82 = tpu.memref_squeeze %dma_wait3A_81 : memref<1x40x128xi32, #tpu.memory_space<hbm>> -> memref<40x128xi32, #tpu.memory_space<hbm>>
      tpu.wait_dma2 semaphore(%run_scoped3A : memref<!tpu.dma_semaphore, #tpu.memory_space<semaphore_mem>>) src(%dma_wait3A_82 : memref<40x128xi32, #tpu.memory_space<hbm>>) dst(%arg8 : memref<40x128xi32, #tpu.memory_space<vmem>>)
      tpu.yield
    }) : () -> ()
    %dma_start3A = arith.constant 0 : i32
    %dma_start3A_23 = arith.constant 0 : i32
    %dma_start3A_24 = tpu.memref_slice %arg7[%dma_start3A, %dma_start3A_23] : memref<40x128xi32, #tpu.memory_space<vmem>> -> memref<1x128xi32, #tpu.memory_space<vmem>>
    %dma_start3A_25 = tpu.memref_squeeze %dma_start3A_24 : memref<1x128xi32, #tpu.memory_space<vmem>> -> memref<128xi32, #tpu.memory_space<vmem>>
    %dma_start3A_26 = arith.constant 0 : i32
    %dma_start3A_27 = arith.constant 0 : i32
    %dma_start3A_28 = tpu.memref_slice %arg2[%dma_start3A_26, %dma_start3A_27] : memref<10112x128xf32, #tpu.memory_space<hbm>> -> memref<10112x128xf32, #tpu.memory_space<hbm>>
    tpu.enqueue_indirect_dma source(%dma_start3A_28 : memref<10112x128xf32, #tpu.memory_space<hbm>>) target(%arg9 : memref<128x128xf32, #tpu.memory_space<vmem>>) offsets(%dma_start3A_25 : memref<128xi32, #tpu.memory_space<vmem>>) semaphore(%arg12 : memref<!tpu.dma_semaphore, #tpu.memory_space<semaphore_mem>>)
    %scan3A = arith.constant 0 : i32
    %scan3A_29 = arith.constant 0 : i32
    %scan3A_30 = arith.constant 20 : i32
    %scan3A_31 = arith.addi %scan3A_29, %scan3A_30 : i32
    %scan3A_32 = arith.constant 1 : i32
    scf.for %scan3A_68 = %scan3A_29 to %scan3A_31 step %scan3A_32  : i32 {
      %mul3A_69 = arith.constant 2 : i32
      %mul3A_70 = arith.muli %mul3A_69, %scan3A_68 : i32
      %add3A_71 = arith.constant 1 : i32
      %add3A_72 = arith.addi %mul3A_70, %add3A_71 : i32
      %mul3A_73 = arith.constant 2 : i32
      %mul3A_74 = arith.muli %mul3A_73, %scan3A_68 : i32
      %add3A_75 = arith.constant 2 : i32
      %add3A_76 = arith.addi %mul3A_74, %add3A_75 : i32
      %dma_start3A_77 = arith.constant 0 : i32
      %dma_start3A_78 = tpu.memref_slice %arg7[%add3A_72, %dma_start3A_77] : memref<40x128xi32, #tpu.memory_space<vmem>> -> memref<1x128xi32, #tpu.memory_space<vmem>>
      %dma_start3A_79 = tpu.memref_squeeze %dma_start3A_78 : memref<1x128xi32, #tpu.memory_space<vmem>> -> memref<128xi32, #tpu.memory_space<vmem>>
      %dma_start3A_80 = arith.constant 0 : i32
      %dma_start3A_81 = arith.constant 0 : i32
      %dma_start3A_82 = tpu.memref_slice %arg2[%dma_start3A_80, %dma_start3A_81] : memref<10112x128xf32, #tpu.memory_space<hbm>> -> memref<10112x128xf32, #tpu.memory_space<hbm>>
      tpu.enqueue_indirect_dma source(%dma_start3A_82 : memref<10112x128xf32, #tpu.memory_space<hbm>>) target(%arg10 : memref<128x128xf32, #tpu.memory_space<vmem>>) offsets(%dma_start3A_79 : memref<128xi32, #tpu.memory_space<vmem>>) semaphore(%arg13 : memref<!tpu.dma_semaphore, #tpu.memory_space<semaphore_mem>>)
      %mul3A_83 = arith.constant 2 : i32
      %mul3A_84 = arith.muli %mul3A_83, %scan3A_68 : i32
      %dma_wait3A = arith.constant 0 : i32
      %dma_wait3A_85 = tpu.memref_slice %arg7[%mul3A_84, %dma_wait3A] : memref<40x128xi32, #tpu.memory_space<vmem>> -> memref<1x128xi32, #tpu.memory_space<vmem>>
      %dma_wait3A_86 = tpu.memref_squeeze %dma_wait3A_85 : memref<1x128xi32, #tpu.memory_space<vmem>> -> memref<128xi32, #tpu.memory_space<vmem>>
      %dma_wait3A_87 = arith.constant 0 : i32
      %dma_wait3A_88 = arith.constant 0 : i32
      %dma_wait3A_89 = tpu.memref_slice %arg2[%dma_wait3A_87, %dma_wait3A_88] : memref<10112x128xf32, #tpu.memory_space<hbm>> -> memref<10112x128xf32, #tpu.memory_space<hbm>>
      tpu.wait_indirect_dma semaphore(%arg12 : memref<!tpu.dma_semaphore, #tpu.memory_space<semaphore_mem>>) src(%dma_wait3A_89 : memref<10112x128xf32, #tpu.memory_space<hbm>>) dst(%arg9 : memref<128x128xf32, #tpu.memory_space<vmem>>)
      %mul3A_90 = arith.constant 2 : i32
      %mul3A_91 = arith.muli %mul3A_90, %scan3A_68 : i32
      %dma_start3A_92 = arith.constant 0 : i32
      %dma_start3A_93 = tpu.memref_slice %arg8[%mul3A_91, %dma_start3A_92] : memref<40x128xi32, #tpu.memory_space<vmem>> -> memref<1x128xi32, #tpu.memory_space<vmem>>
      %dma_start3A_94 = tpu.memref_squeeze %dma_start3A_93 : memref<1x128xi32, #tpu.memory_space<vmem>> -> memref<128xi32, #tpu.memory_space<vmem>>
      %dma_start3A_95 = arith.constant 0 : i32
      %dma_start3A_96 = arith.constant 0 : i32
      %dma_start3A_97 = tpu.memref_slice %arg11[%dma_start3A_95, %dma_start3A_96] : memref<10112x128xf32, #tpu.memory_space<vmem_shared>> -> memref<10112x128xf32, #tpu.memory_space<vmem_shared>>
      tpu.enqueue_indirect_dma source(%arg9 : memref<128x128xf32, #tpu.memory_space<vmem>>) target(%dma_start3A_97 : memref<10112x128xf32, #tpu.memory_space<vmem_shared>>) offsets(%dma_start3A_94 : memref<128xi32, #tpu.memory_space<vmem>>) semaphore(%arg14 : memref<!tpu.dma_semaphore, #tpu.memory_space<semaphore_mem>>) {add = true}
      %dma_wait3A_98 = arith.constant 0 : i32
      %dma_wait3A_99 = tpu.memref_slice %arg7[%add3A_72, %dma_wait3A_98] : memref<40x128xi32, #tpu.memory_space<vmem>> -> memref<1x128xi32, #tpu.memory_space<vmem>>
      %dma_wait3A_100 = tpu.memref_squeeze %dma_wait3A_99 : memref<1x128xi32, #tpu.memory_space<vmem>> -> memref<128xi32, #tpu.memory_space<vmem>>
      %dma_wait3A_101 = arith.constant 0 : i32
      %dma_wait3A_102 = arith.constant 0 : i32
      %dma_wait3A_103 = tpu.memref_slice %arg2[%dma_wait3A_101, %dma_wait3A_102] : memref<10112x128xf32, #tpu.memory_space<hbm>> -> memref<10112x128xf32, #tpu.memory_space<hbm>>
      tpu.wait_indirect_dma semaphore(%arg13 : memref<!tpu.dma_semaphore, #tpu.memory_space<semaphore_mem>>) src(%dma_wait3A_103 : memref<10112x128xf32, #tpu.memory_space<hbm>>) dst(%arg10 : memref<128x128xf32, #tpu.memory_space<vmem>>)
      %dma_start3A_104 = arith.constant 0 : i32
      %dma_start3A_105 = tpu.memref_slice %arg8[%add3A_72, %dma_start3A_104] : memref<40x128xi32, #tpu.memory_space<vmem>> -> memref<1x128xi32, #tpu.memory_space<vmem>>
      %dma_start3A_106 = tpu.memref_squeeze %dma_start3A_105 : memref<1x128xi32, #tpu.memory_space<vmem>> -> memref<128xi32, #tpu.memory_space<vmem>>
      %dma_start3A_107 = arith.constant 0 : i32
      %dma_start3A_108 = arith.constant 0 : i32
      %dma_start3A_109 = tpu.memref_slice %arg11[%dma_start3A_107, %dma_start3A_108] : memref<10112x128xf32, #tpu.memory_space<vmem_shared>> -> memref<10112x128xf32, #tpu.memory_space<vmem_shared>>
      tpu.enqueue_indirect_dma source(%arg10 : memref<128x128xf32, #tpu.memory_space<vmem>>) target(%dma_start3A_109 : memref<10112x128xf32, #tpu.memory_space<vmem_shared>>) offsets(%dma_start3A_106 : memref<128xi32, #tpu.memory_space<vmem>>) semaphore(%arg15 : memref<!tpu.dma_semaphore, #tpu.memory_space<semaphore_mem>>) {add = true}
      %mul3A_110 = arith.constant 2 : i32
      %mul3A_111 = arith.muli %mul3A_110, %scan3A_68 : i32
      %dma_wait3A_112 = arith.constant 0 : i32
      %dma_wait3A_113 = tpu.memref_slice %arg8[%mul3A_111, %dma_wait3A_112] : memref<40x128xi32, #tpu.memory_space<vmem>> -> memref<1x128xi32, #tpu.memory_space<vmem>>
      %dma_wait3A_114 = tpu.memref_squeeze %dma_wait3A_113 : memref<1x128xi32, #tpu.memory_space<vmem>> -> memref<128xi32, #tpu.memory_space<vmem>>
      %dma_wait3A_115 = arith.constant 0 : i32
      %dma_wait3A_116 = arith.constant 0 : i32
      %dma_wait3A_117 = tpu.memref_slice %arg11[%dma_wait3A_115, %dma_wait3A_116] : memref<10112x128xf32, #tpu.memory_space<vmem_shared>> -> memref<10112x128xf32, #tpu.memory_space<vmem_shared>>
      tpu.wait_indirect_dma semaphore(%arg14 : memref<!tpu.dma_semaphore, #tpu.memory_space<semaphore_mem>>) src(%arg9 : memref<128x128xf32, #tpu.memory_space<vmem>>) dst(%dma_wait3A_117 : memref<10112x128xf32, #tpu.memory_space<vmem_shared>>)
      %lt3A = arith.constant 40 : i32
      %lt3A_118 = arith.cmpi slt, %add3A_76, %lt3A : i32
      %convert_element_type3A = arith.extui %lt3A_118 : i1 to i32
      %cond3A = arith.constant 0 : i32
      %cond3A_119 = arith.cmpi ne, %convert_element_type3A, %cond3A : i32
      scf.if %cond3A_119 {
        %dma_start3A_126 = arith.constant 0 : i32
        %dma_start3A_127 = tpu.memref_slice %arg7[%add3A_76, %dma_start3A_126] : memref<40x128xi32, #tpu.memory_space<vmem>> -> memref<1x128xi32, #tpu.memory_space<vmem>>
        %dma_start3A_128 = tpu.memref_squeeze %dma_start3A_127 : memref<1x128xi32, #tpu.memory_space<vmem>> -> memref<128xi32, #tpu.memory_space<vmem>>
        %dma_start3A_129 = arith.constant 0 : i32
        %dma_start3A_130 = arith.constant 0 : i32
        %dma_start3A_131 = tpu.memref_slice %arg2[%dma_start3A_129, %dma_start3A_130] : memref<10112x128xf32, #tpu.memory_space<hbm>> -> memref<10112x128xf32, #tpu.memory_space<hbm>>
        tpu.enqueue_indirect_dma source(%dma_start3A_131 : memref<10112x128xf32, #tpu.memory_space<hbm>>) target(%arg9 : memref<128x128xf32, #tpu.memory_space<vmem>>) offsets(%dma_start3A_128 : memref<128xi32, #tpu.memory_space<vmem>>) semaphore(%arg12 : memref<!tpu.dma_semaphore, #tpu.memory_space<semaphore_mem>>)
      } else {
      }
      %dma_wait3A_120 = arith.constant 0 : i32
      %dma_wait3A_121 = tpu.memref_slice %arg8[%add3A_72, %dma_wait3A_120] : memref<40x128xi32, #tpu.memory_space<vmem>> -> memref<1x128xi32, #tpu.memory_space<vmem>>
      %dma_wait3A_122 = tpu.memref_squeeze %dma_wait3A_121 : memref<1x128xi32, #tpu.memory_space<vmem>> -> memref<128xi32, #tpu.memory_space<vmem>>
      %dma_wait3A_123 = arith.constant 0 : i32
      %dma_wait3A_124 = arith.constant 0 : i32
      %dma_wait3A_125 = tpu.memref_slice %arg11[%dma_wait3A_123, %dma_wait3A_124] : memref<10112x128xf32, #tpu.memory_space<vmem_shared>> -> memref<10112x128xf32, #tpu.memory_space<vmem_shared>>
      tpu.wait_indirect_dma semaphore(%arg15 : memref<!tpu.dma_semaphore, #tpu.memory_space<semaphore_mem>>) src(%arg10 : memref<128x128xf32, #tpu.memory_space<vmem>>) dst(%dma_wait3A_125 : memref<10112x128xf32, #tpu.memory_space<vmem_shared>>)
    }
    %scan3A_33 = arith.constant 20 : i32
    "tpu.region"() ({
      %run_scoped3A = tpu.sem_alloc : memref<!tpu.dma_semaphore, #tpu.memory_space<semaphore_mem>>
      %dma_start3A_68 = arith.constant 40 : i32
      %dma_start3A_69 = arith.constant 0 : i32
      %dma_start3A_70 = tpu.memref_slice %arg3[%add3A, %dma_start3A_68, %dma_start3A_69] : memref<32x80x128xi32, #tpu.memory_space<hbm>> -> memref<1x40x128xi32, #tpu.memory_space<hbm>>
      %dma_start3A_71 = tpu.memref_squeeze %dma_start3A_70 : memref<1x40x128xi32, #tpu.memory_space<hbm>> -> memref<40x128xi32, #tpu.memory_space<hbm>>
      %dma_start3A_72 = arith.constant 40 : i32
      %dma_start3A_73 = arith.constant 0 : i32
      %dma_start3A_74 = tpu.memref_slice %arg3[%add3A, %dma_start3A_72, %dma_start3A_73] : memref<32x80x128xi32, #tpu.memory_space<hbm>> -> memref<1x40x128xi32, #tpu.memory_space<hbm>>
      %dma_start3A_75 = tpu.memref_squeeze %dma_start3A_74 : memref<1x40x128xi32, #tpu.memory_space<hbm>> -> memref<40x128xi32, #tpu.memory_space<hbm>>
      tpu.enqueue_dma source(%dma_start3A_75 : memref<40x128xi32, #tpu.memory_space<hbm>>) target(%arg7 : memref<40x128xi32, #tpu.memory_space<vmem>>) target_semaphore(%run_scoped3A : memref<!tpu.dma_semaphore, #tpu.memory_space<semaphore_mem>>)
      %dma_wait3A = arith.constant 40 : i32
      %dma_wait3A_76 = arith.constant 0 : i32
      %dma_wait3A_77 = tpu.memref_slice %arg3[%add3A, %dma_wait3A, %dma_wait3A_76] : memref<32x80x128xi32, #tpu.memory_space<hbm>> -> memref<1x40x128xi32, #tpu.memory_space<hbm>>
      %dma_wait3A_78 = tpu.memref_squeeze %dma_wait3A_77 : memref<1x40x128xi32, #tpu.memory_space<hbm>> -> memref<40x128xi32, #tpu.memory_space<hbm>>
      %dma_wait3A_79 = arith.constant 40 : i32
      %dma_wait3A_80 = arith.constant 0 : i32
      %dma_wait3A_81 = tpu.memref_slice %arg3[%add3A, %dma_wait3A_79, %dma_wait3A_80] : memref<32x80x128xi32, #tpu.memory_space<hbm>> -> memref<1x40x128xi32, #tpu.memory_space<hbm>>
      %dma_wait3A_82 = tpu.memref_squeeze %dma_wait3A_81 : memref<1x40x128xi32, #tpu.memory_space<hbm>> -> memref<40x128xi32, #tpu.memory_space<hbm>>
      tpu.wait_dma2 semaphore(%run_scoped3A : memref<!tpu.dma_semaphore, #tpu.memory_space<semaphore_mem>>) src(%dma_wait3A_82 : memref<40x128xi32, #tpu.memory_space<hbm>>) dst(%arg7 : memref<40x128xi32, #tpu.memory_space<vmem>>)
      tpu.yield
    }) : () -> ()
    "tpu.region"() ({
      %run_scoped3A = tpu.sem_alloc : memref<!tpu.dma_semaphore, #tpu.memory_space<semaphore_mem>>
      %dma_start3A_68 = arith.constant 40 : i32
      %dma_start3A_69 = arith.constant 0 : i32
      %dma_start3A_70 = tpu.memref_slice %arg4[%add3A, %dma_start3A_68, %dma_start3A_69] : memref<32x80x128xi32, #tpu.memory_space<hbm>> -> memref<1x40x128xi32, #tpu.memory_space<hbm>>
      %dma_start3A_71 = tpu.memref_squeeze %dma_start3A_70 : memref<1x40x128xi32, #tpu.memory_space<hbm>> -> memref<40x128xi32, #tpu.memory_space<hbm>>
      %dma_start3A_72 = arith.constant 40 : i32
      %dma_start3A_73 = arith.constant 0 : i32
      %dma_start3A_74 = tpu.memref_slice %arg4[%add3A, %dma_start3A_72, %dma_start3A_73] : memref<32x80x128xi32, #tpu.memory_space<hbm>> -> memref<1x40x128xi32, #tpu.memory_space<hbm>>
      %dma_start3A_75 = tpu.memref_squeeze %dma_start3A_74 : memref<1x40x128xi32, #tpu.memory_space<hbm>> -> memref<40x128xi32, #tpu.memory_space<hbm>>
      tpu.enqueue_dma source(%dma_start3A_75 : memref<40x128xi32, #tpu.memory_space<hbm>>) target(%arg8 : memref<40x128xi32, #tpu.memory_space<vmem>>) target_semaphore(%run_scoped3A : memref<!tpu.dma_semaphore, #tpu.memory_space<semaphore_mem>>)
      %dma_wait3A = arith.constant 40 : i32
      %dma_wait3A_76 = arith.constant 0 : i32
      %dma_wait3A_77 = tpu.memref_slice %arg4[%add3A, %dma_wait3A, %dma_wait3A_76] : memref<32x80x128xi32, #tpu.memory_space<hbm>> -> memref<1x40x128xi32, #tpu.memory_space<hbm>>
      %dma_wait3A_78 = tpu.memref_squeeze %dma_wait3A_77 : memref<1x40x128xi32, #tpu.memory_space<hbm>> -> memref<40x128xi32, #tpu.memory_space<hbm>>
      %dma_wait3A_79 = arith.constant 40 : i32
      %dma_wait3A_80 = arith.constant 0 : i32
      %dma_wait3A_81 = tpu.memref_slice %arg4[%add3A, %dma_wait3A_79, %dma_wait3A_80] : memref<32x80x128xi32, #tpu.memory_space<hbm>> -> memref<1x40x128xi32, #tpu.memory_space<hbm>>
      %dma_wait3A_82 = tpu.memref_squeeze %dma_wait3A_81 : memref<1x40x128xi32, #tpu.memory_space<hbm>> -> memref<40x128xi32, #tpu.memory_space<hbm>>
      tpu.wait_dma2 semaphore(%run_scoped3A : memref<!tpu.dma_semaphore, #tpu.memory_space<semaphore_mem>>) src(%dma_wait3A_82 : memref<40x128xi32, #tpu.memory_space<hbm>>) dst(%arg8 : memref<40x128xi32, #tpu.memory_space<vmem>>)
      tpu.yield
    }) : () -> ()
    %dma_start3A_34 = arith.constant 0 : i32
    %dma_start3A_35 = arith.constant 0 : i32
    %dma_start3A_36 = tpu.memref_slice %arg7[%dma_start3A_34, %dma_start3A_35] : memref<40x128xi32, #tpu.memory_space<vmem>> -> memref<1x128xi32, #tpu.memory_space<vmem>>
    %dma_start3A_37 = tpu.memref_squeeze %dma_start3A_36 : memref<1x128xi32, #tpu.memory_space<vmem>> -> memref<128xi32, #tpu.memory_space<vmem>>
    %dma_start3A_38 = arith.constant 0 : i32
    %dma_start3A_39 = arith.constant 0 : i32
    %dma_start3A_40 = tpu.memref_slice %arg2[%dma_start3A_38, %dma_start3A_39] : memref<10112x128xf32, #tpu.memory_space<hbm>> -> memref<10112x128xf32, #tpu.memory_space<hbm>>
    tpu.enqueue_indirect_dma source(%dma_start3A_40 : memref<10112x128xf32, #tpu.memory_space<hbm>>) target(%arg9 : memref<128x128xf32, #tpu.memory_space<vmem>>) offsets(%dma_start3A_37 : memref<128xi32, #tpu.memory_space<vmem>>) semaphore(%arg12 : memref<!tpu.dma_semaphore, #tpu.memory_space<semaphore_mem>>)
    %scan3A_41 = arith.constant 0 : i32
    %scan3A_42 = arith.constant 0 : i32
    %scan3A_43 = arith.constant 20 : i32
    %scan3A_44 = arith.addi %scan3A_42, %scan3A_43 : i32
    %scan3A_45 = arith.constant 1 : i32
    scf.for %scan3A_68 = %scan3A_42 to %scan3A_44 step %scan3A_45  : i32 {
      %mul3A_69 = arith.constant 2 : i32
      %mul3A_70 = arith.muli %mul3A_69, %scan3A_68 : i32
      %add3A_71 = arith.constant 1 : i32
      %add3A_72 = arith.addi %mul3A_70, %add3A_71 : i32
      %mul3A_73 = arith.constant 2 : i32
      %mul3A_74 = arith.muli %mul3A_73, %scan3A_68 : i32
      %add3A_75 = arith.constant 2 : i32
      %add3A_76 = arith.addi %mul3A_74, %add3A_75 : i32
      %dma_start3A_77 = arith.constant 0 : i32
      %dma_start3A_78 = tpu.memref_slice %arg7[%add3A_72, %dma_start3A_77] : memref<40x128xi32, #tpu.memory_space<vmem>> -> memref<1x128xi32, #tpu.memory_space<vmem>>
      %dma_start3A_79 = tpu.memref_squeeze %dma_start3A_78 : memref<1x128xi32, #tpu.memory_space<vmem>> -> memref<128xi32, #tpu.memory_space<vmem>>
      %dma_start3A_80 = arith.constant 0 : i32
      %dma_start3A_81 = arith.constant 0 : i32
      %dma_start3A_82 = tpu.memref_slice %arg2[%dma_start3A_80, %dma_start3A_81] : memref<10112x128xf32, #tpu.memory_space<hbm>> -> memref<10112x128xf32, #tpu.memory_space<hbm>>
      tpu.enqueue_indirect_dma source(%dma_start3A_82 : memref<10112x128xf32, #tpu.memory_space<hbm>>) target(%arg10 : memref<128x128xf32, #tpu.memory_space<vmem>>) offsets(%dma_start3A_79 : memref<128xi32, #tpu.memory_space<vmem>>) semaphore(%arg13 : memref<!tpu.dma_semaphore, #tpu.memory_space<semaphore_mem>>)
      %mul3A_83 = arith.constant 2 : i32
      %mul3A_84 = arith.muli %mul3A_83, %scan3A_68 : i32
      %dma_wait3A = arith.constant 0 : i32
      %dma_wait3A_85 = tpu.memref_slice %arg7[%mul3A_84, %dma_wait3A] : memref<40x128xi32, #tpu.memory_space<vmem>> -> memref<1x128xi32, #tpu.memory_space<vmem>>
      %dma_wait3A_86 = tpu.memref_squeeze %dma_wait3A_85 : memref<1x128xi32, #tpu.memory_space<vmem>> -> memref<128xi32, #tpu.memory_space<vmem>>
      %dma_wait3A_87 = arith.constant 0 : i32
      %dma_wait3A_88 = arith.constant 0 : i32
      %dma_wait3A_89 = tpu.memref_slice %arg2[%dma_wait3A_87, %dma_wait3A_88] : memref<10112x128xf32, #tpu.memory_space<hbm>> -> memref<10112x128xf32, #tpu.memory_space<hbm>>
      tpu.wait_indirect_dma semaphore(%arg12 : memref<!tpu.dma_semaphore, #tpu.memory_space<semaphore_mem>>) src(%dma_wait3A_89 : memref<10112x128xf32, #tpu.memory_space<hbm>>) dst(%arg9 : memref<128x128xf32, #tpu.memory_space<vmem>>)
      %mul3A_90 = arith.constant 2 : i32
      %mul3A_91 = arith.muli %mul3A_90, %scan3A_68 : i32
      %dma_start3A_92 = arith.constant 0 : i32
      %dma_start3A_93 = tpu.memref_slice %arg8[%mul3A_91, %dma_start3A_92] : memref<40x128xi32, #tpu.memory_space<vmem>> -> memref<1x128xi32, #tpu.memory_space<vmem>>
      %dma_start3A_94 = tpu.memref_squeeze %dma_start3A_93 : memref<1x128xi32, #tpu.memory_space<vmem>> -> memref<128xi32, #tpu.memory_space<vmem>>
      %dma_start3A_95 = arith.constant 0 : i32
      %dma_start3A_96 = arith.constant 0 : i32
      %dma_start3A_97 = tpu.memref_slice %arg11[%dma_start3A_95, %dma_start3A_96] : memref<10112x128xf32, #tpu.memory_space<vmem_shared>> -> memref<10112x128xf32, #tpu.memory_space<vmem_shared>>
      tpu.enqueue_indirect_dma source(%arg9 : memref<128x128xf32, #tpu.memory_space<vmem>>) target(%dma_start3A_97 : memref<10112x128xf32, #tpu.memory_space<vmem_shared>>) offsets(%dma_start3A_94 : memref<128xi32, #tpu.memory_space<vmem>>) semaphore(%arg14 : memref<!tpu.dma_semaphore, #tpu.memory_space<semaphore_mem>>) {add = true}
      %dma_wait3A_98 = arith.constant 0 : i32
      %dma_wait3A_99 = tpu.memref_slice %arg7[%add3A_72, %dma_wait3A_98] : memref<40x128xi32, #tpu.memory_space<vmem>> -> memref<1x128xi32, #tpu.memory_space<vmem>>
      %dma_wait3A_100 = tpu.memref_squeeze %dma_wait3A_99 : memref<1x128xi32, #tpu.memory_space<vmem>> -> memref<128xi32, #tpu.memory_space<vmem>>
      %dma_wait3A_101 = arith.constant 0 : i32
      %dma_wait3A_102 = arith.constant 0 : i32
      %dma_wait3A_103 = tpu.memref_slice %arg2[%dma_wait3A_101, %dma_wait3A_102] : memref<10112x128xf32, #tpu.memory_space<hbm>> -> memref<10112x128xf32, #tpu.memory_space<hbm>>
      tpu.wait_indirect_dma semaphore(%arg13 : memref<!tpu.dma_semaphore, #tpu.memory_space<semaphore_mem>>) src(%dma_wait3A_103 : memref<10112x128xf32, #tpu.memory_space<hbm>>) dst(%arg10 : memref<128x128xf32, #tpu.memory_space<vmem>>)
      %dma_start3A_104 = arith.constant 0 : i32
      %dma_start3A_105 = tpu.memref_slice %arg8[%add3A_72, %dma_start3A_104] : memref<40x128xi32, #tpu.memory_space<vmem>> -> memref<1x128xi32, #tpu.memory_space<vmem>>
      %dma_start3A_106 = tpu.memref_squeeze %dma_start3A_105 : memref<1x128xi32, #tpu.memory_space<vmem>> -> memref<128xi32, #tpu.memory_space<vmem>>
      %dma_start3A_107 = arith.constant 0 : i32
      %dma_start3A_108 = arith.constant 0 : i32
      %dma_start3A_109 = tpu.memref_slice %arg11[%dma_start3A_107, %dma_start3A_108] : memref<10112x128xf32, #tpu.memory_space<vmem_shared>> -> memref<10112x128xf32, #tpu.memory_space<vmem_shared>>
      tpu.enqueue_indirect_dma source(%arg10 : memref<128x128xf32, #tpu.memory_space<vmem>>) target(%dma_start3A_109 : memref<10112x128xf32, #tpu.memory_space<vmem_shared>>) offsets(%dma_start3A_106 : memref<128xi32, #tpu.memory_space<vmem>>) semaphore(%arg15 : memref<!tpu.dma_semaphore, #tpu.memory_space<semaphore_mem>>) {add = true}
      %mul3A_110 = arith.constant 2 : i32
      %mul3A_111 = arith.muli %mul3A_110, %scan3A_68 : i32
      %dma_wait3A_112 = arith.constant 0 : i32
      %dma_wait3A_113 = tpu.memref_slice %arg8[%mul3A_111, %dma_wait3A_112] : memref<40x128xi32, #tpu.memory_space<vmem>> -> memref<1x128xi32, #tpu.memory_space<vmem>>
      %dma_wait3A_114 = tpu.memref_squeeze %dma_wait3A_113 : memref<1x128xi32, #tpu.memory_space<vmem>> -> memref<128xi32, #tpu.memory_space<vmem>>
      %dma_wait3A_115 = arith.constant 0 : i32
      %dma_wait3A_116 = arith.constant 0 : i32
      %dma_wait3A_117 = tpu.memref_slice %arg11[%dma_wait3A_115, %dma_wait3A_116] : memref<10112x128xf32, #tpu.memory_space<vmem_shared>> -> memref<10112x128xf32, #tpu.memory_space<vmem_shared>>
      tpu.wait_indirect_dma semaphore(%arg14 : memref<!tpu.dma_semaphore, #tpu.memory_space<semaphore_mem>>) src(%arg9 : memref<128x128xf32, #tpu.memory_space<vmem>>) dst(%dma_wait3A_117 : memref<10112x128xf32, #tpu.memory_space<vmem_shared>>)
      %lt3A = arith.constant 40 : i32
      %lt3A_118 = arith.cmpi slt, %add3A_76, %lt3A : i32
      %convert_element_type3A = arith.extui %lt3A_118 : i1 to i32
      %cond3A = arith.constant 0 : i32
      %cond3A_119 = arith.cmpi ne, %convert_element_type3A, %cond3A : i32
      scf.if %cond3A_119 {
        %dma_start3A_126 = arith.constant 0 : i32
        %dma_start3A_127 = tpu.memref_slice %arg7[%add3A_76, %dma_start3A_126] : memref<40x128xi32, #tpu.memory_space<vmem>> -> memref<1x128xi32, #tpu.memory_space<vmem>>
        %dma_start3A_128 = tpu.memref_squeeze %dma_start3A_127 : memref<1x128xi32, #tpu.memory_space<vmem>> -> memref<128xi32, #tpu.memory_space<vmem>>
        %dma_start3A_129 = arith.constant 0 : i32
        %dma_start3A_130 = arith.constant 0 : i32
        %dma_start3A_131 = tpu.memref_slice %arg2[%dma_start3A_129, %dma_start3A_130] : memref<10112x128xf32, #tpu.memory_space<hbm>> -> memref<10112x128xf32, #tpu.memory_space<hbm>>
        tpu.enqueue_indirect_dma source(%dma_start3A_131 : memref<10112x128xf32, #tpu.memory_space<hbm>>) target(%arg9 : memref<128x128xf32, #tpu.memory_space<vmem>>) offsets(%dma_start3A_128 : memref<128xi32, #tpu.memory_space<vmem>>) semaphore(%arg12 : memref<!tpu.dma_semaphore, #tpu.memory_space<semaphore_mem>>)
      } else {
      }
      %dma_wait3A_120 = arith.constant 0 : i32
      %dma_wait3A_121 = tpu.memref_slice %arg8[%add3A_72, %dma_wait3A_120] : memref<40x128xi32, #tpu.memory_space<vmem>> -> memref<1x128xi32, #tpu.memory_space<vmem>>
      %dma_wait3A_122 = tpu.memref_squeeze %dma_wait3A_121 : memref<1x128xi32, #tpu.memory_space<vmem>> -> memref<128xi32, #tpu.memory_space<vmem>>
      %dma_wait3A_123 = arith.constant 0 : i32
      %dma_wait3A_124 = arith.constant 0 : i32
      %dma_wait3A_125 = tpu.memref_slice %arg11[%dma_wait3A_123, %dma_wait3A_124] : memref<10112x128xf32, #tpu.memory_space<vmem_shared>> -> memref<10112x128xf32, #tpu.memory_space<vmem_shared>>
      tpu.wait_indirect_dma semaphore(%arg15 : memref<!tpu.dma_semaphore, #tpu.memory_space<semaphore_mem>>) src(%arg10 : memref<128x128xf32, #tpu.memory_space<vmem>>) dst(%dma_wait3A_125 : memref<10112x128xf32, #tpu.memory_space<vmem_shared>>)
    }
    %scan3A_46 = arith.constant 20 : i32
    %barrier3A_47 = arith.constant 0 : index
    tpu.barrier barrier_id(%barrier3A_47)
    %add3A_48 = arith.constant 0 : i32
    %add3A_49 = arith.addi %mul3A_2, %add3A_48 : i32
    "tpu.region"() ({
      %run_scoped3A = tpu.sem_alloc : memref<!tpu.dma_semaphore, #tpu.memory_space<semaphore_mem>>
      %dma_start3A_68 = arith.constant 0 : i32
      %dma_start3A_69 = arith.constant 0 : i32
      %dma_start3A_70 = tpu.memref_slice %arg9[%dma_start3A_68, %dma_start3A_69] : memref<128x128xf32, #tpu.memory_space<vmem>> -> memref<128x128xf32, #tpu.memory_space<vmem>>
      %dma_start3A_71 = arith.constant 0 : i32
      %dma_start3A_72 = tpu.memref_slice %arg11[%add3A_49, %dma_start3A_71] : memref<10112x128xf32, #tpu.memory_space<vmem_shared>> -> memref<128x128xf32, #tpu.memory_space<vmem_shared>>
      %dma_start3A_73 = arith.constant 0 : i32
      %dma_start3A_74 = arith.constant 0 : i32
      %dma_start3A_75 = tpu.memref_slice %arg9[%dma_start3A_73, %dma_start3A_74] : memref<128x128xf32, #tpu.memory_space<vmem>> -> memref<128x128xf32, #tpu.memory_space<vmem>>
      %dma_start3A_76 = arith.constant 0 : i32
      %dma_start3A_77 = tpu.memref_slice %arg11[%add3A_49, %dma_start3A_76] : memref<10112x128xf32, #tpu.memory_space<vmem_shared>> -> memref<128x128xf32, #tpu.memory_space<vmem_shared>>
      tpu.enqueue_dma source(%dma_start3A_77 : memref<128x128xf32, #tpu.memory_space<vmem_shared>>) target(%dma_start3A_75 : memref<128x128xf32, #tpu.memory_space<vmem>>) target_semaphore(%run_scoped3A : memref<!tpu.dma_semaphore, #tpu.memory_space<semaphore_mem>>)
      %dma_wait3A = arith.constant 0 : i32
      %dma_wait3A_78 = arith.constant 0 : i32
      %dma_wait3A_79 = tpu.memref_slice %arg9[%dma_wait3A, %dma_wait3A_78] : memref<128x128xf32, #tpu.memory_space<vmem>> -> memref<128x128xf32, #tpu.memory_space<vmem>>
      %dma_wait3A_80 = arith.constant 0 : i32
      %dma_wait3A_81 = tpu.memref_slice %arg11[%add3A_49, %dma_wait3A_80] : memref<10112x128xf32, #tpu.memory_space<vmem_shared>> -> memref<128x128xf32, #tpu.memory_space<vmem_shared>>
      %dma_wait3A_82 = arith.constant 0 : i32
      %dma_wait3A_83 = arith.constant 0 : i32
      %dma_wait3A_84 = tpu.memref_slice %arg9[%dma_wait3A_82, %dma_wait3A_83] : memref<128x128xf32, #tpu.memory_space<vmem>> -> memref<128x128xf32, #tpu.memory_space<vmem>>
      %dma_wait3A_85 = arith.constant 0 : i32
      %dma_wait3A_86 = tpu.memref_slice %arg11[%add3A_49, %dma_wait3A_85] : memref<10112x128xf32, #tpu.memory_space<vmem_shared>> -> memref<128x128xf32, #tpu.memory_space<vmem_shared>>
      tpu.wait_dma2 semaphore(%run_scoped3A : memref<!tpu.dma_semaphore, #tpu.memory_space<semaphore_mem>>) src(%dma_wait3A_86 : memref<128x128xf32, #tpu.memory_space<vmem_shared>>) dst(%dma_wait3A_84 : memref<128x128xf32, #tpu.memory_space<vmem>>)
      tpu.yield
    }) : () -> ()
    %add3A_50 = arith.constant 0 : i32
    %add3A_51 = arith.addi %mul3A_2, %add3A_50 : i32
    "tpu.region"() ({
      %run_scoped3A = tpu.sem_alloc : memref<!tpu.dma_semaphore, #tpu.memory_space<semaphore_mem>>
      %dma_start3A_68 = arith.constant 0 : i32
      %dma_start3A_69 = arith.constant 0 : i32
      %dma_start3A_70 = tpu.memref_slice %arg9[%dma_start3A_68, %dma_start3A_69] : memref<128x128xf32, #tpu.memory_space<vmem>> -> memref<128x128xf32, #tpu.memory_space<vmem>>
      %dma_start3A_71 = arith.constant 0 : i32
      %dma_start3A_72 = tpu.memref_slice %arg6[%arg0, %add3A_51, %dma_start3A_71] : memref<2x10112x128xf32, #tpu.memory_space<hbm>> -> memref<1x128x128xf32, #tpu.memory_space<hbm>>
      %dma_start3A_73 = tpu.memref_squeeze %dma_start3A_72 : memref<1x128x128xf32, #tpu.memory_space<hbm>> -> memref<128x128xf32, #tpu.memory_space<hbm>>
      %dma_start3A_74 = arith.constant 0 : i32
      %dma_start3A_75 = tpu.memref_slice %arg6[%arg0, %add3A_51, %dma_start3A_74] : memref<2x10112x128xf32, #tpu.memory_space<hbm>> -> memref<1x128x128xf32, #tpu.memory_space<hbm>>
      %dma_start3A_76 = tpu.memref_squeeze %dma_start3A_75 : memref<1x128x128xf32, #tpu.memory_space<hbm>> -> memref<128x128xf32, #tpu.memory_space<hbm>>
      %dma_start3A_77 = arith.constant 0 : i32
      %dma_start3A_78 = arith.constant 0 : i32
      %dma_start3A_79 = tpu.memref_slice %arg9[%dma_start3A_77, %dma_start3A_78] : memref<128x128xf32, #tpu.memory_space<vmem>> -> memref<128x128xf32, #tpu.memory_space<vmem>>
      tpu.enqueue_dma source(%dma_start3A_79 : memref<128x128xf32, #tpu.memory_space<vmem>>) target(%dma_start3A_76 : memref<128x128xf32, #tpu.memory_space<hbm>>) target_semaphore(%run_scoped3A : memref<!tpu.dma_semaphore, #tpu.memory_space<semaphore_mem>>)
      %dma_wait3A = arith.constant 0 : i32
      %dma_wait3A_80 = arith.constant 0 : i32
      %dma_wait3A_81 = tpu.memref_slice %arg9[%dma_wait3A, %dma_wait3A_80] : memref<128x128xf32, #tpu.memory_space<vmem>> -> memref<128x128xf32, #tpu.memory_space<vmem>>
      %dma_wait3A_82 = arith.constant 0 : i32
      %dma_wait3A_83 = tpu.memref_slice %arg6[%arg0, %add3A_51, %dma_wait3A_82] : memref<2x10112x128xf32, #tpu.memory_space<hbm>> -> memref<1x128x128xf32, #tpu.memory_space<hbm>>
      %dma_wait3A_84 = tpu.memref_squeeze %dma_wait3A_83 : memref<1x128x128xf32, #tpu.memory_space<hbm>> -> memref<128x128xf32, #tpu.memory_space<hbm>>
      %dma_wait3A_85 = arith.constant 0 : i32
      %dma_wait3A_86 = tpu.memref_slice %arg6[%arg0, %add3A_51, %dma_wait3A_85] : memref<2x10112x128xf32, #tpu.memory_space<hbm>> -> memref<1x128x128xf32, #tpu.memory_space<hbm>>
      %dma_wait3A_87 = tpu.memref_squeeze %dma_wait3A_86 : memref<1x128x128xf32, #tpu.memory_space<hbm>> -> memref<128x128xf32, #tpu.memory_space<hbm>>
      %dma_wait3A_88 = arith.constant 0 : i32
      %dma_wait3A_89 = arith.constant 0 : i32
      %dma_wait3A_90 = tpu.memref_slice %arg9[%dma_wait3A_88, %dma_wait3A_89] : memref<128x128xf32, #tpu.memory_space<vmem>> -> memref<128x128xf32, #tpu.memory_space<vmem>>
      tpu.wait_dma2 semaphore(%run_scoped3A : memref<!tpu.dma_semaphore, #tpu.memory_space<semaphore_mem>>) src(%dma_wait3A_90 : memref<128x128xf32, #tpu.memory_space<vmem>>) dst(%dma_wait3A_87 : memref<128x128xf32, #tpu.memory_space<hbm>>)
      tpu.yield
    }) : () -> ()
    %add3A_52 = arith.constant 128 : i32
    %add3A_53 = arith.addi %mul3A_2, %add3A_52 : i32
    "tpu.region"() ({
      %run_scoped3A = tpu.sem_alloc : memref<!tpu.dma_semaphore, #tpu.memory_space<semaphore_mem>>
      %dma_start3A_68 = arith.constant 0 : i32
      %dma_start3A_69 = arith.constant 0 : i32
      %dma_start3A_70 = tpu.memref_slice %arg9[%dma_start3A_68, %dma_start3A_69] : memref<128x128xf32, #tpu.memory_space<vmem>> -> memref<128x128xf32, #tpu.memory_space<vmem>>
      %dma_start3A_71 = arith.constant 0 : i32
      %dma_start3A_72 = tpu.memref_slice %arg11[%add3A_53, %dma_start3A_71] : memref<10112x128xf32, #tpu.memory_space<vmem_shared>> -> memref<128x128xf32, #tpu.memory_space<vmem_shared>>
      %dma_start3A_73 = arith.constant 0 : i32
      %dma_start3A_74 = arith.constant 0 : i32
      %dma_start3A_75 = tpu.memref_slice %arg9[%dma_start3A_73, %dma_start3A_74] : memref<128x128xf32, #tpu.memory_space<vmem>> -> memref<128x128xf32, #tpu.memory_space<vmem>>
      %dma_start3A_76 = arith.constant 0 : i32
      %dma_start3A_77 = tpu.memref_slice %arg11[%add3A_53, %dma_start3A_76] : memref<10112x128xf32, #tpu.memory_space<vmem_shared>> -> memref<128x128xf32, #tpu.memory_space<vmem_shared>>
      tpu.enqueue_dma source(%dma_start3A_77 : memref<128x128xf32, #tpu.memory_space<vmem_shared>>) target(%dma_start3A_75 : memref<128x128xf32, #tpu.memory_space<vmem>>) target_semaphore(%run_scoped3A : memref<!tpu.dma_semaphore, #tpu.memory_space<semaphore_mem>>)
      %dma_wait3A = arith.constant 0 : i32
      %dma_wait3A_78 = arith.constant 0 : i32
      %dma_wait3A_79 = tpu.memref_slice %arg9[%dma_wait3A, %dma_wait3A_78] : memref<128x128xf32, #tpu.memory_space<vmem>> -> memref<128x128xf32, #tpu.memory_space<vmem>>
      %dma_wait3A_80 = arith.constant 0 : i32
      %dma_wait3A_81 = tpu.memref_slice %arg11[%add3A_53, %dma_wait3A_80] : memref<10112x128xf32, #tpu.memory_space<vmem_shared>> -> memref<128x128xf32, #tpu.memory_space<vmem_shared>>
      %dma_wait3A_82 = arith.constant 0 : i32
      %dma_wait3A_83 = arith.constant 0 : i32
      %dma_wait3A_84 = tpu.memref_slice %arg9[%dma_wait3A_82, %dma_wait3A_83] : memref<128x128xf32, #tpu.memory_space<vmem>> -> memref<128x128xf32, #tpu.memory_space<vmem>>
      %dma_wait3A_85 = arith.constant 0 : i32
      %dma_wait3A_86 = tpu.memref_slice %arg11[%add3A_53, %dma_wait3A_85] : memref<10112x128xf32, #tpu.memory_space<vmem_shared>> -> memref<128x128xf32, #tpu.memory_space<vmem_shared>>
      tpu.wait_dma2 semaphore(%run_scoped3A : memref<!tpu.dma_semaphore, #tpu.memory_space<semaphore_mem>>) src(%dma_wait3A_86 : memref<128x128xf32, #tpu.memory_space<vmem_shared>>) dst(%dma_wait3A_84 : memref<128x128xf32, #tpu.memory_space<vmem>>)
      tpu.yield
    }) : () -> ()
    %add3A_54 = arith.constant 128 : i32
    %add3A_55 = arith.addi %mul3A_2, %add3A_54 : i32
    "tpu.region"() ({
      %run_scoped3A = tpu.sem_alloc : memref<!tpu.dma_semaphore, #tpu.memory_space<semaphore_mem>>
      %dma_start3A_68 = arith.constant 0 : i32
      %dma_start3A_69 = arith.constant 0 : i32
      %dma_start3A_70 = tpu.memref_slice %arg9[%dma_start3A_68, %dma_start3A_69] : memref<128x128xf32, #tpu.memory_space<vmem>> -> memref<128x128xf32, #tpu.memory_space<vmem>>
      %dma_start3A_71 = arith.constant 0 : i32
      %dma_start3A_72 = tpu.memref_slice %arg6[%arg0, %add3A_55, %dma_start3A_71] : memref<2x10112x128xf32, #tpu.memory_space<hbm>> -> memref<1x128x128xf32, #tpu.memory_space<hbm>>
      %dma_start3A_73 = tpu.memref_squeeze %dma_start3A_72 : memref<1x128x128xf32, #tpu.memory_space<hbm>> -> memref<128x128xf32, #tpu.memory_space<hbm>>
      %dma_start3A_74 = arith.constant 0 : i32
      %dma_start3A_75 = tpu.memref_slice %arg6[%arg0, %add3A_55, %dma_start3A_74] : memref<2x10112x128xf32, #tpu.memory_space<hbm>> -> memref<1x128x128xf32, #tpu.memory_space<hbm>>
      %dma_start3A_76 = tpu.memref_squeeze %dma_start3A_75 : memref<1x128x128xf32, #tpu.memory_space<hbm>> -> memref<128x128xf32, #tpu.memory_space<hbm>>
      %dma_start3A_77 = arith.constant 0 : i32
      %dma_start3A_78 = arith.constant 0 : i32
      %dma_start3A_79 = tpu.memref_slice %arg9[%dma_start3A_77, %dma_start3A_78] : memref<128x128xf32, #tpu.memory_space<vmem>> -> memref<128x128xf32, #tpu.memory_space<vmem>>
      tpu.enqueue_dma source(%dma_start3A_79 : memref<128x128xf32, #tpu.memory_space<vmem>>) target(%dma_start3A_76 : memref<128x128xf32, #tpu.memory_space<hbm>>) target_semaphore(%run_scoped3A : memref<!tpu.dma_semaphore, #tpu.memory_space<semaphore_mem>>)
      %dma_wait3A = arith.constant 0 : i32
      %dma_wait3A_80 = arith.constant 0 : i32
      %dma_wait3A_81 = tpu.memref_slice %arg9[%dma_wait3A, %dma_wait3A_80] : memref<128x128xf32, #tpu.memory_space<vmem>> -> memref<128x128xf32, #tpu.memory_space<vmem>>
      %dma_wait3A_82 = arith.constant 0 : i32
      %dma_wait3A_83 = tpu.memref_slice %arg6[%arg0, %add3A_55, %dma_wait3A_82] : memref<2x10112x128xf32, #tpu.memory_space<hbm>> -> memref<1x128x128xf32, #tpu.memory_space<hbm>>
      %dma_wait3A_84 = tpu.memref_squeeze %dma_wait3A_83 : memref<1x128x128xf32, #tpu.memory_space<hbm>> -> memref<128x128xf32, #tpu.memory_space<hbm>>
      %dma_wait3A_85 = arith.constant 0 : i32
      %dma_wait3A_86 = tpu.memref_slice %arg6[%arg0, %add3A_55, %dma_wait3A_85] : memref<2x10112x128xf32, #tpu.memory_space<hbm>> -> memref<1x128x128xf32, #tpu.memory_space<hbm>>
      %dma_wait3A_87 = tpu.memref_squeeze %dma_wait3A_86 : memref<1x128x128xf32, #tpu.memory_space<hbm>> -> memref<128x128xf32, #tpu.memory_space<hbm>>
      %dma_wait3A_88 = arith.constant 0 : i32
      %dma_wait3A_89 = arith.constant 0 : i32
      %dma_wait3A_90 = tpu.memref_slice %arg9[%dma_wait3A_88, %dma_wait3A_89] : memref<128x128xf32, #tpu.memory_space<vmem>> -> memref<128x128xf32, #tpu.memory_space<vmem>>
      tpu.wait_dma2 semaphore(%run_scoped3A : memref<!tpu.dma_semaphore, #tpu.memory_space<semaphore_mem>>) src(%dma_wait3A_90 : memref<128x128xf32, #tpu.memory_space<vmem>>) dst(%dma_wait3A_87 : memref<128x128xf32, #tpu.memory_space<hbm>>)
      tpu.yield
    }) : () -> ()
    %add3A_56 = arith.constant 256 : i32
    %add3A_57 = arith.addi %mul3A_2, %add3A_56 : i32
    "tpu.region"() ({
      %run_scoped3A = tpu.sem_alloc : memref<!tpu.dma_semaphore, #tpu.memory_space<semaphore_mem>>
      %dma_start3A_68 = arith.constant 0 : i32
      %dma_start3A_69 = arith.constant 0 : i32
      %dma_start3A_70 = tpu.memref_slice %arg9[%dma_start3A_68, %dma_start3A_69] : memref<128x128xf32, #tpu.memory_space<vmem>> -> memref<128x128xf32, #tpu.memory_space<vmem>>
      %dma_start3A_71 = arith.constant 0 : i32
      %dma_start3A_72 = tpu.memref_slice %arg11[%add3A_57, %dma_start3A_71] : memref<10112x128xf32, #tpu.memory_space<vmem_shared>> -> memref<128x128xf32, #tpu.memory_space<vmem_shared>>
      %dma_start3A_73 = arith.constant 0 : i32
      %dma_start3A_74 = arith.constant 0 : i32
      %dma_start3A_75 = tpu.memref_slice %arg9[%dma_start3A_73, %dma_start3A_74] : memref<128x128xf32, #tpu.memory_space<vmem>> -> memref<128x128xf32, #tpu.memory_space<vmem>>
      %dma_start3A_76 = arith.constant 0 : i32
      %dma_start3A_77 = tpu.memref_slice %arg11[%add3A_57, %dma_start3A_76] : memref<10112x128xf32, #tpu.memory_space<vmem_shared>> -> memref<128x128xf32, #tpu.memory_space<vmem_shared>>
      tpu.enqueue_dma source(%dma_start3A_77 : memref<128x128xf32, #tpu.memory_space<vmem_shared>>) target(%dma_start3A_75 : memref<128x128xf32, #tpu.memory_space<vmem>>) target_semaphore(%run_scoped3A : memref<!tpu.dma_semaphore, #tpu.memory_space<semaphore_mem>>)
      %dma_wait3A = arith.constant 0 : i32
      %dma_wait3A_78 = arith.constant 0 : i32
      %dma_wait3A_79 = tpu.memref_slice %arg9[%dma_wait3A, %dma_wait3A_78] : memref<128x128xf32, #tpu.memory_space<vmem>> -> memref<128x128xf32, #tpu.memory_space<vmem>>
      %dma_wait3A_80 = arith.constant 0 : i32
      %dma_wait3A_81 = tpu.memref_slice %arg11[%add3A_57, %dma_wait3A_80] : memref<10112x128xf32, #tpu.memory_space<vmem_shared>> -> memref<128x128xf32, #tpu.memory_space<vmem_shared>>
      %dma_wait3A_82 = arith.constant 0 : i32
      %dma_wait3A_83 = arith.constant 0 : i32
      %dma_wait3A_84 = tpu.memref_slice %arg9[%dma_wait3A_82, %dma_wait3A_83] : memref<128x128xf32, #tpu.memory_space<vmem>> -> memref<128x128xf32, #tpu.memory_space<vmem>>
      %dma_wait3A_85 = arith.constant 0 : i32
      %dma_wait3A_86 = tpu.memref_slice %arg11[%add3A_57, %dma_wait3A_85] : memref<10112x128xf32, #tpu.memory_space<vmem_shared>> -> memref<128x128xf32, #tpu.memory_space<vmem_shared>>
      tpu.wait_dma2 semaphore(%run_scoped3A : memref<!tpu.dma_semaphore, #tpu.memory_space<semaphore_mem>>) src(%dma_wait3A_86 : memref<128x128xf32, #tpu.memory_space<vmem_shared>>) dst(%dma_wait3A_84 : memref<128x128xf32, #tpu.memory_space<vmem>>)
      tpu.yield
    }) : () -> ()
    %add3A_58 = arith.constant 256 : i32
    %add3A_59 = arith.addi %mul3A_2, %add3A_58 : i32
    "tpu.region"() ({
      %run_scoped3A = tpu.sem_alloc : memref<!tpu.dma_semaphore, #tpu.memory_space<semaphore_mem>>
      %dma_start3A_68 = arith.constant 0 : i32
      %dma_start3A_69 = arith.constant 0 : i32
      %dma_start3A_70 = tpu.memref_slice %arg9[%dma_start3A_68, %dma_start3A_69] : memref<128x128xf32, #tpu.memory_space<vmem>> -> memref<128x128xf32, #tpu.memory_space<vmem>>
      %dma_start3A_71 = arith.constant 0 : i32
      %dma_start3A_72 = tpu.memref_slice %arg6[%arg0, %add3A_59, %dma_start3A_71] : memref<2x10112x128xf32, #tpu.memory_space<hbm>> -> memref<1x128x128xf32, #tpu.memory_space<hbm>>
      %dma_start3A_73 = tpu.memref_squeeze %dma_start3A_72 : memref<1x128x128xf32, #tpu.memory_space<hbm>> -> memref<128x128xf32, #tpu.memory_space<hbm>>
      %dma_start3A_74 = arith.constant 0 : i32
      %dma_start3A_75 = tpu.memref_slice %arg6[%arg0, %add3A_59, %dma_start3A_74] : memref<2x10112x128xf32, #tpu.memory_space<hbm>> -> memref<1x128x128xf32, #tpu.memory_space<hbm>>
      %dma_start3A_76 = tpu.memref_squeeze %dma_start3A_75 : memref<1x128x128xf32, #tpu.memory_space<hbm>> -> memref<128x128xf32, #tpu.memory_space<hbm>>
      %dma_start3A_77 = arith.constant 0 : i32
      %dma_start3A_78 = arith.constant 0 : i32
      %dma_start3A_79 = tpu.memref_slice %arg9[%dma_start3A_77, %dma_start3A_78] : memref<128x128xf32, #tpu.memory_space<vmem>> -> memref<128x128xf32, #tpu.memory_space<vmem>>
      tpu.enqueue_dma source(%dma_start3A_79 : memref<128x128xf32, #tpu.memory_space<vmem>>) target(%dma_start3A_76 : memref<128x128xf32, #tpu.memory_space<hbm>>) target_semaphore(%run_scoped3A : memref<!tpu.dma_semaphore, #tpu.memory_space<semaphore_mem>>)
      %dma_wait3A = arith.constant 0 : i32
      %dma_wait3A_80 = arith.constant 0 : i32
      %dma_wait3A_81 = tpu.memref_slice %arg9[%dma_wait3A, %dma_wait3A_80] : memref<128x128xf32, #tpu.memory_space<vmem>> -> memref<128x128xf32, #tpu.memory_space<vmem>>
      %dma_wait3A_82 = arith.constant 0 : i32
      %dma_wait3A_83 = tpu.memref_slice %arg6[%arg0, %add3A_59, %dma_wait3A_82] : memref<2x10112x128xf32, #tpu.memory_space<hbm>> -> memref<1x128x128xf32, #tpu.memory_space<hbm>>
      %dma_wait3A_84 = tpu.memref_squeeze %dma_wait3A_83 : memref<1x128x128xf32, #tpu.memory_space<hbm>> -> memref<128x128xf32, #tpu.memory_space<hbm>>
      %dma_wait3A_85 = arith.constant 0 : i32
      %dma_wait3A_86 = tpu.memref_slice %arg6[%arg0, %add3A_59, %dma_wait3A_85] : memref<2x10112x128xf32, #tpu.memory_space<hbm>> -> memref<1x128x128xf32, #tpu.memory_space<hbm>>
      %dma_wait3A_87 = tpu.memref_squeeze %dma_wait3A_86 : memref<1x128x128xf32, #tpu.memory_space<hbm>> -> memref<128x128xf32, #tpu.memory_space<hbm>>
      %dma_wait3A_88 = arith.constant 0 : i32
      %dma_wait3A_89 = arith.constant 0 : i32
      %dma_wait3A_90 = tpu.memref_slice %arg9[%dma_wait3A_88, %dma_wait3A_89] : memref<128x128xf32, #tpu.memory_space<vmem>> -> memref<128x128xf32, #tpu.memory_space<vmem>>
      tpu.wait_dma2 semaphore(%run_scoped3A : memref<!tpu.dma_semaphore, #tpu.memory_space<semaphore_mem>>) src(%dma_wait3A_90 : memref<128x128xf32, #tpu.memory_space<vmem>>) dst(%dma_wait3A_87 : memref<128x128xf32, #tpu.memory_space<hbm>>)
      tpu.yield
    }) : () -> ()
    %add3A_60 = arith.constant 384 : i32
    %add3A_61 = arith.addi %mul3A_2, %add3A_60 : i32
    "tpu.region"() ({
      %run_scoped3A = tpu.sem_alloc : memref<!tpu.dma_semaphore, #tpu.memory_space<semaphore_mem>>
      %dma_start3A_68 = arith.constant 0 : i32
      %dma_start3A_69 = arith.constant 0 : i32
      %dma_start3A_70 = tpu.memref_slice %arg9[%dma_start3A_68, %dma_start3A_69] : memref<128x128xf32, #tpu.memory_space<vmem>> -> memref<128x128xf32, #tpu.memory_space<vmem>>
      %dma_start3A_71 = arith.constant 0 : i32
      %dma_start3A_72 = tpu.memref_slice %arg11[%add3A_61, %dma_start3A_71] : memref<10112x128xf32, #tpu.memory_space<vmem_shared>> -> memref<128x128xf32, #tpu.memory_space<vmem_shared>>
      %dma_start3A_73 = arith.constant 0 : i32
      %dma_start3A_74 = arith.constant 0 : i32
      %dma_start3A_75 = tpu.memref_slice %arg9[%dma_start3A_73, %dma_start3A_74] : memref<128x128xf32, #tpu.memory_space<vmem>> -> memref<128x128xf32, #tpu.memory_space<vmem>>
      %dma_start3A_76 = arith.constant 0 : i32
      %dma_start3A_77 = tpu.memref_slice %arg11[%add3A_61, %dma_start3A_76] : memref<10112x128xf32, #tpu.memory_space<vmem_shared>> -> memref<128x128xf32, #tpu.memory_space<vmem_shared>>
      tpu.enqueue_dma source(%dma_start3A_77 : memref<128x128xf32, #tpu.memory_space<vmem_shared>>) target(%dma_start3A_75 : memref<128x128xf32, #tpu.memory_space<vmem>>) target_semaphore(%run_scoped3A : memref<!tpu.dma_semaphore, #tpu.memory_space<semaphore_mem>>)
      %dma_wait3A = arith.constant 0 : i32
      %dma_wait3A_78 = arith.constant 0 : i32
      %dma_wait3A_79 = tpu.memref_slice %arg9[%dma_wait3A, %dma_wait3A_78] : memref<128x128xf32, #tpu.memory_space<vmem>> -> memref<128x128xf32, #tpu.memory_space<vmem>>
      %dma_wait3A_80 = arith.constant 0 : i32
      %dma_wait3A_81 = tpu.memref_slice %arg11[%add3A_61, %dma_wait3A_80] : memref<10112x128xf32, #tpu.memory_space<vmem_shared>> -> memref<128x128xf32, #tpu.memory_space<vmem_shared>>
      %dma_wait3A_82 = arith.constant 0 : i32
      %dma_wait3A_83 = arith.constant 0 : i32
      %dma_wait3A_84 = tpu.memref_slice %arg9[%dma_wait3A_82, %dma_wait3A_83] : memref<128x128xf32, #tpu.memory_space<vmem>> -> memref<128x128xf32, #tpu.memory_space<vmem>>
      %dma_wait3A_85 = arith.constant 0 : i32
      %dma_wait3A_86 = tpu.memref_slice %arg11[%add3A_61, %dma_wait3A_85] : memref<10112x128xf32, #tpu.memory_space<vmem_shared>> -> memref<128x128xf32, #tpu.memory_space<vmem_shared>>
      tpu.wait_dma2 semaphore(%run_scoped3A : memref<!tpu.dma_semaphore, #tpu.memory_space<semaphore_mem>>) src(%dma_wait3A_86 : memref<128x128xf32, #tpu.memory_space<vmem_shared>>) dst(%dma_wait3A_84 : memref<128x128xf32, #tpu.memory_space<vmem>>)
      tpu.yield
    }) : () -> ()
    %add3A_62 = arith.constant 384 : i32
    %add3A_63 = arith.addi %mul3A_2, %add3A_62 : i32
    "tpu.region"() ({
      %run_scoped3A = tpu.sem_alloc : memref<!tpu.dma_semaphore, #tpu.memory_space<semaphore_mem>>
      %dma_start3A_68 = arith.constant 0 : i32
      %dma_start3A_69 = arith.constant 0 : i32
      %dma_start3A_70 = tpu.memref_slice %arg9[%dma_start3A_68, %dma_start3A_69] : memref<128x128xf32, #tpu.memory_space<vmem>> -> memref<128x128xf32, #tpu.memory_space<vmem>>
      %dma_start3A_71 = arith.constant 0 : i32
      %dma_start3A_72 = tpu.memref_slice %arg6[%arg0, %add3A_63, %dma_start3A_71] : memref<2x10112x128xf32, #tpu.memory_space<hbm>> -> memref<1x128x128xf32, #tpu.memory_space<hbm>>
      %dma_start3A_73 = tpu.memref_squeeze %dma_start3A_72 : memref<1x128x128xf32, #tpu.memory_space<hbm>> -> memref<128x128xf32, #tpu.memory_space<hbm>>
      %dma_start3A_74 = arith.constant 0 : i32
      %dma_start3A_75 = tpu.memref_slice %arg6[%arg0, %add3A_63, %dma_start3A_74] : memref<2x10112x128xf32, #tpu.memory_space<hbm>> -> memref<1x128x128xf32, #tpu.memory_space<hbm>>
      %dma_start3A_76 = tpu.memref_squeeze %dma_start3A_75 : memref<1x128x128xf32, #tpu.memory_space<hbm>> -> memref<128x128xf32, #tpu.memory_space<hbm>>
      %dma_start3A_77 = arith.constant 0 : i32
      %dma_start3A_78 = arith.constant 0 : i32
      %dma_start3A_79 = tpu.memref_slice %arg9[%dma_start3A_77, %dma_start3A_78] : memref<128x128xf32, #tpu.memory_space<vmem>> -> memref<128x128xf32, #tpu.memory_space<vmem>>
      tpu.enqueue_dma source(%dma_start3A_79 : memref<128x128xf32, #tpu.memory_space<vmem>>) target(%dma_start3A_76 : memref<128x128xf32, #tpu.memory_space<hbm>>) target_semaphore(%run_scoped3A : memref<!tpu.dma_semaphore, #tpu.memory_space<semaphore_mem>>)
      %dma_wait3A = arith.constant 0 : i32
      %dma_wait3A_80 = arith.constant 0 : i32
      %dma_wait3A_81 = tpu.memref_slice %arg9[%dma_wait3A, %dma_wait3A_80] : memref<128x128xf32, #tpu.memory_space<vmem>> -> memref<128x128xf32, #tpu.memory_space<vmem>>
      %dma_wait3A_82 = arith.constant 0 : i32
      %dma_wait3A_83 = tpu.memref_slice %arg6[%arg0, %add3A_63, %dma_wait3A_82] : memref<2x10112x128xf32, #tpu.memory_space<hbm>> -> memref<1x128x128xf32, #tpu.memory_space<hbm>>
      %dma_wait3A_84 = tpu.memref_squeeze %dma_wait3A_83 : memref<1x128x128xf32, #tpu.memory_space<hbm>> -> memref<128x128xf32, #tpu.memory_space<hbm>>
      %dma_wait3A_85 = arith.constant 0 : i32
      %dma_wait3A_86 = tpu.memref_slice %arg6[%arg0, %add3A_63, %dma_wait3A_85] : memref<2x10112x128xf32, #tpu.memory_space<hbm>> -> memref<1x128x128xf32, #tpu.memory_space<hbm>>
      %dma_wait3A_87 = tpu.memref_squeeze %dma_wait3A_86 : memref<1x128x128xf32, #tpu.memory_space<hbm>> -> memref<128x128xf32, #tpu.memory_space<hbm>>
      %dma_wait3A_88 = arith.constant 0 : i32
      %dma_wait3A_89 = arith.constant 0 : i32
      %dma_wait3A_90 = tpu.memref_slice %arg9[%dma_wait3A_88, %dma_wait3A_89] : memref<128x128xf32, #tpu.memory_space<vmem>> -> memref<128x128xf32, #tpu.memory_space<vmem>>
      tpu.wait_dma2 semaphore(%run_scoped3A : memref<!tpu.dma_semaphore, #tpu.memory_space<semaphore_mem>>) src(%dma_wait3A_90 : memref<128x128xf32, #tpu.memory_space<vmem>>) dst(%dma_wait3A_87 : memref<128x128xf32, #tpu.memory_space<hbm>>)
      tpu.yield
    }) : () -> ()
    %add3A_64 = arith.constant 512 : i32
    %add3A_65 = arith.addi %mul3A_2, %add3A_64 : i32
    "tpu.region"() ({
      %run_scoped3A = tpu.sem_alloc : memref<!tpu.dma_semaphore, #tpu.memory_space<semaphore_mem>>
      %dma_start3A_68 = arith.constant 0 : i32
      %dma_start3A_69 = arith.constant 0 : i32
      %dma_start3A_70 = tpu.memref_slice %arg9[%dma_start3A_68, %dma_start3A_69] : memref<128x128xf32, #tpu.memory_space<vmem>> -> memref<120x128xf32, #tpu.memory_space<vmem>>
      %dma_start3A_71 = arith.constant 0 : i32
      %dma_start3A_72 = tpu.memref_slice %arg11[%add3A_65, %dma_start3A_71] : memref<10112x128xf32, #tpu.memory_space<vmem_shared>> -> memref<120x128xf32, #tpu.memory_space<vmem_shared>>
      %dma_start3A_73 = arith.constant 0 : i32
      %dma_start3A_74 = arith.constant 0 : i32
      %dma_start3A_75 = tpu.memref_slice %arg9[%dma_start3A_73, %dma_start3A_74] : memref<128x128xf32, #tpu.memory_space<vmem>> -> memref<120x128xf32, #tpu.memory_space<vmem>>
      %dma_start3A_76 = arith.constant 0 : i32
      %dma_start3A_77 = tpu.memref_slice %arg11[%add3A_65, %dma_start3A_76] : memref<10112x128xf32, #tpu.memory_space<vmem_shared>> -> memref<120x128xf32, #tpu.memory_space<vmem_shared>>
      tpu.enqueue_dma source(%dma_start3A_77 : memref<120x128xf32, #tpu.memory_space<vmem_shared>>) target(%dma_start3A_75 : memref<120x128xf32, #tpu.memory_space<vmem>>) target_semaphore(%run_scoped3A : memref<!tpu.dma_semaphore, #tpu.memory_space<semaphore_mem>>)
      %dma_wait3A = arith.constant 0 : i32
      %dma_wait3A_78 = arith.constant 0 : i32
      %dma_wait3A_79 = tpu.memref_slice %arg9[%dma_wait3A, %dma_wait3A_78] : memref<128x128xf32, #tpu.memory_space<vmem>> -> memref<120x128xf32, #tpu.memory_space<vmem>>
      %dma_wait3A_80 = arith.constant 0 : i32
      %dma_wait3A_81 = tpu.memref_slice %arg11[%add3A_65, %dma_wait3A_80] : memref<10112x128xf32, #tpu.memory_space<vmem_shared>> -> memref<120x128xf32, #tpu.memory_space<vmem_shared>>
      %dma_wait3A_82 = arith.constant 0 : i32
      %dma_wait3A_83 = arith.constant 0 : i32
      %dma_wait3A_84 = tpu.memref_slice %arg9[%dma_wait3A_82, %dma_wait3A_83] : memref<128x128xf32, #tpu.memory_space<vmem>> -> memref<120x128xf32, #tpu.memory_space<vmem>>
      %dma_wait3A_85 = arith.constant 0 : i32
      %dma_wait3A_86 = tpu.memref_slice %arg11[%add3A_65, %dma_wait3A_85] : memref<10112x128xf32, #tpu.memory_space<vmem_shared>> -> memref<120x128xf32, #tpu.memory_space<vmem_shared>>
      tpu.wait_dma2 semaphore(%run_scoped3A : memref<!tpu.dma_semaphore, #tpu.memory_space<semaphore_mem>>) src(%dma_wait3A_86 : memref<120x128xf32, #tpu.memory_space<vmem_shared>>) dst(%dma_wait3A_84 : memref<120x128xf32, #tpu.memory_space<vmem>>)
      tpu.yield
    }) : () -> ()
    %add3A_66 = arith.constant 512 : i32
    %add3A_67 = arith.addi %mul3A_2, %add3A_66 : i32
    "tpu.region"() ({
      %run_scoped3A = tpu.sem_alloc : memref<!tpu.dma_semaphore, #tpu.memory_space<semaphore_mem>>
      %dma_start3A_68 = arith.constant 0 : i32
      %dma_start3A_69 = arith.constant 0 : i32
      %dma_start3A_70 = tpu.memref_slice %arg9[%dma_start3A_68, %dma_start3A_69] : memref<128x128xf32, #tpu.memory_space<vmem>> -> memref<120x128xf32, #tpu.memory_space<vmem>>
      %dma_start3A_71 = arith.constant 0 : i32
      %dma_start3A_72 = tpu.memref_slice %arg6[%arg0, %add3A_67, %dma_start3A_71] : memref<2x10112x128xf32, #tpu.memory_space<hbm>> -> memref<1x120x128xf32, #tpu.memory_space<hbm>>
      %dma_start3A_73 = tpu.memref_squeeze %dma_start3A_72 : memref<1x120x128xf32, #tpu.memory_space<hbm>> -> memref<120x128xf32, #tpu.memory_space<hbm>>
      %dma_start3A_74 = arith.constant 0 : i32
      %dma_start3A_75 = tpu.memref_slice %arg6[%arg0, %add3A_67, %dma_start3A_74] : memref<2x10112x128xf32, #tpu.memory_space<hbm>> -> memref<1x120x128xf32, #tpu.memory_space<hbm>>
      %dma_start3A_76 = tpu.memref_squeeze %dma_start3A_75 : memref<1x120x128xf32, #tpu.memory_space<hbm>> -> memref<120x128xf32, #tpu.memory_space<hbm>>
      %dma_start3A_77 = arith.constant 0 : i32
      %dma_start3A_78 = arith.constant 0 : i32
      %dma_start3A_79 = tpu.memref_slice %arg9[%dma_start3A_77, %dma_start3A_78] : memref<128x128xf32, #tpu.memory_space<vmem>> -> memref<120x128xf32, #tpu.memory_space<vmem>>
      tpu.enqueue_dma source(%dma_start3A_79 : memref<120x128xf32, #tpu.memory_space<vmem>>) target(%dma_start3A_76 : memref<120x128xf32, #tpu.memory_space<hbm>>) target_semaphore(%run_scoped3A : memref<!tpu.dma_semaphore, #tpu.memory_space<semaphore_mem>>)
      %dma_wait3A = arith.constant 0 : i32
      %dma_wait3A_80 = arith.constant 0 : i32
      %dma_wait3A_81 = tpu.memref_slice %arg9[%dma_wait3A, %dma_wait3A_80] : memref<128x128xf32, #tpu.memory_space<vmem>> -> memref<120x128xf32, #tpu.memory_space<vmem>>
      %dma_wait3A_82 = arith.constant 0 : i32
      %dma_wait3A_83 = tpu.memref_slice %arg6[%arg0, %add3A_67, %dma_wait3A_82] : memref<2x10112x128xf32, #tpu.memory_space<hbm>> -> memref<1x120x128xf32, #tpu.memory_space<hbm>>
      %dma_wait3A_84 = tpu.memref_squeeze %dma_wait3A_83 : memref<1x120x128xf32, #tpu.memory_space<hbm>> -> memref<120x128xf32, #tpu.memory_space<hbm>>
      %dma_wait3A_85 = arith.constant 0 : i32
      %dma_wait3A_86 = tpu.memref_slice %arg6[%arg0, %add3A_67, %dma_wait3A_85] : memref<2x10112x128xf32, #tpu.memory_space<hbm>> -> memref<1x120x128xf32, #tpu.memory_space<hbm>>
      %dma_wait3A_87 = tpu.memref_squeeze %dma_wait3A_86 : memref<1x120x128xf32, #tpu.memory_space<hbm>> -> memref<120x128xf32, #tpu.memory_space<hbm>>
      %dma_wait3A_88 = arith.constant 0 : i32
      %dma_wait3A_89 = arith.constant 0 : i32
      %dma_wait3A_90 = tpu.memref_slice %arg9[%dma_wait3A_88, %dma_wait3A_89] : memref<128x128xf32, #tpu.memory_space<vmem>> -> memref<120x128xf32, #tpu.memory_space<vmem>>
      tpu.wait_dma2 semaphore(%run_scoped3A : memref<!tpu.dma_semaphore, #tpu.memory_space<semaphore_mem>>) src(%dma_wait3A_90 : memref<120x128xf32, #tpu.memory_space<vmem>>) dst(%dma_wait3A_87 : memref<120x128xf32, #tpu.memory_space<hbm>>)
      tpu.yield
    }) : () -> ()
    return
  }
}

#map = affine_map<(d0, d1) -> (0, 0)>
#map1 = affine_map<(d0, d1) -> (0, 0, 0)>
module attributes {stable_mosaic.version = 14 : i64} {
  func.func @s2(%arg0: i32, %arg1: i32, %arg2: memref<10112x128xf32, #tpu.memory_space<hbm>>, %arg3: memref<32x80x128xi32, #tpu.memory_space<hbm>>, %arg4: memref<32x80x128xi32, #tpu.memory_space<hbm>>, %arg5: memref<10112x128xf32, #tpu.memory_space<hbm>>, %arg6: memref<2x10112x128xf32, #tpu.memory_space<hbm>>, %arg7: memref<40x128xi32, #tpu.memory_space<vmem>>, %arg8: memref<40x128xi32, #tpu.memory_space<vmem>>, %arg9: memref<128x128xf32, #tpu.memory_space<vmem>>, %arg10: memref<128x128xf32, #tpu.memory_space<vmem>>, %arg11: memref<10112x128xf32, #tpu.memory_space<vmem_shared>>, %arg12: memref<!tpu.dma_semaphore, #tpu.memory_space<semaphore_mem>>, %arg13: memref<!tpu.dma_semaphore, #tpu.memory_space<semaphore_mem>>, %arg14: memref<!tpu.dma_semaphore, #tpu.memory_space<semaphore_mem>>, %arg15: memref<!tpu.dma_semaphore, #tpu.memory_space<semaphore_mem>>) attributes {dimension_semantics = [#tpu.dimension_semantics<core_parallel>, #tpu.dimension_semantics<subcore_parallel>], iteration_bounds = array<i64: 2, 16>, scalar_prefetch = 0 : i64, scratch_operands = 9 : i64, tpu.core_type = #tpu.core_type<sc_vector_subcore>, window_params = [{transform_indices = #map}, {transform_indices = #map1}, {transform_indices = #map1}, {transform_indices = #map}, {transform_indices = #map1}]} {
    %mul3A = arith.constant 16 : i32
    %mul3A_0 = arith.muli %arg0, %mul3A : i32
    %add3A = arith.addi %mul3A_0, %arg1 : i32
    %mul3A_1 = arith.constant 632 : i32
    %mul3A_2 = arith.muli %arg1, %mul3A_1 : i32
    %add3A_3 = arith.constant 0 : i32
    %add3A_4 = arith.addi %mul3A_2, %add3A_3 : i32
    "tpu.region"() ({
      %run_scoped3A = tpu.sem_alloc : memref<!tpu.dma_semaphore, #tpu.memory_space<semaphore_mem>>
      %dma_start3A_68 = arith.constant 0 : i32
      %dma_start3A_69 = arith.constant 0 : i32
      %dma_start3A_70 = tpu.memref_slice %arg9[%dma_start3A_68, %dma_start3A_69] : memref<128x128xf32, #tpu.memory_space<vmem>> -> memref<128x128xf32, #tpu.memory_space<vmem>>
      %dma_start3A_71 = arith.constant 0 : i32
      %dma_start3A_72 = tpu.memref_slice %arg5[%add3A_4, %dma_start3A_71] : memref<10112x128xf32, #tpu.memory_space<hbm>> -> memref<128x128xf32, #tpu.memory_space<hbm>>
      %dma_start3A_73 = arith.constant 0 : i32
      %dma_start3A_74 = arith.constant 0 : i32
      %dma_start3A_75 = tpu.memref_slice %arg9[%dma_start3A_73, %dma_start3A_74] : memref<128x128xf32, #tpu.memory_space<vmem>> -> memref<128x128xf32, #tpu.memory_space<vmem>>
      %dma_start3A_76 = arith.constant 0 : i32
      %dma_start3A_77 = tpu.memref_slice %arg5[%add3A_4, %dma_start3A_76] : memref<10112x128xf32, #tpu.memory_space<hbm>> -> memref<128x128xf32, #tpu.memory_space<hbm>>
      tpu.enqueue_dma source(%dma_start3A_77 : memref<128x128xf32, #tpu.memory_space<hbm>>) target(%dma_start3A_75 : memref<128x128xf32, #tpu.memory_space<vmem>>) target_semaphore(%run_scoped3A : memref<!tpu.dma_semaphore, #tpu.memory_space<semaphore_mem>>)
      %dma_wait3A = arith.constant 0 : i32
      %dma_wait3A_78 = arith.constant 0 : i32
      %dma_wait3A_79 = tpu.memref_slice %arg9[%dma_wait3A, %dma_wait3A_78] : memref<128x128xf32, #tpu.memory_space<vmem>> -> memref<128x128xf32, #tpu.memory_space<vmem>>
      %dma_wait3A_80 = arith.constant 0 : i32
      %dma_wait3A_81 = tpu.memref_slice %arg5[%add3A_4, %dma_wait3A_80] : memref<10112x128xf32, #tpu.memory_space<hbm>> -> memref<128x128xf32, #tpu.memory_space<hbm>>
      %dma_wait3A_82 = arith.constant 0 : i32
      %dma_wait3A_83 = arith.constant 0 : i32
      %dma_wait3A_84 = tpu.memref_slice %arg9[%dma_wait3A_82, %dma_wait3A_83] : memref<128x128xf32, #tpu.memory_space<vmem>> -> memref<128x128xf32, #tpu.memory_space<vmem>>
      %dma_wait3A_85 = arith.constant 0 : i32
      %dma_wait3A_86 = tpu.memref_slice %arg5[%add3A_4, %dma_wait3A_85] : memref<10112x128xf32, #tpu.memory_space<hbm>> -> memref<128x128xf32, #tpu.memory_space<hbm>>
      tpu.wait_dma2 semaphore(%run_scoped3A : memref<!tpu.dma_semaphore, #tpu.memory_space<semaphore_mem>>) src(%dma_wait3A_86 : memref<128x128xf32, #tpu.memory_space<hbm>>) dst(%dma_wait3A_84 : memref<128x128xf32, #tpu.memory_space<vmem>>)
      tpu.yield
    }) : () -> ()
    %add3A_5 = arith.constant 0 : i32
    %add3A_6 = arith.addi %mul3A_2, %add3A_5 : i32
    "tpu.region"() ({
      %run_scoped3A = tpu.sem_alloc : memref<!tpu.dma_semaphore, #tpu.memory_space<semaphore_mem>>
      %dma_start3A_68 = arith.constant 0 : i32
      %dma_start3A_69 = arith.constant 0 : i32
      %dma_start3A_70 = tpu.memref_slice %arg9[%dma_start3A_68, %dma_start3A_69] : memref<128x128xf32, #tpu.memory_space<vmem>> -> memref<128x128xf32, #tpu.memory_space<vmem>>
      %dma_start3A_71 = arith.constant 0 : i32
      %dma_start3A_72 = tpu.memref_slice %arg11[%add3A_6, %dma_start3A_71] : memref<10112x128xf32, #tpu.memory_space<vmem_shared>> -> memref<128x128xf32, #tpu.memory_space<vmem_shared>>
      %dma_start3A_73 = arith.constant 0 : i32
      %dma_start3A_74 = tpu.memref_slice %arg11[%add3A_6, %dma_start3A_73] : memref<10112x128xf32, #tpu.memory_space<vmem_shared>> -> memref<128x128xf32, #tpu.memory_space<vmem_shared>>
      %dma_start3A_75 = arith.constant 0 : i32
      %dma_start3A_76 = arith.constant 0 : i32
      %dma_start3A_77 = tpu.memref_slice %arg9[%dma_start3A_75, %dma_start3A_76] : memref<128x128xf32, #tpu.memory_space<vmem>> -> memref<128x128xf32, #tpu.memory_space<vmem>>
      tpu.enqueue_dma source(%dma_start3A_77 : memref<128x128xf32, #tpu.memory_space<vmem>>) target(%dma_start3A_74 : memref<128x128xf32, #tpu.memory_space<vmem_shared>>) target_semaphore(%run_scoped3A : memref<!tpu.dma_semaphore, #tpu.memory_space<semaphore_mem>>)
      %dma_wait3A = arith.constant 0 : i32
      %dma_wait3A_78 = arith.constant 0 : i32
      %dma_wait3A_79 = tpu.memref_slice %arg9[%dma_wait3A, %dma_wait3A_78] : memref<128x128xf32, #tpu.memory_space<vmem>> -> memref<128x128xf32, #tpu.memory_space<vmem>>
      %dma_wait3A_80 = arith.constant 0 : i32
      %dma_wait3A_81 = tpu.memref_slice %arg11[%add3A_6, %dma_wait3A_80] : memref<10112x128xf32, #tpu.memory_space<vmem_shared>> -> memref<128x128xf32, #tpu.memory_space<vmem_shared>>
      %dma_wait3A_82 = arith.constant 0 : i32
      %dma_wait3A_83 = tpu.memref_slice %arg11[%add3A_6, %dma_wait3A_82] : memref<10112x128xf32, #tpu.memory_space<vmem_shared>> -> memref<128x128xf32, #tpu.memory_space<vmem_shared>>
      %dma_wait3A_84 = arith.constant 0 : i32
      %dma_wait3A_85 = arith.constant 0 : i32
      %dma_wait3A_86 = tpu.memref_slice %arg9[%dma_wait3A_84, %dma_wait3A_85] : memref<128x128xf32, #tpu.memory_space<vmem>> -> memref<128x128xf32, #tpu.memory_space<vmem>>
      tpu.wait_dma2 semaphore(%run_scoped3A : memref<!tpu.dma_semaphore, #tpu.memory_space<semaphore_mem>>) src(%dma_wait3A_86 : memref<128x128xf32, #tpu.memory_space<vmem>>) dst(%dma_wait3A_83 : memref<128x128xf32, #tpu.memory_space<vmem_shared>>)
      tpu.yield
    }) : () -> ()
    %add3A_7 = arith.constant 128 : i32
    %add3A_8 = arith.addi %mul3A_2, %add3A_7 : i32
    "tpu.region"() ({
      %run_scoped3A = tpu.sem_alloc : memref<!tpu.dma_semaphore, #tpu.memory_space<semaphore_mem>>
      %dma_start3A_68 = arith.constant 0 : i32
      %dma_start3A_69 = arith.constant 0 : i32
      %dma_start3A_70 = tpu.memref_slice %arg9[%dma_start3A_68, %dma_start3A_69] : memref<128x128xf32, #tpu.memory_space<vmem>> -> memref<128x128xf32, #tpu.memory_space<vmem>>
      %dma_start3A_71 = arith.constant 0 : i32
      %dma_start3A_72 = tpu.memref_slice %arg5[%add3A_8, %dma_start3A_71] : memref<10112x128xf32, #tpu.memory_space<hbm>> -> memref<128x128xf32, #tpu.memory_space<hbm>>
      %dma_start3A_73 = arith.constant 0 : i32
      %dma_start3A_74 = arith.constant 0 : i32
      %dma_start3A_75 = tpu.memref_slice %arg9[%dma_start3A_73, %dma_start3A_74] : memref<128x128xf32, #tpu.memory_space<vmem>> -> memref<128x128xf32, #tpu.memory_space<vmem>>
      %dma_start3A_76 = arith.constant 0 : i32
      %dma_start3A_77 = tpu.memref_slice %arg5[%add3A_8, %dma_start3A_76] : memref<10112x128xf32, #tpu.memory_space<hbm>> -> memref<128x128xf32, #tpu.memory_space<hbm>>
      tpu.enqueue_dma source(%dma_start3A_77 : memref<128x128xf32, #tpu.memory_space<hbm>>) target(%dma_start3A_75 : memref<128x128xf32, #tpu.memory_space<vmem>>) target_semaphore(%run_scoped3A : memref<!tpu.dma_semaphore, #tpu.memory_space<semaphore_mem>>)
      %dma_wait3A = arith.constant 0 : i32
      %dma_wait3A_78 = arith.constant 0 : i32
      %dma_wait3A_79 = tpu.memref_slice %arg9[%dma_wait3A, %dma_wait3A_78] : memref<128x128xf32, #tpu.memory_space<vmem>> -> memref<128x128xf32, #tpu.memory_space<vmem>>
      %dma_wait3A_80 = arith.constant 0 : i32
      %dma_wait3A_81 = tpu.memref_slice %arg5[%add3A_8, %dma_wait3A_80] : memref<10112x128xf32, #tpu.memory_space<hbm>> -> memref<128x128xf32, #tpu.memory_space<hbm>>
      %dma_wait3A_82 = arith.constant 0 : i32
      %dma_wait3A_83 = arith.constant 0 : i32
      %dma_wait3A_84 = tpu.memref_slice %arg9[%dma_wait3A_82, %dma_wait3A_83] : memref<128x128xf32, #tpu.memory_space<vmem>> -> memref<128x128xf32, #tpu.memory_space<vmem>>
      %dma_wait3A_85 = arith.constant 0 : i32
      %dma_wait3A_86 = tpu.memref_slice %arg5[%add3A_8, %dma_wait3A_85] : memref<10112x128xf32, #tpu.memory_space<hbm>> -> memref<128x128xf32, #tpu.memory_space<hbm>>
      tpu.wait_dma2 semaphore(%run_scoped3A : memref<!tpu.dma_semaphore, #tpu.memory_space<semaphore_mem>>) src(%dma_wait3A_86 : memref<128x128xf32, #tpu.memory_space<hbm>>) dst(%dma_wait3A_84 : memref<128x128xf32, #tpu.memory_space<vmem>>)
      tpu.yield
    }) : () -> ()
    %add3A_9 = arith.constant 128 : i32
    %add3A_10 = arith.addi %mul3A_2, %add3A_9 : i32
    "tpu.region"() ({
      %run_scoped3A = tpu.sem_alloc : memref<!tpu.dma_semaphore, #tpu.memory_space<semaphore_mem>>
      %dma_start3A_68 = arith.constant 0 : i32
      %dma_start3A_69 = arith.constant 0 : i32
      %dma_start3A_70 = tpu.memref_slice %arg9[%dma_start3A_68, %dma_start3A_69] : memref<128x128xf32, #tpu.memory_space<vmem>> -> memref<128x128xf32, #tpu.memory_space<vmem>>
      %dma_start3A_71 = arith.constant 0 : i32
      %dma_start3A_72 = tpu.memref_slice %arg11[%add3A_10, %dma_start3A_71] : memref<10112x128xf32, #tpu.memory_space<vmem_shared>> -> memref<128x128xf32, #tpu.memory_space<vmem_shared>>
      %dma_start3A_73 = arith.constant 0 : i32
      %dma_start3A_74 = tpu.memref_slice %arg11[%add3A_10, %dma_start3A_73] : memref<10112x128xf32, #tpu.memory_space<vmem_shared>> -> memref<128x128xf32, #tpu.memory_space<vmem_shared>>
      %dma_start3A_75 = arith.constant 0 : i32
      %dma_start3A_76 = arith.constant 0 : i32
      %dma_start3A_77 = tpu.memref_slice %arg9[%dma_start3A_75, %dma_start3A_76] : memref<128x128xf32, #tpu.memory_space<vmem>> -> memref<128x128xf32, #tpu.memory_space<vmem>>
      tpu.enqueue_dma source(%dma_start3A_77 : memref<128x128xf32, #tpu.memory_space<vmem>>) target(%dma_start3A_74 : memref<128x128xf32, #tpu.memory_space<vmem_shared>>) target_semaphore(%run_scoped3A : memref<!tpu.dma_semaphore, #tpu.memory_space<semaphore_mem>>)
      %dma_wait3A = arith.constant 0 : i32
      %dma_wait3A_78 = arith.constant 0 : i32
      %dma_wait3A_79 = tpu.memref_slice %arg9[%dma_wait3A, %dma_wait3A_78] : memref<128x128xf32, #tpu.memory_space<vmem>> -> memref<128x128xf32, #tpu.memory_space<vmem>>
      %dma_wait3A_80 = arith.constant 0 : i32
      %dma_wait3A_81 = tpu.memref_slice %arg11[%add3A_10, %dma_wait3A_80] : memref<10112x128xf32, #tpu.memory_space<vmem_shared>> -> memref<128x128xf32, #tpu.memory_space<vmem_shared>>
      %dma_wait3A_82 = arith.constant 0 : i32
      %dma_wait3A_83 = tpu.memref_slice %arg11[%add3A_10, %dma_wait3A_82] : memref<10112x128xf32, #tpu.memory_space<vmem_shared>> -> memref<128x128xf32, #tpu.memory_space<vmem_shared>>
      %dma_wait3A_84 = arith.constant 0 : i32
      %dma_wait3A_85 = arith.constant 0 : i32
      %dma_wait3A_86 = tpu.memref_slice %arg9[%dma_wait3A_84, %dma_wait3A_85] : memref<128x128xf32, #tpu.memory_space<vmem>> -> memref<128x128xf32, #tpu.memory_space<vmem>>
      tpu.wait_dma2 semaphore(%run_scoped3A : memref<!tpu.dma_semaphore, #tpu.memory_space<semaphore_mem>>) src(%dma_wait3A_86 : memref<128x128xf32, #tpu.memory_space<vmem>>) dst(%dma_wait3A_83 : memref<128x128xf32, #tpu.memory_space<vmem_shared>>)
      tpu.yield
    }) : () -> ()
    %add3A_11 = arith.constant 256 : i32
    %add3A_12 = arith.addi %mul3A_2, %add3A_11 : i32
    "tpu.region"() ({
      %run_scoped3A = tpu.sem_alloc : memref<!tpu.dma_semaphore, #tpu.memory_space<semaphore_mem>>
      %dma_start3A_68 = arith.constant 0 : i32
      %dma_start3A_69 = arith.constant 0 : i32
      %dma_start3A_70 = tpu.memref_slice %arg9[%dma_start3A_68, %dma_start3A_69] : memref<128x128xf32, #tpu.memory_space<vmem>> -> memref<128x128xf32, #tpu.memory_space<vmem>>
      %dma_start3A_71 = arith.constant 0 : i32
      %dma_start3A_72 = tpu.memref_slice %arg5[%add3A_12, %dma_start3A_71] : memref<10112x128xf32, #tpu.memory_space<hbm>> -> memref<128x128xf32, #tpu.memory_space<hbm>>
      %dma_start3A_73 = arith.constant 0 : i32
      %dma_start3A_74 = arith.constant 0 : i32
      %dma_start3A_75 = tpu.memref_slice %arg9[%dma_start3A_73, %dma_start3A_74] : memref<128x128xf32, #tpu.memory_space<vmem>> -> memref<128x128xf32, #tpu.memory_space<vmem>>
      %dma_start3A_76 = arith.constant 0 : i32
      %dma_start3A_77 = tpu.memref_slice %arg5[%add3A_12, %dma_start3A_76] : memref<10112x128xf32, #tpu.memory_space<hbm>> -> memref<128x128xf32, #tpu.memory_space<hbm>>
      tpu.enqueue_dma source(%dma_start3A_77 : memref<128x128xf32, #tpu.memory_space<hbm>>) target(%dma_start3A_75 : memref<128x128xf32, #tpu.memory_space<vmem>>) target_semaphore(%run_scoped3A : memref<!tpu.dma_semaphore, #tpu.memory_space<semaphore_mem>>)
      %dma_wait3A = arith.constant 0 : i32
      %dma_wait3A_78 = arith.constant 0 : i32
      %dma_wait3A_79 = tpu.memref_slice %arg9[%dma_wait3A, %dma_wait3A_78] : memref<128x128xf32, #tpu.memory_space<vmem>> -> memref<128x128xf32, #tpu.memory_space<vmem>>
      %dma_wait3A_80 = arith.constant 0 : i32
      %dma_wait3A_81 = tpu.memref_slice %arg5[%add3A_12, %dma_wait3A_80] : memref<10112x128xf32, #tpu.memory_space<hbm>> -> memref<128x128xf32, #tpu.memory_space<hbm>>
      %dma_wait3A_82 = arith.constant 0 : i32
      %dma_wait3A_83 = arith.constant 0 : i32
      %dma_wait3A_84 = tpu.memref_slice %arg9[%dma_wait3A_82, %dma_wait3A_83] : memref<128x128xf32, #tpu.memory_space<vmem>> -> memref<128x128xf32, #tpu.memory_space<vmem>>
      %dma_wait3A_85 = arith.constant 0 : i32
      %dma_wait3A_86 = tpu.memref_slice %arg5[%add3A_12, %dma_wait3A_85] : memref<10112x128xf32, #tpu.memory_space<hbm>> -> memref<128x128xf32, #tpu.memory_space<hbm>>
      tpu.wait_dma2 semaphore(%run_scoped3A : memref<!tpu.dma_semaphore, #tpu.memory_space<semaphore_mem>>) src(%dma_wait3A_86 : memref<128x128xf32, #tpu.memory_space<hbm>>) dst(%dma_wait3A_84 : memref<128x128xf32, #tpu.memory_space<vmem>>)
      tpu.yield
    }) : () -> ()
    %add3A_13 = arith.constant 256 : i32
    %add3A_14 = arith.addi %mul3A_2, %add3A_13 : i32
    "tpu.region"() ({
      %run_scoped3A = tpu.sem_alloc : memref<!tpu.dma_semaphore, #tpu.memory_space<semaphore_mem>>
      %dma_start3A_68 = arith.constant 0 : i32
      %dma_start3A_69 = arith.constant 0 : i32
      %dma_start3A_70 = tpu.memref_slice %arg9[%dma_start3A_68, %dma_start3A_69] : memref<128x128xf32, #tpu.memory_space<vmem>> -> memref<128x128xf32, #tpu.memory_space<vmem>>
      %dma_start3A_71 = arith.constant 0 : i32
      %dma_start3A_72 = tpu.memref_slice %arg11[%add3A_14, %dma_start3A_71] : memref<10112x128xf32, #tpu.memory_space<vmem_shared>> -> memref<128x128xf32, #tpu.memory_space<vmem_shared>>
      %dma_start3A_73 = arith.constant 0 : i32
      %dma_start3A_74 = tpu.memref_slice %arg11[%add3A_14, %dma_start3A_73] : memref<10112x128xf32, #tpu.memory_space<vmem_shared>> -> memref<128x128xf32, #tpu.memory_space<vmem_shared>>
      %dma_start3A_75 = arith.constant 0 : i32
      %dma_start3A_76 = arith.constant 0 : i32
      %dma_start3A_77 = tpu.memref_slice %arg9[%dma_start3A_75, %dma_start3A_76] : memref<128x128xf32, #tpu.memory_space<vmem>> -> memref<128x128xf32, #tpu.memory_space<vmem>>
      tpu.enqueue_dma source(%dma_start3A_77 : memref<128x128xf32, #tpu.memory_space<vmem>>) target(%dma_start3A_74 : memref<128x128xf32, #tpu.memory_space<vmem_shared>>) target_semaphore(%run_scoped3A : memref<!tpu.dma_semaphore, #tpu.memory_space<semaphore_mem>>)
      %dma_wait3A = arith.constant 0 : i32
      %dma_wait3A_78 = arith.constant 0 : i32
      %dma_wait3A_79 = tpu.memref_slice %arg9[%dma_wait3A, %dma_wait3A_78] : memref<128x128xf32, #tpu.memory_space<vmem>> -> memref<128x128xf32, #tpu.memory_space<vmem>>
      %dma_wait3A_80 = arith.constant 0 : i32
      %dma_wait3A_81 = tpu.memref_slice %arg11[%add3A_14, %dma_wait3A_80] : memref<10112x128xf32, #tpu.memory_space<vmem_shared>> -> memref<128x128xf32, #tpu.memory_space<vmem_shared>>
      %dma_wait3A_82 = arith.constant 0 : i32
      %dma_wait3A_83 = tpu.memref_slice %arg11[%add3A_14, %dma_wait3A_82] : memref<10112x128xf32, #tpu.memory_space<vmem_shared>> -> memref<128x128xf32, #tpu.memory_space<vmem_shared>>
      %dma_wait3A_84 = arith.constant 0 : i32
      %dma_wait3A_85 = arith.constant 0 : i32
      %dma_wait3A_86 = tpu.memref_slice %arg9[%dma_wait3A_84, %dma_wait3A_85] : memref<128x128xf32, #tpu.memory_space<vmem>> -> memref<128x128xf32, #tpu.memory_space<vmem>>
      tpu.wait_dma2 semaphore(%run_scoped3A : memref<!tpu.dma_semaphore, #tpu.memory_space<semaphore_mem>>) src(%dma_wait3A_86 : memref<128x128xf32, #tpu.memory_space<vmem>>) dst(%dma_wait3A_83 : memref<128x128xf32, #tpu.memory_space<vmem_shared>>)
      tpu.yield
    }) : () -> ()
    %add3A_15 = arith.constant 384 : i32
    %add3A_16 = arith.addi %mul3A_2, %add3A_15 : i32
    "tpu.region"() ({
      %run_scoped3A = tpu.sem_alloc : memref<!tpu.dma_semaphore, #tpu.memory_space<semaphore_mem>>
      %dma_start3A_68 = arith.constant 0 : i32
      %dma_start3A_69 = arith.constant 0 : i32
      %dma_start3A_70 = tpu.memref_slice %arg9[%dma_start3A_68, %dma_start3A_69] : memref<128x128xf32, #tpu.memory_space<vmem>> -> memref<128x128xf32, #tpu.memory_space<vmem>>
      %dma_start3A_71 = arith.constant 0 : i32
      %dma_start3A_72 = tpu.memref_slice %arg5[%add3A_16, %dma_start3A_71] : memref<10112x128xf32, #tpu.memory_space<hbm>> -> memref<128x128xf32, #tpu.memory_space<hbm>>
      %dma_start3A_73 = arith.constant 0 : i32
      %dma_start3A_74 = arith.constant 0 : i32
      %dma_start3A_75 = tpu.memref_slice %arg9[%dma_start3A_73, %dma_start3A_74] : memref<128x128xf32, #tpu.memory_space<vmem>> -> memref<128x128xf32, #tpu.memory_space<vmem>>
      %dma_start3A_76 = arith.constant 0 : i32
      %dma_start3A_77 = tpu.memref_slice %arg5[%add3A_16, %dma_start3A_76] : memref<10112x128xf32, #tpu.memory_space<hbm>> -> memref<128x128xf32, #tpu.memory_space<hbm>>
      tpu.enqueue_dma source(%dma_start3A_77 : memref<128x128xf32, #tpu.memory_space<hbm>>) target(%dma_start3A_75 : memref<128x128xf32, #tpu.memory_space<vmem>>) target_semaphore(%run_scoped3A : memref<!tpu.dma_semaphore, #tpu.memory_space<semaphore_mem>>)
      %dma_wait3A = arith.constant 0 : i32
      %dma_wait3A_78 = arith.constant 0 : i32
      %dma_wait3A_79 = tpu.memref_slice %arg9[%dma_wait3A, %dma_wait3A_78] : memref<128x128xf32, #tpu.memory_space<vmem>> -> memref<128x128xf32, #tpu.memory_space<vmem>>
      %dma_wait3A_80 = arith.constant 0 : i32
      %dma_wait3A_81 = tpu.memref_slice %arg5[%add3A_16, %dma_wait3A_80] : memref<10112x128xf32, #tpu.memory_space<hbm>> -> memref<128x128xf32, #tpu.memory_space<hbm>>
      %dma_wait3A_82 = arith.constant 0 : i32
      %dma_wait3A_83 = arith.constant 0 : i32
      %dma_wait3A_84 = tpu.memref_slice %arg9[%dma_wait3A_82, %dma_wait3A_83] : memref<128x128xf32, #tpu.memory_space<vmem>> -> memref<128x128xf32, #tpu.memory_space<vmem>>
      %dma_wait3A_85 = arith.constant 0 : i32
      %dma_wait3A_86 = tpu.memref_slice %arg5[%add3A_16, %dma_wait3A_85] : memref<10112x128xf32, #tpu.memory_space<hbm>> -> memref<128x128xf32, #tpu.memory_space<hbm>>
      tpu.wait_dma2 semaphore(%run_scoped3A : memref<!tpu.dma_semaphore, #tpu.memory_space<semaphore_mem>>) src(%dma_wait3A_86 : memref<128x128xf32, #tpu.memory_space<hbm>>) dst(%dma_wait3A_84 : memref<128x128xf32, #tpu.memory_space<vmem>>)
      tpu.yield
    }) : () -> ()
    %add3A_17 = arith.constant 384 : i32
    %add3A_18 = arith.addi %mul3A_2, %add3A_17 : i32
    "tpu.region"() ({
      %run_scoped3A = tpu.sem_alloc : memref<!tpu.dma_semaphore, #tpu.memory_space<semaphore_mem>>
      %dma_start3A_68 = arith.constant 0 : i32
      %dma_start3A_69 = arith.constant 0 : i32
      %dma_start3A_70 = tpu.memref_slice %arg9[%dma_start3A_68, %dma_start3A_69] : memref<128x128xf32, #tpu.memory_space<vmem>> -> memref<128x128xf32, #tpu.memory_space<vmem>>
      %dma_start3A_71 = arith.constant 0 : i32
      %dma_start3A_72 = tpu.memref_slice %arg11[%add3A_18, %dma_start3A_71] : memref<10112x128xf32, #tpu.memory_space<vmem_shared>> -> memref<128x128xf32, #tpu.memory_space<vmem_shared>>
      %dma_start3A_73 = arith.constant 0 : i32
      %dma_start3A_74 = tpu.memref_slice %arg11[%add3A_18, %dma_start3A_73] : memref<10112x128xf32, #tpu.memory_space<vmem_shared>> -> memref<128x128xf32, #tpu.memory_space<vmem_shared>>
      %dma_start3A_75 = arith.constant 0 : i32
      %dma_start3A_76 = arith.constant 0 : i32
      %dma_start3A_77 = tpu.memref_slice %arg9[%dma_start3A_75, %dma_start3A_76] : memref<128x128xf32, #tpu.memory_space<vmem>> -> memref<128x128xf32, #tpu.memory_space<vmem>>
      tpu.enqueue_dma source(%dma_start3A_77 : memref<128x128xf32, #tpu.memory_space<vmem>>) target(%dma_start3A_74 : memref<128x128xf32, #tpu.memory_space<vmem_shared>>) target_semaphore(%run_scoped3A : memref<!tpu.dma_semaphore, #tpu.memory_space<semaphore_mem>>)
      %dma_wait3A = arith.constant 0 : i32
      %dma_wait3A_78 = arith.constant 0 : i32
      %dma_wait3A_79 = tpu.memref_slice %arg9[%dma_wait3A, %dma_wait3A_78] : memref<128x128xf32, #tpu.memory_space<vmem>> -> memref<128x128xf32, #tpu.memory_space<vmem>>
      %dma_wait3A_80 = arith.constant 0 : i32
      %dma_wait3A_81 = tpu.memref_slice %arg11[%add3A_18, %dma_wait3A_80] : memref<10112x128xf32, #tpu.memory_space<vmem_shared>> -> memref<128x128xf32, #tpu.memory_space<vmem_shared>>
      %dma_wait3A_82 = arith.constant 0 : i32
      %dma_wait3A_83 = tpu.memref_slice %arg11[%add3A_18, %dma_wait3A_82] : memref<10112x128xf32, #tpu.memory_space<vmem_shared>> -> memref<128x128xf32, #tpu.memory_space<vmem_shared>>
      %dma_wait3A_84 = arith.constant 0 : i32
      %dma_wait3A_85 = arith.constant 0 : i32
      %dma_wait3A_86 = tpu.memref_slice %arg9[%dma_wait3A_84, %dma_wait3A_85] : memref<128x128xf32, #tpu.memory_space<vmem>> -> memref<128x128xf32, #tpu.memory_space<vmem>>
      tpu.wait_dma2 semaphore(%run_scoped3A : memref<!tpu.dma_semaphore, #tpu.memory_space<semaphore_mem>>) src(%dma_wait3A_86 : memref<128x128xf32, #tpu.memory_space<vmem>>) dst(%dma_wait3A_83 : memref<128x128xf32, #tpu.memory_space<vmem_shared>>)
      tpu.yield
    }) : () -> ()
    %add3A_19 = arith.constant 512 : i32
    %add3A_20 = arith.addi %mul3A_2, %add3A_19 : i32
    "tpu.region"() ({
      %run_scoped3A = tpu.sem_alloc : memref<!tpu.dma_semaphore, #tpu.memory_space<semaphore_mem>>
      %dma_start3A_68 = arith.constant 0 : i32
      %dma_start3A_69 = arith.constant 0 : i32
      %dma_start3A_70 = tpu.memref_slice %arg9[%dma_start3A_68, %dma_start3A_69] : memref<128x128xf32, #tpu.memory_space<vmem>> -> memref<120x128xf32, #tpu.memory_space<vmem>>
      %dma_start3A_71 = arith.constant 0 : i32
      %dma_start3A_72 = tpu.memref_slice %arg5[%add3A_20, %dma_start3A_71] : memref<10112x128xf32, #tpu.memory_space<hbm>> -> memref<120x128xf32, #tpu.memory_space<hbm>>
      %dma_start3A_73 = arith.constant 0 : i32
      %dma_start3A_74 = arith.constant 0 : i32
      %dma_start3A_75 = tpu.memref_slice %arg9[%dma_start3A_73, %dma_start3A_74] : memref<128x128xf32, #tpu.memory_space<vmem>> -> memref<120x128xf32, #tpu.memory_space<vmem>>
      %dma_start3A_76 = arith.constant 0 : i32
      %dma_start3A_77 = tpu.memref_slice %arg5[%add3A_20, %dma_start3A_76] : memref<10112x128xf32, #tpu.memory_space<hbm>> -> memref<120x128xf32, #tpu.memory_space<hbm>>
      tpu.enqueue_dma source(%dma_start3A_77 : memref<120x128xf32, #tpu.memory_space<hbm>>) target(%dma_start3A_75 : memref<120x128xf32, #tpu.memory_space<vmem>>) target_semaphore(%run_scoped3A : memref<!tpu.dma_semaphore, #tpu.memory_space<semaphore_mem>>)
      %dma_wait3A = arith.constant 0 : i32
      %dma_wait3A_78 = arith.constant 0 : i32
      %dma_wait3A_79 = tpu.memref_slice %arg9[%dma_wait3A, %dma_wait3A_78] : memref<128x128xf32, #tpu.memory_space<vmem>> -> memref<120x128xf32, #tpu.memory_space<vmem>>
      %dma_wait3A_80 = arith.constant 0 : i32
      %dma_wait3A_81 = tpu.memref_slice %arg5[%add3A_20, %dma_wait3A_80] : memref<10112x128xf32, #tpu.memory_space<hbm>> -> memref<120x128xf32, #tpu.memory_space<hbm>>
      %dma_wait3A_82 = arith.constant 0 : i32
      %dma_wait3A_83 = arith.constant 0 : i32
      %dma_wait3A_84 = tpu.memref_slice %arg9[%dma_wait3A_82, %dma_wait3A_83] : memref<128x128xf32, #tpu.memory_space<vmem>> -> memref<120x128xf32, #tpu.memory_space<vmem>>
      %dma_wait3A_85 = arith.constant 0 : i32
      %dma_wait3A_86 = tpu.memref_slice %arg5[%add3A_20, %dma_wait3A_85] : memref<10112x128xf32, #tpu.memory_space<hbm>> -> memref<120x128xf32, #tpu.memory_space<hbm>>
      tpu.wait_dma2 semaphore(%run_scoped3A : memref<!tpu.dma_semaphore, #tpu.memory_space<semaphore_mem>>) src(%dma_wait3A_86 : memref<120x128xf32, #tpu.memory_space<hbm>>) dst(%dma_wait3A_84 : memref<120x128xf32, #tpu.memory_space<vmem>>)
      tpu.yield
    }) : () -> ()
    %add3A_21 = arith.constant 512 : i32
    %add3A_22 = arith.addi %mul3A_2, %add3A_21 : i32
    "tpu.region"() ({
      %run_scoped3A = tpu.sem_alloc : memref<!tpu.dma_semaphore, #tpu.memory_space<semaphore_mem>>
      %dma_start3A_68 = arith.constant 0 : i32
      %dma_start3A_69 = arith.constant 0 : i32
      %dma_start3A_70 = tpu.memref_slice %arg9[%dma_start3A_68, %dma_start3A_69] : memref<128x128xf32, #tpu.memory_space<vmem>> -> memref<120x128xf32, #tpu.memory_space<vmem>>
      %dma_start3A_71 = arith.constant 0 : i32
      %dma_start3A_72 = tpu.memref_slice %arg11[%add3A_22, %dma_start3A_71] : memref<10112x128xf32, #tpu.memory_space<vmem_shared>> -> memref<120x128xf32, #tpu.memory_space<vmem_shared>>
      %dma_start3A_73 = arith.constant 0 : i32
      %dma_start3A_74 = tpu.memref_slice %arg11[%add3A_22, %dma_start3A_73] : memref<10112x128xf32, #tpu.memory_space<vmem_shared>> -> memref<120x128xf32, #tpu.memory_space<vmem_shared>>
      %dma_start3A_75 = arith.constant 0 : i32
      %dma_start3A_76 = arith.constant 0 : i32
      %dma_start3A_77 = tpu.memref_slice %arg9[%dma_start3A_75, %dma_start3A_76] : memref<128x128xf32, #tpu.memory_space<vmem>> -> memref<120x128xf32, #tpu.memory_space<vmem>>
      tpu.enqueue_dma source(%dma_start3A_77 : memref<120x128xf32, #tpu.memory_space<vmem>>) target(%dma_start3A_74 : memref<120x128xf32, #tpu.memory_space<vmem_shared>>) target_semaphore(%run_scoped3A : memref<!tpu.dma_semaphore, #tpu.memory_space<semaphore_mem>>)
      %dma_wait3A = arith.constant 0 : i32
      %dma_wait3A_78 = arith.constant 0 : i32
      %dma_wait3A_79 = tpu.memref_slice %arg9[%dma_wait3A, %dma_wait3A_78] : memref<128x128xf32, #tpu.memory_space<vmem>> -> memref<120x128xf32, #tpu.memory_space<vmem>>
      %dma_wait3A_80 = arith.constant 0 : i32
      %dma_wait3A_81 = tpu.memref_slice %arg11[%add3A_22, %dma_wait3A_80] : memref<10112x128xf32, #tpu.memory_space<vmem_shared>> -> memref<120x128xf32, #tpu.memory_space<vmem_shared>>
      %dma_wait3A_82 = arith.constant 0 : i32
      %dma_wait3A_83 = tpu.memref_slice %arg11[%add3A_22, %dma_wait3A_82] : memref<10112x128xf32, #tpu.memory_space<vmem_shared>> -> memref<120x128xf32, #tpu.memory_space<vmem_shared>>
      %dma_wait3A_84 = arith.constant 0 : i32
      %dma_wait3A_85 = arith.constant 0 : i32
      %dma_wait3A_86 = tpu.memref_slice %arg9[%dma_wait3A_84, %dma_wait3A_85] : memref<128x128xf32, #tpu.memory_space<vmem>> -> memref<120x128xf32, #tpu.memory_space<vmem>>
      tpu.wait_dma2 semaphore(%run_scoped3A : memref<!tpu.dma_semaphore, #tpu.memory_space<semaphore_mem>>) src(%dma_wait3A_86 : memref<120x128xf32, #tpu.memory_space<vmem>>) dst(%dma_wait3A_83 : memref<120x128xf32, #tpu.memory_space<vmem_shared>>)
      tpu.yield
    }) : () -> ()
    %barrier3A = arith.constant 0 : index
    tpu.barrier barrier_id(%barrier3A)
    "tpu.region"() ({
      %run_scoped3A = tpu.sem_alloc : memref<!tpu.dma_semaphore, #tpu.memory_space<semaphore_mem>>
      %dma_start3A_68 = arith.constant 0 : i32
      %dma_start3A_69 = arith.constant 0 : i32
      %dma_start3A_70 = tpu.memref_slice %arg3[%add3A, %dma_start3A_68, %dma_start3A_69] : memref<32x80x128xi32, #tpu.memory_space<hbm>> -> memref<1x40x128xi32, #tpu.memory_space<hbm>>
      %dma_start3A_71 = tpu.memref_squeeze %dma_start3A_70 : memref<1x40x128xi32, #tpu.memory_space<hbm>> -> memref<40x128xi32, #tpu.memory_space<hbm>>
      %dma_start3A_72 = arith.constant 0 : i32
      %dma_start3A_73 = arith.constant 0 : i32
      %dma_start3A_74 = tpu.memref_slice %arg3[%add3A, %dma_start3A_72, %dma_start3A_73] : memref<32x80x128xi32, #tpu.memory_space<hbm>> -> memref<1x40x128xi32, #tpu.memory_space<hbm>>
      %dma_start3A_75 = tpu.memref_squeeze %dma_start3A_74 : memref<1x40x128xi32, #tpu.memory_space<hbm>> -> memref<40x128xi32, #tpu.memory_space<hbm>>
      tpu.enqueue_dma source(%dma_start3A_75 : memref<40x128xi32, #tpu.memory_space<hbm>>) target(%arg7 : memref<40x128xi32, #tpu.memory_space<vmem>>) target_semaphore(%run_scoped3A : memref<!tpu.dma_semaphore, #tpu.memory_space<semaphore_mem>>)
      %dma_wait3A = arith.constant 0 : i32
      %dma_wait3A_76 = arith.constant 0 : i32
      %dma_wait3A_77 = tpu.memref_slice %arg3[%add3A, %dma_wait3A, %dma_wait3A_76] : memref<32x80x128xi32, #tpu.memory_space<hbm>> -> memref<1x40x128xi32, #tpu.memory_space<hbm>>
      %dma_wait3A_78 = tpu.memref_squeeze %dma_wait3A_77 : memref<1x40x128xi32, #tpu.memory_space<hbm>> -> memref<40x128xi32, #tpu.memory_space<hbm>>
      %dma_wait3A_79 = arith.constant 0 : i32
      %dma_wait3A_80 = arith.constant 0 : i32
      %dma_wait3A_81 = tpu.memref_slice %arg3[%add3A, %dma_wait3A_79, %dma_wait3A_80] : memref<32x80x128xi32, #tpu.memory_space<hbm>> -> memref<1x40x128xi32, #tpu.memory_space<hbm>>
      %dma_wait3A_82 = tpu.memref_squeeze %dma_wait3A_81 : memref<1x40x128xi32, #tpu.memory_space<hbm>> -> memref<40x128xi32, #tpu.memory_space<hbm>>
      tpu.wait_dma2 semaphore(%run_scoped3A : memref<!tpu.dma_semaphore, #tpu.memory_space<semaphore_mem>>) src(%dma_wait3A_82 : memref<40x128xi32, #tpu.memory_space<hbm>>) dst(%arg7 : memref<40x128xi32, #tpu.memory_space<vmem>>)
      tpu.yield
    }) : () -> ()
    "tpu.region"() ({
      %run_scoped3A = tpu.sem_alloc : memref<!tpu.dma_semaphore, #tpu.memory_space<semaphore_mem>>
      %dma_start3A_68 = arith.constant 0 : i32
      %dma_start3A_69 = arith.constant 0 : i32
      %dma_start3A_70 = tpu.memref_slice %arg4[%add3A, %dma_start3A_68, %dma_start3A_69] : memref<32x80x128xi32, #tpu.memory_space<hbm>> -> memref<1x40x128xi32, #tpu.memory_space<hbm>>
      %dma_start3A_71 = tpu.memref_squeeze %dma_start3A_70 : memref<1x40x128xi32, #tpu.memory_space<hbm>> -> memref<40x128xi32, #tpu.memory_space<hbm>>
      %dma_start3A_72 = arith.constant 0 : i32
      %dma_start3A_73 = arith.constant 0 : i32
      %dma_start3A_74 = tpu.memref_slice %arg4[%add3A, %dma_start3A_72, %dma_start3A_73] : memref<32x80x128xi32, #tpu.memory_space<hbm>> -> memref<1x40x128xi32, #tpu.memory_space<hbm>>
      %dma_start3A_75 = tpu.memref_squeeze %dma_start3A_74 : memref<1x40x128xi32, #tpu.memory_space<hbm>> -> memref<40x128xi32, #tpu.memory_space<hbm>>
      tpu.enqueue_dma source(%dma_start3A_75 : memref<40x128xi32, #tpu.memory_space<hbm>>) target(%arg8 : memref<40x128xi32, #tpu.memory_space<vmem>>) target_semaphore(%run_scoped3A : memref<!tpu.dma_semaphore, #tpu.memory_space<semaphore_mem>>)
      %dma_wait3A = arith.constant 0 : i32
      %dma_wait3A_76 = arith.constant 0 : i32
      %dma_wait3A_77 = tpu.memref_slice %arg4[%add3A, %dma_wait3A, %dma_wait3A_76] : memref<32x80x128xi32, #tpu.memory_space<hbm>> -> memref<1x40x128xi32, #tpu.memory_space<hbm>>
      %dma_wait3A_78 = tpu.memref_squeeze %dma_wait3A_77 : memref<1x40x128xi32, #tpu.memory_space<hbm>> -> memref<40x128xi32, #tpu.memory_space<hbm>>
      %dma_wait3A_79 = arith.constant 0 : i32
      %dma_wait3A_80 = arith.constant 0 : i32
      %dma_wait3A_81 = tpu.memref_slice %arg4[%add3A, %dma_wait3A_79, %dma_wait3A_80] : memref<32x80x128xi32, #tpu.memory_space<hbm>> -> memref<1x40x128xi32, #tpu.memory_space<hbm>>
      %dma_wait3A_82 = tpu.memref_squeeze %dma_wait3A_81 : memref<1x40x128xi32, #tpu.memory_space<hbm>> -> memref<40x128xi32, #tpu.memory_space<hbm>>
      tpu.wait_dma2 semaphore(%run_scoped3A : memref<!tpu.dma_semaphore, #tpu.memory_space<semaphore_mem>>) src(%dma_wait3A_82 : memref<40x128xi32, #tpu.memory_space<hbm>>) dst(%arg8 : memref<40x128xi32, #tpu.memory_space<vmem>>)
      tpu.yield
    }) : () -> ()
    %dma_start3A = arith.constant 0 : i32
    %dma_start3A_23 = arith.constant 0 : i32
    %dma_start3A_24 = tpu.memref_slice %arg7[%dma_start3A, %dma_start3A_23] : memref<40x128xi32, #tpu.memory_space<vmem>> -> memref<1x128xi32, #tpu.memory_space<vmem>>
    %dma_start3A_25 = tpu.memref_squeeze %dma_start3A_24 : memref<1x128xi32, #tpu.memory_space<vmem>> -> memref<128xi32, #tpu.memory_space<vmem>>
    %dma_start3A_26 = arith.constant 0 : i32
    %dma_start3A_27 = arith.constant 0 : i32
    %dma_start3A_28 = tpu.memref_slice %arg2[%dma_start3A_26, %dma_start3A_27] : memref<10112x128xf32, #tpu.memory_space<hbm>> -> memref<10112x128xf32, #tpu.memory_space<hbm>>
    tpu.enqueue_indirect_dma source(%dma_start3A_28 : memref<10112x128xf32, #tpu.memory_space<hbm>>) target(%arg9 : memref<128x128xf32, #tpu.memory_space<vmem>>) offsets(%dma_start3A_25 : memref<128xi32, #tpu.memory_space<vmem>>) semaphore(%arg12 : memref<!tpu.dma_semaphore, #tpu.memory_space<semaphore_mem>>)
    %scan3A = arith.constant 0 : i32
    %scan3A_29 = arith.constant 0 : i32
    %scan3A_30 = arith.constant 20 : i32
    %scan3A_31 = arith.addi %scan3A_29, %scan3A_30 : i32
    %scan3A_32 = arith.constant 1 : i32
    scf.for %scan3A_68 = %scan3A_29 to %scan3A_31 step %scan3A_32  : i32 {
      %mul3A_69 = arith.constant 2 : i32
      %mul3A_70 = arith.muli %mul3A_69, %scan3A_68 : i32
      %add3A_71 = arith.constant 1 : i32
      %add3A_72 = arith.addi %mul3A_70, %add3A_71 : i32
      %mul3A_73 = arith.constant 2 : i32
      %mul3A_74 = arith.muli %mul3A_73, %scan3A_68 : i32
      %add3A_75 = arith.constant 2 : i32
      %add3A_76 = arith.addi %mul3A_74, %add3A_75 : i32
      %dma_start3A_77 = arith.constant 0 : i32
      %dma_start3A_78 = tpu.memref_slice %arg7[%add3A_72, %dma_start3A_77] : memref<40x128xi32, #tpu.memory_space<vmem>> -> memref<1x128xi32, #tpu.memory_space<vmem>>
      %dma_start3A_79 = tpu.memref_squeeze %dma_start3A_78 : memref<1x128xi32, #tpu.memory_space<vmem>> -> memref<128xi32, #tpu.memory_space<vmem>>
      %dma_start3A_80 = arith.constant 0 : i32
      %dma_start3A_81 = arith.constant 0 : i32
      %dma_start3A_82 = tpu.memref_slice %arg2[%dma_start3A_80, %dma_start3A_81] : memref<10112x128xf32, #tpu.memory_space<hbm>> -> memref<10112x128xf32, #tpu.memory_space<hbm>>
      tpu.enqueue_indirect_dma source(%dma_start3A_82 : memref<10112x128xf32, #tpu.memory_space<hbm>>) target(%arg10 : memref<128x128xf32, #tpu.memory_space<vmem>>) offsets(%dma_start3A_79 : memref<128xi32, #tpu.memory_space<vmem>>) semaphore(%arg13 : memref<!tpu.dma_semaphore, #tpu.memory_space<semaphore_mem>>)
      %mul3A_83 = arith.constant 2 : i32
      %mul3A_84 = arith.muli %mul3A_83, %scan3A_68 : i32
      %dma_wait3A = arith.constant 0 : i32
      %dma_wait3A_85 = tpu.memref_slice %arg7[%mul3A_84, %dma_wait3A] : memref<40x128xi32, #tpu.memory_space<vmem>> -> memref<1x128xi32, #tpu.memory_space<vmem>>
      %dma_wait3A_86 = tpu.memref_squeeze %dma_wait3A_85 : memref<1x128xi32, #tpu.memory_space<vmem>> -> memref<128xi32, #tpu.memory_space<vmem>>
      %dma_wait3A_87 = arith.constant 0 : i32
      %dma_wait3A_88 = arith.constant 0 : i32
      %dma_wait3A_89 = tpu.memref_slice %arg2[%dma_wait3A_87, %dma_wait3A_88] : memref<10112x128xf32, #tpu.memory_space<hbm>> -> memref<10112x128xf32, #tpu.memory_space<hbm>>
      tpu.wait_indirect_dma semaphore(%arg12 : memref<!tpu.dma_semaphore, #tpu.memory_space<semaphore_mem>>) src(%dma_wait3A_89 : memref<10112x128xf32, #tpu.memory_space<hbm>>) dst(%arg9 : memref<128x128xf32, #tpu.memory_space<vmem>>)
      %mul3A_90 = arith.constant 2 : i32
      %mul3A_91 = arith.muli %mul3A_90, %scan3A_68 : i32
      %dma_start3A_92 = arith.constant 0 : i32
      %dma_start3A_93 = tpu.memref_slice %arg8[%mul3A_91, %dma_start3A_92] : memref<40x128xi32, #tpu.memory_space<vmem>> -> memref<1x128xi32, #tpu.memory_space<vmem>>
      %dma_start3A_94 = tpu.memref_squeeze %dma_start3A_93 : memref<1x128xi32, #tpu.memory_space<vmem>> -> memref<128xi32, #tpu.memory_space<vmem>>
      %dma_start3A_95 = arith.constant 0 : i32
      %dma_start3A_96 = arith.constant 0 : i32
      %dma_start3A_97 = tpu.memref_slice %arg11[%dma_start3A_95, %dma_start3A_96] : memref<10112x128xf32, #tpu.memory_space<vmem_shared>> -> memref<10112x128xf32, #tpu.memory_space<vmem_shared>>
      tpu.enqueue_indirect_dma source(%arg9 : memref<128x128xf32, #tpu.memory_space<vmem>>) target(%dma_start3A_97 : memref<10112x128xf32, #tpu.memory_space<vmem_shared>>) offsets(%dma_start3A_94 : memref<128xi32, #tpu.memory_space<vmem>>) semaphore(%arg14 : memref<!tpu.dma_semaphore, #tpu.memory_space<semaphore_mem>>) {add = true}
      %dma_wait3A_98 = arith.constant 0 : i32
      %dma_wait3A_99 = tpu.memref_slice %arg7[%add3A_72, %dma_wait3A_98] : memref<40x128xi32, #tpu.memory_space<vmem>> -> memref<1x128xi32, #tpu.memory_space<vmem>>
      %dma_wait3A_100 = tpu.memref_squeeze %dma_wait3A_99 : memref<1x128xi32, #tpu.memory_space<vmem>> -> memref<128xi32, #tpu.memory_space<vmem>>
      %dma_wait3A_101 = arith.constant 0 : i32
      %dma_wait3A_102 = arith.constant 0 : i32
      %dma_wait3A_103 = tpu.memref_slice %arg2[%dma_wait3A_101, %dma_wait3A_102] : memref<10112x128xf32, #tpu.memory_space<hbm>> -> memref<10112x128xf32, #tpu.memory_space<hbm>>
      tpu.wait_indirect_dma semaphore(%arg13 : memref<!tpu.dma_semaphore, #tpu.memory_space<semaphore_mem>>) src(%dma_wait3A_103 : memref<10112x128xf32, #tpu.memory_space<hbm>>) dst(%arg10 : memref<128x128xf32, #tpu.memory_space<vmem>>)
      %dma_start3A_104 = arith.constant 0 : i32
      %dma_start3A_105 = tpu.memref_slice %arg8[%add3A_72, %dma_start3A_104] : memref<40x128xi32, #tpu.memory_space<vmem>> -> memref<1x128xi32, #tpu.memory_space<vmem>>
      %dma_start3A_106 = tpu.memref_squeeze %dma_start3A_105 : memref<1x128xi32, #tpu.memory_space<vmem>> -> memref<128xi32, #tpu.memory_space<vmem>>
      %dma_start3A_107 = arith.constant 0 : i32
      %dma_start3A_108 = arith.constant 0 : i32
      %dma_start3A_109 = tpu.memref_slice %arg11[%dma_start3A_107, %dma_start3A_108] : memref<10112x128xf32, #tpu.memory_space<vmem_shared>> -> memref<10112x128xf32, #tpu.memory_space<vmem_shared>>
      tpu.enqueue_indirect_dma source(%arg10 : memref<128x128xf32, #tpu.memory_space<vmem>>) target(%dma_start3A_109 : memref<10112x128xf32, #tpu.memory_space<vmem_shared>>) offsets(%dma_start3A_106 : memref<128xi32, #tpu.memory_space<vmem>>) semaphore(%arg15 : memref<!tpu.dma_semaphore, #tpu.memory_space<semaphore_mem>>) {add = true}
      %mul3A_110 = arith.constant 2 : i32
      %mul3A_111 = arith.muli %mul3A_110, %scan3A_68 : i32
      %dma_wait3A_112 = arith.constant 0 : i32
      %dma_wait3A_113 = tpu.memref_slice %arg8[%mul3A_111, %dma_wait3A_112] : memref<40x128xi32, #tpu.memory_space<vmem>> -> memref<1x128xi32, #tpu.memory_space<vmem>>
      %dma_wait3A_114 = tpu.memref_squeeze %dma_wait3A_113 : memref<1x128xi32, #tpu.memory_space<vmem>> -> memref<128xi32, #tpu.memory_space<vmem>>
      %dma_wait3A_115 = arith.constant 0 : i32
      %dma_wait3A_116 = arith.constant 0 : i32
      %dma_wait3A_117 = tpu.memref_slice %arg11[%dma_wait3A_115, %dma_wait3A_116] : memref<10112x128xf32, #tpu.memory_space<vmem_shared>> -> memref<10112x128xf32, #tpu.memory_space<vmem_shared>>
      tpu.wait_indirect_dma semaphore(%arg14 : memref<!tpu.dma_semaphore, #tpu.memory_space<semaphore_mem>>) src(%arg9 : memref<128x128xf32, #tpu.memory_space<vmem>>) dst(%dma_wait3A_117 : memref<10112x128xf32, #tpu.memory_space<vmem_shared>>)
      %lt3A = arith.constant 40 : i32
      %lt3A_118 = arith.cmpi slt, %add3A_76, %lt3A : i32
      %convert_element_type3A = arith.extui %lt3A_118 : i1 to i32
      %cond3A = arith.constant 0 : i32
      %cond3A_119 = arith.cmpi ne, %convert_element_type3A, %cond3A : i32
      scf.if %cond3A_119 {
        %dma_start3A_126 = arith.constant 0 : i32
        %dma_start3A_127 = tpu.memref_slice %arg7[%add3A_76, %dma_start3A_126] : memref<40x128xi32, #tpu.memory_space<vmem>> -> memref<1x128xi32, #tpu.memory_space<vmem>>
        %dma_start3A_128 = tpu.memref_squeeze %dma_start3A_127 : memref<1x128xi32, #tpu.memory_space<vmem>> -> memref<128xi32, #tpu.memory_space<vmem>>
        %dma_start3A_129 = arith.constant 0 : i32
        %dma_start3A_130 = arith.constant 0 : i32
        %dma_start3A_131 = tpu.memref_slice %arg2[%dma_start3A_129, %dma_start3A_130] : memref<10112x128xf32, #tpu.memory_space<hbm>> -> memref<10112x128xf32, #tpu.memory_space<hbm>>
        tpu.enqueue_indirect_dma source(%dma_start3A_131 : memref<10112x128xf32, #tpu.memory_space<hbm>>) target(%arg9 : memref<128x128xf32, #tpu.memory_space<vmem>>) offsets(%dma_start3A_128 : memref<128xi32, #tpu.memory_space<vmem>>) semaphore(%arg12 : memref<!tpu.dma_semaphore, #tpu.memory_space<semaphore_mem>>)
      } else {
      }
      %dma_wait3A_120 = arith.constant 0 : i32
      %dma_wait3A_121 = tpu.memref_slice %arg8[%add3A_72, %dma_wait3A_120] : memref<40x128xi32, #tpu.memory_space<vmem>> -> memref<1x128xi32, #tpu.memory_space<vmem>>
      %dma_wait3A_122 = tpu.memref_squeeze %dma_wait3A_121 : memref<1x128xi32, #tpu.memory_space<vmem>> -> memref<128xi32, #tpu.memory_space<vmem>>
      %dma_wait3A_123 = arith.constant 0 : i32
      %dma_wait3A_124 = arith.constant 0 : i32
      %dma_wait3A_125 = tpu.memref_slice %arg11[%dma_wait3A_123, %dma_wait3A_124] : memref<10112x128xf32, #tpu.memory_space<vmem_shared>> -> memref<10112x128xf32, #tpu.memory_space<vmem_shared>>
      tpu.wait_indirect_dma semaphore(%arg15 : memref<!tpu.dma_semaphore, #tpu.memory_space<semaphore_mem>>) src(%arg10 : memref<128x128xf32, #tpu.memory_space<vmem>>) dst(%dma_wait3A_125 : memref<10112x128xf32, #tpu.memory_space<vmem_shared>>)
    }
    %scan3A_33 = arith.constant 20 : i32
    "tpu.region"() ({
      %run_scoped3A = tpu.sem_alloc : memref<!tpu.dma_semaphore, #tpu.memory_space<semaphore_mem>>
      %dma_start3A_68 = arith.constant 40 : i32
      %dma_start3A_69 = arith.constant 0 : i32
      %dma_start3A_70 = tpu.memref_slice %arg3[%add3A, %dma_start3A_68, %dma_start3A_69] : memref<32x80x128xi32, #tpu.memory_space<hbm>> -> memref<1x40x128xi32, #tpu.memory_space<hbm>>
      %dma_start3A_71 = tpu.memref_squeeze %dma_start3A_70 : memref<1x40x128xi32, #tpu.memory_space<hbm>> -> memref<40x128xi32, #tpu.memory_space<hbm>>
      %dma_start3A_72 = arith.constant 40 : i32
      %dma_start3A_73 = arith.constant 0 : i32
      %dma_start3A_74 = tpu.memref_slice %arg3[%add3A, %dma_start3A_72, %dma_start3A_73] : memref<32x80x128xi32, #tpu.memory_space<hbm>> -> memref<1x40x128xi32, #tpu.memory_space<hbm>>
      %dma_start3A_75 = tpu.memref_squeeze %dma_start3A_74 : memref<1x40x128xi32, #tpu.memory_space<hbm>> -> memref<40x128xi32, #tpu.memory_space<hbm>>
      tpu.enqueue_dma source(%dma_start3A_75 : memref<40x128xi32, #tpu.memory_space<hbm>>) target(%arg7 : memref<40x128xi32, #tpu.memory_space<vmem>>) target_semaphore(%run_scoped3A : memref<!tpu.dma_semaphore, #tpu.memory_space<semaphore_mem>>)
      %dma_wait3A = arith.constant 40 : i32
      %dma_wait3A_76 = arith.constant 0 : i32
      %dma_wait3A_77 = tpu.memref_slice %arg3[%add3A, %dma_wait3A, %dma_wait3A_76] : memref<32x80x128xi32, #tpu.memory_space<hbm>> -> memref<1x40x128xi32, #tpu.memory_space<hbm>>
      %dma_wait3A_78 = tpu.memref_squeeze %dma_wait3A_77 : memref<1x40x128xi32, #tpu.memory_space<hbm>> -> memref<40x128xi32, #tpu.memory_space<hbm>>
      %dma_wait3A_79 = arith.constant 40 : i32
      %dma_wait3A_80 = arith.constant 0 : i32
      %dma_wait3A_81 = tpu.memref_slice %arg3[%add3A, %dma_wait3A_79, %dma_wait3A_80] : memref<32x80x128xi32, #tpu.memory_space<hbm>> -> memref<1x40x128xi32, #tpu.memory_space<hbm>>
      %dma_wait3A_82 = tpu.memref_squeeze %dma_wait3A_81 : memref<1x40x128xi32, #tpu.memory_space<hbm>> -> memref<40x128xi32, #tpu.memory_space<hbm>>
      tpu.wait_dma2 semaphore(%run_scoped3A : memref<!tpu.dma_semaphore, #tpu.memory_space<semaphore_mem>>) src(%dma_wait3A_82 : memref<40x128xi32, #tpu.memory_space<hbm>>) dst(%arg7 : memref<40x128xi32, #tpu.memory_space<vmem>>)
      tpu.yield
    }) : () -> ()
    "tpu.region"() ({
      %run_scoped3A = tpu.sem_alloc : memref<!tpu.dma_semaphore, #tpu.memory_space<semaphore_mem>>
      %dma_start3A_68 = arith.constant 40 : i32
      %dma_start3A_69 = arith.constant 0 : i32
      %dma_start3A_70 = tpu.memref_slice %arg4[%add3A, %dma_start3A_68, %dma_start3A_69] : memref<32x80x128xi32, #tpu.memory_space<hbm>> -> memref<1x40x128xi32, #tpu.memory_space<hbm>>
      %dma_start3A_71 = tpu.memref_squeeze %dma_start3A_70 : memref<1x40x128xi32, #tpu.memory_space<hbm>> -> memref<40x128xi32, #tpu.memory_space<hbm>>
      %dma_start3A_72 = arith.constant 40 : i32
      %dma_start3A_73 = arith.constant 0 : i32
      %dma_start3A_74 = tpu.memref_slice %arg4[%add3A, %dma_start3A_72, %dma_start3A_73] : memref<32x80x128xi32, #tpu.memory_space<hbm>> -> memref<1x40x128xi32, #tpu.memory_space<hbm>>
      %dma_start3A_75 = tpu.memref_squeeze %dma_start3A_74 : memref<1x40x128xi32, #tpu.memory_space<hbm>> -> memref<40x128xi32, #tpu.memory_space<hbm>>
      tpu.enqueue_dma source(%dma_start3A_75 : memref<40x128xi32, #tpu.memory_space<hbm>>) target(%arg8 : memref<40x128xi32, #tpu.memory_space<vmem>>) target_semaphore(%run_scoped3A : memref<!tpu.dma_semaphore, #tpu.memory_space<semaphore_mem>>)
      %dma_wait3A = arith.constant 40 : i32
      %dma_wait3A_76 = arith.constant 0 : i32
      %dma_wait3A_77 = tpu.memref_slice %arg4[%add3A, %dma_wait3A, %dma_wait3A_76] : memref<32x80x128xi32, #tpu.memory_space<hbm>> -> memref<1x40x128xi32, #tpu.memory_space<hbm>>
      %dma_wait3A_78 = tpu.memref_squeeze %dma_wait3A_77 : memref<1x40x128xi32, #tpu.memory_space<hbm>> -> memref<40x128xi32, #tpu.memory_space<hbm>>
      %dma_wait3A_79 = arith.constant 40 : i32
      %dma_wait3A_80 = arith.constant 0 : i32
      %dma_wait3A_81 = tpu.memref_slice %arg4[%add3A, %dma_wait3A_79, %dma_wait3A_80] : memref<32x80x128xi32, #tpu.memory_space<hbm>> -> memref<1x40x128xi32, #tpu.memory_space<hbm>>
      %dma_wait3A_82 = tpu.memref_squeeze %dma_wait3A_81 : memref<1x40x128xi32, #tpu.memory_space<hbm>> -> memref<40x128xi32, #tpu.memory_space<hbm>>
      tpu.wait_dma2 semaphore(%run_scoped3A : memref<!tpu.dma_semaphore, #tpu.memory_space<semaphore_mem>>) src(%dma_wait3A_82 : memref<40x128xi32, #tpu.memory_space<hbm>>) dst(%arg8 : memref<40x128xi32, #tpu.memory_space<vmem>>)
      tpu.yield
    }) : () -> ()
    %dma_start3A_34 = arith.constant 0 : i32
    %dma_start3A_35 = arith.constant 0 : i32
    %dma_start3A_36 = tpu.memref_slice %arg7[%dma_start3A_34, %dma_start3A_35] : memref<40x128xi32, #tpu.memory_space<vmem>> -> memref<1x128xi32, #tpu.memory_space<vmem>>
    %dma_start3A_37 = tpu.memref_squeeze %dma_start3A_36 : memref<1x128xi32, #tpu.memory_space<vmem>> -> memref<128xi32, #tpu.memory_space<vmem>>
    %dma_start3A_38 = arith.constant 0 : i32
    %dma_start3A_39 = arith.constant 0 : i32
    %dma_start3A_40 = tpu.memref_slice %arg2[%dma_start3A_38, %dma_start3A_39] : memref<10112x128xf32, #tpu.memory_space<hbm>> -> memref<10112x128xf32, #tpu.memory_space<hbm>>
    tpu.enqueue_indirect_dma source(%dma_start3A_40 : memref<10112x128xf32, #tpu.memory_space<hbm>>) target(%arg9 : memref<128x128xf32, #tpu.memory_space<vmem>>) offsets(%dma_start3A_37 : memref<128xi32, #tpu.memory_space<vmem>>) semaphore(%arg12 : memref<!tpu.dma_semaphore, #tpu.memory_space<semaphore_mem>>)
    %scan3A_41 = arith.constant 0 : i32
    %scan3A_42 = arith.constant 0 : i32
    %scan3A_43 = arith.constant 20 : i32
    %scan3A_44 = arith.addi %scan3A_42, %scan3A_43 : i32
    %scan3A_45 = arith.constant 1 : i32
    scf.for %scan3A_68 = %scan3A_42 to %scan3A_44 step %scan3A_45  : i32 {
      %mul3A_69 = arith.constant 2 : i32
      %mul3A_70 = arith.muli %mul3A_69, %scan3A_68 : i32
      %add3A_71 = arith.constant 1 : i32
      %add3A_72 = arith.addi %mul3A_70, %add3A_71 : i32
      %mul3A_73 = arith.constant 2 : i32
      %mul3A_74 = arith.muli %mul3A_73, %scan3A_68 : i32
      %add3A_75 = arith.constant 2 : i32
      %add3A_76 = arith.addi %mul3A_74, %add3A_75 : i32
      %dma_start3A_77 = arith.constant 0 : i32
      %dma_start3A_78 = tpu.memref_slice %arg7[%add3A_72, %dma_start3A_77] : memref<40x128xi32, #tpu.memory_space<vmem>> -> memref<1x128xi32, #tpu.memory_space<vmem>>
      %dma_start3A_79 = tpu.memref_squeeze %dma_start3A_78 : memref<1x128xi32, #tpu.memory_space<vmem>> -> memref<128xi32, #tpu.memory_space<vmem>>
      %dma_start3A_80 = arith.constant 0 : i32
      %dma_start3A_81 = arith.constant 0 : i32
      %dma_start3A_82 = tpu.memref_slice %arg2[%dma_start3A_80, %dma_start3A_81] : memref<10112x128xf32, #tpu.memory_space<hbm>> -> memref<10112x128xf32, #tpu.memory_space<hbm>>
      tpu.enqueue_indirect_dma source(%dma_start3A_82 : memref<10112x128xf32, #tpu.memory_space<hbm>>) target(%arg10 : memref<128x128xf32, #tpu.memory_space<vmem>>) offsets(%dma_start3A_79 : memref<128xi32, #tpu.memory_space<vmem>>) semaphore(%arg13 : memref<!tpu.dma_semaphore, #tpu.memory_space<semaphore_mem>>)
      %mul3A_83 = arith.constant 2 : i32
      %mul3A_84 = arith.muli %mul3A_83, %scan3A_68 : i32
      %dma_wait3A = arith.constant 0 : i32
      %dma_wait3A_85 = tpu.memref_slice %arg7[%mul3A_84, %dma_wait3A] : memref<40x128xi32, #tpu.memory_space<vmem>> -> memref<1x128xi32, #tpu.memory_space<vmem>>
      %dma_wait3A_86 = tpu.memref_squeeze %dma_wait3A_85 : memref<1x128xi32, #tpu.memory_space<vmem>> -> memref<128xi32, #tpu.memory_space<vmem>>
      %dma_wait3A_87 = arith.constant 0 : i32
      %dma_wait3A_88 = arith.constant 0 : i32
      %dma_wait3A_89 = tpu.memref_slice %arg2[%dma_wait3A_87, %dma_wait3A_88] : memref<10112x128xf32, #tpu.memory_space<hbm>> -> memref<10112x128xf32, #tpu.memory_space<hbm>>
      tpu.wait_indirect_dma semaphore(%arg12 : memref<!tpu.dma_semaphore, #tpu.memory_space<semaphore_mem>>) src(%dma_wait3A_89 : memref<10112x128xf32, #tpu.memory_space<hbm>>) dst(%arg9 : memref<128x128xf32, #tpu.memory_space<vmem>>)
      %mul3A_90 = arith.constant 2 : i32
      %mul3A_91 = arith.muli %mul3A_90, %scan3A_68 : i32
      %dma_start3A_92 = arith.constant 0 : i32
      %dma_start3A_93 = tpu.memref_slice %arg8[%mul3A_91, %dma_start3A_92] : memref<40x128xi32, #tpu.memory_space<vmem>> -> memref<1x128xi32, #tpu.memory_space<vmem>>
      %dma_start3A_94 = tpu.memref_squeeze %dma_start3A_93 : memref<1x128xi32, #tpu.memory_space<vmem>> -> memref<128xi32, #tpu.memory_space<vmem>>
      %dma_start3A_95 = arith.constant 0 : i32
      %dma_start3A_96 = arith.constant 0 : i32
      %dma_start3A_97 = tpu.memref_slice %arg11[%dma_start3A_95, %dma_start3A_96] : memref<10112x128xf32, #tpu.memory_space<vmem_shared>> -> memref<10112x128xf32, #tpu.memory_space<vmem_shared>>
      tpu.enqueue_indirect_dma source(%arg9 : memref<128x128xf32, #tpu.memory_space<vmem>>) target(%dma_start3A_97 : memref<10112x128xf32, #tpu.memory_space<vmem_shared>>) offsets(%dma_start3A_94 : memref<128xi32, #tpu.memory_space<vmem>>) semaphore(%arg14 : memref<!tpu.dma_semaphore, #tpu.memory_space<semaphore_mem>>) {add = true}
      %dma_wait3A_98 = arith.constant 0 : i32
      %dma_wait3A_99 = tpu.memref_slice %arg7[%add3A_72, %dma_wait3A_98] : memref<40x128xi32, #tpu.memory_space<vmem>> -> memref<1x128xi32, #tpu.memory_space<vmem>>
      %dma_wait3A_100 = tpu.memref_squeeze %dma_wait3A_99 : memref<1x128xi32, #tpu.memory_space<vmem>> -> memref<128xi32, #tpu.memory_space<vmem>>
      %dma_wait3A_101 = arith.constant 0 : i32
      %dma_wait3A_102 = arith.constant 0 : i32
      %dma_wait3A_103 = tpu.memref_slice %arg2[%dma_wait3A_101, %dma_wait3A_102] : memref<10112x128xf32, #tpu.memory_space<hbm>> -> memref<10112x128xf32, #tpu.memory_space<hbm>>
      tpu.wait_indirect_dma semaphore(%arg13 : memref<!tpu.dma_semaphore, #tpu.memory_space<semaphore_mem>>) src(%dma_wait3A_103 : memref<10112x128xf32, #tpu.memory_space<hbm>>) dst(%arg10 : memref<128x128xf32, #tpu.memory_space<vmem>>)
      %dma_start3A_104 = arith.constant 0 : i32
      %dma_start3A_105 = tpu.memref_slice %arg8[%add3A_72, %dma_start3A_104] : memref<40x128xi32, #tpu.memory_space<vmem>> -> memref<1x128xi32, #tpu.memory_space<vmem>>
      %dma_start3A_106 = tpu.memref_squeeze %dma_start3A_105 : memref<1x128xi32, #tpu.memory_space<vmem>> -> memref<128xi32, #tpu.memory_space<vmem>>
      %dma_start3A_107 = arith.constant 0 : i32
      %dma_start3A_108 = arith.constant 0 : i32
      %dma_start3A_109 = tpu.memref_slice %arg11[%dma_start3A_107, %dma_start3A_108] : memref<10112x128xf32, #tpu.memory_space<vmem_shared>> -> memref<10112x128xf32, #tpu.memory_space<vmem_shared>>
      tpu.enqueue_indirect_dma source(%arg10 : memref<128x128xf32, #tpu.memory_space<vmem>>) target(%dma_start3A_109 : memref<10112x128xf32, #tpu.memory_space<vmem_shared>>) offsets(%dma_start3A_106 : memref<128xi32, #tpu.memory_space<vmem>>) semaphore(%arg15 : memref<!tpu.dma_semaphore, #tpu.memory_space<semaphore_mem>>) {add = true}
      %mul3A_110 = arith.constant 2 : i32
      %mul3A_111 = arith.muli %mul3A_110, %scan3A_68 : i32
      %dma_wait3A_112 = arith.constant 0 : i32
      %dma_wait3A_113 = tpu.memref_slice %arg8[%mul3A_111, %dma_wait3A_112] : memref<40x128xi32, #tpu.memory_space<vmem>> -> memref<1x128xi32, #tpu.memory_space<vmem>>
      %dma_wait3A_114 = tpu.memref_squeeze %dma_wait3A_113 : memref<1x128xi32, #tpu.memory_space<vmem>> -> memref<128xi32, #tpu.memory_space<vmem>>
      %dma_wait3A_115 = arith.constant 0 : i32
      %dma_wait3A_116 = arith.constant 0 : i32
      %dma_wait3A_117 = tpu.memref_slice %arg11[%dma_wait3A_115, %dma_wait3A_116] : memref<10112x128xf32, #tpu.memory_space<vmem_shared>> -> memref<10112x128xf32, #tpu.memory_space<vmem_shared>>
      tpu.wait_indirect_dma semaphore(%arg14 : memref<!tpu.dma_semaphore, #tpu.memory_space<semaphore_mem>>) src(%arg9 : memref<128x128xf32, #tpu.memory_space<vmem>>) dst(%dma_wait3A_117 : memref<10112x128xf32, #tpu.memory_space<vmem_shared>>)
      %lt3A = arith.constant 40 : i32
      %lt3A_118 = arith.cmpi slt, %add3A_76, %lt3A : i32
      %convert_element_type3A = arith.extui %lt3A_118 : i1 to i32
      %cond3A = arith.constant 0 : i32
      %cond3A_119 = arith.cmpi ne, %convert_element_type3A, %cond3A : i32
      scf.if %cond3A_119 {
        %dma_start3A_126 = arith.constant 0 : i32
        %dma_start3A_127 = tpu.memref_slice %arg7[%add3A_76, %dma_start3A_126] : memref<40x128xi32, #tpu.memory_space<vmem>> -> memref<1x128xi32, #tpu.memory_space<vmem>>
        %dma_start3A_128 = tpu.memref_squeeze %dma_start3A_127 : memref<1x128xi32, #tpu.memory_space<vmem>> -> memref<128xi32, #tpu.memory_space<vmem>>
        %dma_start3A_129 = arith.constant 0 : i32
        %dma_start3A_130 = arith.constant 0 : i32
        %dma_start3A_131 = tpu.memref_slice %arg2[%dma_start3A_129, %dma_start3A_130] : memref<10112x128xf32, #tpu.memory_space<hbm>> -> memref<10112x128xf32, #tpu.memory_space<hbm>>
        tpu.enqueue_indirect_dma source(%dma_start3A_131 : memref<10112x128xf32, #tpu.memory_space<hbm>>) target(%arg9 : memref<128x128xf32, #tpu.memory_space<vmem>>) offsets(%dma_start3A_128 : memref<128xi32, #tpu.memory_space<vmem>>) semaphore(%arg12 : memref<!tpu.dma_semaphore, #tpu.memory_space<semaphore_mem>>)
      } else {
      }
      %dma_wait3A_120 = arith.constant 0 : i32
      %dma_wait3A_121 = tpu.memref_slice %arg8[%add3A_72, %dma_wait3A_120] : memref<40x128xi32, #tpu.memory_space<vmem>> -> memref<1x128xi32, #tpu.memory_space<vmem>>
      %dma_wait3A_122 = tpu.memref_squeeze %dma_wait3A_121 : memref<1x128xi32, #tpu.memory_space<vmem>> -> memref<128xi32, #tpu.memory_space<vmem>>
      %dma_wait3A_123 = arith.constant 0 : i32
      %dma_wait3A_124 = arith.constant 0 : i32
      %dma_wait3A_125 = tpu.memref_slice %arg11[%dma_wait3A_123, %dma_wait3A_124] : memref<10112x128xf32, #tpu.memory_space<vmem_shared>> -> memref<10112x128xf32, #tpu.memory_space<vmem_shared>>
      tpu.wait_indirect_dma semaphore(%arg15 : memref<!tpu.dma_semaphore, #tpu.memory_space<semaphore_mem>>) src(%arg10 : memref<128x128xf32, #tpu.memory_space<vmem>>) dst(%dma_wait3A_125 : memref<10112x128xf32, #tpu.memory_space<vmem_shared>>)
    }
    %scan3A_46 = arith.constant 20 : i32
    %barrier3A_47 = arith.constant 0 : index
    tpu.barrier barrier_id(%barrier3A_47)
    %add3A_48 = arith.constant 0 : i32
    %add3A_49 = arith.addi %mul3A_2, %add3A_48 : i32
    "tpu.region"() ({
      %run_scoped3A = tpu.sem_alloc : memref<!tpu.dma_semaphore, #tpu.memory_space<semaphore_mem>>
      %dma_start3A_68 = arith.constant 0 : i32
      %dma_start3A_69 = arith.constant 0 : i32
      %dma_start3A_70 = tpu.memref_slice %arg9[%dma_start3A_68, %dma_start3A_69] : memref<128x128xf32, #tpu.memory_space<vmem>> -> memref<128x128xf32, #tpu.memory_space<vmem>>
      %dma_start3A_71 = arith.constant 0 : i32
      %dma_start3A_72 = tpu.memref_slice %arg11[%add3A_49, %dma_start3A_71] : memref<10112x128xf32, #tpu.memory_space<vmem_shared>> -> memref<128x128xf32, #tpu.memory_space<vmem_shared>>
      %dma_start3A_73 = arith.constant 0 : i32
      %dma_start3A_74 = arith.constant 0 : i32
      %dma_start3A_75 = tpu.memref_slice %arg9[%dma_start3A_73, %dma_start3A_74] : memref<128x128xf32, #tpu.memory_space<vmem>> -> memref<128x128xf32, #tpu.memory_space<vmem>>
      %dma_start3A_76 = arith.constant 0 : i32
      %dma_start3A_77 = tpu.memref_slice %arg11[%add3A_49, %dma_start3A_76] : memref<10112x128xf32, #tpu.memory_space<vmem_shared>> -> memref<128x128xf32, #tpu.memory_space<vmem_shared>>
      tpu.enqueue_dma source(%dma_start3A_77 : memref<128x128xf32, #tpu.memory_space<vmem_shared>>) target(%dma_start3A_75 : memref<128x128xf32, #tpu.memory_space<vmem>>) target_semaphore(%run_scoped3A : memref<!tpu.dma_semaphore, #tpu.memory_space<semaphore_mem>>)
      %dma_wait3A = arith.constant 0 : i32
      %dma_wait3A_78 = arith.constant 0 : i32
      %dma_wait3A_79 = tpu.memref_slice %arg9[%dma_wait3A, %dma_wait3A_78] : memref<128x128xf32, #tpu.memory_space<vmem>> -> memref<128x128xf32, #tpu.memory_space<vmem>>
      %dma_wait3A_80 = arith.constant 0 : i32
      %dma_wait3A_81 = tpu.memref_slice %arg11[%add3A_49, %dma_wait3A_80] : memref<10112x128xf32, #tpu.memory_space<vmem_shared>> -> memref<128x128xf32, #tpu.memory_space<vmem_shared>>
      %dma_wait3A_82 = arith.constant 0 : i32
      %dma_wait3A_83 = arith.constant 0 : i32
      %dma_wait3A_84 = tpu.memref_slice %arg9[%dma_wait3A_82, %dma_wait3A_83] : memref<128x128xf32, #tpu.memory_space<vmem>> -> memref<128x128xf32, #tpu.memory_space<vmem>>
      %dma_wait3A_85 = arith.constant 0 : i32
      %dma_wait3A_86 = tpu.memref_slice %arg11[%add3A_49, %dma_wait3A_85] : memref<10112x128xf32, #tpu.memory_space<vmem_shared>> -> memref<128x128xf32, #tpu.memory_space<vmem_shared>>
      tpu.wait_dma2 semaphore(%run_scoped3A : memref<!tpu.dma_semaphore, #tpu.memory_space<semaphore_mem>>) src(%dma_wait3A_86 : memref<128x128xf32, #tpu.memory_space<vmem_shared>>) dst(%dma_wait3A_84 : memref<128x128xf32, #tpu.memory_space<vmem>>)
      tpu.yield
    }) : () -> ()
    %add3A_50 = arith.constant 0 : i32
    %add3A_51 = arith.addi %mul3A_2, %add3A_50 : i32
    "tpu.region"() ({
      %run_scoped3A = tpu.sem_alloc : memref<!tpu.dma_semaphore, #tpu.memory_space<semaphore_mem>>
      %dma_start3A_68 = arith.constant 0 : i32
      %dma_start3A_69 = arith.constant 0 : i32
      %dma_start3A_70 = tpu.memref_slice %arg9[%dma_start3A_68, %dma_start3A_69] : memref<128x128xf32, #tpu.memory_space<vmem>> -> memref<128x128xf32, #tpu.memory_space<vmem>>
      %dma_start3A_71 = arith.constant 0 : i32
      %dma_start3A_72 = tpu.memref_slice %arg6[%arg0, %add3A_51, %dma_start3A_71] : memref<2x10112x128xf32, #tpu.memory_space<hbm>> -> memref<1x128x128xf32, #tpu.memory_space<hbm>>
      %dma_start3A_73 = tpu.memref_squeeze %dma_start3A_72 : memref<1x128x128xf32, #tpu.memory_space<hbm>> -> memref<128x128xf32, #tpu.memory_space<hbm>>
      %dma_start3A_74 = arith.constant 0 : i32
      %dma_start3A_75 = tpu.memref_slice %arg6[%arg0, %add3A_51, %dma_start3A_74] : memref<2x10112x128xf32, #tpu.memory_space<hbm>> -> memref<1x128x128xf32, #tpu.memory_space<hbm>>
      %dma_start3A_76 = tpu.memref_squeeze %dma_start3A_75 : memref<1x128x128xf32, #tpu.memory_space<hbm>> -> memref<128x128xf32, #tpu.memory_space<hbm>>
      %dma_start3A_77 = arith.constant 0 : i32
      %dma_start3A_78 = arith.constant 0 : i32
      %dma_start3A_79 = tpu.memref_slice %arg9[%dma_start3A_77, %dma_start3A_78] : memref<128x128xf32, #tpu.memory_space<vmem>> -> memref<128x128xf32, #tpu.memory_space<vmem>>
      tpu.enqueue_dma source(%dma_start3A_79 : memref<128x128xf32, #tpu.memory_space<vmem>>) target(%dma_start3A_76 : memref<128x128xf32, #tpu.memory_space<hbm>>) target_semaphore(%run_scoped3A : memref<!tpu.dma_semaphore, #tpu.memory_space<semaphore_mem>>)
      %dma_wait3A = arith.constant 0 : i32
      %dma_wait3A_80 = arith.constant 0 : i32
      %dma_wait3A_81 = tpu.memref_slice %arg9[%dma_wait3A, %dma_wait3A_80] : memref<128x128xf32, #tpu.memory_space<vmem>> -> memref<128x128xf32, #tpu.memory_space<vmem>>
      %dma_wait3A_82 = arith.constant 0 : i32
      %dma_wait3A_83 = tpu.memref_slice %arg6[%arg0, %add3A_51, %dma_wait3A_82] : memref<2x10112x128xf32, #tpu.memory_space<hbm>> -> memref<1x128x128xf32, #tpu.memory_space<hbm>>
      %dma_wait3A_84 = tpu.memref_squeeze %dma_wait3A_83 : memref<1x128x128xf32, #tpu.memory_space<hbm>> -> memref<128x128xf32, #tpu.memory_space<hbm>>
      %dma_wait3A_85 = arith.constant 0 : i32
      %dma_wait3A_86 = tpu.memref_slice %arg6[%arg0, %add3A_51, %dma_wait3A_85] : memref<2x10112x128xf32, #tpu.memory_space<hbm>> -> memref<1x128x128xf32, #tpu.memory_space<hbm>>
      %dma_wait3A_87 = tpu.memref_squeeze %dma_wait3A_86 : memref<1x128x128xf32, #tpu.memory_space<hbm>> -> memref<128x128xf32, #tpu.memory_space<hbm>>
      %dma_wait3A_88 = arith.constant 0 : i32
      %dma_wait3A_89 = arith.constant 0 : i32
      %dma_wait3A_90 = tpu.memref_slice %arg9[%dma_wait3A_88, %dma_wait3A_89] : memref<128x128xf32, #tpu.memory_space<vmem>> -> memref<128x128xf32, #tpu.memory_space<vmem>>
      tpu.wait_dma2 semaphore(%run_scoped3A : memref<!tpu.dma_semaphore, #tpu.memory_space<semaphore_mem>>) src(%dma_wait3A_90 : memref<128x128xf32, #tpu.memory_space<vmem>>) dst(%dma_wait3A_87 : memref<128x128xf32, #tpu.memory_space<hbm>>)
      tpu.yield
    }) : () -> ()
    %add3A_52 = arith.constant 128 : i32
    %add3A_53 = arith.addi %mul3A_2, %add3A_52 : i32
    "tpu.region"() ({
      %run_scoped3A = tpu.sem_alloc : memref<!tpu.dma_semaphore, #tpu.memory_space<semaphore_mem>>
      %dma_start3A_68 = arith.constant 0 : i32
      %dma_start3A_69 = arith.constant 0 : i32
      %dma_start3A_70 = tpu.memref_slice %arg9[%dma_start3A_68, %dma_start3A_69] : memref<128x128xf32, #tpu.memory_space<vmem>> -> memref<128x128xf32, #tpu.memory_space<vmem>>
      %dma_start3A_71 = arith.constant 0 : i32
      %dma_start3A_72 = tpu.memref_slice %arg11[%add3A_53, %dma_start3A_71] : memref<10112x128xf32, #tpu.memory_space<vmem_shared>> -> memref<128x128xf32, #tpu.memory_space<vmem_shared>>
      %dma_start3A_73 = arith.constant 0 : i32
      %dma_start3A_74 = arith.constant 0 : i32
      %dma_start3A_75 = tpu.memref_slice %arg9[%dma_start3A_73, %dma_start3A_74] : memref<128x128xf32, #tpu.memory_space<vmem>> -> memref<128x128xf32, #tpu.memory_space<vmem>>
      %dma_start3A_76 = arith.constant 0 : i32
      %dma_start3A_77 = tpu.memref_slice %arg11[%add3A_53, %dma_start3A_76] : memref<10112x128xf32, #tpu.memory_space<vmem_shared>> -> memref<128x128xf32, #tpu.memory_space<vmem_shared>>
      tpu.enqueue_dma source(%dma_start3A_77 : memref<128x128xf32, #tpu.memory_space<vmem_shared>>) target(%dma_start3A_75 : memref<128x128xf32, #tpu.memory_space<vmem>>) target_semaphore(%run_scoped3A : memref<!tpu.dma_semaphore, #tpu.memory_space<semaphore_mem>>)
      %dma_wait3A = arith.constant 0 : i32
      %dma_wait3A_78 = arith.constant 0 : i32
      %dma_wait3A_79 = tpu.memref_slice %arg9[%dma_wait3A, %dma_wait3A_78] : memref<128x128xf32, #tpu.memory_space<vmem>> -> memref<128x128xf32, #tpu.memory_space<vmem>>
      %dma_wait3A_80 = arith.constant 0 : i32
      %dma_wait3A_81 = tpu.memref_slice %arg11[%add3A_53, %dma_wait3A_80] : memref<10112x128xf32, #tpu.memory_space<vmem_shared>> -> memref<128x128xf32, #tpu.memory_space<vmem_shared>>
      %dma_wait3A_82 = arith.constant 0 : i32
      %dma_wait3A_83 = arith.constant 0 : i32
      %dma_wait3A_84 = tpu.memref_slice %arg9[%dma_wait3A_82, %dma_wait3A_83] : memref<128x128xf32, #tpu.memory_space<vmem>> -> memref<128x128xf32, #tpu.memory_space<vmem>>
      %dma_wait3A_85 = arith.constant 0 : i32
      %dma_wait3A_86 = tpu.memref_slice %arg11[%add3A_53, %dma_wait3A_85] : memref<10112x128xf32, #tpu.memory_space<vmem_shared>> -> memref<128x128xf32, #tpu.memory_space<vmem_shared>>
      tpu.wait_dma2 semaphore(%run_scoped3A : memref<!tpu.dma_semaphore, #tpu.memory_space<semaphore_mem>>) src(%dma_wait3A_86 : memref<128x128xf32, #tpu.memory_space<vmem_shared>>) dst(%dma_wait3A_84 : memref<128x128xf32, #tpu.memory_space<vmem>>)
      tpu.yield
    }) : () -> ()
    %add3A_54 = arith.constant 128 : i32
    %add3A_55 = arith.addi %mul3A_2, %add3A_54 : i32
    "tpu.region"() ({
      %run_scoped3A = tpu.sem_alloc : memref<!tpu.dma_semaphore, #tpu.memory_space<semaphore_mem>>
      %dma_start3A_68 = arith.constant 0 : i32
      %dma_start3A_69 = arith.constant 0 : i32
      %dma_start3A_70 = tpu.memref_slice %arg9[%dma_start3A_68, %dma_start3A_69] : memref<128x128xf32, #tpu.memory_space<vmem>> -> memref<128x128xf32, #tpu.memory_space<vmem>>
      %dma_start3A_71 = arith.constant 0 : i32
      %dma_start3A_72 = tpu.memref_slice %arg6[%arg0, %add3A_55, %dma_start3A_71] : memref<2x10112x128xf32, #tpu.memory_space<hbm>> -> memref<1x128x128xf32, #tpu.memory_space<hbm>>
      %dma_start3A_73 = tpu.memref_squeeze %dma_start3A_72 : memref<1x128x128xf32, #tpu.memory_space<hbm>> -> memref<128x128xf32, #tpu.memory_space<hbm>>
      %dma_start3A_74 = arith.constant 0 : i32
      %dma_start3A_75 = tpu.memref_slice %arg6[%arg0, %add3A_55, %dma_start3A_74] : memref<2x10112x128xf32, #tpu.memory_space<hbm>> -> memref<1x128x128xf32, #tpu.memory_space<hbm>>
      %dma_start3A_76 = tpu.memref_squeeze %dma_start3A_75 : memref<1x128x128xf32, #tpu.memory_space<hbm>> -> memref<128x128xf32, #tpu.memory_space<hbm>>
      %dma_start3A_77 = arith.constant 0 : i32
      %dma_start3A_78 = arith.constant 0 : i32
      %dma_start3A_79 = tpu.memref_slice %arg9[%dma_start3A_77, %dma_start3A_78] : memref<128x128xf32, #tpu.memory_space<vmem>> -> memref<128x128xf32, #tpu.memory_space<vmem>>
      tpu.enqueue_dma source(%dma_start3A_79 : memref<128x128xf32, #tpu.memory_space<vmem>>) target(%dma_start3A_76 : memref<128x128xf32, #tpu.memory_space<hbm>>) target_semaphore(%run_scoped3A : memref<!tpu.dma_semaphore, #tpu.memory_space<semaphore_mem>>)
      %dma_wait3A = arith.constant 0 : i32
      %dma_wait3A_80 = arith.constant 0 : i32
      %dma_wait3A_81 = tpu.memref_slice %arg9[%dma_wait3A, %dma_wait3A_80] : memref<128x128xf32, #tpu.memory_space<vmem>> -> memref<128x128xf32, #tpu.memory_space<vmem>>
      %dma_wait3A_82 = arith.constant 0 : i32
      %dma_wait3A_83 = tpu.memref_slice %arg6[%arg0, %add3A_55, %dma_wait3A_82] : memref<2x10112x128xf32, #tpu.memory_space<hbm>> -> memref<1x128x128xf32, #tpu.memory_space<hbm>>
      %dma_wait3A_84 = tpu.memref_squeeze %dma_wait3A_83 : memref<1x128x128xf32, #tpu.memory_space<hbm>> -> memref<128x128xf32, #tpu.memory_space<hbm>>
      %dma_wait3A_85 = arith.constant 0 : i32
      %dma_wait3A_86 = tpu.memref_slice %arg6[%arg0, %add3A_55, %dma_wait3A_85] : memref<2x10112x128xf32, #tpu.memory_space<hbm>> -> memref<1x128x128xf32, #tpu.memory_space<hbm>>
      %dma_wait3A_87 = tpu.memref_squeeze %dma_wait3A_86 : memref<1x128x128xf32, #tpu.memory_space<hbm>> -> memref<128x128xf32, #tpu.memory_space<hbm>>
      %dma_wait3A_88 = arith.constant 0 : i32
      %dma_wait3A_89 = arith.constant 0 : i32
      %dma_wait3A_90 = tpu.memref_slice %arg9[%dma_wait3A_88, %dma_wait3A_89] : memref<128x128xf32, #tpu.memory_space<vmem>> -> memref<128x128xf32, #tpu.memory_space<vmem>>
      tpu.wait_dma2 semaphore(%run_scoped3A : memref<!tpu.dma_semaphore, #tpu.memory_space<semaphore_mem>>) src(%dma_wait3A_90 : memref<128x128xf32, #tpu.memory_space<vmem>>) dst(%dma_wait3A_87 : memref<128x128xf32, #tpu.memory_space<hbm>>)
      tpu.yield
    }) : () -> ()
    %add3A_56 = arith.constant 256 : i32
    %add3A_57 = arith.addi %mul3A_2, %add3A_56 : i32
    "tpu.region"() ({
      %run_scoped3A = tpu.sem_alloc : memref<!tpu.dma_semaphore, #tpu.memory_space<semaphore_mem>>
      %dma_start3A_68 = arith.constant 0 : i32
      %dma_start3A_69 = arith.constant 0 : i32
      %dma_start3A_70 = tpu.memref_slice %arg9[%dma_start3A_68, %dma_start3A_69] : memref<128x128xf32, #tpu.memory_space<vmem>> -> memref<128x128xf32, #tpu.memory_space<vmem>>
      %dma_start3A_71 = arith.constant 0 : i32
      %dma_start3A_72 = tpu.memref_slice %arg11[%add3A_57, %dma_start3A_71] : memref<10112x128xf32, #tpu.memory_space<vmem_shared>> -> memref<128x128xf32, #tpu.memory_space<vmem_shared>>
      %dma_start3A_73 = arith.constant 0 : i32
      %dma_start3A_74 = arith.constant 0 : i32
      %dma_start3A_75 = tpu.memref_slice %arg9[%dma_start3A_73, %dma_start3A_74] : memref<128x128xf32, #tpu.memory_space<vmem>> -> memref<128x128xf32, #tpu.memory_space<vmem>>
      %dma_start3A_76 = arith.constant 0 : i32
      %dma_start3A_77 = tpu.memref_slice %arg11[%add3A_57, %dma_start3A_76] : memref<10112x128xf32, #tpu.memory_space<vmem_shared>> -> memref<128x128xf32, #tpu.memory_space<vmem_shared>>
      tpu.enqueue_dma source(%dma_start3A_77 : memref<128x128xf32, #tpu.memory_space<vmem_shared>>) target(%dma_start3A_75 : memref<128x128xf32, #tpu.memory_space<vmem>>) target_semaphore(%run_scoped3A : memref<!tpu.dma_semaphore, #tpu.memory_space<semaphore_mem>>)
      %dma_wait3A = arith.constant 0 : i32
      %dma_wait3A_78 = arith.constant 0 : i32
      %dma_wait3A_79 = tpu.memref_slice %arg9[%dma_wait3A, %dma_wait3A_78] : memref<128x128xf32, #tpu.memory_space<vmem>> -> memref<128x128xf32, #tpu.memory_space<vmem>>
      %dma_wait3A_80 = arith.constant 0 : i32
      %dma_wait3A_81 = tpu.memref_slice %arg11[%add3A_57, %dma_wait3A_80] : memref<10112x128xf32, #tpu.memory_space<vmem_shared>> -> memref<128x128xf32, #tpu.memory_space<vmem_shared>>
      %dma_wait3A_82 = arith.constant 0 : i32
      %dma_wait3A_83 = arith.constant 0 : i32
      %dma_wait3A_84 = tpu.memref_slice %arg9[%dma_wait3A_82, %dma_wait3A_83] : memref<128x128xf32, #tpu.memory_space<vmem>> -> memref<128x128xf32, #tpu.memory_space<vmem>>
      %dma_wait3A_85 = arith.constant 0 : i32
      %dma_wait3A_86 = tpu.memref_slice %arg11[%add3A_57, %dma_wait3A_85] : memref<10112x128xf32, #tpu.memory_space<vmem_shared>> -> memref<128x128xf32, #tpu.memory_space<vmem_shared>>
      tpu.wait_dma2 semaphore(%run_scoped3A : memref<!tpu.dma_semaphore, #tpu.memory_space<semaphore_mem>>) src(%dma_wait3A_86 : memref<128x128xf32, #tpu.memory_space<vmem_shared>>) dst(%dma_wait3A_84 : memref<128x128xf32, #tpu.memory_space<vmem>>)
      tpu.yield
    }) : () -> ()
    %add3A_58 = arith.constant 256 : i32
    %add3A_59 = arith.addi %mul3A_2, %add3A_58 : i32
    "tpu.region"() ({
      %run_scoped3A = tpu.sem_alloc : memref<!tpu.dma_semaphore, #tpu.memory_space<semaphore_mem>>
      %dma_start3A_68 = arith.constant 0 : i32
      %dma_start3A_69 = arith.constant 0 : i32
      %dma_start3A_70 = tpu.memref_slice %arg9[%dma_start3A_68, %dma_start3A_69] : memref<128x128xf32, #tpu.memory_space<vmem>> -> memref<128x128xf32, #tpu.memory_space<vmem>>
      %dma_start3A_71 = arith.constant 0 : i32
      %dma_start3A_72 = tpu.memref_slice %arg6[%arg0, %add3A_59, %dma_start3A_71] : memref<2x10112x128xf32, #tpu.memory_space<hbm>> -> memref<1x128x128xf32, #tpu.memory_space<hbm>>
      %dma_start3A_73 = tpu.memref_squeeze %dma_start3A_72 : memref<1x128x128xf32, #tpu.memory_space<hbm>> -> memref<128x128xf32, #tpu.memory_space<hbm>>
      %dma_start3A_74 = arith.constant 0 : i32
      %dma_start3A_75 = tpu.memref_slice %arg6[%arg0, %add3A_59, %dma_start3A_74] : memref<2x10112x128xf32, #tpu.memory_space<hbm>> -> memref<1x128x128xf32, #tpu.memory_space<hbm>>
      %dma_start3A_76 = tpu.memref_squeeze %dma_start3A_75 : memref<1x128x128xf32, #tpu.memory_space<hbm>> -> memref<128x128xf32, #tpu.memory_space<hbm>>
      %dma_start3A_77 = arith.constant 0 : i32
      %dma_start3A_78 = arith.constant 0 : i32
      %dma_start3A_79 = tpu.memref_slice %arg9[%dma_start3A_77, %dma_start3A_78] : memref<128x128xf32, #tpu.memory_space<vmem>> -> memref<128x128xf32, #tpu.memory_space<vmem>>
      tpu.enqueue_dma source(%dma_start3A_79 : memref<128x128xf32, #tpu.memory_space<vmem>>) target(%dma_start3A_76 : memref<128x128xf32, #tpu.memory_space<hbm>>) target_semaphore(%run_scoped3A : memref<!tpu.dma_semaphore, #tpu.memory_space<semaphore_mem>>)
      %dma_wait3A = arith.constant 0 : i32
      %dma_wait3A_80 = arith.constant 0 : i32
      %dma_wait3A_81 = tpu.memref_slice %arg9[%dma_wait3A, %dma_wait3A_80] : memref<128x128xf32, #tpu.memory_space<vmem>> -> memref<128x128xf32, #tpu.memory_space<vmem>>
      %dma_wait3A_82 = arith.constant 0 : i32
      %dma_wait3A_83 = tpu.memref_slice %arg6[%arg0, %add3A_59, %dma_wait3A_82] : memref<2x10112x128xf32, #tpu.memory_space<hbm>> -> memref<1x128x128xf32, #tpu.memory_space<hbm>>
      %dma_wait3A_84 = tpu.memref_squeeze %dma_wait3A_83 : memref<1x128x128xf32, #tpu.memory_space<hbm>> -> memref<128x128xf32, #tpu.memory_space<hbm>>
      %dma_wait3A_85 = arith.constant 0 : i32
      %dma_wait3A_86 = tpu.memref_slice %arg6[%arg0, %add3A_59, %dma_wait3A_85] : memref<2x10112x128xf32, #tpu.memory_space<hbm>> -> memref<1x128x128xf32, #tpu.memory_space<hbm>>
      %dma_wait3A_87 = tpu.memref_squeeze %dma_wait3A_86 : memref<1x128x128xf32, #tpu.memory_space<hbm>> -> memref<128x128xf32, #tpu.memory_space<hbm>>
      %dma_wait3A_88 = arith.constant 0 : i32
      %dma_wait3A_89 = arith.constant 0 : i32
      %dma_wait3A_90 = tpu.memref_slice %arg9[%dma_wait3A_88, %dma_wait3A_89] : memref<128x128xf32, #tpu.memory_space<vmem>> -> memref<128x128xf32, #tpu.memory_space<vmem>>
      tpu.wait_dma2 semaphore(%run_scoped3A : memref<!tpu.dma_semaphore, #tpu.memory_space<semaphore_mem>>) src(%dma_wait3A_90 : memref<128x128xf32, #tpu.memory_space<vmem>>) dst(%dma_wait3A_87 : memref<128x128xf32, #tpu.memory_space<hbm>>)
      tpu.yield
    }) : () -> ()
    %add3A_60 = arith.constant 384 : i32
    %add3A_61 = arith.addi %mul3A_2, %add3A_60 : i32
    "tpu.region"() ({
      %run_scoped3A = tpu.sem_alloc : memref<!tpu.dma_semaphore, #tpu.memory_space<semaphore_mem>>
      %dma_start3A_68 = arith.constant 0 : i32
      %dma_start3A_69 = arith.constant 0 : i32
      %dma_start3A_70 = tpu.memref_slice %arg9[%dma_start3A_68, %dma_start3A_69] : memref<128x128xf32, #tpu.memory_space<vmem>> -> memref<128x128xf32, #tpu.memory_space<vmem>>
      %dma_start3A_71 = arith.constant 0 : i32
      %dma_start3A_72 = tpu.memref_slice %arg11[%add3A_61, %dma_start3A_71] : memref<10112x128xf32, #tpu.memory_space<vmem_shared>> -> memref<128x128xf32, #tpu.memory_space<vmem_shared>>
      %dma_start3A_73 = arith.constant 0 : i32
      %dma_start3A_74 = arith.constant 0 : i32
      %dma_start3A_75 = tpu.memref_slice %arg9[%dma_start3A_73, %dma_start3A_74] : memref<128x128xf32, #tpu.memory_space<vmem>> -> memref<128x128xf32, #tpu.memory_space<vmem>>
      %dma_start3A_76 = arith.constant 0 : i32
      %dma_start3A_77 = tpu.memref_slice %arg11[%add3A_61, %dma_start3A_76] : memref<10112x128xf32, #tpu.memory_space<vmem_shared>> -> memref<128x128xf32, #tpu.memory_space<vmem_shared>>
      tpu.enqueue_dma source(%dma_start3A_77 : memref<128x128xf32, #tpu.memory_space<vmem_shared>>) target(%dma_start3A_75 : memref<128x128xf32, #tpu.memory_space<vmem>>) target_semaphore(%run_scoped3A : memref<!tpu.dma_semaphore, #tpu.memory_space<semaphore_mem>>)
      %dma_wait3A = arith.constant 0 : i32
      %dma_wait3A_78 = arith.constant 0 : i32
      %dma_wait3A_79 = tpu.memref_slice %arg9[%dma_wait3A, %dma_wait3A_78] : memref<128x128xf32, #tpu.memory_space<vmem>> -> memref<128x128xf32, #tpu.memory_space<vmem>>
      %dma_wait3A_80 = arith.constant 0 : i32
      %dma_wait3A_81 = tpu.memref_slice %arg11[%add3A_61, %dma_wait3A_80] : memref<10112x128xf32, #tpu.memory_space<vmem_shared>> -> memref<128x128xf32, #tpu.memory_space<vmem_shared>>
      %dma_wait3A_82 = arith.constant 0 : i32
      %dma_wait3A_83 = arith.constant 0 : i32
      %dma_wait3A_84 = tpu.memref_slice %arg9[%dma_wait3A_82, %dma_wait3A_83] : memref<128x128xf32, #tpu.memory_space<vmem>> -> memref<128x128xf32, #tpu.memory_space<vmem>>
      %dma_wait3A_85 = arith.constant 0 : i32
      %dma_wait3A_86 = tpu.memref_slice %arg11[%add3A_61, %dma_wait3A_85] : memref<10112x128xf32, #tpu.memory_space<vmem_shared>> -> memref<128x128xf32, #tpu.memory_space<vmem_shared>>
      tpu.wait_dma2 semaphore(%run_scoped3A : memref<!tpu.dma_semaphore, #tpu.memory_space<semaphore_mem>>) src(%dma_wait3A_86 : memref<128x128xf32, #tpu.memory_space<vmem_shared>>) dst(%dma_wait3A_84 : memref<128x128xf32, #tpu.memory_space<vmem>>)
      tpu.yield
    }) : () -> ()
    %add3A_62 = arith.constant 384 : i32
    %add3A_63 = arith.addi %mul3A_2, %add3A_62 : i32
    "tpu.region"() ({
      %run_scoped3A = tpu.sem_alloc : memref<!tpu.dma_semaphore, #tpu.memory_space<semaphore_mem>>
      %dma_start3A_68 = arith.constant 0 : i32
      %dma_start3A_69 = arith.constant 0 : i32
      %dma_start3A_70 = tpu.memref_slice %arg9[%dma_start3A_68, %dma_start3A_69] : memref<128x128xf32, #tpu.memory_space<vmem>> -> memref<128x128xf32, #tpu.memory_space<vmem>>
      %dma_start3A_71 = arith.constant 0 : i32
      %dma_start3A_72 = tpu.memref_slice %arg6[%arg0, %add3A_63, %dma_start3A_71] : memref<2x10112x128xf32, #tpu.memory_space<hbm>> -> memref<1x128x128xf32, #tpu.memory_space<hbm>>
      %dma_start3A_73 = tpu.memref_squeeze %dma_start3A_72 : memref<1x128x128xf32, #tpu.memory_space<hbm>> -> memref<128x128xf32, #tpu.memory_space<hbm>>
      %dma_start3A_74 = arith.constant 0 : i32
      %dma_start3A_75 = tpu.memref_slice %arg6[%arg0, %add3A_63, %dma_start3A_74] : memref<2x10112x128xf32, #tpu.memory_space<hbm>> -> memref<1x128x128xf32, #tpu.memory_space<hbm>>
      %dma_start3A_76 = tpu.memref_squeeze %dma_start3A_75 : memref<1x128x128xf32, #tpu.memory_space<hbm>> -> memref<128x128xf32, #tpu.memory_space<hbm>>
      %dma_start3A_77 = arith.constant 0 : i32
      %dma_start3A_78 = arith.constant 0 : i32
      %dma_start3A_79 = tpu.memref_slice %arg9[%dma_start3A_77, %dma_start3A_78] : memref<128x128xf32, #tpu.memory_space<vmem>> -> memref<128x128xf32, #tpu.memory_space<vmem>>
      tpu.enqueue_dma source(%dma_start3A_79 : memref<128x128xf32, #tpu.memory_space<vmem>>) target(%dma_start3A_76 : memref<128x128xf32, #tpu.memory_space<hbm>>) target_semaphore(%run_scoped3A : memref<!tpu.dma_semaphore, #tpu.memory_space<semaphore_mem>>)
      %dma_wait3A = arith.constant 0 : i32
      %dma_wait3A_80 = arith.constant 0 : i32
      %dma_wait3A_81 = tpu.memref_slice %arg9[%dma_wait3A, %dma_wait3A_80] : memref<128x128xf32, #tpu.memory_space<vmem>> -> memref<128x128xf32, #tpu.memory_space<vmem>>
      %dma_wait3A_82 = arith.constant 0 : i32
      %dma_wait3A_83 = tpu.memref_slice %arg6[%arg0, %add3A_63, %dma_wait3A_82] : memref<2x10112x128xf32, #tpu.memory_space<hbm>> -> memref<1x128x128xf32, #tpu.memory_space<hbm>>
      %dma_wait3A_84 = tpu.memref_squeeze %dma_wait3A_83 : memref<1x128x128xf32, #tpu.memory_space<hbm>> -> memref<128x128xf32, #tpu.memory_space<hbm>>
      %dma_wait3A_85 = arith.constant 0 : i32
      %dma_wait3A_86 = tpu.memref_slice %arg6[%arg0, %add3A_63, %dma_wait3A_85] : memref<2x10112x128xf32, #tpu.memory_space<hbm>> -> memref<1x128x128xf32, #tpu.memory_space<hbm>>
      %dma_wait3A_87 = tpu.memref_squeeze %dma_wait3A_86 : memref<1x128x128xf32, #tpu.memory_space<hbm>> -> memref<128x128xf32, #tpu.memory_space<hbm>>
      %dma_wait3A_88 = arith.constant 0 : i32
      %dma_wait3A_89 = arith.constant 0 : i32
      %dma_wait3A_90 = tpu.memref_slice %arg9[%dma_wait3A_88, %dma_wait3A_89] : memref<128x128xf32, #tpu.memory_space<vmem>> -> memref<128x128xf32, #tpu.memory_space<vmem>>
      tpu.wait_dma2 semaphore(%run_scoped3A : memref<!tpu.dma_semaphore, #tpu.memory_space<semaphore_mem>>) src(%dma_wait3A_90 : memref<128x128xf32, #tpu.memory_space<vmem>>) dst(%dma_wait3A_87 : memref<128x128xf32, #tpu.memory_space<hbm>>)
      tpu.yield
    }) : () -> ()
    %add3A_64 = arith.constant 512 : i32
    %add3A_65 = arith.addi %mul3A_2, %add3A_64 : i32
    "tpu.region"() ({
      %run_scoped3A = tpu.sem_alloc : memref<!tpu.dma_semaphore, #tpu.memory_space<semaphore_mem>>
      %dma_start3A_68 = arith.constant 0 : i32
      %dma_start3A_69 = arith.constant 0 : i32
      %dma_start3A_70 = tpu.memref_slice %arg9[%dma_start3A_68, %dma_start3A_69] : memref<128x128xf32, #tpu.memory_space<vmem>> -> memref<120x128xf32, #tpu.memory_space<vmem>>
      %dma_start3A_71 = arith.constant 0 : i32
      %dma_start3A_72 = tpu.memref_slice %arg11[%add3A_65, %dma_start3A_71] : memref<10112x128xf32, #tpu.memory_space<vmem_shared>> -> memref<120x128xf32, #tpu.memory_space<vmem_shared>>
      %dma_start3A_73 = arith.constant 0 : i32
      %dma_start3A_74 = arith.constant 0 : i32
      %dma_start3A_75 = tpu.memref_slice %arg9[%dma_start3A_73, %dma_start3A_74] : memref<128x128xf32, #tpu.memory_space<vmem>> -> memref<120x128xf32, #tpu.memory_space<vmem>>
      %dma_start3A_76 = arith.constant 0 : i32
      %dma_start3A_77 = tpu.memref_slice %arg11[%add3A_65, %dma_start3A_76] : memref<10112x128xf32, #tpu.memory_space<vmem_shared>> -> memref<120x128xf32, #tpu.memory_space<vmem_shared>>
      tpu.enqueue_dma source(%dma_start3A_77 : memref<120x128xf32, #tpu.memory_space<vmem_shared>>) target(%dma_start3A_75 : memref<120x128xf32, #tpu.memory_space<vmem>>) target_semaphore(%run_scoped3A : memref<!tpu.dma_semaphore, #tpu.memory_space<semaphore_mem>>)
      %dma_wait3A = arith.constant 0 : i32
      %dma_wait3A_78 = arith.constant 0 : i32
      %dma_wait3A_79 = tpu.memref_slice %arg9[%dma_wait3A, %dma_wait3A_78] : memref<128x128xf32, #tpu.memory_space<vmem>> -> memref<120x128xf32, #tpu.memory_space<vmem>>
      %dma_wait3A_80 = arith.constant 0 : i32
      %dma_wait3A_81 = tpu.memref_slice %arg11[%add3A_65, %dma_wait3A_80] : memref<10112x128xf32, #tpu.memory_space<vmem_shared>> -> memref<120x128xf32, #tpu.memory_space<vmem_shared>>
      %dma_wait3A_82 = arith.constant 0 : i32
      %dma_wait3A_83 = arith.constant 0 : i32
      %dma_wait3A_84 = tpu.memref_slice %arg9[%dma_wait3A_82, %dma_wait3A_83] : memref<128x128xf32, #tpu.memory_space<vmem>> -> memref<120x128xf32, #tpu.memory_space<vmem>>
      %dma_wait3A_85 = arith.constant 0 : i32
      %dma_wait3A_86 = tpu.memref_slice %arg11[%add3A_65, %dma_wait3A_85] : memref<10112x128xf32, #tpu.memory_space<vmem_shared>> -> memref<120x128xf32, #tpu.memory_space<vmem_shared>>
      tpu.wait_dma2 semaphore(%run_scoped3A : memref<!tpu.dma_semaphore, #tpu.memory_space<semaphore_mem>>) src(%dma_wait3A_86 : memref<120x128xf32, #tpu.memory_space<vmem_shared>>) dst(%dma_wait3A_84 : memref<120x128xf32, #tpu.memory_space<vmem>>)
      tpu.yield
    }) : () -> ()
    %add3A_66 = arith.constant 512 : i32
    %add3A_67 = arith.addi %mul3A_2, %add3A_66 : i32
    "tpu.region"() ({
      %run_scoped3A = tpu.sem_alloc : memref<!tpu.dma_semaphore, #tpu.memory_space<semaphore_mem>>
      %dma_start3A_68 = arith.constant 0 : i32
      %dma_start3A_69 = arith.constant 0 : i32
      %dma_start3A_70 = tpu.memref_slice %arg9[%dma_start3A_68, %dma_start3A_69] : memref<128x128xf32, #tpu.memory_space<vmem>> -> memref<120x128xf32, #tpu.memory_space<vmem>>
      %dma_start3A_71 = arith.constant 0 : i32
      %dma_start3A_72 = tpu.memref_slice %arg6[%arg0, %add3A_67, %dma_start3A_71] : memref<2x10112x128xf32, #tpu.memory_space<hbm>> -> memref<1x120x128xf32, #tpu.memory_space<hbm>>
      %dma_start3A_73 = tpu.memref_squeeze %dma_start3A_72 : memref<1x120x128xf32, #tpu.memory_space<hbm>> -> memref<120x128xf32, #tpu.memory_space<hbm>>
      %dma_start3A_74 = arith.constant 0 : i32
      %dma_start3A_75 = tpu.memref_slice %arg6[%arg0, %add3A_67, %dma_start3A_74] : memref<2x10112x128xf32, #tpu.memory_space<hbm>> -> memref<1x120x128xf32, #tpu.memory_space<hbm>>
      %dma_start3A_76 = tpu.memref_squeeze %dma_start3A_75 : memref<1x120x128xf32, #tpu.memory_space<hbm>> -> memref<120x128xf32, #tpu.memory_space<hbm>>
      %dma_start3A_77 = arith.constant 0 : i32
      %dma_start3A_78 = arith.constant 0 : i32
      %dma_start3A_79 = tpu.memref_slice %arg9[%dma_start3A_77, %dma_start3A_78] : memref<128x128xf32, #tpu.memory_space<vmem>> -> memref<120x128xf32, #tpu.memory_space<vmem>>
      tpu.enqueue_dma source(%dma_start3A_79 : memref<120x128xf32, #tpu.memory_space<vmem>>) target(%dma_start3A_76 : memref<120x128xf32, #tpu.memory_space<hbm>>) target_semaphore(%run_scoped3A : memref<!tpu.dma_semaphore, #tpu.memory_space<semaphore_mem>>)
      %dma_wait3A = arith.constant 0 : i32
      %dma_wait3A_80 = arith.constant 0 : i32
      %dma_wait3A_81 = tpu.memref_slice %arg9[%dma_wait3A, %dma_wait3A_80] : memref<128x128xf32, #tpu.memory_space<vmem>> -> memref<120x128xf32, #tpu.memory_space<vmem>>
      %dma_wait3A_82 = arith.constant 0 : i32
      %dma_wait3A_83 = tpu.memref_slice %arg6[%arg0, %add3A_67, %dma_wait3A_82] : memref<2x10112x128xf32, #tpu.memory_space<hbm>> -> memref<1x120x128xf32, #tpu.memory_space<hbm>>
      %dma_wait3A_84 = tpu.memref_squeeze %dma_wait3A_83 : memref<1x120x128xf32, #tpu.memory_space<hbm>> -> memref<120x128xf32, #tpu.memory_space<hbm>>
      %dma_wait3A_85 = arith.constant 0 : i32
      %dma_wait3A_86 = tpu.memref_slice %arg6[%arg0, %add3A_67, %dma_wait3A_85] : memref<2x10112x128xf32, #tpu.memory_space<hbm>> -> memref<1x120x128xf32, #tpu.memory_space<hbm>>
      %dma_wait3A_87 = tpu.memref_squeeze %dma_wait3A_86 : memref<1x120x128xf32, #tpu.memory_space<hbm>> -> memref<120x128xf32, #tpu.memory_space<hbm>>
      %dma_wait3A_88 = arith.constant 0 : i32
      %dma_wait3A_89 = arith.constant 0 : i32
      %dma_wait3A_90 = tpu.memref_slice %arg9[%dma_wait3A_88, %dma_wait3A_89] : memref<128x128xf32, #tpu.memory_space<vmem>> -> memref<120x128xf32, #tpu.memory_space<vmem>>
      tpu.wait_dma2 semaphore(%run_scoped3A : memref<!tpu.dma_semaphore, #tpu.memory_space<semaphore_mem>>) src(%dma_wait3A_90 : memref<120x128xf32, #tpu.memory_space<vmem>>) dst(%dma_wait3A_87 : memref<120x128xf32, #tpu.memory_space<hbm>>)
      tpu.yield
    }) : () -> ()
    return
  }
}

module attributes {stable_mosaic.version = 14 : i64} {
  func.func @_k2_body(%arg0: i32, %arg1: memref<2528x128xf32, #tpu.memory_space<vmem>>, %arg2: memref<2528x128xf32, #tpu.memory_space<vmem>>, %arg3: memref<2528x32xf32, #tpu.memory_space<vmem>>, %arg4: memref<2528x128xf32, #tpu.memory_space<vmem>>) attributes {dimension_semantics = [#tpu.dimension_semantics<arbitrary>], iteration_bounds = array<i64: 4>, scalar_prefetch = 0 : i64, scratch_operands = 0 : i64, tpu.core_type = #tpu.core_type<tc>, window_params = [{transform_indices = @transform_0, window_bounds = array<i64: 2528, 128>}, {transform_indices = @transform_1, window_bounds = array<i64: 2528, 128>}, {transform_indices = @transform_2, window_bounds = array<i64: 2528, 32>}, {transform_indices = @transform_3, window_bounds = array<i64: 2528, 128>}]} {
    %get3A = arith.constant 0 : index
    %get3A_0 = arith.constant 0 : index
    %get3A_1 = vector.load %arg3[%get3A, %get3A_0] : memref<2528x32xf32, #tpu.memory_space<vmem>>, vector<2528x32xf32>
    %reduce_sum3A = arith.constant dense<0.000000e+00> : vector<2528xf32>
    %reduce_sum3A_2 = vector.multi_reduction <add>, %get3A_1, %reduce_sum3A [1] : vector<2528x32xf32> to vector<2528xf32>
    %broadcast_in_dim3A = vector.shape_cast %reduce_sum3A_2 : vector<2528xf32> to vector<2528x1xf32>
    %gt3A = arith.constant 0.000000e+00 : f32
    %gt3A_3 = vector.broadcast %gt3A : f32 to vector<2528x1xf32>
    %gt3A_4 = arith.cmpf ogt, %broadcast_in_dim3A, %gt3A_3 : vector<2528x1xf32>
    %div3A = arith.constant 1.000000e+00 : f32
    %div3A_5 = vector.broadcast %div3A : f32 to vector<2528x1xf32>
    %div3A_6 = arith.divf %div3A_5, %broadcast_in_dim3A : vector<2528x1xf32>
    %jit3A = arith.constant 0.000000e+00 : f32
    %broadcast_in_dim3A_7 = vector.broadcast %jit3A : f32 to vector<2528x1xf32>
    %select_n3A = arith.select %gt3A_4, %div3A_6, %broadcast_in_dim3A_7 : vector<2528x1xi1>, vector<2528x1xf32>
    %get3A_8 = arith.constant 0 : index
    %get3A_9 = arith.constant 0 : index
    %get3A_10 = vector.load %arg1[%get3A_8, %get3A_9] : memref<2528x128xf32, #tpu.memory_space<vmem>>, vector<2528x128xf32>
    %get3A_11 = arith.constant 0 : index
    %get3A_12 = arith.constant 0 : index
    %get3A_13 = vector.load %arg2[%get3A_11, %get3A_12] : memref<2528x128xf32, #tpu.memory_space<vmem>>, vector<2528x128xf32>
    %add3A = arith.addf %get3A_10, %get3A_13 : vector<2528x128xf32>
    %mul3A = vector.broadcast %select_n3A : vector<2528x1xf32> to vector<2528x128xf32>
    %mul3A_14 = arith.mulf %add3A, %mul3A : vector<2528x128xf32>
    %swap3A = arith.constant 0 : index
    %swap3A_15 = arith.constant 0 : index
    %swap3A_16 = vector.load %arg4[%swap3A, %swap3A_15] : memref<2528x128xf32, #tpu.memory_space<vmem>>, vector<2528x128xf32>
    tpu.vector_store %arg4[%swap3A, %swap3A_15], %mul3A_14 {strides = array<i32>} : memref<2528x128xf32, #tpu.memory_space<vmem>>, vector<2528x128xf32>,
    return
  }
  func.func @transform_0(%arg0: i32) -> (i32, i32) {
    %c0_i32 = arith.constant 0 : i32
    %c0_i32_0 = arith.constant 0 : i32
    return %arg0, %c0_i32 : i32, i32
  }
  func.func @transform_1(%arg0: i32) -> (i32, i32) {
    %c0_i32 = arith.constant 0 : i32
    %c0_i32_0 = arith.constant 0 : i32
    return %arg0, %c0_i32 : i32, i32
  }
  func.func @transform_2(%arg0: i32) -> (i32, i32) {
    %c0_i32 = arith.constant 0 : i32
    %c0_i32_0 = arith.constant 0 : i32
    return %arg0, %c0_i32 : i32, i32
  }
  func.func @transform_3(%arg0: i32) -> (i32, i32) {
    %c0_i32 = arith.constant 0 : i32
    %c0_i32_0 = arith.constant 0 : i32
    return %arg0, %c0_i32 : i32, i32
  }
}

module attributes {stable_mosaic.version = 14 : i64} {
  func.func @_k3_body(%arg0: i32, %arg1: memref<1000x128xf32, #tpu.memory_space<vmem>>, %arg2: memref<1000x128xf32, #tpu.memory_space<vmem>>, %arg3: memref<1000x32xf32, #tpu.memory_space<vmem>>, %arg4: memref<1000x128xf32, #tpu.memory_space<vmem>>, %arg5: memref<128x128xf32, #tpu.memory_space<vmem>>, %arg6: memref<1x128xf32, #tpu.memory_space<vmem>>, %arg7: memref<1x1xf32, #tpu.memory_space<vmem>>, %arg8: memref<128x128xf32, #tpu.memory_space<vmem>>, %arg9: memref<1x128xf32, #tpu.memory_space<vmem>>, %arg10: memref<128x128xf32, #tpu.memory_space<vmem>>, %arg11: memref<1x128xf32, #tpu.memory_space<vmem>>, %arg12: memref<1000x128xf32, #tpu.memory_space<vmem>>, %arg13: memref<1000x128xf32, #tpu.memory_space<vmem>>, %arg14: memref<1000x128xf32, #tpu.memory_space<vmem>>, %arg15: memref<1000x128xbf16, #tpu.memory_space<vmem>>, %arg16: memref<1000x128xbf16, #tpu.memory_space<vmem>>) attributes {dimension_semantics = [#tpu.dimension_semantics<arbitrary>], iteration_bounds = array<i64: 10>, scalar_prefetch = 0 : i64, scratch_operands = 0 : i64, tpu.core_type = #tpu.core_type<tc>, window_params = [{transform_indices = @transform_0, window_bounds = array<i64: 1000, 128>}, {transform_indices = @transform_1, window_bounds = array<i64: 1000, 128>}, {transform_indices = @transform_2, window_bounds = array<i64: 1000, 32>}, {transform_indices = @transform_3, window_bounds = array<i64: 1000, 128>}, {pipeline_mode = #tpu.pipeline_mode<synchronous>, transform_indices = @transform_4, window_bounds = array<i64: 128, 128>}, {pipeline_mode = #tpu.pipeline_mode<synchronous>, transform_indices = @transform_5, window_bounds = array<i64: 1, 128>}, {pipeline_mode = #tpu.pipeline_mode<synchronous>, transform_indices = @transform_6, window_bounds = array<i64: 1, 1>}, {pipeline_mode = #tpu.pipeline_mode<synchronous>, transform_indices = @transform_7, window_bounds = array<i64: 128, 128>}, {pipeline_mode = #tpu.pipeline_mode<synchronous>, transform_indices = @transform_8, window_bounds = array<i64: 1, 128>}, {pipeline_mode = #tpu.pipeline_mode<synchronous>, transform_indices = @transform_9, window_bounds = array<i64: 128, 128>}, {pipeline_mode = #tpu.pipeline_mode<synchronous>, transform_indices = @transform_10, window_bounds = array<i64: 1, 128>}, {transform_indices = @transform_11, window_bounds = array<i64: 1000, 128>}, {transform_indices = @transform_12, window_bounds = array<i64: 1000, 128>}, {transform_indices = @transform_13, window_bounds = array<i64: 1000, 128>}, {transform_indices = @transform_14, window_bounds = array<i64: 1000, 128>}, {transform_indices = @transform_15, window_bounds = array<i64: 1000, 128>}]} {
    %get3A = arith.constant 0 : index
    %get3A_0 = arith.constant 0 : index
    %get3A_1 = vector.load %arg1[%get3A, %get3A_0] : memref<1000x128xf32, #tpu.memory_space<vmem>>, vector<1000x128xf32>
    %get3A_2 = arith.constant 0 : index
    %get3A_3 = arith.constant 0 : index
    %get3A_4 = vector.load %arg2[%get3A_2, %get3A_3] : memref<1000x128xf32, #tpu.memory_space<vmem>>, vector<1000x128xf32>
    %add3A = arith.addf %get3A_1, %get3A_4 : vector<1000x128xf32>
    %get3A_5 = arith.constant 0 : index
    %get3A_6 = arith.constant 0 : index
    %get3A_7 = vector.load %arg3[%get3A_5, %get3A_6] : memref<1000x32xf32, #tpu.memory_space<vmem>>, vector<1000x32xf32>
    %reduce_sum3A = arith.constant dense<0.000000e+00> : vector<1000xf32>
    %reduce_sum3A_8 = vector.multi_reduction <add>, %get3A_7, %reduce_sum3A [1] : vector<1000x32xf32> to vector<1000xf32>
    %broadcast_in_dim3A = vector.shape_cast %reduce_sum3A_8 : vector<1000xf32> to vector<1000x1xf32>
    %gt3A = arith.constant 0.000000e+00 : f32
    %gt3A_9 = vector.broadcast %gt3A : f32 to vector<1000x1xf32>
    %gt3A_10 = arith.cmpf ogt, %broadcast_in_dim3A, %gt3A_9 : vector<1000x1xf32>
    %div3A = arith.constant 1.000000e+00 : f32
    %div3A_11 = vector.broadcast %div3A : f32 to vector<1000x1xf32>
    %div3A_12 = arith.divf %div3A_11, %broadcast_in_dim3A : vector<1000x1xf32>
    %jit3A = arith.constant 0.000000e+00 : f32
    %broadcast_in_dim3A_13 = vector.broadcast %jit3A : f32 to vector<1000x1xf32>
    %select_n3A = arith.select %gt3A_10, %div3A_12, %broadcast_in_dim3A_13 : vector<1000x1xi1>, vector<1000x1xf32>
    %get3A_14 = arith.constant 0 : index
    %get3A_15 = arith.constant 0 : index
    %get3A_16 = vector.load %arg5[%get3A_14, %get3A_15] : memref<128x128xf32, #tpu.memory_space<vmem>>, vector<128x128xf32>
    %dot_general3A = arith.constant dense<0.000000e+00> : vector<1000x128xf32>
    %dot_general3A_17 = tpu.matmul %add3A, %get3A_16, %dot_general3A {dimension_numbers = #tpu.dot_dimension_numbers<[1], [0], [0], [1], [0, 0, 1, 1], [], []>, precision = #tpu.contract_precision<fp32>, transpose_lhs_hint = false} : vector<1000x128xf32>, vector<128x128xf32>, vector<1000x128xf32> -> vector<1000x128xf32>
    %mul3A = vector.broadcast %select_n3A : vector<1000x1xf32> to vector<1000x128xf32>
    %mul3A_18 = arith.mulf %dot_general3A_17, %mul3A : vector<1000x128xf32>
    %get3A_19 = arith.constant 0 : index
    %get3A_20 = arith.constant 0 : index
    %get3A_21 = vector.load %arg6[%get3A_19, %get3A_20] : memref<1x128xf32, #tpu.memory_space<vmem>>, vector<1x128xf32>
    %add3A_22 = vector.broadcast %get3A_21 : vector<1x128xf32> to vector<1000x128xf32>
    %add3A_23 = arith.addf %mul3A_18, %add3A_22 : vector<1000x128xf32>
    %get3A_24 = arith.constant 0 : index
    %get3A_25 = arith.constant 0 : index
    %get3A_26 = vector.load %arg7[%get3A_24, %get3A_25] : memref<1x1xf32, #tpu.memory_space<vmem>>, vector<1x1xf32>
    %ge3A = arith.constant 0.000000e+00 : f32
    %ge3A_27 = vector.broadcast %ge3A : f32 to vector<1000x128xf32>
    %ge3A_28 = arith.cmpf oge, %add3A_23, %ge3A_27 : vector<1000x128xf32>
    %mul3A_29 = vector.broadcast %get3A_26 : vector<1x1xf32> to vector<1000x128xf32>
    %mul3A_30 = arith.mulf %mul3A_29, %add3A_23 : vector<1000x128xf32>
    %select_n3A_31 = arith.select %ge3A_28, %add3A_23, %mul3A_30 : vector<1000x128xi1>, vector<1000x128xf32>
    %get3A_32 = arith.constant 0 : index
    %get3A_33 = arith.constant 0 : index
    %get3A_34 = vector.load %arg4[%get3A_32, %get3A_33] : memref<1000x128xf32, #tpu.memory_space<vmem>>, vector<1000x128xf32>
    %add3A_35 = arith.addf %select_n3A_31, %get3A_34 : vector<1000x128xf32>
    %get3A_36 = arith.constant 0 : index
    %get3A_37 = arith.constant 0 : index
    %get3A_38 = vector.load %arg8[%get3A_36, %get3A_37] : memref<128x128xf32, #tpu.memory_space<vmem>>, vector<128x128xf32>
    %dot_general3A_39 = arith.constant dense<0.000000e+00> : vector<1000x128xf32>
    %dot_general3A_40 = tpu.matmul %add3A_35, %get3A_38, %dot_general3A_39 {dimension_numbers = #tpu.dot_dimension_numbers<[1], [0], [0], [1], [0, 0, 1, 1], [], []>, precision = #tpu.contract_precision<fp32>, transpose_lhs_hint = false} : vector<1000x128xf32>, vector<128x128xf32>, vector<1000x128xf32> -> vector<1000x128xf32>
    %get3A_41 = arith.constant 0 : index
    %get3A_42 = arith.constant 0 : index
    %get3A_43 = vector.load %arg9[%get3A_41, %get3A_42] : memref<1x128xf32, #tpu.memory_space<vmem>>, vector<1x128xf32>
    %add3A_44 = vector.broadcast %get3A_43 : vector<1x128xf32> to vector<1000x128xf32>
    %add3A_45 = arith.addf %dot_general3A_40, %add3A_44 : vector<1000x128xf32>
    %max3A = arith.constant 0.000000e+00 : f32
    %max3A_46 = vector.broadcast %max3A : f32 to vector<1000x128xf32>
    %max3A_47 = arith.maximumf %add3A_45, %max3A_46 : vector<1000x128xf32>
    %get3A_48 = arith.constant 0 : index
    %get3A_49 = arith.constant 0 : index
    %get3A_50 = vector.load %arg10[%get3A_48, %get3A_49] : memref<128x128xf32, #tpu.memory_space<vmem>>, vector<128x128xf32>
    %dot_general3A_51 = arith.constant dense<0.000000e+00> : vector<1000x128xf32>
    %dot_general3A_52 = tpu.matmul %max3A_47, %get3A_50, %dot_general3A_51 {dimension_numbers = #tpu.dot_dimension_numbers<[1], [0], [0], [1], [0, 0, 1, 1], [], []>, precision = #tpu.contract_precision<fp32>, transpose_lhs_hint = false} : vector<1000x128xf32>, vector<128x128xf32>, vector<1000x128xf32> -> vector<1000x128xf32>
    %get3A_53 = arith.constant 0 : index
    %get3A_54 = arith.constant 0 : index
    %get3A_55 = vector.load %arg11[%get3A_53, %get3A_54] : memref<1x128xf32, #tpu.memory_space<vmem>>, vector<1x128xf32>
    %add3A_56 = vector.broadcast %get3A_55 : vector<1x128xf32> to vector<1000x128xf32>
    %add3A_57 = arith.addf %dot_general3A_52, %add3A_56 : vector<1000x128xf32>
    %get3A_58 = arith.constant 0 : index
    %get3A_59 = arith.constant 0 : index
    %get3A_60 = vector.load %arg8[%get3A_58, %get3A_59] : memref<128x128xf32, #tpu.memory_space<vmem>>, vector<128x128xf32>
    %dot_general3A_61 = arith.constant dense<0.000000e+00> : vector<1000x128xf32>
    %dot_general3A_62 = tpu.matmul %add3A_57, %get3A_60, %dot_general3A_61 {dimension_numbers = #tpu.dot_dimension_numbers<[1], [0], [0], [1], [0, 0, 1, 1], [], []>, precision = #tpu.contract_precision<fp32>, transpose_lhs_hint = false} : vector<1000x128xf32>, vector<128x128xf32>, vector<1000x128xf32> -> vector<1000x128xf32>
    %get3A_63 = arith.constant 0 : index
    %get3A_64 = arith.constant 0 : index
    %get3A_65 = vector.load %arg9[%get3A_63, %get3A_64] : memref<1x128xf32, #tpu.memory_space<vmem>>, vector<1x128xf32>
    %add3A_66 = vector.broadcast %get3A_65 : vector<1x128xf32> to vector<1000x128xf32>
    %add3A_67 = arith.addf %dot_general3A_62, %add3A_66 : vector<1000x128xf32>
    %max3A_68 = arith.constant 0.000000e+00 : f32
    %max3A_69 = vector.broadcast %max3A_68 : f32 to vector<1000x128xf32>
    %max3A_70 = arith.maximumf %add3A_67, %max3A_69 : vector<1000x128xf32>
    %get3A_71 = arith.constant 0 : index
    %get3A_72 = arith.constant 0 : index
    %get3A_73 = vector.load %arg10[%get3A_71, %get3A_72] : memref<128x128xf32, #tpu.memory_space<vmem>>, vector<128x128xf32>
    %dot_general3A_74 = arith.constant dense<0.000000e+00> : vector<1000x128xf32>
    %dot_general3A_75 = tpu.matmul %max3A_70, %get3A_73, %dot_general3A_74 {dimension_numbers = #tpu.dot_dimension_numbers<[1], [0], [0], [1], [0, 0, 1, 1], [], []>, precision = #tpu.contract_precision<fp32>, transpose_lhs_hint = false} : vector<1000x128xf32>, vector<128x128xf32>, vector<1000x128xf32> -> vector<1000x128xf32>
    %get3A_76 = arith.constant 0 : index
    %get3A_77 = arith.constant 0 : index
    %get3A_78 = vector.load %arg11[%get3A_76, %get3A_77] : memref<1x128xf32, #tpu.memory_space<vmem>>, vector<1x128xf32>
    %add3A_79 = vector.broadcast %get3A_78 : vector<1x128xf32> to vector<1000x128xf32>
    %add3A_80 = arith.addf %dot_general3A_75, %add3A_79 : vector<1000x128xf32>
    %mul3A_81 = arith.mulf %add3A_57, %add3A_57 : vector<1000x128xf32>
    %reduce_sum3A_82 = arith.constant dense<0.000000e+00> : vector<1000xf32>
    %reduce_sum3A_83 = vector.multi_reduction <add>, %mul3A_81, %reduce_sum3A_82 [1] : vector<1000x128xf32> to vector<1000xf32>
    %broadcast_in_dim3A_84 = vector.shape_cast %reduce_sum3A_83 : vector<1000xf32> to vector<1000x1xf32>
    %sqrt3A = math.sqrt %broadcast_in_dim3A_84 : vector<1000x1xf32>
    %max3A_85 = arith.constant 9.99999996E-13 : f32
    %max3A_86 = vector.broadcast %max3A_85 : f32 to vector<1000x1xf32>
    %max3A_87 = arith.maximumf %sqrt3A, %max3A_86 : vector<1000x1xf32>
    %mul3A_88 = arith.mulf %add3A_80, %add3A_80 : vector<1000x128xf32>
    %reduce_sum3A_89 = arith.constant dense<0.000000e+00> : vector<1000xf32>
    %reduce_sum3A_90 = vector.multi_reduction <add>, %mul3A_88, %reduce_sum3A_89 [1] : vector<1000x128xf32> to vector<1000xf32>
    %broadcast_in_dim3A_91 = vector.shape_cast %reduce_sum3A_90 : vector<1000xf32> to vector<1000x1xf32>
    %sqrt3A_92 = math.sqrt %broadcast_in_dim3A_91 : vector<1000x1xf32>
    %max3A_93 = arith.constant 9.99999996E-13 : f32
    %max3A_94 = vector.broadcast %max3A_93 : f32 to vector<1000x1xf32>
    %max3A_95 = arith.maximumf %sqrt3A_92, %max3A_94 : vector<1000x1xf32>
    %div3A_96 = vector.broadcast %max3A_87 : vector<1000x1xf32> to vector<1000x128xf32>
    %div3A_97 = arith.divf %add3A_57, %div3A_96 : vector<1000x128xf32>
    %div3A_98 = vector.broadcast %max3A_95 : vector<1000x1xf32> to vector<1000x128xf32>
    %div3A_99 = arith.divf %add3A_80, %div3A_98 : vector<1000x128xf32>
    %swap3A = arith.constant 0 : index
    %swap3A_100 = arith.constant 0 : index
    %swap3A_101 = vector.load %arg12[%swap3A, %swap3A_100] : memref<1000x128xf32, #tpu.memory_space<vmem>>, vector<1000x128xf32>
    tpu.vector_store %arg12[%swap3A, %swap3A_100], %add3A_57 {strides = array<i32>} : memref<1000x128xf32, #tpu.memory_space<vmem>>, vector<1000x128xf32>,
    %swap3A_102 = arith.constant 0 : index
    %swap3A_103 = arith.constant 0 : index
    %swap3A_104 = vector.load %arg13[%swap3A_102, %swap3A_103] : memref<1000x128xf32, #tpu.memory_space<vmem>>, vector<1000x128xf32>
    tpu.vector_store %arg13[%swap3A_102, %swap3A_103], %div3A_97 {strides = array<i32>} : memref<1000x128xf32, #tpu.memory_space<vmem>>, vector<1000x128xf32>,
    %swap3A_105 = arith.constant 0 : index
    %swap3A_106 = arith.constant 0 : index
    %swap3A_107 = vector.load %arg14[%swap3A_105, %swap3A_106] : memref<1000x128xf32, #tpu.memory_space<vmem>>, vector<1000x128xf32>
    tpu.vector_store %arg14[%swap3A_105, %swap3A_106], %div3A_99 {strides = array<i32>} : memref<1000x128xf32, #tpu.memory_space<vmem>>, vector<1000x128xf32>,
    %convert_element_type3A = arith.truncf %div3A_97 : vector<1000x128xf32> to vector<1000x128xbf16>
    %swap3A_108 = arith.constant 0 : index
    %swap3A_109 = arith.constant 0 : index
    %swap3A_110 = vector.load %arg15[%swap3A_108, %swap3A_109] : memref<1000x128xbf16, #tpu.memory_space<vmem>>, vector<1000x128xbf16>
    tpu.vector_store %arg15[%swap3A_108, %swap3A_109], %convert_element_type3A {strides = array<i32>} : memref<1000x128xbf16, #tpu.memory_space<vmem>>, vector<1000x128xbf16>,
    %convert_element_type3A_111 = arith.truncf %div3A_99 : vector<1000x128xf32> to vector<1000x128xbf16>
    %swap3A_112 = arith.constant 0 : index
    %swap3A_113 = arith.constant 0 : index
    %swap3A_114 = vector.load %arg16[%swap3A_112, %swap3A_113] : memref<1000x128xbf16, #tpu.memory_space<vmem>>, vector<1000x128xbf16>
    tpu.vector_store %arg16[%swap3A_112, %swap3A_113], %convert_element_type3A_111 {strides = array<i32>} : memref<1000x128xbf16, #tpu.memory_space<vmem>>, vector<1000x128xbf16>,
    return
  }
  func.func @transform_0(%arg0: i32) -> (i32, i32) {
    %c0_i32 = arith.constant 0 : i32
    %c0_i32_0 = arith.constant 0 : i32
    return %arg0, %c0_i32 : i32, i32
  }
  func.func @transform_1(%arg0: i32) -> (i32, i32) {
    %c0_i32 = arith.constant 0 : i32
    %c0_i32_0 = arith.constant 0 : i32
    return %arg0, %c0_i32 : i32, i32
  }
  func.func @transform_2(%arg0: i32) -> (i32, i32) {
    %c0_i32 = arith.constant 0 : i32
    %c0_i32_0 = arith.constant 0 : i32
    return %arg0, %c0_i32 : i32, i32
  }
  func.func @transform_3(%arg0: i32) -> (i32, i32) {
    %c0_i32 = arith.constant 0 : i32
    %c0_i32_0 = arith.constant 0 : i32
    return %arg0, %c0_i32 : i32, i32
  }
  func.func @transform_4(%arg0: i32) -> (i32, i32) {
    %c0_i32 = arith.constant 0 : i32
    %c0_i32_0 = arith.constant 0 : i32
    %c0_i32_1 = arith.constant 0 : i32
    return %c0_i32, %c0_i32_0 : i32, i32
  }
  func.func @transform_5(%arg0: i32) -> (i32, i32) {
    %c0_i32 = arith.constant 0 : i32
    %c0_i32_0 = arith.constant 0 : i32
    %c0_i32_1 = arith.constant 0 : i32
    return %c0_i32, %c0_i32_0 : i32, i32
  }
  func.func @transform_6(%arg0: i32) -> (i32, i32) {
    %c0_i32 = arith.constant 0 : i32
    %c0_i32_0 = arith.constant 0 : i32
    %c0_i32_1 = arith.constant 0 : i32
    return %c0_i32, %c0_i32_0 : i32, i32
  }
  func.func @transform_7(%arg0: i32) -> (i32, i32) {
    %c0_i32 = arith.constant 0 : i32
    %c0_i32_0 = arith.constant 0 : i32
    %c0_i32_1 = arith.constant 0 : i32
    return %c0_i32, %c0_i32_0 : i32, i32
  }
  func.func @transform_8(%arg0: i32) -> (i32, i32) {
    %c0_i32 = arith.constant 0 : i32
    %c0_i32_0 = arith.constant 0 : i32
    %c0_i32_1 = arith.constant 0 : i32
    return %c0_i32, %c0_i32_0 : i32, i32
  }
  func.func @transform_9(%arg0: i32) -> (i32, i32) {
    %c0_i32 = arith.constant 0 : i32
    %c0_i32_0 = arith.constant 0 : i32
    %c0_i32_1 = arith.constant 0 : i32
    return %c0_i32, %c0_i32_0 : i32, i32
  }
  func.func @transform_10(%arg0: i32) -> (i32, i32) {
    %c0_i32 = arith.constant 0 : i32
    %c0_i32_0 = arith.constant 0 : i32
    %c0_i32_1 = arith.constant 0 : i32
    return %c0_i32, %c0_i32_0 : i32, i32
  }
  func.func @transform_11(%arg0: i32) -> (i32, i32) {
    %c0_i32 = arith.constant 0 : i32
    %c0_i32_0 = arith.constant 0 : i32
    return %arg0, %c0_i32 : i32, i32
  }
  func.func @transform_12(%arg0: i32) -> (i32, i32) {
    %c0_i32 = arith.constant 0 : i32
    %c0_i32_0 = arith.constant 0 : i32
    return %arg0, %c0_i32 : i32, i32
  }
  func.func @transform_13(%arg0: i32) -> (i32, i32) {
    %c0_i32 = arith.constant 0 : i32
    %c0_i32_0 = arith.constant 0 : i32
    return %arg0, %c0_i32 : i32, i32
  }
  func.func @transform_14(%arg0: i32) -> (i32, i32) {
    %c0_i32 = arith.constant 0 : i32
    %c0_i32_0 = arith.constant 0 : i32
    return %arg0, %c0_i32 : i32, i32
  }
  func.func @transform_15(%arg0: i32) -> (i32, i32) {
    %c0_i32 = arith.constant 0 : i32
    %c0_i32_0 = arith.constant 0 : i32
    return %arg0, %c0_i32 : i32, i32
  }
}

module attributes {stable_mosaic.version = 14 : i64} {
  func.func @_k4_body(%arg0: i32, %arg1: i32, %arg2: memref<1000x128xf32, #tpu.memory_space<vmem>>, %arg3: memref<1000x128xbf16, #tpu.memory_space<vmem>>, %arg4: memref<1000x128xbf16, #tpu.memory_space<vmem>>, %arg5: memref<1000x128xf32, #tpu.memory_space<vmem>>, %arg6: memref<1000x1xf32, #tpu.memory_space<vmem>>, %arg7: memref<1000x1xf32, #tpu.memory_space<vmem>>) attributes {dimension_semantics = [#tpu.dimension_semantics<arbitrary>, #tpu.dimension_semantics<arbitrary>], iteration_bounds = array<i64: 10, 10>, scalar_prefetch = 0 : i64, scratch_operands = 1 : i64, tpu.core_type = #tpu.core_type<tc>, window_params = [{transform_indices = @transform_0, window_bounds = array<i64: 1000, 128>}, {transform_indices = @transform_1, window_bounds = array<i64: 1000, 128>}, {transform_indices = @transform_2, window_bounds = array<i64: 1000, 128>}, {transform_indices = @transform_3, window_bounds = array<i64: 1000, 128>}, {transform_indices = @transform_4, window_bounds = array<i64: 1000, 1>}]} {
    %get3A = arith.constant 0 : index
    %get3A_0 = arith.constant 0 : index
    %get3A_1 = vector.load %arg2[%get3A, %get3A_0] : memref<1000x128xf32, #tpu.memory_space<vmem>>, vector<1000x128xf32>
    %get3A_2 = arith.constant 0 : index
    %get3A_3 = arith.constant 0 : index
    %get3A_4 = vector.load %arg4[%get3A_2, %get3A_3] : memref<1000x128xbf16, #tpu.memory_space<vmem>>, vector<1000x128xbf16>
    %get3A_5 = arith.constant 0 : index
    %get3A_6 = arith.constant 0 : index
    %get3A_7 = vector.load %arg3[%get3A_5, %get3A_6] : memref<1000x128xbf16, #tpu.memory_space<vmem>>, vector<1000x128xbf16>
    %dot_general3A = arith.constant dense<0.000000e+00> : vector<1000x1000xf32>
    %dot_general3A_8 = tpu.matmul %get3A_4, %get3A_7, %dot_general3A {dimension_numbers = #tpu.dot_dimension_numbers<[1], [1], [0], [0], [0, 0, 1, 0], [], []>, transpose_lhs_hint = false} : vector<1000x128xbf16>, vector<1000x128xbf16>, vector<1000x1000xf32> -> vector<1000x1000xf32>
    %mul3A = arith.constant 1.000000e+01 : f32
    %mul3A_9 = vector.broadcast %mul3A : f32 to vector<1000x1000xf32>
    %mul3A_10 = arith.mulf %dot_general3A_8, %mul3A_9 : vector<1000x1000xf32>
    %exp3A = math.exp %mul3A_10 : vector<1000x1000xf32>
    %reduce_sum3A = arith.constant dense<0.000000e+00> : vector<1000xf32>
    %reduce_sum3A_11 = vector.multi_reduction <add>, %exp3A, %reduce_sum3A [1] : vector<1000x1000xf32> to vector<1000xf32>
    %broadcast_in_dim3A = vector.shape_cast %reduce_sum3A_11 : vector<1000xf32> to vector<1000x1xf32>
    %eq3A = arith.constant 0 : i32
    %eq3A_12 = arith.cmpi eq, %arg1, %eq3A : i32
    %convert_element_type3A = arith.extui %eq3A_12 : i1 to i32
    %cond3A = arith.constant 0 : i32
    %cond3A_13 = arith.cmpi ne, %convert_element_type3A, %cond3A : i32
    scf.if %cond3A_13 {
      %swap3A = arith.constant 0 : index
      %swap3A_23 = arith.constant 0 : index
      %swap3A_24 = vector.load %arg7[%swap3A, %swap3A_23] : memref<1000x1xf32, #tpu.memory_space<vmem>>, vector<1000x1xf32>
      tpu.vector_store %arg7[%swap3A, %swap3A_23], %broadcast_in_dim3A {strides = array<i32>} : memref<1000x1xf32, #tpu.memory_space<vmem>>, vector<1000x1xf32>,
    } else {
    }
    %gt3A = arith.constant 0 : i32
    %gt3A_14 = arith.cmpi sgt, %arg1, %gt3A : i32
    %convert_element_type3A_15 = arith.extui %gt3A_14 : i1 to i32
    %cond3A_16 = arith.constant 0 : i32
    %cond3A_17 = arith.cmpi ne, %convert_element_type3A_15, %cond3A_16 : i32
    scf.if %cond3A_17 {
      %get3A_23 = arith.constant 0 : index
      %get3A_24 = arith.constant 0 : index
      %get3A_25 = vector.load %arg7[%get3A_23, %get3A_24] : memref<1000x1xf32, #tpu.memory_space<vmem>>, vector<1000x1xf32>
      %add3A = arith.addf %get3A_25, %broadcast_in_dim3A : vector<1000x1xf32>
      %swap3A = arith.constant 0 : index
      %swap3A_26 = arith.constant 0 : index
      %swap3A_27 = vector.load %arg7[%swap3A, %swap3A_26] : memref<1000x1xf32, #tpu.memory_space<vmem>>, vector<1000x1xf32>
      tpu.vector_store %arg7[%swap3A, %swap3A_26], %add3A {strides = array<i32>} : memref<1000x1xf32, #tpu.memory_space<vmem>>, vector<1000x1xf32>,
    } else {
    }
    %eq3A_18 = arith.constant 9 : i32
    %eq3A_19 = arith.cmpi eq, %arg1, %eq3A_18 : i32
    %convert_element_type3A_20 = arith.extui %eq3A_19 : i1 to i32
    %cond3A_21 = arith.constant 0 : i32
    %cond3A_22 = arith.cmpi ne, %convert_element_type3A_20, %cond3A_21 : i32
    scf.if %cond3A_22 {
      %get3A_23 = arith.constant 0 : index
      %get3A_24 = arith.constant 0 : index
      %get3A_25 = vector.load %arg5[%get3A_23, %get3A_24] : memref<1000x128xf32, #tpu.memory_space<vmem>>, vector<1000x128xf32>
      %mul3A_26 = arith.mulf %get3A_1, %get3A_25 : vector<1000x128xf32>
      %reduce_sum3A_27 = arith.constant dense<0.000000e+00> : vector<1000xf32>
      %reduce_sum3A_28 = vector.multi_reduction <add>, %mul3A_26, %reduce_sum3A_27 [1] : vector<1000x128xf32> to vector<1000xf32>
      %broadcast_in_dim3A_29 = vector.shape_cast %reduce_sum3A_28 : vector<1000xf32> to vector<1000x1xf32>
      %mul3A_30 = arith.constant 1.000000e+01 : f32
      %mul3A_31 = vector.broadcast %mul3A_30 : f32 to vector<1000x1xf32>
      %mul3A_32 = arith.mulf %broadcast_in_dim3A_29, %mul3A_31 : vector<1000x1xf32>
      %exp3A_33 = math.exp %mul3A_32 : vector<1000x1xf32>
      %get3A_34 = arith.constant 0 : index
      %get3A_35 = arith.constant 0 : index
      %get3A_36 = vector.load %arg7[%get3A_34, %get3A_35] : memref<1000x1xf32, #tpu.memory_space<vmem>>, vector<1000x1xf32>
      %add3A = arith.addf %exp3A_33, %get3A_36 : vector<1000x1xf32>
      %log3A = math.log %add3A : vector<1000x1xf32>
      %sub3A = arith.subf %log3A, %mul3A_32 : vector<1000x1xf32>
      %swap3A = arith.constant 0 : index
      %swap3A_37 = arith.constant 0 : index
      %swap3A_38 = vector.load %arg6[%swap3A, %swap3A_37] : memref<1000x1xf32, #tpu.memory_space<vmem>>, vector<1000x1xf32>
      tpu.vector_store %arg6[%swap3A, %swap3A_37], %sub3A {strides = array<i32>} : memref<1000x1xf32, #tpu.memory_space<vmem>>, vector<1000x1xf32>,
    } else {
    }
    return
  }
  func.func @transform_0(%arg0: i32, %arg1: i32) -> (i32, i32) {
    %c0_i32 = arith.constant 0 : i32
    %c0_i32_0 = arith.constant 0 : i32
    return %arg0, %c0_i32 : i32, i32
  }
  func.func @transform_1(%arg0: i32, %arg1: i32) -> (i32, i32) {
    %c0_i32 = arith.constant 0 : i32
    %c0_i32_0 = arith.constant 0 : i32
    return %arg1, %c0_i32 : i32, i32
  }
  func.func @transform_2(%arg0: i32, %arg1: i32) -> (i32, i32) {
    %c0_i32 = arith.constant 0 : i32
    %c0_i32_0 = arith.constant 0 : i32
    return %arg0, %c0_i32 : i32, i32
  }
  func.func @transform_3(%arg0: i32, %arg1: i32) -> (i32, i32) {
    %c0_i32 = arith.constant 0 : i32
    %c0_i32_0 = arith.constant 0 : i32
    return %arg0, %c0_i32 : i32, i32
  }
  func.func @transform_4(%arg0: i32, %arg1: i32) -> (i32, i32) {
    %c0_i32 = arith.constant 0 : i32
    %c0_i32_0 = arith.constant 0 : i32
    return %arg0, %c0_i32 : i32, i32
  }
}

</mosaic_0001>

<sc_bundles>
// kernel: gather_offload_async_start
scs
__scs_entry_jumppad:
0x0: {  	(pc) =	sbr.rel $0x88, $3  }
0x1: {  	(tag) =	ssettag $0x0;
	lr =	simm.s32 $0x1  }
0x2: {  	[smem:$0x3F97] =	sst lr;
	_ =	strace $0xD0000000  }
0x3: {  	_ = 	snop  }
0x4: {  	_ = 	snop  }
0x5: {  	_ = 	snop  }
0x6: {  	_ = 	snop  }
0x7: {  	_ = 	snop  }
__scs_overlays_trampoline_lowered:
0x8: {  	[smem:$0x3FA6] =	sst s0  }
0x9: {  	[smem:$0x3FA7] =	sst s1  }
0xa: {  	[smem:$0x3FA8] =	sst s2  }
0xb: {  	[smem:$0x3FA9] =	sst s3  }
0xc: {  	[smem:$0x3FAA] =	sst s4  }
0xd: {  	[smem:$0x3FAB] =	sst s5  }
0xe: {  	[smem:$0x3FAC] =	sst s6  }
0xf: {  	[smem:$0x3FAD] =	sst s7  }
0x10: {  	[smem:$0x3FAE] =	sst s8  }
0x11: {  	[smem:$0x3FAF] =	sst s9;
	s0 =	simm.s32 @!p0 $0x0  }
0x12: {  	s1 =	sld [smem:$0x3F95];
	s0 =	simm.s32 @p0 $0x1  }
0x13: {  	[smem:$0x3FB0] =	sst s0;
	s0 =	simm.s32 @!p1 $0x0  }
0x14: {  	s2 =	sld [smem:$0x3F94];
	s0 =	simm.s32 @p1 $0x1  }
0x15: {  	[smem:$0x3FB1] =	sst s0;
	s0 =	simm.s32 @!p2 $0x0  }
0x16: {  	s3 =	sld [smem:$0x3FDB];
	s0 =	simm.s32 @p2 $0x1  }
0x17: {  	s4 =	simm.s32 $0x1BF5;
	[smem:$0x3FB3] =	sst s0  }
0x18: {  	s0 =	sld [smem:$0x3F96];
	_ =	swait.ge [sflag:s4], $0x0  }
0x19: {  	s7 =	sld [smem:$0x3F97]  }
0x1a: {  	s8 =	sadd.s32 $0xFFFFE003, lr  }
0x1b: {  	s9 =	sadd.s32 $0xFFFFFEF7, lr;
	s5 =	simm.s32 $0xFFFFFFFF;
	p2 =	slt.u32 s8, $0xFFFFF086  }
0x1c: {  	p1 =	slt.u32 s9, $0xF7A;
	s5 =	simm.s32 @!p2 $0x0  }
0x1d: {  	s5 =	simm.s32 @p1 $0x1;
	p0 =	seq.s32 s7, s2  }
0x1e: {  	s7 =	smul.u32 @!p0 $0xF7A, s2;
	p2 =	seq.s32 @!p0 s5, $0x0  }
0x1f: {  	s9 =	smul.u32 $0xF7A, s1;
	s8 =	simm.s32 @!p0 $0x1BF5;
	p2 =	por !p2, p0  }
0x20: {  	[sflag:s8] =	ssyncset.s32 @!p0 $0xFFFFF086;
	s6 =	sadd.s32 @!p0 s3, s7;
	s7 =	simm.s32 @!p0 $0x108  }
0x21: {  	s3 =	sadd.s32 s3, s9;
	s6 =	sadd.s32 @!p0 $0x88, s6;
	s7 =	simm.s32 @p2 $0x1082  }
0x22: {  	[simem:s7], [sflag:s8] =	dma.local @!p0 [hbm:s6], $0xF7A  }
0x23: {  	s9 =	sor.u32 $0xD0000000, s2;
	s6 =	simm.s32 $0x108;
	_ =	swait.ge @!p0 [sflag:s8], $0x0  }
0x24: {  	s3 =	sadd.s32 $0x88, s3;
	s6 =	simm.s32 @!p1 $0x1082;
	[sflag:s4] =	ssyncset.s32 $0xFFFFF086  }
0x25: {  	[simem:s6], [sflag:s4] =	dma.local [hbm:s3], $0xF7A  }
0x26: {  	[smem:$0x3F97] =	sst s1;
	(tag) =	ssettag s2;
	_ =	strace s9  }
0x27: {  	s1 =	sld [smem:$0x3FA7]  }
0x28: {  	s2 =	sld [smem:$0x3FA8]  }
0x29: {  	s4 =	sld [smem:$0x3FAA]  }
0x2a: {  	p0 =	seq.s32 s5, $0x0;
	s5 =	sld [smem:$0x3FAB]  }
0x2b: {  	s6 =	sld [smem:$0x3FAC]  }
0x2c: {  	s7 =	sld [smem:$0x3FAD]  }
0x2d: {  	s3 =	simm.s32 $0x108;
	s8 =	sld [smem:$0x3FAE]  }
0x2e: {  	s3 =	simm.s32 @!p0 $0x1082;
	s9 =	sld [smem:$0x3FAF]  }
0x2f: {  	lr =	sadd.s32 s0, s3;
	s0 =	sld [smem:$0x3FA6]  }
0x30: {  	s3 =	sld [smem:$0x3FA9]  }
0x31: {  	[smem:$0x3FB2] =	sst s10  }
0x32: {  	s10 =	sld [smem:$0x3FB0];
	_ =	sdelay $0x3  }
0x33: {  	p0 =	seq.s32 s10, $0x1;
	s10 =	sld [smem:$0x3FB2];
	_ =	sdelay $0x3  }
0x34: {  	[smem:$0x3FB2] =	sst s10  }
0x35: {  	s10 =	sld [smem:$0x3FB1];
	_ =	sdelay $0x3  }
0x36: {  	p1 =	seq.s32 s10, $0x1;
	s10 =	sld [smem:$0x3FB2];
	_ =	sdelay $0x3  }
0x37: {  	[smem:$0x3FB2] =	sst s10  }
0x38: {  	s10 =	sld [smem:$0x3FB3]  }
0x39: {  	_ = 	snop;
	(pc) =	sbr.ind lr, $3  }
0x3a: {  	_ = 	snop  }
0x3b: {  	_ = 	snop  }
0x3c: {  	p2 =	seq.s32 s10, $0x1;
	s10 =	sld [smem:$0x3FB2]  }
0x3d: {  	_ =	shalt  }
0x3e: {  	_ =	shalt  }
0x3f: {  	_ =	shalt  }
0x40: {  	_ =	shalt  }
0x41: {  	_ =	shalt  }
0x42: {  	_ =	shalt  }
0x43: {  	_ =	shalt  }
0x44: {  	_ =	shalt  }
0x45: {  	_ =	shalt  }
0x46: {  	_ =	shalt  }
0x47: {  	_ =	shalt  }
0x48: {  	_ =	shalt  }
0x49: {  	_ =	shalt  }
0x4a: {  	_ =	shalt  }
0x4b: {  	_ =	shalt  }
0x4c: {  	_ =	shalt  }
0x4d: {  	_ =	shalt  }
0x4e: {  	_ =	shalt  }
0x4f: {  	_ =	shalt  }
0x50: {  	_ =	shalt  }
0x51: {  	_ =	shalt  }
0x52: {  	_ =	shalt  }
0x53: {  	_ =	shalt  }
0x54: {  	_ =	shalt  }
0x55: {  	_ =	shalt  }
0x56: {  	_ =	shalt  }
0x57: {  	_ =	shalt  }
0x58: {  	_ =	shalt  }
0x59: {  	_ =	shalt  }
0x5a: {  	_ =	shalt  }
0x5b: {  	_ =	shalt  }
0x5c: {  	_ =	shalt  }
0x5d: {  	_ =	shalt  }
0x5e: {  	_ =	shalt  }
0x5f: {  	_ =	shalt  }
0x60: {  	_ =	shalt  }
0x61: {  	_ =	shalt  }
0x62: {  	_ =	shalt  }
0x63: {  	_ =	shalt  }
0x64: {  	_ =	shalt  }
0x65: {  	_ =	shalt  }
0x66: {  	_ =	shalt  }
0x67: {  	_ =	shalt  }
0x68: {  	_ =	shalt  }
0x69: {  	_ =	shalt  }
0x6a: {  	_ =	shalt  }
0x6b: {  	_ =	shalt  }
0x6c: {  	_ =	shalt  }
0x6d: {  	_ =	shalt  }
0x6e: {  	_ =	shalt  }
0x6f: {  	_ =	shalt  }
0x70: {  	_ =	shalt  }
0x71: {  	_ =	shalt  }
0x72: {  	_ =	shalt  }
0x73: {  	_ =	shalt  }
0x74: {  	_ =	shalt  }
0x75: {  	_ =	shalt  }
0x76: {  	_ =	shalt  }
0x77: {  	_ =	shalt  }
0x78: {  	_ =	shalt  }
0x79: {  	_ =	shalt  }
0x7a: {  	_ =	shalt  }
0x7b: {  	_ =	shalt  }
0x7c: {  	_ =	shalt  }
0x7d: {  	_ =	shalt  }
0x7e: {  	_ =	shalt  }
0x7f: {  	_ =	shalt  }
0x80: {  	_ =	shalt  }
0x81: {  	_ =	shalt  }
0x82: {  	_ =	shalt  }
0x83: {  	_ =	shalt  }
0x84: {  	_ =	shalt  }
0x85: {  	_ =	shalt  }
0x86: {  	_ =	shalt  }
0x87: {  	_ =	shalt  }
.Lfunc_end0:
.L_simem_size_0:
called_computation_lowered:
.L_overlay_start_0:
0x88: {  	s0 =	sld [smem:$0x3FD9]  }
0x89: {  	s1 =	sld [smem:$0x3FFE];
	_ =	sdelay $0x3  }
0x8a: {  	s0 =	sadd.s32 s1, s0  }
0x8b: {  	[smem:$0x3FBE] =	sst s0  }
0x8c: {  	_ = 	snop  }
0x8d: {  	(tm) =	ssettm $0x1  }
0x8e: {  	s15 =	sld [smem:$0x3FFB];
	_ =	sdelay $0x3  }
0x8f: {  	_ =	strace s15  }
0x90: {  	s0 =	sld [smem:$0x3FFC];
	_ =	sdelay $0x3  }
0x91: {  	_ =	strace s0  }
0x92: {  	s0 =	sld [smem:$0x3FFD];
	_ =	sdelay $0x3  }
0x93: {  	_ =	strace s0  }
0x94: {  	_ =	strace $0x8FFFFFFF  }
0x95: {  	s16 =	sld [smem:$0x3FDB];
	_ =	sdelay $0x1  }
0x96: {  	s17 =	simm.s32 $_scs_section_size  }
0x97: {  	s2 =	simm.s32 $_size__tile_overlayer_lowered;
	s3 =	simm.s32 $_tile_overlayer_lowered  }
0x98: {  	s20 =	simm.s32 $0x1BFF;
	s19 =	sshll.u32 s3, $0x1;
	s0 =	sadd.s32 s17, s16  }
0x99: {  	s4 =	simm.s32 $0x0;
	s18 =	sshll.u32 s2, $0x1;
	s2 =	sadd.s32 s19, s0  }
0x9a: {  	[timem:s4], [sflag:s20] =	dma.local [hbm:s2], s18  }
0x9b: {  	_ =	swait.ge [sflag:s20], s18  }
0x9c: {  	s1 =	ssub.s32 $0x0, s18;
	[sflag:s20] =	ssyncset.done $0x0  }
0x9d: {  	[sflag:s20] =	ssyncadd.s32 s1;
	_ =	sdelay $0x1  }
0x9e: {  	s21 =	simm.s32 $0x1B8B  }
0x9f: {  	_ =	swait.ge [sflag:s21], $0x1  }
0xa0: {  	[sflag:s21] =	ssyncset.done $0x0  }
0xa1: {  	s23 =	simm.s32 $0x1B8E;
	s22 =	sld [smem:$0x3FFE];
	[sflag:s21] =	ssyncadd.s32 $0xFFFFFFFF  }
0xa2: {  	s24 =	simm.s32 $execute0_lowered;
	[smem:$0x3FD2] =	sst s23  }
0xa3: {  	s2 =	sshll.u32 s24, $0x1;
	_ =	strace $0x8000004F;
	[dreg:$0x1] =	wrdreg $0xFFFFFFFF  }
0xa4: {  	s25 =	simm.s32 $_size_execute0_lowered;
	s0 =	sadd.s32 s0, s2;
	[dreg:$0x0] =	wrdreg $0x0  }
0xa5: {  	s2 =	sshll.u32 s25, $0x1;
	[dreg:$0x2] =	wrdreg s0  }
0xa6: {  	[dreg:$0x3] =	wrdreg s2  }
0xa7: {  	[dreg:$0x4] =	wrdreg $0xC0  }
0xa8: {  	_ =	task [dreg:s4], $0x5FFFF  }
0xa9: {  	[dreg:$0x1] =	wrdreg $0xFFFFFFFF  }
0xaa: {  	[dreg:$0x0] =	wrdreg $0x60  }
0xab: {  	[dreg:$0x2] =	wrdreg s22  }
0xac: {  	[dreg:$0x3] =	wrdreg $0x9  }
0xad: {  	_ =	task.clear_ibuf [dreg:s4], $0x4FFFF;
	_ =	strace $0x9000004F  }
0xae: {  	s26 =	simm.s32 $0x9;
	_ =	strace $0x80000051  }
0xaf: {  	_ =	swait.ge [sflag:s26], $0x1  }
0xb0: {  	[sflag:s26] =	ssyncadd.s32 $0xFFFFFFFF  }
0xb1: {  	_ =	strace $0x90000051  }
0xb2: {  	_ =	sfence  }
0xb3: {  	s28 =	sld [smem:$0x0];
	_ =	sdelay $0x1  }
0xb4: {  	s29 =	srdreg.scid  }
0xb5: {  	s30 =	sshll.u32 s29, $0xD;
	s31 =	sshrl.u32 s29, $0x2  }
0xb6: {  	s1 =	sand.u32 $0x1, s29;
	s2 =	sand.u32 $0x4000, s30;
	s0 =	sadd.s32 s31, s28  }
0xb7: {  	s1 =	sor.u32 s2, s1;
	s0 =	sshll.u32 s0, $0x11  }
0xb8: {  	s0 =	sor.u32 s0, s1  }
0xb9: {  	s0 =	sadd.s32 $0x8F2B, s0  }
0xba: {  	[sflag:s0] =	ssyncadd.remote.s32 $0x1  }
0xbb: {  	_ =	sfence.sel $0xFFFF  }
0xbc: {  	[dreg:$0x0] =	wrdreg $0xFFFFFFFF;
	(pc) =	sbr.abs _section_cstart, $3  }
0xbd: {  	[dreg:$0x1] =	wrdreg $0xFFFFFFFF  }
0xbe: {  	_ =	task.clear_ibuf [dreg:s4], $0x2FFFF;
	_ =	strace $0x9FFFFFFF  }
0xbf: {  	(tm) =	ssettm $0x7FFFFFFF  }
tec
execute0_lowered:
.L_overlay_start_1:
0x0: {  	(tag) =	ssettag $0x1  }
0x1: {  	s0 =	stileid.u32  }
0x2: {  	s1 =	smin.u32 s0, $0x9  }
0x3: {  	s1 =	sadd.s32 s0, s1  }
0x4: {  	s2 =	simm.s32 $0x320;
	p0 =	slt.u32 s0, $0x9;
	s1 =	smul.u32 $0x190, s1  }
0x5: {  	s2 =	simm.s32 @!p0 $0x190  }
0x6: {  	s2 =	sadd.s32 s2, s1  }
0x7: {  	s3 =	smin.u32 s2, $0x2710  }
0x8: {  	s7 =	ssub.s32 s3, s1  }
0x9: {  	p0 =	sgt.s32 s7, $0x0  }
0xa: {  	s7 =	simm.s32 @!p0 $0x0  }
0xb: {  	s31 =	sand.u32 $0xFFF0, s7  }
0xc: {  	s2 =	sshrl.u32 s31, $0x4  }
0xd: {  	s2 =	smul.u32 $0xA3E, s2  }
0xe: {  	s9 =	rddreg [dreg:$0x0];
	s6 =	simm.s32 $0x1;
	s11 =	simm.s32 $0x3  }
0xf: {  	s13 =	simm.s32 $0x0;
	s12 =	simm.s32 $0x0;
	s8 =	sshrl.u32 s2, $0x10  }
0x10: {  	s4 =	sadd.s32 $0xB600, s9;
	s5 =	sadd.s32 $0xB000, s9;
	s10 =	smul.u32 $0x190, s8  }
.Ltmp0:
0x11: {  	s9 =	sadd.s32 $0x32800, s9;
	s2 =	rddreg [dreg:$0x1];
	(pc) =	sbr.rel .LBB2_1-.Ltmp0, $4  }
0x12: {  	_ =	strace $0x80000050;
	p0 =	sne.s32 s7, s10;
	s10 =	simm.s32 $0x1  }
0x13: {  	[sflag:s6] =	ssyncpa.u1 $0x0;
	s7 =	simm.s32 $0x2;
	s10 =	simm.s32 @!p0 $0x0  }
0x14: {  	[sflag:s7] =	ssyncpa.u1 $0x0;
	p0 =	por $0x0, $0x0;
	s8 =	sadd.s32 s8, s10  }
0x15: {  	vm0 =	vmmov $0xff;
	vm1 =	vcmask $0x3F20;
	[sflag:s11] =	ssyncpa.u1 $0x0;
	s11 =	smov.u32 s1;
	s10 =	sadd.s32 $0x1, s8  }
.LBB2_6:
0x16: {  	[hbm:s17] =	stream.linear.scatter [tilespmem:s14], [sflag:$0x3], $0x400, $0x38;
	[tilespmem:$0x19320] =	vst v63  }
.LBB2_7:
0x17: {  	s13 =	sadd.s32 $0x190, s11  }
0x18: {  	s15 =	smov.u32 s1;
	p2 =	slt.s32 s13, s3  }
0x19: {  	s15 =	smov.u32 @p2 s13;
	p2 =	sne.s32 s12, s10  }
.Ltmp1:
0x1a: {  	p1 =	slt.u32 s12, $0x2;
	(pc) =	sbr.rel @!p2 .LBB2_8-.Ltmp1, $4  }
0x1b: {  	s14 =	simm.s32 @!p1 $0x3  }
0x1c: {  	s16 =	sadd.s32 $0x1, s12;
	_ =	swait.ge @!p1 [sflag:s14], $0xC800  }
0x1d: {  	p0 =	por !p0, !p0;
	s13 =	smov.u32 s11;
	[sflag:s14] =	ssyncset.done @!p1 $0x0  }
0x1e: {  	s12 =	smov.u32 s16;
	s11 =	smov.u32 s15;
	[sflag:s14] =	ssyncadd.s32 @!p1 $0xFFFF3800  }
.LBB2_1:
0x1f: {  	p1 =	sge.u32 s12, s8  }
0x20: {  	s14 =	sxor.u32 @!p1 $0xFFFFFFFF, s12  }
0x21: {  	s14 =	sand.u32 @!p1 $0x1, s14  }
0x22: {  	s14 =	smul.u32 @!p1 $0x640, s14  }
0x23: {  	s31 =	sadd.s32 $0xFFFFFFFF, s12;
	s15 =	sshrl.u32 @!p1 s11, $0x3  }
0x24: {  	s16 =	sand.u32 @!p1 $0x7, s11;
	s15 =	sadd.s32 @!p1 s5, s15;
	s14 =	sshrl.u32 @!p1 s14, $0x2  }
0x25: {  	[tilespmem:s14], [sflag:$0x2] =	stream.linear.gather @!p1 [hbm4b:s15+s16], $0x190, $0x38;
	[tilespmem:$0x19320] =	vst v63  }
0x26: {  	p1 =	sge.u32 s31, s8  }
.Ltmp2:
0x27: {  	_ = 	snop;
	(pc) =	sbr.rel @p1 .LBB2_7-.Ltmp2, $1  }
0x28: {  	_ =	sdelay $0x3  }
0x29: {  	s14 =	simm.s32 $0x1  }
0x2a: {  	s14 =	simm.s32 @!p0 $0x0  }
0x2b: {  	s15 =	smul.u32 $0x640, s14  }
0x2c: {  	_ =	swait.ge [sflag:s7], $0x190  }
0x2d: {  	[sflag:s7] =	ssyncset.done $0x0;
	s16 =	sshrl.u32 s15, $0x2  }
0x2e: {  	[sflag:s7] =	ssyncadd.s32 $0xFFFFFE70;
	s15 =	sadd.s32 $0x0, s16  }
0x2f: {  	v0 =	vld.msk [tilespmem:s15+$0x0 ss:$0x1], $0xffff;
	_ =	sdelay $0x4  }
0x30: {  	vm2 =	vgt.s32 v0, $0x0  }
0x31: {  	v0 =	vnsel vm2, $0x0, v0  }
0x32: {  	v0 =	vmin.u32 v0, $0x270F  }
0x33: {  	v0 =	vshll.u32 v0, $0x4  }
0x34: {  	s14 =	smul.u32 $0x32000, s14;
	_ =	sdelay $0x1  }
0x35: {  	s14 =	sshrl.u32 s14, $0x2  }
0x36: {  	s14 =	sor.u32 $0x320, s14  }
0x37: {  	[tilespmem:s14], [sflag:$0x1] =	stream.indirect_vreg.gather [hbm:s4], $0x80, v0, vm0, $0x38;
	[tilespmem:$0x19320] =	vst v63  }
0x38: {  	s17 =	sadd.s32 $0x10, s16;
	s15 =	sadd.s32 $0x400, s14  }
0x39: {  	[tilespmem:s15], [sflag:$0x1] =	stream.indirect_vreg.gather [hbm:s4], $0x80, v0, vm1, $0x38;
	[tilespmem:$0x19320] =	vst v63  }
0x3a: {  	s18 =	simm.s32 $0x80;
	v0 =	vld.msk [tilespmem:s17+$0x0 ss:$0x1], $0xffff;
	s17 =	smov.u32 s14  }
.LBB2_3:
0x3b: {  	p1 =	sne.s32 s18, $0x600;
	_ =	sdelay $0x4  }
0x3c: {  	vm2 =	vgt.s32 v0, $0x0  }
0x3d: {  	v0 =	vnsel vm2, $0x0, v0  }
0x3e: {  	v0 =	vmin.u32 v0, $0x270F  }
0x3f: {  	v0 =	vshll.u32 v0, $0x4;
	_ =	sdelay $0x3  }
.Ltmp3:
0x40: {  	s19 =	sshra.s32 s18, $0x2;
	s17 =	sadd.s32 $0x800, s17;
	(pc) =	sbr.rel @p1 .LBB2_3-.Ltmp3, $4  }
0x41: {  	[tilespmem:s17], [sflag:$0x1] =	stream.indirect_vreg.gather [hbm:s4], $0x80, v0, vm0, $0x38;
	[tilespmem:$0x19320] =	vst v63  }
0x42: {  	s19 =	sadd.s32 s19, s16;
	s20 =	sadd.s32 $0x400, s17  }
0x43: {  	[tilespmem:s20], [sflag:$0x1] =	stream.indirect_vreg.gather [hbm:s4], $0x80, v0, vm1, $0x38;
	[tilespmem:$0x19320] =	vst v63  }
0x44: {  	s18 =	sadd.s32 $0x40, s18;
	v0 =	vld.msk [tilespmem:s19+$0x0 ss:$0x1], $0xffff  }
0x45: {  	_ =	sdelay $0x3  }
0x46: {  	vm2 =	vgt.s32 v0, $0x0  }
0x47: {  	v0 =	vnsel vm2, $0x0, v0  }
0x48: {  	v0 =	vmin.u32 v0, $0x270F  }
0x49: {  	v0 =	vshll.u32 v0, $0x4;
	_ =	sdelay $0x3  }
0x4a: {  	s16 =	sadd.s32 $0x800, s17  }
0x4b: {  	[tilespmem:s16], [sflag:$0x1] =	stream.indirect_vreg.gather [hbm:s4], $0x80, v0, vm0, $0x38;
	[tilespmem:$0x19320] =	vst v63  }
0x4c: {  	s16 =	sadd.s32 $0x400, s16  }
0x4d: {  	[tilespmem:s16], [sflag:$0x1] =	stream.indirect_vreg.gather [hbm:s4], $0x80, v0, vm1, $0x38;
	[tilespmem:$0x19320] =	vst v63  }
0x4e: {  	s13 =	sshll.u32 s13, $0x4;
	_ =	swait.ge [sflag:s6], $0xC800  }
0x4f: {  	s13 =	sadd.s32 s13, s9;
	[sflag:s6] =	ssyncset.done $0x0  }
0x50: {  	s17 =	sadd.s32 $0x0, s13;
	s16 =	simm.s32 $0x80;
	[sflag:s6] =	ssyncadd.s32 $0xFFFF3800  }
.LBB2_5:
0x51: {  	[hbm:s17] =	stream.linear.scatter [tilespmem:s14], [sflag:$0x3], $0x400, $0x38;
	[tilespmem:$0x19320] =	vst v63  }
0x52: {  	s17 =	smov.u32 s16;
	s14 =	smov.u32 s15;
	p1 =	sne.s32 s16, $0x1880  }
.Ltmp4:
0x53: {  	s16 =	sadd.s32 $0x80, s16;
	(pc) =	sbr.rel @p1 .LBB2_5-.Ltmp4, $2  }
0x54: {  	_ =	sdelay $0x2  }
0x55: {  	s15 =	sadd.s32 $0x400, s15;
	s17 =	sadd.s32 s17, s13  }
.Ltmp5:
0x56: {  	_ = 	snop;
	(pc) =	sbr.rel .LBB2_6-.Ltmp5, $1  }
0x57: {  	_ =	sdelay $0x3  }
.LBB2_8:
0x58: {  	_ =	sfence.sel $0x180000  }
0x59: {  	s1 =	simm.s32 $0x2;
	[bflag:$0x0] =	sbarrier.arrive $0xFFFF  }
0x5a: {  	s30 =	simm.s32 $0x3;
	[sflag:s1] =	ssyncpa.u1 $0x1  }
0x5b: {  	s31 =	simm.s32 $0x1;
	[sflag:s30] =	ssyncpa.u1 $0x1  }
0x5c: {  	[sflag:s31] =	ssyncpa.u1 $0x1  }
0x5d: {  	p0 =	sne.s32 s0, $0x0;
	_ =	strace $0x90000050  }
0x5e: {  	s0 =	sadd.s32 @!p0 $0x100000, s2;
	[bflag:$0x2] =	sbarrier.arrive $0xFFFF  }
0x5f: {  	[sflag:s0] =	ssyncadd.tile.s32 @!p0 $0x1;
	_ =	shalt  }
.Lfunc_end2:
_tile_overlayer_lowered:
.L_overlay_start_2:
0x60: {  	(tag) =	ssettag $0x2  }
0x61: {  	s0 =	rddreg [dreg:$0x0];
	s2 =	stileid.u32  }
0x62: {  	s1 =	rddreg [dreg:$0x1];
	p0 =	sne.s32 s2, $0x0  }
0x63: {  	s3 =	rddreg [dreg:$0x2];
	[bflag:$0x3] =	sbarrier.arrive $0xFFFF;
	s2 =	simm.s32 @!p0 $0x1C01  }
0x64: {  	[timem:s3], [sflag:s2] =	dma.local @!p0 [hbm:s0], s1  }
0x65: {  	s0 =	simm.s32 @!p0 $0x1  }
0x66: {  	_ =	swait.ge @!p0 [sflag:s0], s1  }
0x67: {  	s1 =	ssub.s32 @!p0 $0x0, s1;
	[sflag:s0] =	ssyncset.done @!p0 $0x0  }
0x68: {  	[sflag:s0] =	ssyncadd.s32 @!p0 s1  }
0x69: {  	[bflag:$0x3] =	sbarrier.arrive $0xFFFF  }
0x6a: {  	_ =	shalt  }

// kernel: kernel.11.cloned.1.call-start
scs
__scs_entry_jumppad:
0x0: {  	(pc) =	sbr.rel $0x88, $3  }
0x1: {  	(tag) =	ssettag $0x0;
	lr =	simm.s32 $0x1  }
0x2: {  	[smem:$0x3F97] =	sst lr;
	_ =	strace $0xD0000000  }
0x3: {  	_ = 	snop  }
0x4: {  	_ = 	snop  }
0x5: {  	_ = 	snop  }
0x6: {  	_ = 	snop  }
0x7: {  	_ = 	snop  }
__scs_overlays_trampoline_lowered:
0x8: {  	[smem:$0x3FA6] =	sst s0  }
0x9: {  	[smem:$0x3FA7] =	sst s1  }
0xa: {  	[smem:$0x3FA8] =	sst s2  }
0xb: {  	[smem:$0x3FA9] =	sst s3  }
0xc: {  	[smem:$0x3FAA] =	sst s4  }
0xd: {  	[smem:$0x3FAB] =	sst s5  }
0xe: {  	[smem:$0x3FAC] =	sst s6  }
0xf: {  	[smem:$0x3FAD] =	sst s7  }
0x10: {  	[smem:$0x3FAE] =	sst s8  }
0x11: {  	[smem:$0x3FAF] =	sst s9;
	s0 =	simm.s32 @!p0 $0x0  }
0x12: {  	s1 =	sld [smem:$0x3F95];
	s0 =	simm.s32 @p0 $0x1  }
0x13: {  	[smem:$0x3FB0] =	sst s0;
	s0 =	simm.s32 @!p1 $0x0  }
0x14: {  	s2 =	sld [smem:$0x3F94];
	s0 =	simm.s32 @p1 $0x1  }
0x15: {  	[smem:$0x3FB1] =	sst s0;
	s0 =	simm.s32 @!p2 $0x0  }
0x16: {  	s3 =	sld [smem:$0x3FDB];
	s0 =	simm.s32 @p2 $0x1  }
0x17: {  	s4 =	simm.s32 $0x1BF5;
	[smem:$0x3FB3] =	sst s0  }
0x18: {  	s0 =	sld [smem:$0x3F96];
	_ =	swait.ge [sflag:s4], $0x0  }
0x19: {  	s7 =	sld [smem:$0x3F97]  }
0x1a: {  	s8 =	sadd.s32 $0xFFFFE003, lr  }
0x1b: {  	s9 =	sadd.s32 $0xFFFFFEF7, lr;
	s5 =	simm.s32 $0xFFFFFFFF;
	p2 =	slt.u32 s8, $0xFFFFF086  }
0x1c: {  	p1 =	slt.u32 s9, $0xF7A;
	s5 =	simm.s32 @!p2 $0x0  }
0x1d: {  	s5 =	simm.s32 @p1 $0x1;
	p0 =	seq.s32 s7, s2  }
0x1e: {  	s7 =	smul.u32 @!p0 $0xF7A, s2;
	p2 =	seq.s32 @!p0 s5, $0x0  }
0x1f: {  	s9 =	smul.u32 $0xF7A, s1;
	s8 =	simm.s32 @!p0 $0x1BF5;
	p2 =	por !p2, p0  }
0x20: {  	[sflag:s8] =	ssyncset.s32 @!p0 $0xFFFFF086;
	s6 =	sadd.s32 @!p0 s3, s7;
	s7 =	simm.s32 @!p0 $0x108  }
0x21: {  	s3 =	sadd.s32 s3, s9;
	s6 =	sadd.s32 @!p0 $0x88, s6;
	s7 =	simm.s32 @p2 $0x1082  }
0x22: {  	[simem:s7], [sflag:s8] =	dma.local @!p0 [hbm:s6], $0xF7A  }
0x23: {  	s9 =	sor.u32 $0xD0000000, s2;
	s6 =	simm.s32 $0x108;
	_ =	swait.ge @!p0 [sflag:s8], $0x0  }
0x24: {  	s3 =	sadd.s32 $0x88, s3;
	s6 =	simm.s32 @!p1 $0x1082;
	[sflag:s4] =	ssyncset.s32 $0xFFFFF086  }
0x25: {  	[simem:s6], [sflag:s4] =	dma.local [hbm:s3], $0xF7A  }
0x26: {  	[smem:$0x3F97] =	sst s1;
	(tag) =	ssettag s2;
	_ =	strace s9  }
0x27: {  	s1 =	sld [smem:$0x3FA7]  }
0x28: {  	s2 =	sld [smem:$0x3FA8]  }
0x29: {  	s4 =	sld [smem:$0x3FAA]  }
0x2a: {  	p0 =	seq.s32 s5, $0x0;
	s5 =	sld [smem:$0x3FAB]  }
0x2b: {  	s6 =	sld [smem:$0x3FAC]  }
0x2c: {  	s7 =	sld [smem:$0x3FAD]  }
0x2d: {  	s3 =	simm.s32 $0x108;
	s8 =	sld [smem:$0x3FAE]  }
0x2e: {  	s3 =	simm.s32 @!p0 $0x1082;
	s9 =	sld [smem:$0x3FAF]  }
0x2f: {  	lr =	sadd.s32 s0, s3;
	s0 =	sld [smem:$0x3FA6]  }
0x30: {  	s3 =	sld [smem:$0x3FA9]  }
0x31: {  	[smem:$0x3FB2] =	sst s10  }
0x32: {  	s10 =	sld [smem:$0x3FB0];
	_ =	sdelay $0x3  }
0x33: {  	p0 =	seq.s32 s10, $0x1;
	s10 =	sld [smem:$0x3FB2];
	_ =	sdelay $0x3  }
0x34: {  	[smem:$0x3FB2] =	sst s10  }
0x35: {  	s10 =	sld [smem:$0x3FB1];
	_ =	sdelay $0x3  }
0x36: {  	p1 =	seq.s32 s10, $0x1;
	s10 =	sld [smem:$0x3FB2];
	_ =	sdelay $0x3  }
0x37: {  	[smem:$0x3FB2] =	sst s10  }
0x38: {  	s10 =	sld [smem:$0x3FB3]  }
0x39: {  	_ = 	snop;
	(pc) =	sbr.ind lr, $3  }
0x3a: {  	_ = 	snop  }
0x3b: {  	_ = 	snop  }
0x3c: {  	p2 =	seq.s32 s10, $0x1;
	s10 =	sld [smem:$0x3FB2]  }
0x3d: {  	_ =	shalt  }
0x3e: {  	_ =	shalt  }
0x3f: {  	_ =	shalt  }
0x40: {  	_ =	shalt  }
0x41: {  	_ =	shalt  }
0x42: {  	_ =	shalt  }
0x43: {  	_ =	shalt  }
0x44: {  	_ =	shalt  }
0x45: {  	_ =	shalt  }
0x46: {  	_ =	shalt  }
0x47: {  	_ =	shalt  }
0x48: {  	_ =	shalt  }
0x49: {  	_ =	shalt  }
0x4a: {  	_ =	shalt  }
0x4b: {  	_ =	shalt  }
0x4c: {  	_ =	shalt  }
0x4d: {  	_ =	shalt  }
0x4e: {  	_ =	shalt  }
0x4f: {  	_ =	shalt  }
0x50: {  	_ =	shalt  }
0x51: {  	_ =	shalt  }
0x52: {  	_ =	shalt  }
0x53: {  	_ =	shalt  }
0x54: {  	_ =	shalt  }
0x55: {  	_ =	shalt  }
0x56: {  	_ =	shalt  }
0x57: {  	_ =	shalt  }
0x58: {  	_ =	shalt  }
0x59: {  	_ =	shalt  }
0x5a: {  	_ =	shalt  }
0x5b: {  	_ =	shalt  }
0x5c: {  	_ =	shalt  }
0x5d: {  	_ =	shalt  }
0x5e: {  	_ =	shalt  }
0x5f: {  	_ =	shalt  }
0x60: {  	_ =	shalt  }
0x61: {  	_ =	shalt  }
0x62: {  	_ =	shalt  }
0x63: {  	_ =	shalt  }
0x64: {  	_ =	shalt  }
0x65: {  	_ =	shalt  }
0x66: {  	_ =	shalt  }
0x67: {  	_ =	shalt  }
0x68: {  	_ =	shalt  }
0x69: {  	_ =	shalt  }
0x6a: {  	_ =	shalt  }
0x6b: {  	_ =	shalt  }
0x6c: {  	_ =	shalt  }
0x6d: {  	_ =	shalt  }
0x6e: {  	_ =	shalt  }
0x6f: {  	_ =	shalt  }
0x70: {  	_ =	shalt  }
0x71: {  	_ =	shalt  }
0x72: {  	_ =	shalt  }
0x73: {  	_ =	shalt  }
0x74: {  	_ =	shalt  }
0x75: {  	_ =	shalt  }
0x76: {  	_ =	shalt  }
0x77: {  	_ =	shalt  }
0x78: {  	_ =	shalt  }
0x79: {  	_ =	shalt  }
0x7a: {  	_ =	shalt  }
0x7b: {  	_ =	shalt  }
0x7c: {  	_ =	shalt  }
0x7d: {  	_ =	shalt  }
0x7e: {  	_ =	shalt  }
0x7f: {  	_ =	shalt  }
0x80: {  	_ =	shalt  }
0x81: {  	_ =	shalt  }
0x82: {  	_ =	shalt  }
0x83: {  	_ =	shalt  }
0x84: {  	_ =	shalt  }
0x85: {  	_ =	shalt  }
0x86: {  	_ =	shalt  }
0x87: {  	_ =	shalt  }
.Lfunc_end0:
.L_simem_size_0:
called_computation.2_lowered:
.L_overlay_start_0:
0x88: {  	s2 =	sld [smem:$0x3FD9]  }
0x89: {  	s3 =	sld [smem:$0x3FFE];
	_ =	sdelay $0x1  }
0x8a: {  	s1 =	srdreg.scid  }
0x8b: {  	s0 =	sand.u32 $0x1, s1  }
0x8c: {  	s16 =	sshll.u32 s0, $0xA;
	s2 =	sadd.s32 s3, s2  }
0x8d: {  	s2 =	sadd.s32 s2, s16  }
0x8e: {  	[smem:$0x3FBE] =	sst s2  }
0x8f: {  	_ = 	snop  }
0x90: {  	(tm) =	ssettm $0x1  }
0x91: {  	s17 =	sld [smem:$0x3FFB];
	_ =	sdelay $0x3  }
0x92: {  	_ =	strace s17  }
0x93: {  	s2 =	sld [smem:$0x3FFC];
	_ =	sdelay $0x3  }
0x94: {  	_ =	strace s2  }
0x95: {  	s2 =	sld [smem:$0x3FFD];
	_ =	sdelay $0x3  }
0x96: {  	_ =	strace s2  }
0x97: {  	_ =	strace $0x8FFFFFFF  }
0x98: {  	s18 =	sld [smem:$0x3FDB];
	_ =	sdelay $0x1  }
0x99: {  	s19 =	simm.s32 $_scs_section_size  }
0x9a: {  	s4 =	simm.s32 $_size__tile_overlayer_lowered;
	s5 =	simm.s32 $_tile_overlayer_lowered  }
0x9b: {  	s22 =	simm.s32 $0x1BFF;
	s21 =	sshll.u32 s5, $0x1;
	s2 =	sadd.s32 s19, s18  }
0x9c: {  	s6 =	simm.s32 $0x0;
	s20 =	sshll.u32 s4, $0x1;
	s4 =	sadd.s32 s21, s2  }
0x9d: {  	[timem:s6], [sflag:s22] =	dma.local [hbm:s4], s20  }
0x9e: {  	_ =	swait.ge [sflag:s22], s20  }
0x9f: {  	s3 =	ssub.s32 $0x0, s20;
	[sflag:s22] =	ssyncset.done $0x0  }
0xa0: {  	[sflag:s22] =	ssyncadd.s32 s3;
	_ =	sdelay $0x1  }
0xa1: {  	s23 =	simm.s32 $0x1B8B  }
0xa2: {  	_ =	swait.ge [sflag:s23], $0x1  }
0xa3: {  	[sflag:s23] =	ssyncset.done $0x0  }
0xa4: {  	s25 =	simm.s32 $0x1B8E;
	s24 =	sld [smem:$0x3FFE];
	[sflag:s23] =	ssyncadd.s32 $0xFFFFFFFF  }
0xa5: {  	s26 =	simm.s32 $execute0_lowered;
	[smem:$0x3FD2] =	sst s25  }
0xa6: {  	s4 =	sshll.u32 s26, $0x1;
	_ =	strace $0x80000046;
	[dreg:$0x1] =	wrdreg $0xFFFFFFFF  }
0xa7: {  	s28 =	simm.s32 $_size_execute0_lowered;
	s2 =	sadd.s32 s2, s4;
	[dreg:$0x0] =	wrdreg $0x0  }
0xa8: {  	s4 =	sshll.u32 s28, $0x1;
	[dreg:$0x2] =	wrdreg s2  }
0xa9: {  	[dreg:$0x3] =	wrdreg s4  }
0xaa: {  	[dreg:$0x4] =	wrdreg $0xC0  }
0xab: {  	_ =	task [dreg:s6], $0x5FFFF  }
0xac: {  	[dreg:$0x1] =	wrdreg $0xFFFFFFFF  }
0xad: {  	[dreg:$0x0] =	wrdreg $0x60  }
0xae: {  	[dreg:$0x2] =	wrdreg s24  }
0xaf: {  	[dreg:$0x3] =	wrdreg $0xA  }
0xb0: {  	_ =	task.clear_ibuf [dreg:s6], $0x4FFFF;
	_ =	strace $0x90000046  }
0xb1: {  	s29 =	simm.s32 $0xA;
	_ =	strace $0x80000048  }
0xb2: {  	_ =	swait.ge [sflag:s29], $0x1  }
0xb3: {  	[sflag:s29] =	ssyncadd.s32 $0xFFFFFFFF  }
0xb4: {  	_ =	strace $0x90000048  }
0xb5: {  	_ =	sfence  }
0xb6: {  	s30 =	sld [smem:$0x0];
	_ =	sdelay $0x2  }
0xb7: {  	s31 =	sshll.u32 s1, $0xD;
	s1 =	sshrl.u32 s1, $0x2  }
0xb8: {  	s3 =	sand.u32 $0x4000, s31;
	s1 =	sadd.s32 s1, s30  }
0xb9: {  	s0 =	sor.u32 s3, s0;
	s1 =	sshll.u32 s1, $0x11  }
0xba: {  	s0 =	sor.u32 s1, s0  }
0xbb: {  	s0 =	sadd.s32 $0x8F2B, s0  }
0xbc: {  	[sflag:s0] =	ssyncadd.remote.s32 $0x1  }
0xbd: {  	_ =	sfence.sel $0xFFFF  }
0xbe: {  	[dreg:$0x0] =	wrdreg $0xFFFFFFFF;
	(pc) =	sbr.abs _section_cstart, $3  }
0xbf: {  	[dreg:$0x1] =	wrdreg $0xFFFFFFFF  }
0xc0: {  	_ =	task.clear_ibuf [dreg:s6], $0x2FFFF;
	_ =	strace $0x9FFFFFFF  }
0xc1: {  	(tm) =	ssettm $0x7FFFFFFF  }
tec
execute0_lowered:
.L_overlay_start_1:
0x0: {  	(tag) =	ssettag $0x1  }
0x1: {  	s0 =	srdreg.scid  }
0x2: {  	s4 =	rddreg [dreg:$0x0];
	s10 =	simm.s32 $0x400;
	s11 =	simm.s32 $0x1  }
0x3: {  	s12 =	simm.s32 $0x2800;
	s13 =	simm.s32 $0x5000;
	s3 =	sand.u32 $0x1, s0  }
0x4: {  	s14 =	simm.s32 $0x7780;
	s0 =	stileid.u32;
	s1 =	sshll.u32 s3, $0x4  }
0x5: {  	s15 =	simm.s32 $0x0;
	s6 =	sshll.u32 s0, $0x7;
	s2 =	sor.u32 s0, s1  }
0x6: {  	s31 =	ssub.s32 $0x2, s3;
	s3 =	sadd.s32 $0x1F000, s4;
	s5 =	sshrl.u32 s2, $0x3  }
0x7: {  	s1 =	rddreg [dreg:$0x1];
	s6 =	sand.u32 $0x380, s6;
	s7 =	smul.u32 $0x14000, s5  }
0x8: {  	s8 =	sshrl.u32 s31, $0x1;
	s2 =	simm.s32 $0x0;
	s5 =	smul.u32 $0x13C00, s5  }
0x9: {  	s8 =	ssub.s32 s31, s8;
	[smem:$0x7FF] =	sst s2;
	s7 =	sor.u32 s6, s7  }
0xa: {  	s8 =	smax.u32 s8, $0x1;
	s5 =	sor.u32 s6, s5;
	s7 =	sshrl.u32 s7, $0x3  }
0xb: {  	_ =	strace $0x80000047;
	s5 =	sshrl.u32 s5, $0x3;
	s7 =	sadd.s32 s7, s4  }
0xc: {  	s9 =	sadd.s32 s5, s4;
	s4 =	sadd.s32 $0xB000, s7;
	s5 =	sadd.s32 $0x15000, s7  }
0xd: {  	v0 =	vimm.f32 $1.000000000e+00;
	s6 =	sadd.s32 $0x29400, s9;
	s7 =	sadd.s32 $0x1F600, s9;
	s9 =	simm.s32 $0x80  }
.LBB2_1:
0xe: {  	[tilespmem:s2], [sflag:$0x1] =	stream.strided.gather [hbm4b:s4+s9], $0x2800, s10, s9, $0x38;
	[tilespmem:$0x9F00] =	vst v63  }
0xf: {  	_ =	swait.ge [sflag:s11], $0x2800  }
0x10: {  	[sflag:s11] =	ssyncset.done $0x0  }
0x11: {  	[sflag:s11] =	ssyncadd.s32 $0xFFFFD800  }
0x12: {  	[tilespmem:s12], [sflag:$0x1] =	stream.strided.gather [hbm4b:s5+s9], $0x2800, s10, s9, $0x38;
	[tilespmem:$0x9F00] =	vst v63  }
0x13: {  	_ =	swait.ge [sflag:s11], $0x2800  }
0x14: {  	[sflag:s11] =	ssyncset.done $0x0  }
0x15: {  	[sflag:s11] =	ssyncadd.s32 $0xFFFFD800  }
0x16: {  	[tilespmem:s13], [sflag:$0x1] =	stream.linear.gather [hbm4b:s3+s2], $0x2780, $0x38;
	[tilespmem:$0x9F00] =	vst v63  }
0x17: {  	_ =	swait.ge [sflag:s11], $0x2780  }
0x18: {  	[sflag:s11] =	ssyncset.done $0x0  }
0x19: {  	[sflag:s11] =	ssyncadd.s32 $0xFFFFD880  }
0x1a: {  	[tilespmem:s14], [sflag:$0x1] =	stream.linear.gather [hbm4b:s3+s2], $0x2780, $0x38;
	[tilespmem:$0x9F00] =	vst v63  }
0x1b: {  	_ =	swait.ge [sflag:s11], $0x2780  }
0x1c: {  	[sflag:s11] =	ssyncset.done $0x0  }
0x1d: {  	s17 =	simm.s32 $0x0;
	s16 =	simm.s32 $0x40;
	[sflag:s11] =	ssyncadd.s32 $0xFFFFD880  }
.LBB2_2:
0x1e: {  	p0 =	sne.s32 s16, $0x9FC0;
	v1 =	vld [tilespmem:s17+$0x0];
	_ =	sdelay $0x7  }
0x1f: {  	[tilespmem:v1+s13+$0x0] =	vst.idx.add.f32.msk $0xffff, v0  }
0x20: {  	v1 =	vld [tilespmem:s17+$0x2800];
	_ =	sdelay $0x3  }
.Ltmp0:
0x21: {  	(pc) =	sbr.rel @p0 .LBB2_2-.Ltmp0, $2  }
0x22: {  	_ =	sdelay $0x2  }
0x23: {  	s17 =	sshra.s32 s16, $0x2;
	s16 =	sadd.s32 $0x40, s16;
	[tilespmem:v1+s14+$0x0] =	vst.idx.add.f32.msk $0xffff, v0  }
0x24: {  	v1 =	vld [tilespmem:s17+$0x0];
	_ =	sdelay $0x7  }
0x25: {  	[tilespmem:v1+s13+$0x0] =	vst.idx.add.f32.msk $0xffff, v0  }
0x26: {  	v1 =	vld [tilespmem:s17+$0x2800];
	_ =	sdelay $0x7  }
0x27: {  	[tilespmem:v1+s14+$0x0] =	vst.idx.add.f32.msk $0xffff, v0  }
0x28: {  	[hbm4b:s6+s9] =	stream.strided.scatter [tilespmem:s13], [sflag:$0x1], $0x2780, s10, s9, $0x38;
	[tilespmem:$0x9F00] =	vst v63  }
0x29: {  	s15 =	sadd.s32 $0x1, s15;
	_ =	swait.ge [sflag:s11], $0x2780  }
0x2a: {  	p0 =	sne.s32 s15, s8;
	[sflag:s11] =	ssyncset.done $0x0  }
.Ltmp1:
0x2b: {  	[sflag:s11] =	ssyncadd.s32 $0xFFFFD880;
	(pc) =	sbr.rel @p0 .LBB2_1-.Ltmp1, $4  }
0x2c: {  	[hbm4b:s7+s9] =	stream.strided.scatter [tilespmem:s14], [sflag:$0x1], $0x2780, s10, s9, $0x38;
	[tilespmem:$0x9F00] =	vst v63  }
0x2d: {  	_ =	swait.ge [sflag:s11], $0x2780  }
0x2e: {  	[sflag:s11] =	ssyncset.done $0x0  }
0x2f: {  	[sflag:s11] =	ssyncadd.s32 $0xFFFFD880  }
0x30: {  	_ =	sfence.sel $0x180000  }
0x31: {  	[bflag:$0x0] =	sbarrier.arrive $0xFFFF  }
0x32: {  	p0 =	sne.s32 s0, $0x0;
	_ =	strace $0x90000047  }
0x33: {  	s0 =	sadd.s32 @!p0 $0x100000, s1;
	[bflag:$0x2] =	sbarrier.arrive $0xFFFF  }
0x34: {  	[sflag:s0] =	ssyncadd.tile.s32 @!p0 $0x1;
	_ =	shalt  }
.Lfunc_end2:
_tile_overlayer_lowered:
.L_overlay_start_2:
0x35: {  	(tag) =	ssettag $0x2  }
0x36: {  	s0 =	rddreg [dreg:$0x0];
	s2 =	stileid.u32  }
0x37: {  	s1 =	rddreg [dreg:$0x1];
	p0 =	sne.s32 s2, $0x0  }
0x38: {  	s3 =	rddreg [dreg:$0x2];
	[bflag:$0x3] =	sbarrier.arrive $0xFFFF;
	s2 =	simm.s32 @!p0 $0x1C01  }
0x39: {  	[timem:s3], [sflag:s2] =	dma.local @!p0 [hbm:s0], s1  }
0x3a: {  	s0 =	simm.s32 @!p0 $0x1  }
0x3b: {  	_ =	swait.ge @!p0 [sflag:s0], s1  }
0x3c: {  	s1 =	ssub.s32 @!p0 $0x0, s1;
	[sflag:s0] =	ssyncset.done @!p0 $0x0  }
0x3d: {  	[sflag:s0] =	ssyncadd.s32 @!p0 s1  }
0x3e: {  	[bflag:$0x3] =	sbarrier.arrive $0xFFFF  }
0x3f: {  	_ =	shalt  }

// kernel: kernel.14.cloned.1.call-start
scs
__scs_entry_jumppad:
0x0: {  	(pc) =	sbr.rel $0x88, $3  }
0x1: {  	(tag) =	ssettag $0x0;
	lr =	simm.s32 $0x1  }
0x2: {  	[smem:$0x3F97] =	sst lr;
	_ =	strace $0xD0000000  }
0x3: {  	_ = 	snop  }
0x4: {  	_ = 	snop  }
0x5: {  	_ = 	snop  }
0x6: {  	_ = 	snop  }
0x7: {  	_ = 	snop  }
__scs_overlays_trampoline_lowered:
0x8: {  	[smem:$0x3FA6] =	sst s0  }
0x9: {  	[smem:$0x3FA7] =	sst s1  }
0xa: {  	[smem:$0x3FA8] =	sst s2  }
0xb: {  	[smem:$0x3FA9] =	sst s3  }
0xc: {  	[smem:$0x3FAA] =	sst s4  }
0xd: {  	[smem:$0x3FAB] =	sst s5  }
0xe: {  	[smem:$0x3FAC] =	sst s6  }
0xf: {  	[smem:$0x3FAD] =	sst s7  }
0x10: {  	[smem:$0x3FAE] =	sst s8  }
0x11: {  	[smem:$0x3FAF] =	sst s9;
	s0 =	simm.s32 @!p0 $0x0  }
0x12: {  	s1 =	sld [smem:$0x3F95];
	s0 =	simm.s32 @p0 $0x1  }
0x13: {  	[smem:$0x3FB0] =	sst s0;
	s0 =	simm.s32 @!p1 $0x0  }
0x14: {  	s2 =	sld [smem:$0x3F94];
	s0 =	simm.s32 @p1 $0x1  }
0x15: {  	[smem:$0x3FB1] =	sst s0;
	s0 =	simm.s32 @!p2 $0x0  }
0x16: {  	s3 =	sld [smem:$0x3FDB];
	s0 =	simm.s32 @p2 $0x1  }
0x17: {  	s4 =	simm.s32 $0x1BF5;
	[smem:$0x3FB3] =	sst s0  }
0x18: {  	s0 =	sld [smem:$0x3F96];
	_ =	swait.ge [sflag:s4], $0x0  }
0x19: {  	s7 =	sld [smem:$0x3F97]  }
0x1a: {  	s8 =	sadd.s32 $0xFFFFE003, lr  }
0x1b: {  	s9 =	sadd.s32 $0xFFFFFEF7, lr;
	s5 =	simm.s32 $0xFFFFFFFF;
	p2 =	slt.u32 s8, $0xFFFFF086  }
0x1c: {  	p1 =	slt.u32 s9, $0xF7A;
	s5 =	simm.s32 @!p2 $0x0  }
0x1d: {  	s5 =	simm.s32 @p1 $0x1;
	p0 =	seq.s32 s7, s2  }
0x1e: {  	s7 =	smul.u32 @!p0 $0xF7A, s2;
	p2 =	seq.s32 @!p0 s5, $0x0  }
0x1f: {  	s9 =	smul.u32 $0xF7A, s1;
	s8 =	simm.s32 @!p0 $0x1BF5;
	p2 =	por !p2, p0  }
0x20: {  	[sflag:s8] =	ssyncset.s32 @!p0 $0xFFFFF086;
	s6 =	sadd.s32 @!p0 s3, s7;
	s7 =	simm.s32 @!p0 $0x108  }
0x21: {  	s3 =	sadd.s32 s3, s9;
	s6 =	sadd.s32 @!p0 $0x88, s6;
	s7 =	simm.s32 @p2 $0x1082  }
0x22: {  	[simem:s7], [sflag:s8] =	dma.local @!p0 [hbm:s6], $0xF7A  }
0x23: {  	s9 =	sor.u32 $0xD0000000, s2;
	s6 =	simm.s32 $0x108;
	_ =	swait.ge @!p0 [sflag:s8], $0x0  }
0x24: {  	s3 =	sadd.s32 $0x88, s3;
	s6 =	simm.s32 @!p1 $0x1082;
	[sflag:s4] =	ssyncset.s32 $0xFFFFF086  }
0x25: {  	[simem:s6], [sflag:s4] =	dma.local [hbm:s3], $0xF7A  }
0x26: {  	[smem:$0x3F97] =	sst s1;
	(tag) =	ssettag s2;
	_ =	strace s9  }
0x27: {  	s1 =	sld [smem:$0x3FA7]  }
0x28: {  	s2 =	sld [smem:$0x3FA8]  }
0x29: {  	s4 =	sld [smem:$0x3FAA]  }
0x2a: {  	p0 =	seq.s32 s5, $0x0;
	s5 =	sld [smem:$0x3FAB]  }
0x2b: {  	s6 =	sld [smem:$0x3FAC]  }
0x2c: {  	s7 =	sld [smem:$0x3FAD]  }
0x2d: {  	s3 =	simm.s32 $0x108;
	s8 =	sld [smem:$0x3FAE]  }
0x2e: {  	s3 =	simm.s32 @!p0 $0x1082;
	s9 =	sld [smem:$0x3FAF]  }
0x2f: {  	lr =	sadd.s32 s0, s3;
	s0 =	sld [smem:$0x3FA6]  }
0x30: {  	s3 =	sld [smem:$0x3FA9]  }
0x31: {  	[smem:$0x3FB2] =	sst s10  }
0x32: {  	s10 =	sld [smem:$0x3FB0];
	_ =	sdelay $0x3  }
0x33: {  	p0 =	seq.s32 s10, $0x1;
	s10 =	sld [smem:$0x3FB2];
	_ =	sdelay $0x3  }
0x34: {  	[smem:$0x3FB2] =	sst s10  }
0x35: {  	s10 =	sld [smem:$0x3FB1];
	_ =	sdelay $0x3  }
0x36: {  	p1 =	seq.s32 s10, $0x1;
	s10 =	sld [smem:$0x3FB2];
	_ =	sdelay $0x3  }
0x37: {  	[smem:$0x3FB2] =	sst s10  }
0x38: {  	s10 =	sld [smem:$0x3FB3]  }
0x39: {  	_ = 	snop;
	(pc) =	sbr.ind lr, $3  }
0x3a: {  	_ = 	snop  }
0x3b: {  	_ = 	snop  }
0x3c: {  	p2 =	seq.s32 s10, $0x1;
	s10 =	sld [smem:$0x3FB2]  }
0x3d: {  	_ =	shalt  }
0x3e: {  	_ =	shalt  }
0x3f: {  	_ =	shalt  }
0x40: {  	_ =	shalt  }
0x41: {  	_ =	shalt  }
0x42: {  	_ =	shalt  }
0x43: {  	_ =	shalt  }
0x44: {  	_ =	shalt  }
0x45: {  	_ =	shalt  }
0x46: {  	_ =	shalt  }
0x47: {  	_ =	shalt  }
0x48: {  	_ =	shalt  }
0x49: {  	_ =	shalt  }
0x4a: {  	_ =	shalt  }
0x4b: {  	_ =	shalt  }
0x4c: {  	_ =	shalt  }
0x4d: {  	_ =	shalt  }
0x4e: {  	_ =	shalt  }
0x4f: {  	_ =	shalt  }
0x50: {  	_ =	shalt  }
0x51: {  	_ =	shalt  }
0x52: {  	_ =	shalt  }
0x53: {  	_ =	shalt  }
0x54: {  	_ =	shalt  }
0x55: {  	_ =	shalt  }
0x56: {  	_ =	shalt  }
0x57: {  	_ =	shalt  }
0x58: {  	_ =	shalt  }
0x59: {  	_ =	shalt  }
0x5a: {  	_ =	shalt  }
0x5b: {  	_ =	shalt  }
0x5c: {  	_ =	shalt  }
0x5d: {  	_ =	shalt  }
0x5e: {  	_ =	shalt  }
0x5f: {  	_ =	shalt  }
0x60: {  	_ =	shalt  }
0x61: {  	_ =	shalt  }
0x62: {  	_ =	shalt  }
0x63: {  	_ =	shalt  }
0x64: {  	_ =	shalt  }
0x65: {  	_ =	shalt  }
0x66: {  	_ =	shalt  }
0x67: {  	_ =	shalt  }
0x68: {  	_ =	shalt  }
0x69: {  	_ =	shalt  }
0x6a: {  	_ =	shalt  }
0x6b: {  	_ =	shalt  }
0x6c: {  	_ =	shalt  }
0x6d: {  	_ =	shalt  }
0x6e: {  	_ =	shalt  }
0x6f: {  	_ =	shalt  }
0x70: {  	_ =	shalt  }
0x71: {  	_ =	shalt  }
0x72: {  	_ =	shalt  }
0x73: {  	_ =	shalt  }
0x74: {  	_ =	shalt  }
0x75: {  	_ =	shalt  }
0x76: {  	_ =	shalt  }
0x77: {  	_ =	shalt  }
0x78: {  	_ =	shalt  }
0x79: {  	_ =	shalt  }
0x7a: {  	_ =	shalt  }
0x7b: {  	_ =	shalt  }
0x7c: {  	_ =	shalt  }
0x7d: {  	_ =	shalt  }
0x7e: {  	_ =	shalt  }
0x7f: {  	_ =	shalt  }
0x80: {  	_ =	shalt  }
0x81: {  	_ =	shalt  }
0x82: {  	_ =	shalt  }
0x83: {  	_ =	shalt  }
0x84: {  	_ =	shalt  }
0x85: {  	_ =	shalt  }
0x86: {  	_ =	shalt  }
0x87: {  	_ =	shalt  }
.Lfunc_end0:
.L_simem_size_0:
called_computation.3_lowered:
.L_overlay_start_0:
0x88: {  	s2 =	sld [smem:$0x3FD9]  }
0x89: {  	s3 =	sld [smem:$0x3FFE];
	_ =	sdelay $0x1  }
0x8a: {  	s1 =	srdreg.scid  }
0x8b: {  	s0 =	sand.u32 $0x1, s1  }
0x8c: {  	s14 =	sshll.u32 s0, $0xA;
	s2 =	sadd.s32 s3, s2  }
0x8d: {  	s2 =	sadd.s32 s2, s14  }
0x8e: {  	[smem:$0x3FBE] =	sst s2  }
0x8f: {  	_ = 	snop  }
0x90: {  	s2 =	sld [smem:$0x3FD0];
	_ =	sdelay $0x2  }
0x91: {  	s15 =	simm.s32 $0xB;
	s4 =	simm.s32 $0x10  }
0x92: {  	[smem:s4], [sflag:s15] =	dma.local [hbm:s2], $0x1  }
0x93: {  	_ =	swait.eq [sflag:s15], $0x1  }
0x94: {  	[sflag:s15] =	ssyncset.done $0x0  }
0x95: {  	[sflag:s15] =	ssyncadd.s32 $0xFFFFFFFF  }
0x96: {  	s16 =	sld [smem:$0x10];
	(tm) =	ssettm $0x1  }
0x97: {  	s17 =	sld [smem:$0x3FFB];
	_ =	sdelay $0x3  }
0x98: {  	_ =	strace s17  }
0x99: {  	s3 =	sld [smem:$0x3FFC];
	_ =	sdelay $0x3  }
0x9a: {  	_ =	strace s3  }
0x9b: {  	s3 =	sld [smem:$0x3FFD];
	_ =	sdelay $0x3  }
0x9c: {  	_ =	strace s3  }
0x9d: {  	_ =	strace $0x8FFFFFFF  }
0x9e: {  	s18 =	sld [smem:$0x3FDB];
	_ =	sdelay $0x1  }
0x9f: {  	s19 =	simm.s32 $_scs_section_size  }
0xa0: {  	s5 =	simm.s32 $_size__tile_overlayer_lowered;
	s6 =	simm.s32 $_tile_overlayer_lowered  }
0xa1: {  	s22 =	simm.s32 $0x1BFF;
	s21 =	sshll.u32 s6, $0x1;
	s3 =	sadd.s32 s19, s18  }
0xa2: {  	s7 =	simm.s32 $0x0;
	s20 =	sshll.u32 s5, $0x1;
	s5 =	sadd.s32 s21, s3  }
0xa3: {  	[timem:s7], [sflag:s22] =	dma.local [hbm:s5], s20  }
0xa4: {  	_ =	swait.ge [sflag:s22], s20  }
0xa5: {  	s4 =	ssub.s32 $0x0, s20;
	[sflag:s22] =	ssyncset.done $0x0  }
0xa6: {  	[sflag:s22] =	ssyncadd.s32 s4;
	_ =	sdelay $0x1  }
0xa7: {  	s23 =	simm.s32 $0x1B8B  }
0xa8: {  	_ =	swait.ge [sflag:s23], $0x1  }
0xa9: {  	[sflag:s23] =	ssyncset.done $0x0  }
0xaa: {  	s25 =	simm.s32 $0x1B8E;
	s24 =	sld [smem:$0x3FFE];
	[sflag:s23] =	ssyncadd.s32 $0xFFFFFFFF  }
0xab: {  	s26 =	simm.s32 $execute0_lowered;
	[smem:$0x3FD2] =	sst s25  }
0xac: {  	s5 =	sshll.u32 s26, $0x1;
	_ =	strace $0x8000004C;
	[dreg:$0x1] =	wrdreg $0xFFFFFFFF  }
0xad: {  	s28 =	simm.s32 $_size_execute0_lowered;
	s3 =	sadd.s32 s3, s5;
	[dreg:$0x0] =	wrdreg $0x0  }
0xae: {  	s5 =	sshll.u32 s28, $0x1;
	[dreg:$0x2] =	wrdreg s3  }
0xaf: {  	[dreg:$0x3] =	wrdreg s5  }
0xb0: {  	[dreg:$0x4] =	wrdreg $0xC0  }
0xb1: {  	_ =	task [dreg:s7], $0x5FFFF  }
0xb2: {  	[dreg:$0x1] =	wrdreg $0xFFFFFFFF  }
0xb3: {  	[dreg:$0x0] =	wrdreg $0x60  }
0xb4: {  	[dreg:$0x2] =	wrdreg s24  }
0xb5: {  	[dreg:$0x3] =	wrdreg s16  }
0xb6: {  	[dreg:$0x4] =	wrdreg $0xA8000  }
0xb7: {  	[dreg:$0x5] =	wrdreg $0x9  }
0xb8: {  	_ =	task.clear_ibuf [dreg:s7], $0x6FFFF;
	_ =	strace $0x9000004C  }
0xb9: {  	s29 =	simm.s32 $0x9;
	_ =	strace $0x8000004E  }
0xba: {  	_ =	swait.ge [sflag:s29], $0x1  }
0xbb: {  	[sflag:s29] =	ssyncadd.s32 $0xFFFFFFFF  }
0xbc: {  	_ =	strace $0x9000004E  }
0xbd: {  	_ =	sfence  }
0xbe: {  	s30 =	sld [smem:$0x0];
	_ =	sdelay $0x2  }
0xbf: {  	s31 =	sshll.u32 s1, $0xD;
	s1 =	sshrl.u32 s1, $0x2  }
0xc0: {  	s3 =	sand.u32 $0x4000, s31;
	s1 =	sadd.s32 s1, s30  }
0xc1: {  	s0 =	sor.u32 s3, s0;
	s1 =	sshll.u32 s1, $0x11  }
0xc2: {  	s0 =	sor.u32 s1, s0  }
0xc3: {  	s0 =	sadd.s32 $0x8F2B, s0  }
0xc4: {  	[sflag:s0] =	ssyncadd.remote.s32 $0x1  }
0xc5: {  	_ =	sfence.sel $0xFFFF  }
0xc6: {  	[dreg:$0x0] =	wrdreg $0xFFFFFFFF;
	(pc) =	sbr.abs _section_cstart, $3  }
0xc7: {  	[dreg:$0x1] =	wrdreg $0xFFFFFFFF  }
0xc8: {  	_ =	task.clear_ibuf [dreg:s7], $0x2FFFF;
	_ =	strace $0x9FFFFFFF  }
0xc9: {  	(tm) =	ssettm $0x7FFFFFFF  }
tec
execute0_lowered:
.L_overlay_start_1:
0x0: {  	(tag) =	ssettag $0x1  }
0x1: {  	s0 =	rddreg [dreg:$0x0]  }
0x2: {  	s3 =	rddreg [dreg:$0x1]  }
0x3: {  	s1 =	rddreg [dreg:$0x2];
	s2 =	simm.s32 $0x0;
	s6 =	srdreg.scid  }
0x4: {  	s15 =	stileid.u32;
	s28 =	simm.s32 $0x1400;
	s29 =	simm.s32 $0x80  }
0x5: {  	s30 =	simm.s32 $0x6800;
	s31 =	simm.s32 $0x1;
	[smem:$0x7FF] =	sst s2  }
0x6: {  	s4 =	sadd.s32 $0x33200, s0;
	s5 =	sadd.s32 $0x1000, s0;
	s11 =	smul.u32 $0x278, s15  }
0x7: {  	s7 =	sadd.s32 $0x5AA00, s0;
	s9 =	sand.u32 $0x1, s6;
	s12 =	smul.u32 $0x13C00, s15  }
0x8: {  	s0 =	sadd.s32 $0x82200, s0;
	s13 =	smul.u32 $0x4F000, s15;
	_ =	strace $0x8000004D  }
0x9: {  	s6 =	ssub.s32 $0x2, s9;
	s10 =	sshll.u32 s9, $0x4;
	s9 =	smul.u32 $0x13C000, s9  }
0xa: {  	s8 =	sshrl.u32 s6, $0x1;
	s15 =	sor.u32 s15, s10;
	s17 =	sshrl.u32 s12, $0x3  }
0xb: {  	s18 =	sshrl.u32 s13, $0x2;
	s19 =	sadd.s32 $0x80, s11;
	s21 =	sadd.s32 $0x100, s11  }
0xc: {  	s16 =	sadd.s32 $0x180, s11;
	s11 =	sadd.s32 $0x200, s11;
	s14 =	ssub.s32 s6, s8  }
0xd: {  	s6 =	sadd.s32 s7, s17;
	s20 =	sshll.u32 s19, $0x4;
	s23 =	sshll.u32 s21, $0x4  }
0xe: {  	s13 =	sshll.u32 s21, $0x7;
	s15 =	smul.u32 $0x2800, s15;
	s24 =	sshll.u32 s11, $0x4  }
0xf: {  	[dreg:$0x4] =	wrdreg s6;
	s6 =	sadd.s32 s18, s1;
	s18 =	sshll.u32 s19, $0x7  }
0x10: {  	s22 =	sadd.s32 s7, s20;
	s10 =	sadd.s32 s7, s23;
	s19 =	sshll.u32 s16, $0x7  }
0x11: {  	s16 =	sshll.u32 s16, $0x4;
	s21 =	sadd.s32 s9, s13;
	[dreg:$0x5] =	wrdreg s22  }
0x12: {  	s8 =	sadd.s32 s18, s1;
	[dreg:$0x6] =	wrdreg s10;
	s10 =	sadd.s32 s13, s1  }
0x13: {  	s16 =	sadd.s32 s7, s16;
	s15 =	sshrl.u32 s15, $0x3;
	s7 =	sadd.s32 s7, s24  }
0x14: {  	s17 =	sadd.s32 s19, s1;
	s20 =	sadd.s32 s9, s18;
	[dreg:$0x7] =	wrdreg s16  }
0x15: {  	s22 =	sadd.s32 s9, s19;
	s24 =	sshrl.u32 s21, $0x3;
	[dreg:$0x8] =	wrdreg s7  }
0x16: {  	s25 =	sadd.s32 $0x280, s15;
	s26 =	sadd.s32 s5, s15;
	s15 =	sadd.s32 s3, s15  }
0x17: {  	s16 =	sshll.u32 s11, $0x7;
	s23 =	sshrl.u32 s20, $0x3;
	s21 =	sadd.s32 s0, s24  }
0x18: {  	s24 =	smax.u32 s14, $0x1;
	s7 =	simm.s32 $0x1380;
	[dreg:$0x9] =	wrdreg s26  }
0x19: {  	s11 =	simm.s32 $0x2780;
	[dreg:$0xa] =	wrdreg s15;
	s5 =	sadd.s32 s5, s25  }
0x1a: {  	s3 =	sadd.s32 s3, s25;
	s15 =	sadd.s32 s12, s9;
	s9 =	sadd.s32 s9, s16  }
0x1b: {  	s18 =	sadd.s32 s16, s1;
	s20 =	sadd.s32 s0, s23;
	[dreg:$0xb] =	wrdreg s5  }
0x1c: {  	s25 =	sshrl.u32 s22, $0x3;
	s12 =	simm.s32 $0x0;
	[dreg:$0xc] =	wrdreg s3  }
0x1d: {  	s3 =	sshrl.u32 s15, $0x3;
	s22 =	sadd.s32 s0, s25;
	s26 =	sshrl.u32 s9, $0x3  }
0x1e: {  	s25 =	simm.s32 $0x2800;
	s5 =	simm.s32 $0x4;
	s9 =	simm.s32 $0x2700  }
0x1f: {  	s3 =	sadd.s32 s0, s3;
	s23 =	sadd.s32 s0, s26;
	s26 =	simm.s32 $0x5  }
0x20: {  	s0 =	simm.s32 $0x2;
	[dreg:$0xd] =	wrdreg s3;
	s3 =	simm.s32 $0x3  }
.LBB2_1:
0x21: {  	s13 =	rddreg [dreg:$0x4]  }
0x22: {  	[tilespmem:s25], [sflag:$0x5] =	stream.linear.gather [hbm4b:s13+s2], $0x4000, $0x38;
	[tilespmem:$0x1E400] =	vst v63  }
0x23: {  	_ =	swait.ge [sflag:s26], $0x4000  }
0x24: {  	[sflag:s26] =	ssyncset.done $0x0  }
0x25: {  	[sflag:s26] =	ssyncadd.s32 $0xFFFFC000  }
0x26: {  	[spmem:s6] =	stream.linear.scatter [tilespmem:s25], [sflag:$0x5], $0x4000, $0x38;
	[tilespmem:$0x1E400] =	vst v63  }
0x27: {  	_ =	swait.ge [sflag:s26], $0x4000  }
0x28: {  	[sflag:s26] =	ssyncset.done $0x0  }
0x29: {  	s16 =	rddreg [dreg:$0x5];
	[sflag:s26] =	ssyncadd.s32 $0xFFFFC000  }
0x2a: {  	[tilespmem:s25], [sflag:$0x5] =	stream.linear.gather [hbm4b:s16+s2], $0x4000, $0x38;
	[tilespmem:$0x1E400] =	vst v63  }
0x2b: {  	_ =	swait.ge [sflag:s26], $0x4000  }
0x2c: {  	[sflag:s26] =	ssyncset.done $0x0  }
0x2d: {  	[sflag:s26] =	ssyncadd.s32 $0xFFFFC000  }
0x2e: {  	[spmem:s8] =	stream.linear.scatter [tilespmem:s25], [sflag:$0x5], $0x4000, $0x38;
	[tilespmem:$0x1E400] =	vst v63  }
0x2f: {  	_ =	swait.ge [sflag:s26], $0x4000  }
0x30: {  	[sflag:s26] =	ssyncset.done $0x0  }
0x31: {  	s19 =	rddreg [dreg:$0x6];
	[sflag:s26] =	ssyncadd.s32 $0xFFFFC000  }
0x32: {  	[tilespmem:s25], [sflag:$0x5] =	stream.linear.gather [hbm4b:s19+s2], $0x4000, $0x38;
	[tilespmem:$0x1E400] =	vst v63  }
0x33: {  	_ =	swait.ge [sflag:s26], $0x4000  }
0x34: {  	[sflag:s26] =	ssyncset.done $0x0  }
0x35: {  	[sflag:s26] =	ssyncadd.s32 $0xFFFFC000  }
0x36: {  	[spmem:s10] =	stream.linear.scatter [tilespmem:s25], [sflag:$0x5], $0x4000, $0x38;
	[tilespmem:$0x1E400] =	vst v63  }
0x37: {  	_ =	swait.ge [sflag:s26], $0x4000  }
0x38: {  	[sflag:s26] =	ssyncset.done $0x0  }
0x39: {  	s14 =	rddreg [dreg:$0x7];
	[sflag:s26] =	ssyncadd.s32 $0xFFFFC000  }
0x3a: {  	[tilespmem:s25], [sflag:$0x5] =	stream.linear.gather [hbm4b:s14+s2], $0x4000, $0x38;
	[tilespmem:$0x1E400] =	vst v63  }
0x3b: {  	_ =	swait.ge [sflag:s26], $0x4000  }
0x3c: {  	[sflag:s26] =	ssyncset.done $0x0  }
0x3d: {  	[sflag:s26] =	ssyncadd.s32 $0xFFFFC000  }
0x3e: {  	[spmem:s17] =	stream.linear.scatter [tilespmem:s25], [sflag:$0x5], $0x4000, $0x38;
	[tilespmem:$0x1E400] =	vst v63  }
0x3f: {  	_ =	swait.ge [sflag:s26], $0x4000  }
0x40: {  	[sflag:s26] =	ssyncset.done $0x0  }
0x41: {  	s15 =	rddreg [dreg:$0x8];
	[sflag:s26] =	ssyncadd.s32 $0xFFFFC000  }
0x42: {  	[tilespmem:s25], [sflag:$0x5] =	stream.linear.gather [hbm4b:s15+s2], $0x3C00, $0x38;
	[tilespmem:$0x1E400] =	vst v63  }
0x43: {  	_ =	swait.ge [sflag:s26], $0x3C00  }
0x44: {  	[sflag:s26] =	ssyncset.done $0x0  }
0x45: {  	[sflag:s26] =	ssyncadd.s32 $0xFFFFC400  }
0x46: {  	[spmem:s18] =	stream.linear.scatter [tilespmem:s25], [sflag:$0x5], $0x3C00, $0x38;
	[tilespmem:$0x1E400] =	vst v63  }
0x47: {  	_ =	swait.ge [sflag:s26], $0x3C00  }
0x48: {  	[sflag:s26] =	ssyncset.done $0x0  }
0x49: {  	[sflag:s26] =	ssyncadd.s32 $0xFFFFC400  }
0x4a: {  	[bflag:$0x0] =	sbarrier.arrive $0xFFFF  }
0x4b: {  	s16 =	rddreg [dreg:$0x9]  }
0x4c: {  	[tilespmem:s2], [sflag:$0x5] =	stream.linear.gather [hbm4b:s16+s2], $0x1400, $0x38;
	[tilespmem:$0x1E400] =	vst v63  }
0x4d: {  	_ =	swait.ge [sflag:s26], $0x1400  }
0x4e: {  	[sflag:s26] =	ssyncset.done $0x0  }
0x4f: {  	s19 =	rddreg [dreg:$0xa];
	[sflag:s26] =	ssyncadd.s32 $0xFFFFEC00  }
0x50: {  	[tilespmem:s28], [sflag:$0x5] =	stream.linear.gather [hbm4b:s19+s2], $0x1400, $0x38;
	[tilespmem:$0x1E400] =	vst v63  }
0x51: {  	_ =	swait.ge [sflag:s26], $0x1400  }
0x52: {  	[sflag:s26] =	ssyncset.done $0x0  }
0x53: {  	[sflag:s26] =	ssyncadd.s32 $0xFFFFEC00  }
0x54: {  	[tilespmem:s25], [sflag:$0x1] =	stream.indirect.gather [hbm4b:s4+s29], $0x80, s2, s29, $0xb8;
	[tilespmem:$0x1E400] =	vst v63  }
0x55: {  	s14 =	simm.s32 $0x80  }
0x56: {  	[tilespmem:s30], [sflag:$0x2] =	stream.indirect.gather [hbm4b:s4+s29], $0x80, s14, s29, $0xb8;
	[tilespmem:$0x1E400] =	vst v63  }
0x57: {  	_ =	swait.ge [sflag:s31], $0x4000  }
0x58: {  	[sflag:s31] =	ssyncset.done $0x0  }
0x59: {  	s15 =	simm.s32 $0x1400;
	[sflag:s31] =	ssyncadd.s32 $0xFFFFC000  }
0x5a: {  	[spmem:s1] =	stream.indirect.scatter.add.f32 [tilespmem:s25], [sflag:$0x3], $0x80, s15, s29, $0xb8;
	[tilespmem:$0x1E400] =	vst v63  }
0x5b: {  	_ =	swait.ge [sflag:s0], $0x4000  }
0x5c: {  	[sflag:s0] =	ssyncset.done $0x0  }
0x5d: {  	s16 =	simm.s32 $0x1480;
	[sflag:s0] =	ssyncadd.s32 $0xFFFFC000  }
0x5e: {  	[spmem:s1] =	stream.indirect.scatter.add.f32 [tilespmem:s30], [sflag:$0x4], $0x80, s16, s29, $0xb8;
	[tilespmem:$0x1E400] =	vst v63  }
0x5f: {  	_ =	swait.ge [sflag:s3], $0x4000  }
0x60: {  	[sflag:s3] =	ssyncset.done $0x0  }
0x61: {  	s19 =	simm.s32 $0x100;
	[sflag:s3] =	ssyncadd.s32 $0xFFFFC000  }
0x62: {  	[tilespmem:s25], [sflag:$0x1] =	stream.indirect.gather [hbm4b:s4+s29], $0x80, s19, s29, $0xb8;
	[tilespmem:$0x1E400] =	vst v63  }
0x63: {  	_ =	swait.ge [sflag:s5], $0x4000  }
0x64: {  	s13 =	simm.s32 $0x100;
	s14 =	simm.s32 $0x800;
	[sflag:s5] =	ssyncset.done $0x0  }
.LBB2_2:
0x65: {  	s15 =	sadd.s32 $0x80, s13  }
0x66: {  	[sflag:s5] =	ssyncadd.s32 $0xFFFFC000;
	s16 =	smov.u32 s14;
	s19 =	sadd.s32 $0x400, s14  }
0x67: {  	[tilespmem:s30], [sflag:$0x2] =	stream.indirect.gather [hbm4b:s4+s29], $0x80, s15, s29, $0xb8;
	[tilespmem:$0x1E400] =	vst v63  }
0x68: {  	p0 =	sne.s32 s14, $0x4800;
	_ =	swait.ge [sflag:s31], $0x4000  }
0x69: {  	[sflag:s31] =	ssyncset.done $0x0  }
0x6a: {  	s14 =	sadd.s32 $0x1400, s13;
	[sflag:s31] =	ssyncadd.s32 $0xFFFFC000  }
0x6b: {  	[spmem:s1] =	stream.indirect.scatter.add.f32 [tilespmem:s25], [sflag:$0x3], $0x80, s14, s29, $0xb8;
	[tilespmem:$0x1E400] =	vst v63  }
0x6c: {  	_ =	swait.ge [sflag:s0], $0x4000  }
0x6d: {  	[sflag:s0] =	ssyncset.done $0x0  }
0x6e: {  	s14 =	sadd.s32 $0x1480, s13;
	[sflag:s0] =	ssyncadd.s32 $0xFFFFC000  }
0x6f: {  	[spmem:s1] =	stream.indirect.scatter.add.f32 [tilespmem:s30], [sflag:$0x4], $0x80, s14, s29, $0xb8;
	[tilespmem:$0x1E400] =	vst v63  }
0x70: {  	_ =	swait.ge [sflag:s3], $0x4000  }
.Ltmp0:
0x71: {  	[sflag:s3] =	ssyncset.done $0x0;
	(pc) =	sbr.rel @p0 .LBB2_2-.Ltmp0, $4  }
0x72: {  	s13 =	sadd.s32 $0x100, s13;
	[sflag:s3] =	ssyncadd.s32 $0xFFFFC000  }
0x73: {  	[tilespmem:s25], [sflag:$0x1] =	stream.indirect.gather [hbm4b:s4+s29], $0x80, s13, s29, $0xb8;
	[tilespmem:$0x1E400] =	vst v63  }
0x74: {  	_ =	swait.ge [sflag:s5], $0x4000  }
0x75: {  	s14 =	smov.u32 s19;
	s13 =	sshra.s32 s16, $0x2;
	[sflag:s5] =	ssyncset.done $0x0  }
0x76: {  	s14 =	sadd.s32 $0x80, s13;
	[sflag:s5] =	ssyncadd.s32 $0xFFFFC000  }
0x77: {  	[tilespmem:s30], [sflag:$0x2] =	stream.indirect.gather [hbm4b:s4+s29], $0x80, s14, s29, $0xb8;
	[tilespmem:$0x1E400] =	vst v63  }
0x78: {  	_ =	swait.ge [sflag:s31], $0x4000  }
0x79: {  	[sflag:s31] =	ssyncset.done $0x0  }
0x7a: {  	s16 =	sadd.s32 $0x1400, s13;
	[sflag:s31] =	ssyncadd.s32 $0xFFFFC000  }
0x7b: {  	[spmem:s1] =	stream.indirect.scatter.add.f32 [tilespmem:s25], [sflag:$0x3], $0x80, s16, s29, $0xb8;
	[tilespmem:$0x1E400] =	vst v63  }
0x7c: {  	_ =	swait.ge [sflag:s0], $0x4000  }
0x7d: {  	[sflag:s0] =	ssyncset.done $0x0  }
0x7e: {  	s19 =	sadd.s32 $0x1480, s13;
	[sflag:s0] =	ssyncadd.s32 $0xFFFFC000  }
0x7f: {  	[spmem:s1] =	stream.indirect.scatter.add.f32 [tilespmem:s30], [sflag:$0x4], $0x80, s19, s29, $0xb8;
	[tilespmem:$0x1E400] =	vst v63  }
0x80: {  	_ =	swait.ge [sflag:s3], $0x4000  }
0x81: {  	[sflag:s3] =	ssyncset.done $0x0  }
0x82: {  	s14 =	sadd.s32 $0x100, s13;
	[sflag:s3] =	ssyncadd.s32 $0xFFFFC000  }
0x83: {  	[tilespmem:s25], [sflag:$0x1] =	stream.indirect.gather [hbm4b:s4+s29], $0x80, s14, s29, $0xb8;
	[tilespmem:$0x1E400] =	vst v63  }
0x84: {  	_ =	swait.ge [sflag:s5], $0x4000  }
0x85: {  	[sflag:s5] =	ssyncset.done $0x0  }
0x86: {  	[sflag:s5] =	ssyncadd.s32 $0xFFFFC000  }
0x87: {  	[tilespmem:s30], [sflag:$0x2] =	stream.indirect.gather [hbm4b:s4+s29], $0x80, s7, s29, $0xb8;
	[tilespmem:$0x1E400] =	vst v63  }
0x88: {  	_ =	swait.ge [sflag:s31], $0x4000  }
0x89: {  	[sflag:s31] =	ssyncset.done $0x0  }
0x8a: {  	[sflag:s31] =	ssyncadd.s32 $0xFFFFC000  }
0x8b: {  	[spmem:s1] =	stream.indirect.scatter.add.f32 [tilespmem:s25], [sflag:$0x3], $0x80, s9, s29, $0xb8;
	[tilespmem:$0x1E400] =	vst v63  }
0x8c: {  	_ =	swait.ge [sflag:s0], $0x4000  }
0x8d: {  	[sflag:s0] =	ssyncset.done $0x0  }
0x8e: {  	[sflag:s0] =	ssyncadd.s32 $0xFFFFC000  }
0x8f: {  	[spmem:s1] =	stream.indirect.scatter.add.f32 [tilespmem:s30], [sflag:$0x4], $0x80, s11, s29, $0xb8;
	[tilespmem:$0x1E400] =	vst v63  }
0x90: {  	_ =	swait.ge [sflag:s3], $0x4000  }
0x91: {  	[sflag:s3] =	ssyncset.done $0x0  }
0x92: {  	[sflag:s3] =	ssyncadd.s32 $0xFFFFC000  }
0x93: {  	_ =	swait.ge [sflag:s5], $0x4000  }
0x94: {  	[sflag:s5] =	ssyncset.done $0x0  }
0x95: {  	s15 =	simm.s32 $0x0;
	s16 =	rddreg [dreg:$0xb];
	[sflag:s5] =	ssyncadd.s32 $0xFFFFC000  }
0x96: {  	[tilespmem:s15], [sflag:$0x5] =	stream.linear.gather [hbm4b:s16+s15], $0x1400, $0x38;
	[tilespmem:$0x1E400] =	vst v63  }
0x97: {  	_ =	swait.ge [sflag:s26], $0x1400  }
0x98: {  	[sflag:s26] =	ssyncset.done $0x0  }
0x99: {  	s19 =	rddreg [dreg:$0xc];
	[sflag:s26] =	ssyncadd.s32 $0xFFFFEC00  }
0x9a: {  	[tilespmem:s28], [sflag:$0x5] =	stream.linear.gather [hbm4b:s19+s15], $0x1400, $0x38;
	[tilespmem:$0x1E400] =	vst v63  }
0x9b: {  	_ =	swait.ge [sflag:s26], $0x1400  }
0x9c: {  	[sflag:s26] =	ssyncset.done $0x0  }
0x9d: {  	[sflag:s26] =	ssyncadd.s32 $0xFFFFEC00  }
0x9e: {  	[tilespmem:s25], [sflag:$0x1] =	stream.indirect.gather [hbm4b:s4+s29], $0x80, s15, s29, $0xb8;
	[tilespmem:$0x1E400] =	vst v63  }
0x9f: {  	s14 =	simm.s32 $0x80  }
0xa0: {  	[tilespmem:s30], [sflag:$0x2] =	stream.indirect.gather [hbm4b:s4+s29], $0x80, s14, s29, $0xb8;
	[tilespmem:$0x1E400] =	vst v63  }
0xa1: {  	_ =	swait.ge [sflag:s31], $0x4000  }
0xa2: {  	[sflag:s31] =	ssyncset.done $0x0  }
0xa3: {  	s15 =	simm.s32 $0x1400;
	[sflag:s31] =	ssyncadd.s32 $0xFFFFC000  }
0xa4: {  	[spmem:s1] =	stream.indirect.scatter.add.f32 [tilespmem:s25], [sflag:$0x3], $0x80, s15, s29, $0xb8;
	[tilespmem:$0x1E400] =	vst v63  }
0xa5: {  	_ =	swait.ge [sflag:s0], $0x4000  }
0xa6: {  	[sflag:s0] =	ssyncset.done $0x0  }
0xa7: {  	s16 =	simm.s32 $0x1480;
	[sflag:s0] =	ssyncadd.s32 $0xFFFFC000  }
0xa8: {  	[spmem:s1] =	stream.indirect.scatter.add.f32 [tilespmem:s30], [sflag:$0x4], $0x80, s16, s29, $0xb8;
	[tilespmem:$0x1E400] =	vst v63  }
0xa9: {  	_ =	swait.ge [sflag:s3], $0x4000  }
0xaa: {  	[sflag:s3] =	ssyncset.done $0x0  }
0xab: {  	s19 =	simm.s32 $0x100;
	[sflag:s3] =	ssyncadd.s32 $0xFFFFC000  }
0xac: {  	[tilespmem:s25], [sflag:$0x1] =	stream.indirect.gather [hbm4b:s4+s29], $0x80, s19, s29, $0xb8;
	[tilespmem:$0x1E400] =	vst v63  }
0xad: {  	_ =	swait.ge [sflag:s5], $0x4000  }
0xae: {  	s13 =	simm.s32 $0x100;
	s14 =	simm.s32 $0x800;
	[sflag:s5] =	ssyncset.done $0x0  }
.LBB2_4:
0xaf: {  	s15 =	sadd.s32 $0x80, s13  }
0xb0: {  	[sflag:s5] =	ssyncadd.s32 $0xFFFFC000;
	s16 =	smov.u32 s14;
	s19 =	sadd.s32 $0x400, s14  }
0xb1: {  	[tilespmem:s30], [sflag:$0x2] =	stream.indirect.gather [hbm4b:s4+s29], $0x80, s15, s29, $0xb8;
	[tilespmem:$0x1E400] =	vst v63  }
0xb2: {  	p0 =	sne.s32 s14, $0x4800;
	_ =	swait.ge [sflag:s31], $0x4000  }
0xb3: {  	[sflag:s31] =	ssyncset.done $0x0  }
0xb4: {  	s14 =	sadd.s32 $0x1400, s13;
	[sflag:s31] =	ssyncadd.s32 $0xFFFFC000  }
0xb5: {  	[spmem:s1] =	stream.indirect.scatter.add.f32 [tilespmem:s25], [sflag:$0x3], $0x80, s14, s29, $0xb8;
	[tilespmem:$0x1E400] =	vst v63  }
0xb6: {  	_ =	swait.ge [sflag:s0], $0x4000  }
0xb7: {  	[sflag:s0] =	ssyncset.done $0x0  }
0xb8: {  	s14 =	sadd.s32 $0x1480, s13;
	[sflag:s0] =	ssyncadd.s32 $0xFFFFC000  }
0xb9: {  	[spmem:s1] =	stream.indirect.scatter.add.f32 [tilespmem:s30], [sflag:$0x4], $0x80, s14, s29, $0xb8;
	[tilespmem:$0x1E400] =	vst v63  }
0xba: {  	_ =	swait.ge [sflag:s3], $0x4000  }
.Ltmp1:
0xbb: {  	[sflag:s3] =	ssyncset.done $0x0;
	(pc) =	sbr.rel @p0 .LBB2_4-.Ltmp1, $4  }
0xbc: {  	s13 =	sadd.s32 $0x100, s13;
	[sflag:s3] =	ssyncadd.s32 $0xFFFFC000  }
0xbd: {  	[tilespmem:s25], [sflag:$0x1] =	stream.indirect.gather [hbm4b:s4+s29], $0x80, s13, s29, $0xb8;
	[tilespmem:$0x1E400] =	vst v63  }
0xbe: {  	_ =	swait.ge [sflag:s5], $0x4000  }
0xbf: {  	s14 =	smov.u32 s19;
	s13 =	sshra.s32 s16, $0x2;
	[sflag:s5] =	ssyncset.done $0x0  }
0xc0: {  	s14 =	sadd.s32 $0x80, s13;
	[sflag:s5] =	ssyncadd.s32 $0xFFFFC000  }
0xc1: {  	[tilespmem:s30], [sflag:$0x2] =	stream.indirect.gather [hbm4b:s4+s29], $0x80, s14, s29, $0xb8;
	[tilespmem:$0x1E400] =	vst v63  }
0xc2: {  	_ =	swait.ge [sflag:s31], $0x4000  }
0xc3: {  	[sflag:s31] =	ssyncset.done $0x0  }
0xc4: {  	s19 =	sadd.s32 $0x1400, s13;
	[sflag:s31] =	ssyncadd.s32 $0xFFFFC000  }
0xc5: {  	[spmem:s1] =	stream.indirect.scatter.add.f32 [tilespmem:s25], [sflag:$0x3], $0x80, s19, s29, $0xb8;
	[tilespmem:$0x1E400] =	vst v63  }
0xc6: {  	_ =	swait.ge [sflag:s0], $0x4000  }
0xc7: {  	[sflag:s0] =	ssyncset.done $0x0  }
0xc8: {  	s15 =	sadd.s32 $0x1480, s13;
	[sflag:s0] =	ssyncadd.s32 $0xFFFFC000  }
0xc9: {  	[spmem:s1] =	stream.indirect.scatter.add.f32 [tilespmem:s30], [sflag:$0x4], $0x80, s15, s29, $0xb8;
	[tilespmem:$0x1E400] =	vst v63  }
0xca: {  	_ =	swait.ge [sflag:s3], $0x4000  }
0xcb: {  	[sflag:s3] =	ssyncset.done $0x0  }
0xcc: {  	s16 =	sadd.s32 $0x100, s13;
	[sflag:s3] =	ssyncadd.s32 $0xFFFFC000  }
0xcd: {  	[tilespmem:s25], [sflag:$0x1] =	stream.indirect.gather [hbm4b:s4+s29], $0x80, s16, s29, $0xb8;
	[tilespmem:$0x1E400] =	vst v63  }
0xce: {  	_ =	swait.ge [sflag:s5], $0x4000  }
0xcf: {  	[sflag:s5] =	ssyncset.done $0x0  }
0xd0: {  	[sflag:s5] =	ssyncadd.s32 $0xFFFFC000  }
0xd1: {  	[tilespmem:s30], [sflag:$0x2] =	stream.indirect.gather [hbm4b:s4+s29], $0x80, s7, s29, $0xb8;
	[tilespmem:$0x1E400] =	vst v63  }
0xd2: {  	_ =	swait.ge [sflag:s31], $0x4000  }
0xd3: {  	[sflag:s31] =	ssyncset.done $0x0  }
0xd4: {  	[sflag:s31] =	ssyncadd.s32 $0xFFFFC000  }
0xd5: {  	[spmem:s1] =	stream.indirect.scatter.add.f32 [tilespmem:s25], [sflag:$0x3], $0x80, s9, s29, $0xb8;
	[tilespmem:$0x1E400] =	vst v63  }
0xd6: {  	_ =	swait.ge [sflag:s0], $0x4000  }
0xd7: {  	[sflag:s0] =	ssyncset.done $0x0  }
0xd8: {  	[sflag:s0] =	ssyncadd.s32 $0xFFFFC000  }
0xd9: {  	[spmem:s1] =	stream.indirect.scatter.add.f32 [tilespmem:s30], [sflag:$0x4], $0x80, s11, s29, $0xb8;
	[tilespmem:$0x1E400] =	vst v63  }
0xda: {  	_ =	swait.ge [sflag:s3], $0x4000  }
0xdb: {  	[sflag:s3] =	ssyncset.done $0x0  }
0xdc: {  	[sflag:s3] =	ssyncadd.s32 $0xFFFFC000  }
0xdd: {  	_ =	swait.ge [sflag:s5], $0x4000  }
0xde: {  	[sflag:s5] =	ssyncset.done $0x0  }
0xdf: {  	[sflag:s5] =	ssyncadd.s32 $0xFFFFC000  }
0xe0: {  	[bflag:$0x0] =	sbarrier.arrive $0xFFFF  }
0xe1: {  	[tilespmem:s25], [sflag:$0x5] =	stream.linear.gather [spmem:s6], $0x4000, $0x38;
	[tilespmem:$0x1E400] =	vst v63  }
0xe2: {  	_ =	swait.ge [sflag:s26], $0x4000  }
0xe3: {  	[sflag:s26] =	ssyncset.done $0x0  }
0xe4: {  	s19 =	rddreg [dreg:$0xd];
	[sflag:s26] =	ssyncadd.s32 $0xFFFFC000  }
0xe5: {  	[hbm4b:s19+s2] =	stream.linear.scatter [tilespmem:s25], [sflag:$0x5], $0x4000, $0x38;
	[tilespmem:$0x1E400] =	vst v63  }
0xe6: {  	_ =	swait.ge [sflag:s26], $0x4000  }
0xe7: {  	[sflag:s26] =	ssyncset.done $0x0  }
0xe8: {  	[sflag:s26] =	ssyncadd.s32 $0xFFFFC000  }
0xe9: {  	[tilespmem:s25], [sflag:$0x5] =	stream.linear.gather [spmem:s8], $0x4000, $0x38;
	[tilespmem:$0x1E400] =	vst v63  }
0xea: {  	_ =	swait.ge [sflag:s26], $0x4000  }
0xeb: {  	[sflag:s26] =	ssyncset.done $0x0  }
0xec: {  	[sflag:s26] =	ssyncadd.s32 $0xFFFFC000  }
0xed: {  	[hbm4b:s20+s2] =	stream.linear.scatter [tilespmem:s25], [sflag:$0x5], $0x4000, $0x38;
	[tilespmem:$0x1E400] =	vst v63  }
0xee: {  	_ =	swait.ge [sflag:s26], $0x4000  }
0xef: {  	[sflag:s26] =	ssyncset.done $0x0  }
0xf0: {  	[sflag:s26] =	ssyncadd.s32 $0xFFFFC000  }
0xf1: {  	[tilespmem:s25], [sflag:$0x5] =	stream.linear.gather [spmem:s10], $0x4000, $0x38;
	[tilespmem:$0x1E400] =	vst v63  }
0xf2: {  	_ =	swait.ge [sflag:s26], $0x4000  }
0xf3: {  	[sflag:s26] =	ssyncset.done $0x0  }
0xf4: {  	[sflag:s26] =	ssyncadd.s32 $0xFFFFC000  }
0xf5: {  	[hbm4b:s21+s2] =	stream.linear.scatter [tilespmem:s25], [sflag:$0x5], $0x4000, $0x38;
	[tilespmem:$0x1E400] =	vst v63  }
0xf6: {  	_ =	swait.ge [sflag:s26], $0x4000  }
0xf7: {  	[sflag:s26] =	ssyncset.done $0x0  }
0xf8: {  	[sflag:s26] =	ssyncadd.s32 $0xFFFFC000  }
0xf9: {  	[tilespmem:s25], [sflag:$0x5] =	stream.linear.gather [spmem:s17], $0x4000, $0x38;
	[tilespmem:$0x1E400] =	vst v63  }
0xfa: {  	_ =	swait.ge [sflag:s26], $0x4000  }
0xfb: {  	[sflag:s26] =	ssyncset.done $0x0  }
0xfc: {  	[sflag:s26] =	ssyncadd.s32 $0xFFFFC000  }
0xfd: {  	[hbm4b:s22+s2] =	stream.linear.scatter [tilespmem:s25], [sflag:$0x5], $0x4000, $0x38;
	[tilespmem:$0x1E400] =	vst v63  }
0xfe: {  	_ =	swait.ge [sflag:s26], $0x4000  }
0xff: {  	[sflag:s26] =	ssyncset.done $0x0  }
0x100: {  	[sflag:s26] =	ssyncadd.s32 $0xFFFFC000  }
0x101: {  	[tilespmem:s25], [sflag:$0x5] =	stream.linear.gather [spmem:s18], $0x3C00, $0x38;
	[tilespmem:$0x1E400] =	vst v63  }
0x102: {  	s12 =	sadd.s32 $0x1, s12;
	_ =	swait.ge [sflag:s26], $0x3C00  }
0x103: {  	p0 =	sne.s32 s12, s24;
	[sflag:s26] =	ssyncset.done $0x0  }
.Ltmp2:
0x104: {  	[sflag:s26] =	ssyncadd.s32 $0xFFFFC400;
	(pc) =	sbr.rel @p0 .LBB2_1-.Ltmp2, $4  }
0x105: {  	[hbm4b:s23+s2] =	stream.linear.scatter [tilespmem:s25], [sflag:$0x5], $0x3C00, $0x38;
	[tilespmem:$0x1E400] =	vst v63  }
0x106: {  	_ =	swait.ge [sflag:s26], $0x3C00  }
0x107: {  	[sflag:s26] =	ssyncset.done $0x0  }
0x108: {  	[sflag:s26] =	ssyncadd.s32 $0xFFFFC400  }
0x109: {  	_ =	sfence.sel $0x180000  }
0x10a: {  	[bflag:$0x0] =	sbarrier.arrive $0xFFFF  }
0x10b: {  	_ =	strace $0x9000004D  }
0x10c: {  	s0 =	stileid.u32;
	[bflag:$0x2] =	sbarrier.arrive $0xFFFF  }
0x10d: {  	p0 =	sne.s32 s0, $0x0;
	s0 =	rddreg [dreg:$0x3]  }
0x10e: {  	s0 =	sadd.s32 @!p0 $0x100000, s0  }
0x10f: {  	[sflag:s0] =	ssyncadd.tile.s32 @!p0 $0x1;
	_ =	shalt  }
.Lfunc_end2:
_tile_overlayer_lowered:
.L_overlay_start_2:
0x110: {  	(tag) =	ssettag $0x2  }
0x111: {  	s0 =	rddreg [dreg:$0x0];
	s2 =	stileid.u32  }
0x112: {  	s1 =	rddreg [dreg:$0x1];
	p0 =	sne.s32 s2, $0x0  }
0x113: {  	s3 =	rddreg [dreg:$0x2];
	[bflag:$0x3] =	sbarrier.arrive $0xFFFF;
	s2 =	simm.s32 @!p0 $0x1C05  }
0x114: {  	[timem:s3], [sflag:s2] =	dma.local @!p0 [hbm:s0], s1  }
0x115: {  	s0 =	simm.s32 @!p0 $0x5  }
0x116: {  	_ =	swait.ge @!p0 [sflag:s0], s1  }
0x117: {  	s1 =	ssub.s32 @!p0 $0x0, s1;
	[sflag:s0] =	ssyncset.done @!p0 $0x0  }
0x118: {  	[sflag:s0] =	ssyncadd.s32 @!p0 s1  }
0x119: {  	[bflag:$0x3] =	sbarrier.arrive $0xFFFF  }
0x11a: {  	_ =	shalt  }

// kernel: kernel.8.cloned.1.call-start
scs
__scs_entry_jumppad:
0x0: {  	(pc) =	sbr.rel $0x88, $3  }
0x1: {  	(tag) =	ssettag $0x0;
	lr =	simm.s32 $0x1  }
0x2: {  	[smem:$0x3F97] =	sst lr;
	_ =	strace $0xD0000000  }
0x3: {  	_ = 	snop  }
0x4: {  	_ = 	snop  }
0x5: {  	_ = 	snop  }
0x6: {  	_ = 	snop  }
0x7: {  	_ = 	snop  }
__scs_overlays_trampoline_lowered:
0x8: {  	[smem:$0x3FA6] =	sst s0  }
0x9: {  	[smem:$0x3FA7] =	sst s1  }
0xa: {  	[smem:$0x3FA8] =	sst s2  }
0xb: {  	[smem:$0x3FA9] =	sst s3  }
0xc: {  	[smem:$0x3FAA] =	sst s4  }
0xd: {  	[smem:$0x3FAB] =	sst s5  }
0xe: {  	[smem:$0x3FAC] =	sst s6  }
0xf: {  	[smem:$0x3FAD] =	sst s7  }
0x10: {  	[smem:$0x3FAE] =	sst s8  }
0x11: {  	[smem:$0x3FAF] =	sst s9;
	s0 =	simm.s32 @!p0 $0x0  }
0x12: {  	s1 =	sld [smem:$0x3F95];
	s0 =	simm.s32 @p0 $0x1  }
0x13: {  	[smem:$0x3FB0] =	sst s0;
	s0 =	simm.s32 @!p1 $0x0  }
0x14: {  	s2 =	sld [smem:$0x3F94];
	s0 =	simm.s32 @p1 $0x1  }
0x15: {  	[smem:$0x3FB1] =	sst s0;
	s0 =	simm.s32 @!p2 $0x0  }
0x16: {  	s3 =	sld [smem:$0x3FDB];
	s0 =	simm.s32 @p2 $0x1  }
0x17: {  	s4 =	simm.s32 $0x1BF5;
	[smem:$0x3FB3] =	sst s0  }
0x18: {  	s0 =	sld [smem:$0x3F96];
	_ =	swait.ge [sflag:s4], $0x0  }
0x19: {  	s7 =	sld [smem:$0x3F97]  }
0x1a: {  	s8 =	sadd.s32 $0xFFFFE003, lr  }
0x1b: {  	s9 =	sadd.s32 $0xFFFFFEF7, lr;
	s5 =	simm.s32 $0xFFFFFFFF;
	p2 =	slt.u32 s8, $0xFFFFF086  }
0x1c: {  	p1 =	slt.u32 s9, $0xF7A;
	s5 =	simm.s32 @!p2 $0x0  }
0x1d: {  	s5 =	simm.s32 @p1 $0x1;
	p0 =	seq.s32 s7, s2  }
0x1e: {  	s7 =	smul.u32 @!p0 $0xF7A, s2;
	p2 =	seq.s32 @!p0 s5, $0x0  }
0x1f: {  	s9 =	smul.u32 $0xF7A, s1;
	s8 =	simm.s32 @!p0 $0x1BF5;
	p2 =	por !p2, p0  }
0x20: {  	[sflag:s8] =	ssyncset.s32 @!p0 $0xFFFFF086;
	s6 =	sadd.s32 @!p0 s3, s7;
	s7 =	simm.s32 @!p0 $0x108  }
0x21: {  	s3 =	sadd.s32 s3, s9;
	s6 =	sadd.s32 @!p0 $0x88, s6;
	s7 =	simm.s32 @p2 $0x1082  }
0x22: {  	[simem:s7], [sflag:s8] =	dma.local @!p0 [hbm:s6], $0xF7A  }
0x23: {  	s9 =	sor.u32 $0xD0000000, s2;
	s6 =	simm.s32 $0x108;
	_ =	swait.ge @!p0 [sflag:s8], $0x0  }
0x24: {  	s3 =	sadd.s32 $0x88, s3;
	s6 =	simm.s32 @!p1 $0x1082;
	[sflag:s4] =	ssyncset.s32 $0xFFFFF086  }
0x25: {  	[simem:s6], [sflag:s4] =	dma.local [hbm:s3], $0xF7A  }
0x26: {  	[smem:$0x3F97] =	sst s1;
	(tag) =	ssettag s2;
	_ =	strace s9  }
0x27: {  	s1 =	sld [smem:$0x3FA7]  }
0x28: {  	s2 =	sld [smem:$0x3FA8]  }
0x29: {  	s4 =	sld [smem:$0x3FAA]  }
0x2a: {  	p0 =	seq.s32 s5, $0x0;
	s5 =	sld [smem:$0x3FAB]  }
0x2b: {  	s6 =	sld [smem:$0x3FAC]  }
0x2c: {  	s7 =	sld [smem:$0x3FAD]  }
0x2d: {  	s3 =	simm.s32 $0x108;
	s8 =	sld [smem:$0x3FAE]  }
0x2e: {  	s3 =	simm.s32 @!p0 $0x1082;
	s9 =	sld [smem:$0x3FAF]  }
0x2f: {  	lr =	sadd.s32 s0, s3;
	s0 =	sld [smem:$0x3FA6]  }
0x30: {  	s3 =	sld [smem:$0x3FA9]  }
0x31: {  	[smem:$0x3FB2] =	sst s10  }
0x32: {  	s10 =	sld [smem:$0x3FB0];
	_ =	sdelay $0x3  }
0x33: {  	p0 =	seq.s32 s10, $0x1;
	s10 =	sld [smem:$0x3FB2];
	_ =	sdelay $0x3  }
0x34: {  	[smem:$0x3FB2] =	sst s10  }
0x35: {  	s10 =	sld [smem:$0x3FB1];
	_ =	sdelay $0x3  }
0x36: {  	p1 =	seq.s32 s10, $0x1;
	s10 =	sld [smem:$0x3FB2];
	_ =	sdelay $0x3  }
0x37: {  	[smem:$0x3FB2] =	sst s10  }
0x38: {  	s10 =	sld [smem:$0x3FB3]  }
0x39: {  	_ = 	snop;
	(pc) =	sbr.ind lr, $3  }
0x3a: {  	_ = 	snop  }
0x3b: {  	_ = 	snop  }
0x3c: {  	p2 =	seq.s32 s10, $0x1;
	s10 =	sld [smem:$0x3FB2]  }
0x3d: {  	_ =	shalt  }
0x3e: {  	_ =	shalt  }
0x3f: {  	_ =	shalt  }
0x40: {  	_ =	shalt  }
0x41: {  	_ =	shalt  }
0x42: {  	_ =	shalt  }
0x43: {  	_ =	shalt  }
0x44: {  	_ =	shalt  }
0x45: {  	_ =	shalt  }
0x46: {  	_ =	shalt  }
0x47: {  	_ =	shalt  }
0x48: {  	_ =	shalt  }
0x49: {  	_ =	shalt  }
0x4a: {  	_ =	shalt  }
0x4b: {  	_ =	shalt  }
0x4c: {  	_ =	shalt  }
0x4d: {  	_ =	shalt  }
0x4e: {  	_ =	shalt  }
0x4f: {  	_ =	shalt  }
0x50: {  	_ =	shalt  }
0x51: {  	_ =	shalt  }
0x52: {  	_ =	shalt  }
0x53: {  	_ =	shalt  }
0x54: {  	_ =	shalt  }
0x55: {  	_ =	shalt  }
0x56: {  	_ =	shalt  }
0x57: {  	_ =	shalt  }
0x58: {  	_ =	shalt  }
0x59: {  	_ =	shalt  }
0x5a: {  	_ =	shalt  }
0x5b: {  	_ =	shalt  }
0x5c: {  	_ =	shalt  }
0x5d: {  	_ =	shalt  }
0x5e: {  	_ =	shalt  }
0x5f: {  	_ =	shalt  }
0x60: {  	_ =	shalt  }
0x61: {  	_ =	shalt  }
0x62: {  	_ =	shalt  }
0x63: {  	_ =	shalt  }
0x64: {  	_ =	shalt  }
0x65: {  	_ =	shalt  }
0x66: {  	_ =	shalt  }
0x67: {  	_ =	shalt  }
0x68: {  	_ =	shalt  }
0x69: {  	_ =	shalt  }
0x6a: {  	_ =	shalt  }
0x6b: {  	_ =	shalt  }
0x6c: {  	_ =	shalt  }
0x6d: {  	_ =	shalt  }
0x6e: {  	_ =	shalt  }
0x6f: {  	_ =	shalt  }
0x70: {  	_ =	shalt  }
0x71: {  	_ =	shalt  }
0x72: {  	_ =	shalt  }
0x73: {  	_ =	shalt  }
0x74: {  	_ =	shalt  }
0x75: {  	_ =	shalt  }
0x76: {  	_ =	shalt  }
0x77: {  	_ =	shalt  }
0x78: {  	_ =	shalt  }
0x79: {  	_ =	shalt  }
0x7a: {  	_ =	shalt  }
0x7b: {  	_ =	shalt  }
0x7c: {  	_ =	shalt  }
0x7d: {  	_ =	shalt  }
0x7e: {  	_ =	shalt  }
0x7f: {  	_ =	shalt  }
0x80: {  	_ =	shalt  }
0x81: {  	_ =	shalt  }
0x82: {  	_ =	shalt  }
0x83: {  	_ =	shalt  }
0x84: {  	_ =	shalt  }
0x85: {  	_ =	shalt  }
0x86: {  	_ =	shalt  }
0x87: {  	_ =	shalt  }
.Lfunc_end0:
.L_simem_size_0:
called_computation.1_lowered:
.L_overlay_start_0:
0x88: {  	s2 =	sld [smem:$0x3FD9]  }
0x89: {  	s3 =	sld [smem:$0x3FFE];
	_ =	sdelay $0x1  }
0x8a: {  	s1 =	srdreg.scid  }
0x8b: {  	s0 =	sand.u32 $0x1, s1  }
0x8c: {  	s15 =	sshll.u32 s0, $0xA;
	s2 =	sadd.s32 s3, s2  }
0x8d: {  	s2 =	sadd.s32 s2, s15  }
0x8e: {  	[smem:$0x3FBE] =	sst s2  }
0x8f: {  	_ = 	snop  }
0x90: {  	s2 =	sld [smem:$0x3FD0];
	_ =	sdelay $0x2  }
0x91: {  	s16 =	simm.s32 $0xB;
	s4 =	simm.s32 $0x10  }
0x92: {  	[smem:s4], [sflag:s16] =	dma.local [hbm:s2], $0x1  }
0x93: {  	_ =	swait.eq [sflag:s16], $0x1  }
0x94: {  	[sflag:s16] =	ssyncset.done $0x0  }
0x95: {  	[sflag:s16] =	ssyncadd.s32 $0xFFFFFFFF  }
0x96: {  	s17 =	sld [smem:$0x10];
	(tm) =	ssettm $0x1  }
0x97: {  	s18 =	sld [smem:$0x3FFB];
	_ =	sdelay $0x3  }
0x98: {  	_ =	strace s18  }
0x99: {  	s2 =	sld [smem:$0x3FFC];
	_ =	sdelay $0x3  }
0x9a: {  	_ =	strace s2  }
0x9b: {  	s2 =	sld [smem:$0x3FFD];
	_ =	sdelay $0x3  }
0x9c: {  	_ =	strace s2  }
0x9d: {  	_ =	strace $0x8FFFFFFF  }
0x9e: {  	s19 =	sld [smem:$0x3FDB];
	_ =	sdelay $0x1  }
0x9f: {  	s20 =	simm.s32 $_scs_section_size  }
0xa0: {  	s5 =	simm.s32 $_size__tile_overlayer_lowered;
	s6 =	simm.s32 $_tile_overlayer_lowered  }
0xa1: {  	s7 =	simm.s32 $0x1BFF;
	s21 =	sshll.u32 s6, $0x1;
	s4 =	sadd.s32 s20, s19  }
0xa2: {  	s22 =	simm.s32 $0x0;
	s5 =	sshll.u32 s5, $0x1;
	s6 =	sadd.s32 s21, s4  }
0xa3: {  	[timem:s22], [sflag:s7] =	dma.local [hbm:s6], s5  }
0xa4: {  	_ =	swait.ge [sflag:s7], s5  }
0xa5: {  	s5 =	ssub.s32 $0x0, s5;
	[sflag:s7] =	ssyncset.done $0x0  }
0xa6: {  	[sflag:s7] =	ssyncadd.s32 s5;
	_ =	sdelay $0x1  }
0xa7: {  	s23 =	simm.s32 $0x1B8B  }
0xa8: {  	_ =	swait.ge [sflag:s23], $0x1  }
0xa9: {  	[sflag:s23] =	ssyncset.done $0x0  }
0xaa: {  	[sflag:s23] =	ssyncadd.s32 $0xFFFFFFFF  }
0xab: {  	s5 =	sld [smem:$0x0]  }
0xac: {  	s6 =	sand.u32 $0xFFFFFFFE, s1  }
0xad: {  	p0 =	sne.s32 s1, s6  }
0xae: {  	s6 =	sshll.u32 @p0 s6, $0xE  }
0xaf: {  	s6 =	sadd.s32 @p0 $0x11B8D, s6;
	s7 =	sshll.u32 @p0 s5, $0x11  }
0xb0: {  	s6 =	sor.u32 @p0 s7, s6  }
0xb1: {  	[sflag:s6] =	ssyncadd.remote.s32 @p0 $0x1;
	_ =	sdelay $0x1  }
0xb2: {  	s6 =	simm.s32 @p0 $0x1B8D  }
0xb3: {  	_ =	swait.eq @p0 [sflag:s6], $0x1  }
0xb4: {  	[sflag:s6] =	ssyncadd.s32 @p0 $0xFFFFFFFF  }
0xb5: {  	s7 =	sshll.u32 @!p0 s1, $0xE  }
0xb6: {  	s7 =	sor.u32 @!p0 $0x4000, s7;
	s6 =	simm.s32 @!p0 $0x1B8D  }
0xb7: {  	s5 =	sshll.u32 @!p0 s5, $0x11;
	s7 =	sadd.s32 @!p0 $0x11B8D, s7;
	_ =	swait.eq @!p0 [sflag:s6], $0x1  }
0xb8: {  	s5 =	sor.u32 @!p0 s5, s7;
	[sflag:s6] =	ssyncadd.s32 @!p0 $0xFFFFFFFF  }
0xb9: {  	s25 =	simm.s32 $0x1B8E;
	s24 =	sld [smem:$0x3FFE];
	[sflag:s5] =	ssyncadd.remote.s32 @!p0 $0x1  }
0xba: {  	s26 =	simm.s32 $execute0_lowered;
	[smem:$0x3FD2] =	sst s25  }
0xbb: {  	s6 =	sshll.u32 s26, $0x1;
	_ =	strace $0x80000049;
	[dreg:$0x1] =	wrdreg $0xFFFFFFFF  }
0xbc: {  	s28 =	simm.s32 $_size_execute0_lowered;
	s4 =	sadd.s32 s4, s6;
	[dreg:$0x0] =	wrdreg $0x0  }
0xbd: {  	s6 =	sshll.u32 s28, $0x1;
	[dreg:$0x2] =	wrdreg s4  }
0xbe: {  	[dreg:$0x3] =	wrdreg s6  }
0xbf: {  	[dreg:$0x4] =	wrdreg $0xC0  }
0xc0: {  	_ =	task [dreg:s22], $0x5FFFF  }
0xc1: {  	[dreg:$0x1] =	wrdreg $0xFFFFFFFF  }
0xc2: {  	[dreg:$0x0] =	wrdreg $0x60  }
0xc3: {  	[dreg:$0x2] =	wrdreg s24  }
0xc4: {  	[dreg:$0x3] =	wrdreg s17  }
0xc5: {  	[dreg:$0x4] =	wrdreg $0xA8000  }
0xc6: {  	[dreg:$0x5] =	wrdreg $0x9  }
0xc7: {  	_ =	task.clear_ibuf [dreg:s22], $0x6FFFF;
	_ =	strace $0x90000049  }
0xc8: {  	s29 =	simm.s32 $0x9;
	_ =	strace $0x8000004B  }
0xc9: {  	_ =	swait.ge [sflag:s29], $0x1  }
0xca: {  	[sflag:s29] =	ssyncadd.s32 $0xFFFFFFFF  }
0xcb: {  	_ =	strace $0x9000004B  }
0xcc: {  	_ =	sfence  }
0xcd: {  	s30 =	sld [smem:$0x0];
	_ =	sdelay $0x2  }
0xce: {  	s31 =	sshll.u32 s1, $0xD;
	s1 =	sshrl.u32 s1, $0x2  }
0xcf: {  	s4 =	sand.u32 $0x4000, s31;
	s1 =	sadd.s32 s1, s30  }
0xd0: {  	s0 =	sor.u32 s4, s0;
	s1 =	sshll.u32 s1, $0x11  }
0xd1: {  	s0 =	sor.u32 s1, s0  }
0xd2: {  	s0 =	sadd.s32 $0x8F2B, s0  }
0xd3: {  	[sflag:s0] =	ssyncadd.remote.s32 $0x1  }
0xd4: {  	_ =	sfence.sel $0xFFFF  }
0xd5: {  	[dreg:$0x0] =	wrdreg $0xFFFFFFFF;
	(pc) =	sbr.abs _section_cstart, $3  }
0xd6: {  	[dreg:$0x1] =	wrdreg $0xFFFFFFFF  }
0xd7: {  	_ =	task.clear_ibuf [dreg:s22], $0x2FFFF;
	_ =	strace $0x9FFFFFFF  }
0xd8: {  	(tm) =	ssettm $0x7FFFFFFF  }
0xd9: {  	_ =	shalt  }
tec
execute0_lowered:
.L_overlay_start_1:
0x0: {  	(tag) =	ssettag $0x1  }
0x1: {  	s0 =	rddreg [dreg:$0x0]  }
0x2: {  	s3 =	rddreg [dreg:$0x1]  }
0x3: {  	s1 =	rddreg [dreg:$0x2];
	s2 =	simm.s32 $0x0;
	s6 =	srdreg.scid  }
0x4: {  	s15 =	stileid.u32;
	s28 =	simm.s32 $0x1400;
	s29 =	simm.s32 $0x80  }
0x5: {  	s30 =	simm.s32 $0x6800;
	s31 =	simm.s32 $0x1;
	[smem:$0x7FF] =	sst s2  }
0x6: {  	s4 =	sadd.s32 $0x33200, s0;
	s5 =	sadd.s32 $0x1000, s0;
	s11 =	smul.u32 $0x278, s15  }
0x7: {  	s7 =	sadd.s32 $0x5AA00, s0;
	s9 =	sand.u32 $0x1, s6;
	s12 =	smul.u32 $0x13C00, s15  }
0x8: {  	s0 =	sadd.s32 $0x82200, s0;
	s13 =	smul.u32 $0x4F000, s15;
	_ =	strace $0x8000004A  }
0x9: {  	s6 =	ssub.s32 $0x2, s9;
	s10 =	sshll.u32 s9, $0x4;
	s9 =	smul.u32 $0x13C000, s9  }
0xa: {  	s8 =	sshrl.u32 s6, $0x1;
	s15 =	sor.u32 s15, s10;
	s17 =	sshrl.u32 s12, $0x3  }
0xb: {  	s18 =	sshrl.u32 s13, $0x2;
	s19 =	sadd.s32 $0x80, s11;
	s21 =	sadd.s32 $0x100, s11  }
0xc: {  	s16 =	sadd.s32 $0x180, s11;
	s11 =	sadd.s32 $0x200, s11;
	s14 =	ssub.s32 s6, s8  }
0xd: {  	s6 =	sadd.s32 s7, s17;
	s20 =	sshll.u32 s19, $0x4;
	s23 =	sshll.u32 s21, $0x4  }
0xe: {  	s13 =	sshll.u32 s21, $0x7;
	s15 =	smul.u32 $0x2800, s15;
	s24 =	sshll.u32 s11, $0x4  }
0xf: {  	[dreg:$0x4] =	wrdreg s6;
	s6 =	sadd.s32 s18, s1;
	s18 =	sshll.u32 s19, $0x7  }
0x10: {  	s22 =	sadd.s32 s7, s20;
	s10 =	sadd.s32 s7, s23;
	s19 =	sshll.u32 s16, $0x7  }
0x11: {  	s16 =	sshll.u32 s16, $0x4;
	s21 =	sadd.s32 s9, s13;
	[dreg:$0x5] =	wrdreg s22  }
0x12: {  	s8 =	sadd.s32 s18, s1;
	[dreg:$0x6] =	wrdreg s10;
	s10 =	sadd.s32 s13, s1  }
0x13: {  	s16 =	sadd.s32 s7, s16;
	s15 =	sshrl.u32 s15, $0x3;
	s7 =	sadd.s32 s7, s24  }
0x14: {  	s17 =	sadd.s32 s19, s1;
	s20 =	sadd.s32 s9, s18;
	[dreg:$0x7] =	wrdreg s16  }
0x15: {  	s22 =	sadd.s32 s9, s19;
	s24 =	sshrl.u32 s21, $0x3;
	[dreg:$0x8] =	wrdreg s7  }
0x16: {  	s25 =	sadd.s32 $0x280, s15;
	s26 =	sadd.s32 s3, s15;
	s15 =	sadd.s32 s5, s15  }
0x17: {  	s16 =	sshll.u32 s11, $0x7;
	s23 =	sshrl.u32 s20, $0x3;
	s21 =	sadd.s32 s0, s24  }
0x18: {  	s24 =	smax.u32 s14, $0x1;
	s11 =	simm.s32 $0x2780;
	[dreg:$0x9] =	wrdreg s26  }
0x19: {  	[dreg:$0xa] =	wrdreg s15;
	s3 =	sadd.s32 s3, s25;
	s7 =	sadd.s32 s5, s25  }
0x1a: {  	s15 =	sadd.s32 s12, s9;
	s9 =	sadd.s32 s9, s16;
	s18 =	sadd.s32 s16, s1  }
0x1b: {  	s20 =	sadd.s32 s0, s23;
	s25 =	sshrl.u32 s22, $0x3;
	[dreg:$0xb] =	wrdreg s3  }
0x1c: {  	s5 =	simm.s32 $0x4;
	s12 =	simm.s32 $0x0;
	[dreg:$0xc] =	wrdreg s7  }
0x1d: {  	s3 =	sshrl.u32 s15, $0x3;
	s22 =	sadd.s32 s0, s25;
	s26 =	sshrl.u32 s9, $0x3  }
0x1e: {  	s25 =	simm.s32 $0x2800;
	s7 =	simm.s32 $0x1380;
	s9 =	simm.s32 $0x2700  }
0x1f: {  	s3 =	sadd.s32 s0, s3;
	s23 =	sadd.s32 s0, s26;
	s26 =	simm.s32 $0x5  }
0x20: {  	s0 =	simm.s32 $0x2;
	[dreg:$0xd] =	wrdreg s3;
	s3 =	simm.s32 $0x3  }
.LBB2_1:
0x21: {  	s13 =	rddreg [dreg:$0x4]  }
0x22: {  	[tilespmem:s25], [sflag:$0x5] =	stream.linear.gather [hbm4b:s13+s2], $0x4000, $0x38;
	[tilespmem:$0x1E400] =	vst v63  }
0x23: {  	_ =	swait.ge [sflag:s26], $0x4000  }
0x24: {  	[sflag:s26] =	ssyncset.done $0x0  }
0x25: {  	[sflag:s26] =	ssyncadd.s32 $0xFFFFC000  }
0x26: {  	[spmem:s6] =	stream.linear.scatter [tilespmem:s25], [sflag:$0x5], $0x4000, $0x38;
	[tilespmem:$0x1E400] =	vst v63  }
0x27: {  	_ =	swait.ge [sflag:s26], $0x4000  }
0x28: {  	[sflag:s26] =	ssyncset.done $0x0  }
0x29: {  	s16 =	rddreg [dreg:$0x5];
	[sflag:s26] =	ssyncadd.s32 $0xFFFFC000  }
0x2a: {  	[tilespmem:s25], [sflag:$0x5] =	stream.linear.gather [hbm4b:s16+s2], $0x4000, $0x38;
	[tilespmem:$0x1E400] =	vst v63  }
0x2b: {  	_ =	swait.ge [sflag:s26], $0x4000  }
0x2c: {  	[sflag:s26] =	ssyncset.done $0x0  }
0x2d: {  	[sflag:s26] =	ssyncadd.s32 $0xFFFFC000  }
0x2e: {  	[spmem:s8] =	stream.linear.scatter [tilespmem:s25], [sflag:$0x5], $0x4000, $0x38;
	[tilespmem:$0x1E400] =	vst v63  }
0x2f: {  	_ =	swait.ge [sflag:s26], $0x4000  }
0x30: {  	[sflag:s26] =	ssyncset.done $0x0  }
0x31: {  	s19 =	rddreg [dreg:$0x6];
	[sflag:s26] =	ssyncadd.s32 $0xFFFFC000  }
0x32: {  	[tilespmem:s25], [sflag:$0x5] =	stream.linear.gather [hbm4b:s19+s2], $0x4000, $0x38;
	[tilespmem:$0x1E400] =	vst v63  }
0x33: {  	_ =	swait.ge [sflag:s26], $0x4000  }
0x34: {  	[sflag:s26] =	ssyncset.done $0x0  }
0x35: {  	[sflag:s26] =	ssyncadd.s32 $0xFFFFC000  }
0x36: {  	[spmem:s10] =	stream.linear.scatter [tilespmem:s25], [sflag:$0x5], $0x4000, $0x38;
	[tilespmem:$0x1E400] =	vst v63  }
0x37: {  	_ =	swait.ge [sflag:s26], $0x4000  }
0x38: {  	[sflag:s26] =	ssyncset.done $0x0  }
0x39: {  	s14 =	rddreg [dreg:$0x7];
	[sflag:s26] =	ssyncadd.s32 $0xFFFFC000  }
0x3a: {  	[tilespmem:s25], [sflag:$0x5] =	stream.linear.gather [hbm4b:s14+s2], $0x4000, $0x38;
	[tilespmem:$0x1E400] =	vst v63  }
0x3b: {  	_ =	swait.ge [sflag:s26], $0x4000  }
0x3c: {  	[sflag:s26] =	ssyncset.done $0x0  }
0x3d: {  	[sflag:s26] =	ssyncadd.s32 $0xFFFFC000  }
0x3e: {  	[spmem:s17] =	stream.linear.scatter [tilespmem:s25], [sflag:$0x5], $0x4000, $0x38;
	[tilespmem:$0x1E400] =	vst v63  }
0x3f: {  	_ =	swait.ge [sflag:s26], $0x4000  }
0x40: {  	[sflag:s26] =	ssyncset.done $0x0  }
0x41: {  	s15 =	rddreg [dreg:$0x8];
	[sflag:s26] =	ssyncadd.s32 $0xFFFFC000  }
0x42: {  	[tilespmem:s25], [sflag:$0x5] =	stream.linear.gather [hbm4b:s15+s2], $0x3C00, $0x38;
	[tilespmem:$0x1E400] =	vst v63  }
0x43: {  	_ =	swait.ge [sflag:s26], $0x3C00  }
0x44: {  	[sflag:s26] =	ssyncset.done $0x0  }
0x45: {  	[sflag:s26] =	ssyncadd.s32 $0xFFFFC400  }
0x46: {  	[spmem:s18] =	stream.linear.scatter [tilespmem:s25], [sflag:$0x5], $0x3C00, $0x38;
	[tilespmem:$0x1E400] =	vst v63  }
0x47: {  	_ =	swait.ge [sflag:s26], $0x3C00  }
0x48: {  	[sflag:s26] =	ssyncset.done $0x0  }
0x49: {  	[sflag:s26] =	ssyncadd.s32 $0xFFFFC400  }
0x4a: {  	[bflag:$0x0] =	sbarrier.arrive $0xFFFF  }
0x4b: {  	s16 =	rddreg [dreg:$0x9]  }
0x4c: {  	[tilespmem:s2], [sflag:$0x5] =	stream.linear.gather [hbm4b:s16+s2], $0x1400, $0x38;
	[tilespmem:$0x1E400] =	vst v63  }
0x4d: {  	_ =	swait.ge [sflag:s26], $0x1400  }
0x4e: {  	[sflag:s26] =	ssyncset.done $0x0  }
0x4f: {  	s19 =	rddreg [dreg:$0xa];
	[sflag:s26] =	ssyncadd.s32 $0xFFFFEC00  }
0x50: {  	[tilespmem:s28], [sflag:$0x5] =	stream.linear.gather [hbm4b:s19+s2], $0x1400, $0x38;
	[tilespmem:$0x1E400] =	vst v63  }
0x51: {  	_ =	swait.ge [sflag:s26], $0x1400  }
0x52: {  	[sflag:s26] =	ssyncset.done $0x0  }
0x53: {  	[sflag:s26] =	ssyncadd.s32 $0xFFFFEC00  }
0x54: {  	[tilespmem:s25], [sflag:$0x1] =	stream.indirect.gather [hbm4b:s4+s29], $0x80, s2, s29, $0xb8;
	[tilespmem:$0x1E400] =	vst v63  }
0x55: {  	s14 =	simm.s32 $0x80  }
0x56: {  	[tilespmem:s30], [sflag:$0x2] =	stream.indirect.gather [hbm4b:s4+s29], $0x80, s14, s29, $0xb8;
	[tilespmem:$0x1E400] =	vst v63  }
0x57: {  	_ =	swait.ge [sflag:s31], $0x4000  }
0x58: {  	[sflag:s31] =	ssyncset.done $0x0  }
0x59: {  	s15 =	simm.s32 $0x1400;
	[sflag:s31] =	ssyncadd.s32 $0xFFFFC000  }
0x5a: {  	[spmem:s1] =	stream.indirect.scatter.add.f32 [tilespmem:s25], [sflag:$0x3], $0x80, s15, s29, $0xb8;
	[tilespmem:$0x1E400] =	vst v63  }
0x5b: {  	_ =	swait.ge [sflag:s0], $0x4000  }
0x5c: {  	[sflag:s0] =	ssyncset.done $0x0  }
0x5d: {  	s16 =	simm.s32 $0x1480;
	[sflag:s0] =	ssyncadd.s32 $0xFFFFC000  }
0x5e: {  	[spmem:s1] =	stream.indirect.scatter.add.f32 [tilespmem:s30], [sflag:$0x4], $0x80, s16, s29, $0xb8;
	[tilespmem:$0x1E400] =	vst v63  }
0x5f: {  	_ =	swait.ge [sflag:s3], $0x4000  }
0x60: {  	[sflag:s3] =	ssyncset.done $0x0  }
0x61: {  	s19 =	simm.s32 $0x100;
	[sflag:s3] =	ssyncadd.s32 $0xFFFFC000  }
0x62: {  	[tilespmem:s25], [sflag:$0x1] =	stream.indirect.gather [hbm4b:s4+s29], $0x80, s19, s29, $0xb8;
	[tilespmem:$0x1E400] =	vst v63  }
0x63: {  	_ =	swait.ge [sflag:s5], $0x4000  }
0x64: {  	s13 =	simm.s32 $0x100;
	s14 =	simm.s32 $0x800;
	[sflag:s5] =	ssyncset.done $0x0  }
.LBB2_2:
0x65: {  	s15 =	sadd.s32 $0x80, s13  }
0x66: {  	[sflag:s5] =	ssyncadd.s32 $0xFFFFC000;
	s16 =	smov.u32 s14;
	s19 =	sadd.s32 $0x400, s14  }
0x67: {  	[tilespmem:s30], [sflag:$0x2] =	stream.indirect.gather [hbm4b:s4+s29], $0x80, s15, s29, $0xb8;
	[tilespmem:$0x1E400] =	vst v63  }
0x68: {  	p0 =	sne.s32 s14, $0x4800;
	_ =	swait.ge [sflag:s31], $0x4000  }
0x69: {  	[sflag:s31] =	ssyncset.done $0x0  }
0x6a: {  	s14 =	sadd.s32 $0x1400, s13;
	[sflag:s31] =	ssyncadd.s32 $0xFFFFC000  }
0x6b: {  	[spmem:s1] =	stream.indirect.scatter.add.f32 [tilespmem:s25], [sflag:$0x3], $0x80, s14, s29, $0xb8;
	[tilespmem:$0x1E400] =	vst v63  }
0x6c: {  	_ =	swait.ge [sflag:s0], $0x4000  }
0x6d: {  	[sflag:s0] =	ssyncset.done $0x0  }
0x6e: {  	s14 =	sadd.s32 $0x1480, s13;
	[sflag:s0] =	ssyncadd.s32 $0xFFFFC000  }
0x6f: {  	[spmem:s1] =	stream.indirect.scatter.add.f32 [tilespmem:s30], [sflag:$0x4], $0x80, s14, s29, $0xb8;
	[tilespmem:$0x1E400] =	vst v63  }
0x70: {  	_ =	swait.ge [sflag:s3], $0x4000  }
.Ltmp0:
0x71: {  	[sflag:s3] =	ssyncset.done $0x0;
	(pc) =	sbr.rel @p0 .LBB2_2-.Ltmp0, $4  }
0x72: {  	s13 =	sadd.s32 $0x100, s13;
	[sflag:s3] =	ssyncadd.s32 $0xFFFFC000  }
0x73: {  	[tilespmem:s25], [sflag:$0x1] =	stream.indirect.gather [hbm4b:s4+s29], $0x80, s13, s29, $0xb8;
	[tilespmem:$0x1E400] =	vst v63  }
0x74: {  	_ =	swait.ge [sflag:s5], $0x4000  }
0x75: {  	s14 =	smov.u32 s19;
	s13 =	sshra.s32 s16, $0x2;
	[sflag:s5] =	ssyncset.done $0x0  }
0x76: {  	s14 =	sadd.s32 $0x80, s13;
	[sflag:s5] =	ssyncadd.s32 $0xFFFFC000  }
0x77: {  	[tilespmem:s30], [sflag:$0x2] =	stream.indirect.gather [hbm4b:s4+s29], $0x80, s14, s29, $0xb8;
	[tilespmem:$0x1E400] =	vst v63  }
0x78: {  	_ =	swait.ge [sflag:s31], $0x4000  }
0x79: {  	[sflag:s31] =	ssyncset.done $0x0  }
0x7a: {  	s16 =	sadd.s32 $0x1400, s13;
	[sflag:s31] =	ssyncadd.s32 $0xFFFFC000  }
0x7b: {  	[spmem:s1] =	stream.indirect.scatter.add.f32 [tilespmem:s25], [sflag:$0x3], $0x80, s16, s29, $0xb8;
	[tilespmem:$0x1E400] =	vst v63  }
0x7c: {  	_ =	swait.ge [sflag:s0], $0x4000  }
0x7d: {  	[sflag:s0] =	ssyncset.done $0x0  }
0x7e: {  	s19 =	sadd.s32 $0x1480, s13;
	[sflag:s0] =	ssyncadd.s32 $0xFFFFC000  }
0x7f: {  	[spmem:s1] =	stream.indirect.scatter.add.f32 [tilespmem:s30], [sflag:$0x4], $0x80, s19, s29, $0xb8;
	[tilespmem:$0x1E400] =	vst v63  }
0x80: {  	_ =	swait.ge [sflag:s3], $0x4000  }
0x81: {  	[sflag:s3] =	ssyncset.done $0x0  }
0x82: {  	s14 =	sadd.s32 $0x100, s13;
	[sflag:s3] =	ssyncadd.s32 $0xFFFFC000  }
0x83: {  	[tilespmem:s25], [sflag:$0x1] =	stream.indirect.gather [hbm4b:s4+s29], $0x80, s14, s29, $0xb8;
	[tilespmem:$0x1E400] =	vst v63  }
0x84: {  	_ =	swait.ge [sflag:s5], $0x4000  }
0x85: {  	[sflag:s5] =	ssyncset.done $0x0  }
0x86: {  	[sflag:s5] =	ssyncadd.s32 $0xFFFFC000  }
0x87: {  	[tilespmem:s30], [sflag:$0x2] =	stream.indirect.gather [hbm4b:s4+s29], $0x80, s7, s29, $0xb8;
	[tilespmem:$0x1E400] =	vst v63  }
0x88: {  	_ =	swait.ge [sflag:s31], $0x4000  }
0x89: {  	[sflag:s31] =	ssyncset.done $0x0  }
0x8a: {  	[sflag:s31] =	ssyncadd.s32 $0xFFFFC000  }
0x8b: {  	[spmem:s1] =	stream.indirect.scatter.add.f32 [tilespmem:s25], [sflag:$0x3], $0x80, s9, s29, $0xb8;
	[tilespmem:$0x1E400] =	vst v63  }
0x8c: {  	_ =	swait.ge [sflag:s0], $0x4000  }
0x8d: {  	[sflag:s0] =	ssyncset.done $0x0  }
0x8e: {  	[sflag:s0] =	ssyncadd.s32 $0xFFFFC000  }
0x8f: {  	[spmem:s1] =	stream.indirect.scatter.add.f32 [tilespmem:s30], [sflag:$0x4], $0x80, s11, s29, $0xb8;
	[tilespmem:$0x1E400] =	vst v63  }
0x90: {  	_ =	swait.ge [sflag:s3], $0x4000  }
0x91: {  	[sflag:s3] =	ssyncset.done $0x0  }
0x92: {  	[sflag:s3] =	ssyncadd.s32 $0xFFFFC000  }
0x93: {  	_ =	swait.ge [sflag:s5], $0x4000  }
0x94: {  	[sflag:s5] =	ssyncset.done $0x0  }
0x95: {  	s15 =	simm.s32 $0x0;
	s16 =	rddreg [dreg:$0xb];
	[sflag:s5] =	ssyncadd.s32 $0xFFFFC000  }
0x96: {  	[tilespmem:s15], [sflag:$0x5] =	stream.linear.gather [hbm4b:s16+s15], $0x1400, $0x38;
	[tilespmem:$0x1E400] =	vst v63  }
0x97: {  	_ =	swait.ge [sflag:s26], $0x1400  }
0x98: {  	[sflag:s26] =	ssyncset.done $0x0  }
0x99: {  	s19 =	rddreg [dreg:$0xc];
	[sflag:s26] =	ssyncadd.s32 $0xFFFFEC00  }
0x9a: {  	[tilespmem:s28], [sflag:$0x5] =	stream.linear.gather [hbm4b:s19+s15], $0x1400, $0x38;
	[tilespmem:$0x1E400] =	vst v63  }
0x9b: {  	_ =	swait.ge [sflag:s26], $0x1400  }
0x9c: {  	[sflag:s26] =	ssyncset.done $0x0  }
0x9d: {  	[sflag:s26] =	ssyncadd.s32 $0xFFFFEC00  }
0x9e: {  	[tilespmem:s25], [sflag:$0x1] =	stream.indirect.gather [hbm4b:s4+s29], $0x80, s15, s29, $0xb8;
	[tilespmem:$0x1E400] =	vst v63  }
0x9f: {  	s14 =	simm.s32 $0x80  }
0xa0: {  	[tilespmem:s30], [sflag:$0x2] =	stream.indirect.gather [hbm4b:s4+s29], $0x80, s14, s29, $0xb8;
	[tilespmem:$0x1E400] =	vst v63  }
0xa1: {  	_ =	swait.ge [sflag:s31], $0x4000  }
0xa2: {  	[sflag:s31] =	ssyncset.done $0x0  }
0xa3: {  	s15 =	simm.s32 $0x1400;
	[sflag:s31] =	ssyncadd.s32 $0xFFFFC000  }
0xa4: {  	[spmem:s1] =	stream.indirect.scatter.add.f32 [tilespmem:s25], [sflag:$0x3], $0x80, s15, s29, $0xb8;
	[tilespmem:$0x1E400] =	vst v63  }
0xa5: {  	_ =	swait.ge [sflag:s0], $0x4000  }
0xa6: {  	[sflag:s0] =	ssyncset.done $0x0  }
0xa7: {  	s16 =	simm.s32 $0x1480;
	[sflag:s0] =	ssyncadd.s32 $0xFFFFC000  }
0xa8: {  	[spmem:s1] =	stream.indirect.scatter.add.f32 [tilespmem:s30], [sflag:$0x4], $0x80, s16, s29, $0xb8;
	[tilespmem:$0x1E400] =	vst v63  }
0xa9: {  	_ =	swait.ge [sflag:s3], $0x4000  }
0xaa: {  	[sflag:s3] =	ssyncset.done $0x0  }
0xab: {  	s19 =	simm.s32 $0x100;
	[sflag:s3] =	ssyncadd.s32 $0xFFFFC000  }
0xac: {  	[tilespmem:s25], [sflag:$0x1] =	stream.indirect.gather [hbm4b:s4+s29], $0x80, s19, s29, $0xb8;
	[tilespmem:$0x1E400] =	vst v63  }
0xad: {  	_ =	swait.ge [sflag:s5], $0x4000  }
0xae: {  	s13 =	simm.s32 $0x100;
	s14 =	simm.s32 $0x800;
	[sflag:s5] =	ssyncset.done $0x0  }
.LBB2_4:
0xaf: {  	s15 =	sadd.s32 $0x80, s13  }
0xb0: {  	[sflag:s5] =	ssyncadd.s32 $0xFFFFC000;
	s16 =	smov.u32 s14;
	s19 =	sadd.s32 $0x400, s14  }
0xb1: {  	[tilespmem:s30], [sflag:$0x2] =	stream.indirect.gather [hbm4b:s4+s29], $0x80, s15, s29, $0xb8;
	[tilespmem:$0x1E400] =	vst v63  }
0xb2: {  	p0 =	sne.s32 s14, $0x4800;
	_ =	swait.ge [sflag:s31], $0x4000  }
0xb3: {  	[sflag:s31] =	ssyncset.done $0x0  }
0xb4: {  	s14 =	sadd.s32 $0x1400, s13;
	[sflag:s31] =	ssyncadd.s32 $0xFFFFC000  }
0xb5: {  	[spmem:s1] =	stream.indirect.scatter.add.f32 [tilespmem:s25], [sflag:$0x3], $0x80, s14, s29, $0xb8;
	[tilespmem:$0x1E400] =	vst v63  }
0xb6: {  	_ =	swait.ge [sflag:s0], $0x4000  }
0xb7: {  	[sflag:s0] =	ssyncset.done $0x0  }
0xb8: {  	s14 =	sadd.s32 $0x1480, s13;
	[sflag:s0] =	ssyncadd.s32 $0xFFFFC000  }
0xb9: {  	[spmem:s1] =	stream.indirect.scatter.add.f32 [tilespmem:s30], [sflag:$0x4], $0x80, s14, s29, $0xb8;
	[tilespmem:$0x1E400] =	vst v63  }
0xba: {  	_ =	swait.ge [sflag:s3], $0x4000  }
.Ltmp1:
0xbb: {  	[sflag:s3] =	ssyncset.done $0x0;
	(pc) =	sbr.rel @p0 .LBB2_4-.Ltmp1, $4  }
0xbc: {  	s13 =	sadd.s32 $0x100, s13;
	[sflag:s3] =	ssyncadd.s32 $0xFFFFC000  }
0xbd: {  	[tilespmem:s25], [sflag:$0x1] =	stream.indirect.gather [hbm4b:s4+s29], $0x80, s13, s29, $0xb8;
	[tilespmem:$0x1E400] =	vst v63  }
0xbe: {  	_ =	swait.ge [sflag:s5], $0x4000  }
0xbf: {  	s14 =	smov.u32 s19;
	s13 =	sshra.s32 s16, $0x2;
	[sflag:s5] =	ssyncset.done $0x0  }
0xc0: {  	s14 =	sadd.s32 $0x80, s13;
	[sflag:s5] =	ssyncadd.s32 $0xFFFFC000  }
0xc1: {  	[tilespmem:s30], [sflag:$0x2] =	stream.indirect.gather [hbm4b:s4+s29], $0x80, s14, s29, $0xb8;
	[tilespmem:$0x1E400] =	vst v63  }
0xc2: {  	_ =	swait.ge [sflag:s31], $0x4000  }
0xc3: {  	[sflag:s31] =	ssyncset.done $0x0  }
0xc4: {  	s19 =	sadd.s32 $0x1400, s13;
	[sflag:s31] =	ssyncadd.s32 $0xFFFFC000  }
0xc5: {  	[spmem:s1] =	stream.indirect.scatter.add.f32 [tilespmem:s25], [sflag:$0x3], $0x80, s19, s29, $0xb8;
	[tilespmem:$0x1E400] =	vst v63  }
0xc6: {  	_ =	swait.ge [sflag:s0], $0x4000  }
0xc7: {  	[sflag:s0] =	ssyncset.done $0x0  }
0xc8: {  	s15 =	sadd.s32 $0x1480, s13;
	[sflag:s0] =	ssyncadd.s32 $0xFFFFC000  }
0xc9: {  	[spmem:s1] =	stream.indirect.scatter.add.f32 [tilespmem:s30], [sflag:$0x4], $0x80, s15, s29, $0xb8;
	[tilespmem:$0x1E400] =	vst v63  }
0xca: {  	_ =	swait.ge [sflag:s3], $0x4000  }
0xcb: {  	[sflag:s3] =	ssyncset.done $0x0  }
0xcc: {  	s16 =	sadd.s32 $0x100, s13;
	[sflag:s3] =	ssyncadd.s32 $0xFFFFC000  }
0xcd: {  	[tilespmem:s25], [sflag:$0x1] =	stream.indirect.gather [hbm4b:s4+s29], $0x80, s16, s29, $0xb8;
	[tilespmem:$0x1E400] =	vst v63  }
0xce: {  	_ =	swait.ge [sflag:s5], $0x4000  }
0xcf: {  	[sflag:s5] =	ssyncset.done $0x0  }
0xd0: {  	[sflag:s5] =	ssyncadd.s32 $0xFFFFC000  }
0xd1: {  	[tilespmem:s30], [sflag:$0x2] =	stream.indirect.gather [hbm4b:s4+s29], $0x80, s7, s29, $0xb8;
	[tilespmem:$0x1E400] =	vst v63  }
0xd2: {  	_ =	swait.ge [sflag:s31], $0x4000  }
0xd3: {  	[sflag:s31] =	ssyncset.done $0x0  }
0xd4: {  	[sflag:s31] =	ssyncadd.s32 $0xFFFFC000  }
0xd5: {  	[spmem:s1] =	stream.indirect.scatter.add.f32 [tilespmem:s25], [sflag:$0x3], $0x80, s9, s29, $0xb8;
	[tilespmem:$0x1E400] =	vst v63  }
0xd6: {  	_ =	swait.ge [sflag:s0], $0x4000  }
0xd7: {  	[sflag:s0] =	ssyncset.done $0x0  }
0xd8: {  	[sflag:s0] =	ssyncadd.s32 $0xFFFFC000  }
0xd9: {  	[spmem:s1] =	stream.indirect.scatter.add.f32 [tilespmem:s30], [sflag:$0x4], $0x80, s11, s29, $0xb8;
	[tilespmem:$0x1E400] =	vst v63  }
0xda: {  	_ =	swait.ge [sflag:s3], $0x4000  }
0xdb: {  	[sflag:s3] =	ssyncset.done $0x0  }
0xdc: {  	[sflag:s3] =	ssyncadd.s32 $0xFFFFC000  }
0xdd: {  	_ =	swait.ge [sflag:s5], $0x4000  }
0xde: {  	[sflag:s5] =	ssyncset.done $0x0  }
0xdf: {  	[sflag:s5] =	ssyncadd.s32 $0xFFFFC000  }
0xe0: {  	[bflag:$0x0] =	sbarrier.arrive $0xFFFF  }
0xe1: {  	[tilespmem:s25], [sflag:$0x5] =	stream.linear.gather [spmem:s6], $0x4000, $0x38;
	[tilespmem:$0x1E400] =	vst v63  }
0xe2: {  	_ =	swait.ge [sflag:s26], $0x4000  }
0xe3: {  	[sflag:s26] =	ssyncset.done $0x0  }
0xe4: {  	s19 =	rddreg [dreg:$0xd];
	[sflag:s26] =	ssyncadd.s32 $0xFFFFC000  }
0xe5: {  	[hbm4b:s19+s2] =	stream.linear.scatter [tilespmem:s25], [sflag:$0x5], $0x4000, $0x38;
	[tilespmem:$0x1E400] =	vst v63  }
0xe6: {  	_ =	swait.ge [sflag:s26], $0x4000  }
0xe7: {  	[sflag:s26] =	ssyncset.done $0x0  }
0xe8: {  	[sflag:s26] =	ssyncadd.s32 $0xFFFFC000  }
0xe9: {  	[tilespmem:s25], [sflag:$0x5] =	stream.linear.gather [spmem:s8], $0x4000, $0x38;
	[tilespmem:$0x1E400] =	vst v63  }
0xea: {  	_ =	swait.ge [sflag:s26], $0x4000  }
0xeb: {  	[sflag:s26] =	ssyncset.done $0x0  }
0xec: {  	[sflag:s26] =	ssyncadd.s32 $0xFFFFC000  }
0xed: {  	[hbm4b:s20+s2] =	stream.linear.scatter [tilespmem:s25], [sflag:$0x5], $0x4000, $0x38;
	[tilespmem:$0x1E400] =	vst v63  }
0xee: {  	_ =	swait.ge [sflag:s26], $0x4000  }
0xef: {  	[sflag:s26] =	ssyncset.done $0x0  }
0xf0: {  	[sflag:s26] =	ssyncadd.s32 $0xFFFFC000  }
0xf1: {  	[tilespmem:s25], [sflag:$0x5] =	stream.linear.gather [spmem:s10], $0x4000, $0x38;
	[tilespmem:$0x1E400] =	vst v63  }
0xf2: {  	_ =	swait.ge [sflag:s26], $0x4000  }
0xf3: {  	[sflag:s26] =	ssyncset.done $0x0  }
0xf4: {  	[sflag:s26] =	ssyncadd.s32 $0xFFFFC000  }
0xf5: {  	[hbm4b:s21+s2] =	stream.linear.scatter [tilespmem:s25], [sflag:$0x5], $0x4000, $0x38;
	[tilespmem:$0x1E400] =	vst v63  }
0xf6: {  	_ =	swait.ge [sflag:s26], $0x4000  }
0xf7: {  	[sflag:s26] =	ssyncset.done $0x0  }
0xf8: {  	[sflag:s26] =	ssyncadd.s32 $0xFFFFC000  }
0xf9: {  	[tilespmem:s25], [sflag:$0x5] =	stream.linear.gather [spmem:s17], $0x4000, $0x38;
	[tilespmem:$0x1E400] =	vst v63  }
0xfa: {  	_ =	swait.ge [sflag:s26], $0x4000  }
0xfb: {  	[sflag:s26] =	ssyncset.done $0x0  }
0xfc: {  	[sflag:s26] =	ssyncadd.s32 $0xFFFFC000  }
0xfd: {  	[hbm4b:s22+s2] =	stream.linear.scatter [tilespmem:s25], [sflag:$0x5], $0x4000, $0x38;
	[tilespmem:$0x1E400] =	vst v63  }
0xfe: {  	_ =	swait.ge [sflag:s26], $0x4000  }
0xff: {  	[sflag:s26] =	ssyncset.done $0x0  }
0x100: {  	[sflag:s26] =	ssyncadd.s32 $0xFFFFC000  }
0x101: {  	[tilespmem:s25], [sflag:$0x5] =	stream.linear.gather [spmem:s18], $0x3C00, $0x38;
	[tilespmem:$0x1E400] =	vst v63  }
0x102: {  	s12 =	sadd.s32 $0x1, s12;
	_ =	swait.ge [sflag:s26], $0x3C00  }
0x103: {  	p0 =	sne.s32 s12, s24;
	[sflag:s26] =	ssyncset.done $0x0  }
.Ltmp2:
0x104: {  	[sflag:s26] =	ssyncadd.s32 $0xFFFFC400;
	(pc) =	sbr.rel @p0 .LBB2_1-.Ltmp2, $4  }
0x105: {  	[hbm4b:s23+s2] =	stream.linear.scatter [tilespmem:s25], [sflag:$0x5], $0x3C00, $0x38;
	[tilespmem:$0x1E400] =	vst v63  }
0x106: {  	_ =	swait.ge [sflag:s26], $0x3C00  }
0x107: {  	[sflag:s26] =	ssyncset.done $0x0  }
0x108: {  	[sflag:s26] =	ssyncadd.s32 $0xFFFFC400  }
0x109: {  	_ =	sfence.sel $0x180000  }
0x10a: {  	[bflag:$0x0] =	sbarrier.arrive $0xFFFF  }
0x10b: {  	_ =	strace $0x9000004A  }
0x10c: {  	s0 =	stileid.u32;
	[bflag:$0x2] =	sbarrier.arrive $0xFFFF  }
0x10d: {  	p0 =	sne.s32 s0, $0x0;
	s0 =	rddreg [dreg:$0x3]  }
0x10e: {  	s0 =	sadd.s32 @!p0 $0x100000, s0  }
0x10f: {  	[sflag:s0] =	ssyncadd.tile.s32 @!p0 $0x1;
	_ =	shalt  }
.Lfunc_end2:
_tile_overlayer_lowered:
.L_overlay_start_2:
0x110: {  	(tag) =	ssettag $0x2  }
0x111: {  	s0 =	rddreg [dreg:$0x0];
	s2 =	stileid.u32  }
0x112: {  	s1 =	rddreg [dreg:$0x1];
	p0 =	sne.s32 s2, $0x0  }
0x113: {  	s3 =	rddreg [dreg:$0x2];
	[bflag:$0x3] =	sbarrier.arrive $0xFFFF;
	s2 =	simm.s32 @!p0 $0x1C05  }
0x114: {  	[timem:s3], [sflag:s2] =	dma.local @!p0 [hbm:s0], s1  }
0x115: {  	s0 =	simm.s32 @!p0 $0x5  }
0x116: {  	_ =	swait.ge @!p0 [sflag:s0], s1  }
0x117: {  	s1 =	ssub.s32 @!p0 $0x0, s1;
	[sflag:s0] =	ssyncset.done @!p0 $0x0  }
0x118: {  	[sflag:s0] =	ssyncadd.s32 @!p0 s1  }
0x119: {  	[bflag:$0x3] =	sbarrier.arrive $0xFFFF  }
0x11a: {  	_ =	shalt  }

</sc_bundles>
